<compile_context>
chip_gen: v7x
topology: tpu7x:2x2x1
jax: 0.10.2.dev20260603
libtpu: 0.0.44.dev20260713+nightly
codegen_flags: <defaults>
</compile_context>

<pallas_src>
import functools

import jax
import jax.numpy as jnp
from jax import lax
from jax.experimental import pallas as pl
from jax.experimental.pallas import tpu as pltpu
from jax.experimental.pallas import tpu_sc as plsc

N = 10000
E = 320000
F = 128
H = 64
G = 128

NCORE = 2
NSUB = 16
NW = NCORE * NSUB
EPT = E // NW
CH = 80
NCHUNK = EPT // CH
NP = 10112
ROWS_PT = NP // NSUB

_MESH = dict(core_axis_name="c", subcore_axis_name="s")


@functools.partial(
    pl.kernel,
    mesh=plsc.VectorSubcoreMesh(**_MESH),
    compiler_params=pltpu.CompilerParams(use_tc_tiling_on_sc=False),
    out_type=jax.ShapeDtypeStruct((NCORE, NP, 16), jnp.float32),
    scratch_types=[
        pltpu.VMEM((NCHUNK, CH), jnp.int32),
        pltpu.VMEM((CH, 16), jnp.float32),
        pltpu.VMEM_SHARED((NP, 16), jnp.float32),
        pltpu.SemaphoreType.DMA,
        pltpu.SemaphoreType.DMA,
        pltpu.SemaphoreType.DMA,
        pltpu.SemaphoreType.DMA,
    ],
)
def _sc_degree(dst_hbm, ones_hbm, zeros_hbm, out_hbm, dst_v, ones_v, acc_sh,
               ds0, ds1, ds2, ds3):
    c = lax.axis_index("c")
    s = lax.axis_index("s")
    w = c * NSUB + s
    pltpu.sync_copy(dst_hbm.at[w], dst_v)
    pltpu.sync_copy(ones_hbm, ones_v)
    pltpu.sync_copy(zeros_hbm.at[pl.ds(s * ROWS_PT, ROWS_PT)],
                    acc_sh.at[pl.ds(s * ROWS_PT, ROWS_PT)])
    plsc.subcore_barrier()

    DS = (ds0, ds1, ds2, ds3)

    def body(k, carry):
        j0 = 4 * k
        for u in range(4):
            pltpu.async_copy(ones_v, acc_sh.at[dst_v.at[j0 + u]], DS[u],
                             add=True)
        for u in range(4):
            pltpu.make_async_copy(ones_v, acc_sh.at[dst_v.at[j0 + u]],
                                  DS[u]).wait()
        return carry

    lax.fori_loop(0, NCHUNK // 4, body, 0)
    pltpu.sync_copy(ones_v, acc_sh.at[dst_v.at[NCHUNK - 1]], add=True)
    plsc.subcore_barrier()
    pltpu.sync_copy(acc_sh.at[pl.ds(s * ROWS_PT, ROWS_PT)],
                    out_hbm.at[c, pl.ds(s * ROWS_PT, ROWS_PT)])


@functools.partial(
    pl.kernel,
    mesh=plsc.VectorSubcoreMesh(**_MESH),
    compiler_params=pltpu.CompilerParams(use_tc_tiling_on_sc=False),
    out_type=jax.ShapeDtypeStruct((NCORE, NP, H), jnp.float32),
    scratch_types=[
        pltpu.VMEM((NCHUNK, CH), jnp.int32),
        pltpu.VMEM((NCHUNK, CH), jnp.int32),
        pltpu.VMEM((CH, H), jnp.float32),
        pltpu.VMEM((CH, H), jnp.float32),
        pltpu.VMEM((CH, H), jnp.float32),
        pltpu.VMEM((CH, H), jnp.float32),
        pltpu.VMEM_SHARED((NP, H), jnp.float32),
        pltpu.VMEM_SHARED((N, H), jnp.float32),
        pltpu.SemaphoreType.DMA,
        pltpu.SemaphoreType.DMA,
        pltpu.SemaphoreType.DMA,
        pltpu.SemaphoreType.DMA,
        pltpu.SemaphoreType.DMA,
        pltpu.SemaphoreType.DMA,
        pltpu.SemaphoreType.DMA,
        pltpu.SemaphoreType.DMA,
    ],
)
def _sc_agg(table_hbm, src_hbm, dst_hbm, zeros_hbm, out_hbm,
            src_v, dst_v, rows0_v, rows1_v, rows2_v, rows3_v,
            acc_sh, table_sh,
            gs0, gs1, gs2, gs3, ss0, ss1, ss2, ss3):
    c = lax.axis_index("c")
    s = lax.axis_index("s")
    w = c * NSUB + s
    pltpu.sync_copy(src_hbm.at[w], src_v)
    pltpu.sync_copy(dst_hbm.at[w], dst_v)
    pltpu.sync_copy(zeros_hbm.at[pl.ds(s * ROWS_PT, ROWS_PT)],
                    acc_sh.at[pl.ds(s * ROWS_PT, ROWS_PT)])
    pltpu.sync_copy(table_hbm.at[pl.ds(s * (N // NSUB), N // NSUB)],
                    table_sh.at[pl.ds(s * (N // NSUB), N // NSUB)])
    plsc.subcore_barrier()

    R = (rows0_v, rows1_v, rows2_v, rows3_v)
    GS = (gs0, gs1, gs2, gs3)
    SS = (ss0, ss1, ss2, ss3)

    def _gi(i, b):
        pltpu.async_copy(table_sh.at[src_v.at[i]], R[b], GS[b])

    def _gw(i, b):
        pltpu.make_async_copy(table_sh.at[src_v.at[i]], R[b], GS[b]).wait()

    def _si(i, b):
        pltpu.async_copy(R[b], acc_sh.at[dst_v.at[i]], SS[b], add=True)

    def _sw(i, b):
        pltpu.make_async_copy(R[b], acc_sh.at[dst_v.at[i]], SS[b]).wait()

    _gi(0, 0)
    _gi(1, 1)
    _gw(0, 0)
    _si(0, 0)
    _gi(2, 2)
    _gw(1, 1)
    _si(1, 1)
    _gi(3, 3)

    def body(k, carry):
        i0 = 2 + 4 * k
        for u in range(4):
            i = i0 + u
            b = (2 + u) % 4
            _gw(i, b)
            _si(i, b)
            b2 = (b + 2) % 4
            _sw(i - 2, b2)
            _gi(i + 2, b2)
        return carry

    lax.fori_loop(0, (NCHUNK - 5) // 4, body, 0)
    _gw(NCHUNK - 3, 2)
    _si(NCHUNK - 3, 2)
    _sw(NCHUNK - 5, 0)
    _gi(NCHUNK - 1, 0)
    _gw(NCHUNK - 2, 3)
    _si(NCHUNK - 2, 3)
    _gw(NCHUNK - 1, 0)
    _si(NCHUNK - 1, 0)
    _sw(NCHUNK - 4, 1)
    _sw(NCHUNK - 3, 2)
    _sw(NCHUNK - 2, 3)
    _sw(NCHUNK - 1, 0)
    plsc.subcore_barrier()
    pltpu.sync_copy(acc_sh.at[pl.ds(s * ROWS_PT, ROWS_PT)],
                    out_hbm.at[c, pl.ds(s * ROWS_PT, ROWS_PT)])


def _din(dc0_ref, dc1_ref):
    deg = dc0_ref[...][:N] + dc1_ref[...][:N] + 1.0
    return lax.rsqrt(deg[:, :1])


def _tc_first_body(x_ref, w_ref, dc0_ref, dc1_ref, hwp_ref):
    din = _din(dc0_ref, dc1_ref)
    hw = jnp.dot(x_ref[...], w_ref[...], preferred_element_type=jnp.float32)
    hwp_ref[...] = hw * din


_tc_first = pl.pallas_call(
    _tc_first_body,
    out_shape=jax.ShapeDtypeStruct((N, H), jnp.float32),
)


def _tc_mid_body(acc0_ref, acc1_ref, hwp_ref, dc0_ref, dc1_ref, b_ref, w_ref,
                 out_ref):
    din = _din(dc0_ref, dc1_ref)
    h = jnp.tanh(din * (acc0_ref[...][:N] + acc1_ref[...][:N] + hwp_ref[...])
                 + b_ref[...])
    out_ref[...] = jnp.dot(h, w_ref[...],
                           preferred_element_type=jnp.float32) * din


_tc_mid = pl.pallas_call(
    _tc_mid_body,
    out_shape=jax.ShapeDtypeStruct((N, H), jnp.float32),
)


def _tc_pool_body(acc0_ref, acc1_ref, hwp_ref, dc0_ref, dc1_ref, b_ref,
                  bi_ref, wout_ref, bout_ref, out_ref, hidden_ref):
    din = _din(dc0_ref, dc1_ref)
    h = jnp.tanh(din * (acc0_ref[...][:N] + acc1_ref[...][:N] + hwp_ref[...])
                 + b_ref[...])
    bi = bi_ref[...]
    onehot = (bi == lax.broadcasted_iota(jnp.int32, (1, G), 1)
              ).astype(jnp.float32)
    sums = lax.dot_general(onehot, h, (((0,), (0,)), ((), ())),
                           preferred_element_type=jnp.float32)
    counts = lax.dot_general(onehot, jnp.ones((N, 1), jnp.float32),
                             (((0,), (0,)), ((), ())),
                             preferred_element_type=jnp.float32)
    neg = jnp.float32(-jnp.inf)

    m = h
    d = 1
    while d < N:
        ids_sh = jnp.concatenate(
            [jnp.full((d, 1), -1, jnp.int32), bi[:N - d]], axis=0)
        m_sh = jnp.concatenate(
            [jnp.full((d, H), neg, jnp.float32), m[:N - d]], axis=0)
        m = jnp.maximum(m, jnp.where(ids_sh == bi, m_sh, neg))
        d *= 2
    nxt = jnp.concatenate([bi[1:], jnp.full((1, 1), -1, jnp.int32)], axis=0)
    wlast = onehot * (bi != nxt).astype(jnp.float32)
    gmp = lax.dot_general(wlast, m, (((0,), (0,)), ((), ())),
                          preferred_element_type=jnp.float32)
    gmp = jnp.where(counts > 0.0, gmp, 0.0)
    gap = sums / jnp.maximum(counts, 1.0)
    hidden = jnp.concatenate([gmp, gap], axis=1)
    out_ref[...] = jnp.dot(hidden, wout_ref[...],
                           preferred_element_type=jnp.float32) + bout_ref[...]
    hidden_ref[...] = hidden


_tc_pool = pl.pallas_call(
    _tc_pool_body,
    out_shape=(jax.ShapeDtypeStruct((G, 1), jnp.float32),
               jax.ShapeDtypeStruct((G, 2 * H), jnp.float32)),
    compiler_params=pltpu.CompilerParams(vmem_limit_bytes=100 * 1024 * 1024),
)


def kernel(x, edge_index, batch_index, W0, b0, W1, b1, W2, b2, W3, b3,
           Wout, bout):
    src = edge_index[0].reshape(NW, NCHUNK, CH)
    dst = edge_index[1].reshape(NW, NCHUNK, CH)
    ones16 = jnp.ones((CH, 16), jnp.float32)
    zeros16 = jnp.zeros((NP, 16), jnp.float32)
    zerosH = jnp.zeros((NP, H), jnp.float32)

    degcnt = _sc_degree(dst, ones16, zeros16)
    dc0, dc1 = degcnt[0], degcnt[1]

    hwp = _tc_first(x, W0, dc0, dc1)
    for (b, W) in ((b0, W1), (b1, W2), (b2, W3)):
        acc = _sc_agg(hwp, src, dst, zerosH)
        hwp = _tc_mid(acc[0], acc[1], hwp, dc0, dc1, b.reshape(1, H), W)
    acc = _sc_agg(hwp, src, dst, zerosH)
    out, hidden = _tc_pool(acc[0], acc[1], hwp, dc0, dc1, b3.reshape(1, H),
                           batch_index.reshape(N, 1), Wout,
                           bout.reshape(1, 1))
    return (out, hidden)

# --- scband reference (transcript-rebuilt; emitter-appended) ---
"""Pipeline reference for scband-gcn-73830487818944 (READ-ONLY COPY).

The authoritative reference and input builder live on the scoring server;
editing this copy changes nothing except your own understanding.
"""

import jax, jax.numpy as jnp
import numpy as np

N = 10000
E = 320000
F = 128
H = 64
G = 128


def setup_inputs(seed: int = 0) -> dict:
    key = jax.random.key(seed)
    ks = jax.random.split(key, 16)
    x = jax.random.normal(ks[0], (N, F), dtype=jnp.float32)
    edge_index = jax.random.randint(ks[1], (2, E), 0, N, dtype=jnp.int32)
    batch_index = jnp.sort(jax.random.randint(ks[2], (N,), 0, G, dtype=jnp.int32))
    s = 0.05
    W0 = jax.random.normal(ks[3], (F, H), dtype=jnp.float32) * s
    b0 = jnp.zeros((H,), dtype=jnp.float32)
    W1 = jax.random.normal(ks[4], (H, H), dtype=jnp.float32) * s
    b1 = jnp.zeros((H,), dtype=jnp.float32)
    W2 = jax.random.normal(ks[5], (H, H), dtype=jnp.float32) * s
    b2 = jnp.zeros((H,), dtype=jnp.float32)
    W3 = jax.random.normal(ks[6], (H, H), dtype=jnp.float32) * s
    b3 = jnp.zeros((H,), dtype=jnp.float32)
    Wout = jax.random.normal(ks[7], (2 * H, 1), dtype=jnp.float32) * s
    bout = jnp.zeros((1,), dtype=jnp.float32)
    return {"x": x, "edge_index": edge_index, "batch_index": batch_index,
            "W0": W0, "b0": b0, "W1": W1, "b1": b1, "W2": W2, "b2": b2,
            "W3": W3, "b3": b3, "Wout": Wout, "bout": bout}


def reference(x, edge_index, batch_index, W0, b0, W1, b1, W2, b2, W3, b3, Wout, bout):
    n = x.shape[0]
    loop = jnp.arange(n, dtype=edge_index.dtype)
    src = jnp.concatenate([edge_index[0], loop])
    dst = jnp.concatenate([edge_index[1], loop])
    deg = jnp.zeros((n,), jnp.float32).at[dst].add(1.0)
    din = jax.lax.rsqrt(deg)
    norm = din[src] * din[dst]

    def conv(h, W, b):
        hw = h @ W
        msgs = hw[src] * norm[:, None]
        agg = jnp.zeros((n, hw.shape[1]), hw.dtype).at[dst].add(msgs)
        return agg + b

    h = jnp.tanh(conv(x, W0, b0))
    h = jnp.tanh(conv(h, W1, b1))
    h = jnp.tanh(conv(h, W2, b2))
    h = jnp.tanh(conv(h, W3, b3))

    counts = jax.ops.segment_sum(jnp.ones((n, 1), jnp.float32), batch_index, num_segments=G)
    gmp = jax.ops.segment_max(h, batch_index, num_segments=G)
    gmp = jnp.where(counts > 0, gmp, 0.0)
    gap = jax.ops.segment_sum(h, batch_index, num_segments=G) / jnp.maximum(counts, 1.0)
    hidden = jnp.concatenate([gmp, gap], axis=1)
    out = hidden @ Wout + bout
    return (out, hidden)

if __name__ == "__main__":
    import jax
    _d = setup_inputs()
    print(jax.jit(kernel)(*tuple(_d.values())))

</pallas_src>

<mosaic_0001>
#map = affine_map<(d0, d1) -> (0, 0)>
#map1 = affine_map<(d0, d1) -> (0, 0, 0)>
module attributes {stable_mosaic.version = 14 : i64} {
  func.func @_sc_agg(%arg0: i32, %arg1: i32, %arg2: memref<10000x64xf32, #tpu.memory_space<hbm>>, %arg3: memref<32x125x80xi32, #tpu.memory_space<hbm>>, %arg4: memref<32x125x80xi32, #tpu.memory_space<hbm>>, %arg5: memref<10112x64xf32, #tpu.memory_space<hbm>>, %arg6: memref<2x10112x64xf32, #tpu.memory_space<hbm>>, %arg7: memref<125x80xi32, #tpu.memory_space<vmem>>, %arg8: memref<125x80xi32, #tpu.memory_space<vmem>>, %arg9: memref<80x64xf32, #tpu.memory_space<vmem>>, %arg10: memref<80x64xf32, #tpu.memory_space<vmem>>, %arg11: memref<80x64xf32, #tpu.memory_space<vmem>>, %arg12: memref<80x64xf32, #tpu.memory_space<vmem>>, %arg13: memref<10112x64xf32, #tpu.memory_space<vmem_shared>>, %arg14: memref<10000x64xf32, #tpu.memory_space<vmem_shared>>, %arg15: memref<!tpu.dma_semaphore, #tpu.memory_space<semaphore_mem>>, %arg16: memref<!tpu.dma_semaphore, #tpu.memory_space<semaphore_mem>>, %arg17: memref<!tpu.dma_semaphore, #tpu.memory_space<semaphore_mem>>, %arg18: memref<!tpu.dma_semaphore, #tpu.memory_space<semaphore_mem>>, %arg19: memref<!tpu.dma_semaphore, #tpu.memory_space<semaphore_mem>>, %arg20: memref<!tpu.dma_semaphore, #tpu.memory_space<semaphore_mem>>, %arg21: memref<!tpu.dma_semaphore, #tpu.memory_space<semaphore_mem>>, %arg22: memref<!tpu.dma_semaphore, #tpu.memory_space<semaphore_mem>>) attributes {dimension_semantics = [#tpu.dimension_semantics<core_parallel>, #tpu.dimension_semantics<subcore_parallel>], iteration_bounds = array<i64: 2, 16>, scalar_prefetch = 0 : i64, scratch_operands = 16 : i64, tpu.core_type = #tpu.core_type<sc_vector_subcore>, window_params = [{transform_indices = #map}, {transform_indices = #map1}, {transform_indices = #map1}, {transform_indices = #map}, {transform_indices = #map1}]} {
    %mul3A = arith.constant 16 : i32
    %mul3A_0 = arith.muli %arg0, %mul3A : i32
    %add3A = arith.addi %mul3A_0, %arg1 : i32
    "tpu.region"() ({
      %run_scoped3A = tpu.sem_alloc : memref<!tpu.dma_semaphore, #tpu.memory_space<semaphore_mem>>
      %dma_start3A_157 = arith.constant 0 : i32
      %dma_start3A_158 = arith.constant 0 : i32
      %dma_start3A_159 = tpu.memref_slice %arg3[%add3A, %dma_start3A_157, %dma_start3A_158] : memref<32x125x80xi32, #tpu.memory_space<hbm>> -> memref<1x125x80xi32, #tpu.memory_space<hbm>>
      %dma_start3A_160 = tpu.memref_squeeze %dma_start3A_159 : memref<1x125x80xi32, #tpu.memory_space<hbm>> -> memref<125x80xi32, #tpu.memory_space<hbm>>
      %dma_start3A_161 = arith.constant 0 : i32
      %dma_start3A_162 = arith.constant 0 : i32
      %dma_start3A_163 = tpu.memref_slice %arg3[%add3A, %dma_start3A_161, %dma_start3A_162] : memref<32x125x80xi32, #tpu.memory_space<hbm>> -> memref<1x125x80xi32, #tpu.memory_space<hbm>>
      %dma_start3A_164 = tpu.memref_squeeze %dma_start3A_163 : memref<1x125x80xi32, #tpu.memory_space<hbm>> -> memref<125x80xi32, #tpu.memory_space<hbm>>
      tpu.enqueue_dma source(%dma_start3A_164 : memref<125x80xi32, #tpu.memory_space<hbm>>) target(%arg7 : memref<125x80xi32, #tpu.memory_space<vmem>>) target_semaphore(%run_scoped3A : memref<!tpu.dma_semaphore, #tpu.memory_space<semaphore_mem>>)
      %dma_wait3A_165 = arith.constant 0 : i32
      %dma_wait3A_166 = arith.constant 0 : i32
      %dma_wait3A_167 = tpu.memref_slice %arg3[%add3A, %dma_wait3A_165, %dma_wait3A_166] : memref<32x125x80xi32, #tpu.memory_space<hbm>> -> memref<1x125x80xi32, #tpu.memory_space<hbm>>
      %dma_wait3A_168 = tpu.memref_squeeze %dma_wait3A_167 : memref<1x125x80xi32, #tpu.memory_space<hbm>> -> memref<125x80xi32, #tpu.memory_space<hbm>>
      %dma_wait3A_169 = arith.constant 0 : i32
      %dma_wait3A_170 = arith.constant 0 : i32
      %dma_wait3A_171 = tpu.memref_slice %arg3[%add3A, %dma_wait3A_169, %dma_wait3A_170] : memref<32x125x80xi32, #tpu.memory_space<hbm>> -> memref<1x125x80xi32, #tpu.memory_space<hbm>>
      %dma_wait3A_172 = tpu.memref_squeeze %dma_wait3A_171 : memref<1x125x80xi32, #tpu.memory_space<hbm>> -> memref<125x80xi32, #tpu.memory_space<hbm>>
      tpu.wait_dma2 semaphore(%run_scoped3A : memref<!tpu.dma_semaphore, #tpu.memory_space<semaphore_mem>>) src(%dma_wait3A_172 : memref<125x80xi32, #tpu.memory_space<hbm>>) dst(%arg7 : memref<125x80xi32, #tpu.memory_space<vmem>>)
      tpu.yield
    }) : () -> ()
    "tpu.region"() ({
      %run_scoped3A = tpu.sem_alloc : memref<!tpu.dma_semaphore, #tpu.memory_space<semaphore_mem>>
      %dma_start3A_157 = arith.constant 0 : i32
      %dma_start3A_158 = arith.constant 0 : i32
      %dma_start3A_159 = tpu.memref_slice %arg4[%add3A, %dma_start3A_157, %dma_start3A_158] : memref<32x125x80xi32, #tpu.memory_space<hbm>> -> memref<1x125x80xi32, #tpu.memory_space<hbm>>
      %dma_start3A_160 = tpu.memref_squeeze %dma_start3A_159 : memref<1x125x80xi32, #tpu.memory_space<hbm>> -> memref<125x80xi32, #tpu.memory_space<hbm>>
      %dma_start3A_161 = arith.constant 0 : i32
      %dma_start3A_162 = arith.constant 0 : i32
      %dma_start3A_163 = tpu.memref_slice %arg4[%add3A, %dma_start3A_161, %dma_start3A_162] : memref<32x125x80xi32, #tpu.memory_space<hbm>> -> memref<1x125x80xi32, #tpu.memory_space<hbm>>
      %dma_start3A_164 = tpu.memref_squeeze %dma_start3A_163 : memref<1x125x80xi32, #tpu.memory_space<hbm>> -> memref<125x80xi32, #tpu.memory_space<hbm>>
      tpu.enqueue_dma source(%dma_start3A_164 : memref<125x80xi32, #tpu.memory_space<hbm>>) target(%arg8 : memref<125x80xi32, #tpu.memory_space<vmem>>) target_semaphore(%run_scoped3A : memref<!tpu.dma_semaphore, #tpu.memory_space<semaphore_mem>>)
      %dma_wait3A_165 = arith.constant 0 : i32
      %dma_wait3A_166 = arith.constant 0 : i32
      %dma_wait3A_167 = tpu.memref_slice %arg4[%add3A, %dma_wait3A_165, %dma_wait3A_166] : memref<32x125x80xi32, #tpu.memory_space<hbm>> -> memref<1x125x80xi32, #tpu.memory_space<hbm>>
      %dma_wait3A_168 = tpu.memref_squeeze %dma_wait3A_167 : memref<1x125x80xi32, #tpu.memory_space<hbm>> -> memref<125x80xi32, #tpu.memory_space<hbm>>
      %dma_wait3A_169 = arith.constant 0 : i32
      %dma_wait3A_170 = arith.constant 0 : i32
      %dma_wait3A_171 = tpu.memref_slice %arg4[%add3A, %dma_wait3A_169, %dma_wait3A_170] : memref<32x125x80xi32, #tpu.memory_space<hbm>> -> memref<1x125x80xi32, #tpu.memory_space<hbm>>
      %dma_wait3A_172 = tpu.memref_squeeze %dma_wait3A_171 : memref<1x125x80xi32, #tpu.memory_space<hbm>> -> memref<125x80xi32, #tpu.memory_space<hbm>>
      tpu.wait_dma2 semaphore(%run_scoped3A : memref<!tpu.dma_semaphore, #tpu.memory_space<semaphore_mem>>) src(%dma_wait3A_172 : memref<125x80xi32, #tpu.memory_space<hbm>>) dst(%arg8 : memref<125x80xi32, #tpu.memory_space<vmem>>)
      tpu.yield
    }) : () -> ()
    %mul3A_1 = arith.constant 632 : i32
    %mul3A_2 = arith.muli %arg1, %mul3A_1 : i32
    %mul3A_3 = arith.constant 632 : i32
    %mul3A_4 = arith.muli %arg1, %mul3A_3 : i32
    "tpu.region"() ({
      %run_scoped3A = tpu.sem_alloc : memref<!tpu.dma_semaphore, #tpu.memory_space<semaphore_mem>>
      %dma_start3A_157 = arith.constant 0 : i32
      %dma_start3A_158 = tpu.memref_slice %arg13[%mul3A_4, %dma_start3A_157] : memref<10112x64xf32, #tpu.memory_space<vmem_shared>> -> memref<632x64xf32, #tpu.memory_space<vmem_shared>>
      %dma_start3A_159 = arith.constant 0 : i32
      %dma_start3A_160 = tpu.memref_slice %arg5[%mul3A_2, %dma_start3A_159] : memref<10112x64xf32, #tpu.memory_space<hbm>> -> memref<632x64xf32, #tpu.memory_space<hbm>>
      tpu.enqueue_dma source(%dma_start3A_160 : memref<632x64xf32, #tpu.memory_space<hbm>>) target(%dma_start3A_158 : memref<632x64xf32, #tpu.memory_space<vmem_shared>>) target_semaphore(%run_scoped3A : memref<!tpu.dma_semaphore, #tpu.memory_space<semaphore_mem>>)
      %dma_wait3A_161 = arith.constant 0 : i32
      %dma_wait3A_162 = tpu.memref_slice %arg13[%mul3A_4, %dma_wait3A_161] : memref<10112x64xf32, #tpu.memory_space<vmem_shared>> -> memref<632x64xf32, #tpu.memory_space<vmem_shared>>
      %dma_wait3A_163 = arith.constant 0 : i32
      %dma_wait3A_164 = tpu.memref_slice %arg5[%mul3A_2, %dma_wait3A_163] : memref<10112x64xf32, #tpu.memory_space<hbm>> -> memref<632x64xf32, #tpu.memory_space<hbm>>
      tpu.wait_dma2 semaphore(%run_scoped3A : memref<!tpu.dma_semaphore, #tpu.memory_space<semaphore_mem>>) src(%dma_wait3A_164 : memref<632x64xf32, #tpu.memory_space<hbm>>) dst(%dma_wait3A_162 : memref<632x64xf32, #tpu.memory_space<vmem_shared>>)
      tpu.yield
    }) : () -> ()
    %mul3A_5 = arith.constant 625 : i32
    %mul3A_6 = arith.muli %arg1, %mul3A_5 : i32
    %mul3A_7 = arith.constant 625 : i32
    %mul3A_8 = arith.muli %arg1, %mul3A_7 : i32
    "tpu.region"() ({
      %run_scoped3A = tpu.sem_alloc : memref<!tpu.dma_semaphore, #tpu.memory_space<semaphore_mem>>
      %dma_start3A_157 = arith.constant 0 : i32
      %dma_start3A_158 = tpu.memref_slice %arg14[%mul3A_8, %dma_start3A_157] : memref<10000x64xf32, #tpu.memory_space<vmem_shared>> -> memref<625x64xf32, #tpu.memory_space<vmem_shared>>
      %dma_start3A_159 = arith.constant 0 : i32
      %dma_start3A_160 = tpu.memref_slice %arg2[%mul3A_6, %dma_start3A_159] : memref<10000x64xf32, #tpu.memory_space<hbm>> -> memref<625x64xf32, #tpu.memory_space<hbm>>
      tpu.enqueue_dma source(%dma_start3A_160 : memref<625x64xf32, #tpu.memory_space<hbm>>) target(%dma_start3A_158 : memref<625x64xf32, #tpu.memory_space<vmem_shared>>) target_semaphore(%run_scoped3A : memref<!tpu.dma_semaphore, #tpu.memory_space<semaphore_mem>>)
      %dma_wait3A_161 = arith.constant 0 : i32
      %dma_wait3A_162 = tpu.memref_slice %arg14[%mul3A_8, %dma_wait3A_161] : memref<10000x64xf32, #tpu.memory_space<vmem_shared>> -> memref<625x64xf32, #tpu.memory_space<vmem_shared>>
      %dma_wait3A_163 = arith.constant 0 : i32
      %dma_wait3A_164 = tpu.memref_slice %arg2[%mul3A_6, %dma_wait3A_163] : memref<10000x64xf32, #tpu.memory_space<hbm>> -> memref<625x64xf32, #tpu.memory_space<hbm>>
      tpu.wait_dma2 semaphore(%run_scoped3A : memref<!tpu.dma_semaphore, #tpu.memory_space<semaphore_mem>>) src(%dma_wait3A_164 : memref<625x64xf32, #tpu.memory_space<hbm>>) dst(%dma_wait3A_162 : memref<625x64xf32, #tpu.memory_space<vmem_shared>>)
      tpu.yield
    }) : () -> ()
    %barrier3A = arith.constant 0 : index
    tpu.barrier barrier_id(%barrier3A)
    %dma_start3A = arith.constant 0 : i32
    %dma_start3A_9 = arith.constant 0 : i32
    %dma_start3A_10 = tpu.memref_slice %arg7[%dma_start3A, %dma_start3A_9] : memref<125x80xi32, #tpu.memory_space<vmem>> -> memref<1x80xi32, #tpu.memory_space<vmem>>
    %dma_start3A_11 = tpu.memref_squeeze %dma_start3A_10 : memref<1x80xi32, #tpu.memory_space<vmem>> -> memref<80xi32, #tpu.memory_space<vmem>>
    %dma_start3A_12 = arith.constant 0 : i32
    %dma_start3A_13 = arith.constant 0 : i32
    %dma_start3A_14 = tpu.memref_slice %arg14[%dma_start3A_12, %dma_start3A_13] : memref<10000x64xf32, #tpu.memory_space<vmem_shared>> -> memref<10000x64xf32, #tpu.memory_space<vmem_shared>>
    tpu.enqueue_indirect_dma source(%dma_start3A_14 : memref<10000x64xf32, #tpu.memory_space<vmem_shared>>) target(%arg9 : memref<80x64xf32, #tpu.memory_space<vmem>>) offsets(%dma_start3A_11 : memref<80xi32, #tpu.memory_space<vmem>>) semaphore(%arg15 : memref<!tpu.dma_semaphore, #tpu.memory_space<semaphore_mem>>)
    %dma_start3A_15 = arith.constant 1 : i32
    %dma_start3A_16 = arith.constant 0 : i32
    %dma_start3A_17 = tpu.memref_slice %arg7[%dma_start3A_15, %dma_start3A_16] : memref<125x80xi32, #tpu.memory_space<vmem>> -> memref<1x80xi32, #tpu.memory_space<vmem>>
    %dma_start3A_18 = tpu.memref_squeeze %dma_start3A_17 : memref<1x80xi32, #tpu.memory_space<vmem>> -> memref<80xi32, #tpu.memory_space<vmem>>
    %dma_start3A_19 = arith.constant 0 : i32
    %dma_start3A_20 = arith.constant 0 : i32
    %dma_start3A_21 = tpu.memref_slice %arg14[%dma_start3A_19, %dma_start3A_20] : memref<10000x64xf32, #tpu.memory_space<vmem_shared>> -> memref<10000x64xf32, #tpu.memory_space<vmem_shared>>
    tpu.enqueue_indirect_dma source(%dma_start3A_21 : memref<10000x64xf32, #tpu.memory_space<vmem_shared>>) target(%arg10 : memref<80x64xf32, #tpu.memory_space<vmem>>) offsets(%dma_start3A_18 : memref<80xi32, #tpu.memory_space<vmem>>) semaphore(%arg16 : memref<!tpu.dma_semaphore, #tpu.memory_space<semaphore_mem>>)
    %dma_wait3A = arith.constant 0 : i32
    %dma_wait3A_22 = arith.constant 0 : i32
    %dma_wait3A_23 = tpu.memref_slice %arg7[%dma_wait3A, %dma_wait3A_22] : memref<125x80xi32, #tpu.memory_space<vmem>> -> memref<1x80xi32, #tpu.memory_space<vmem>>
    %dma_wait3A_24 = tpu.memref_squeeze %dma_wait3A_23 : memref<1x80xi32, #tpu.memory_space<vmem>> -> memref<80xi32, #tpu.memory_space<vmem>>
    %dma_wait3A_25 = arith.constant 0 : i32
    %dma_wait3A_26 = arith.constant 0 : i32
    %dma_wait3A_27 = tpu.memref_slice %arg14[%dma_wait3A_25, %dma_wait3A_26] : memref<10000x64xf32, #tpu.memory_space<vmem_shared>> -> memref<10000x64xf32, #tpu.memory_space<vmem_shared>>
    tpu.wait_indirect_dma semaphore(%arg15 : memref<!tpu.dma_semaphore, #tpu.memory_space<semaphore_mem>>) src(%dma_wait3A_27 : memref<10000x64xf32, #tpu.memory_space<vmem_shared>>) dst(%arg9 : memref<80x64xf32, #tpu.memory_space<vmem>>)
    %dma_start3A_28 = arith.constant 0 : i32
    %dma_start3A_29 = arith.constant 0 : i32
    %dma_start3A_30 = tpu.memref_slice %arg8[%dma_start3A_28, %dma_start3A_29] : memref<125x80xi32, #tpu.memory_space<vmem>> -> memref<1x80xi32, #tpu.memory_space<vmem>>
    %dma_start3A_31 = tpu.memref_squeeze %dma_start3A_30 : memref<1x80xi32, #tpu.memory_space<vmem>> -> memref<80xi32, #tpu.memory_space<vmem>>
    %dma_start3A_32 = arith.constant 0 : i32
    %dma_start3A_33 = arith.constant 0 : i32
    %dma_start3A_34 = tpu.memref_slice %arg13[%dma_start3A_32, %dma_start3A_33] : memref<10112x64xf32, #tpu.memory_space<vmem_shared>> -> memref<10112x64xf32, #tpu.memory_space<vmem_shared>>
    tpu.enqueue_indirect_dma source(%arg9 : memref<80x64xf32, #tpu.memory_space<vmem>>) target(%dma_start3A_34 : memref<10112x64xf32, #tpu.memory_space<vmem_shared>>) offsets(%dma_start3A_31 : memref<80xi32, #tpu.memory_space<vmem>>) semaphore(%arg19 : memref<!tpu.dma_semaphore, #tpu.memory_space<semaphore_mem>>) {add = true}
    %dma_start3A_35 = arith.constant 2 : i32
    %dma_start3A_36 = arith.constant 0 : i32
    %dma_start3A_37 = tpu.memref_slice %arg7[%dma_start3A_35, %dma_start3A_36] : memref<125x80xi32, #tpu.memory_space<vmem>> -> memref<1x80xi32, #tpu.memory_space<vmem>>
    %dma_start3A_38 = tpu.memref_squeeze %dma_start3A_37 : memref<1x80xi32, #tpu.memory_space<vmem>> -> memref<80xi32, #tpu.memory_space<vmem>>
    %dma_start3A_39 = arith.constant 0 : i32
    %dma_start3A_40 = arith.constant 0 : i32
    %dma_start3A_41 = tpu.memref_slice %arg14[%dma_start3A_39, %dma_start3A_40] : memref<10000x64xf32, #tpu.memory_space<vmem_shared>> -> memref<10000x64xf32, #tpu.memory_space<vmem_shared>>
    tpu.enqueue_indirect_dma source(%dma_start3A_41 : memref<10000x64xf32, #tpu.memory_space<vmem_shared>>) target(%arg11 : memref<80x64xf32, #tpu.memory_space<vmem>>) offsets(%dma_start3A_38 : memref<80xi32, #tpu.memory_space<vmem>>) semaphore(%arg17 : memref<!tpu.dma_semaphore, #tpu.memory_space<semaphore_mem>>)
    %dma_wait3A_42 = arith.constant 1 : i32
    %dma_wait3A_43 = arith.constant 0 : i32
    %dma_wait3A_44 = tpu.memref_slice %arg7[%dma_wait3A_42, %dma_wait3A_43] : memref<125x80xi32, #tpu.memory_space<vmem>> -> memref<1x80xi32, #tpu.memory_space<vmem>>
    %dma_wait3A_45 = tpu.memref_squeeze %dma_wait3A_44 : memref<1x80xi32, #tpu.memory_space<vmem>> -> memref<80xi32, #tpu.memory_space<vmem>>
    %dma_wait3A_46 = arith.constant 0 : i32
    %dma_wait3A_47 = arith.constant 0 : i32
    %dma_wait3A_48 = tpu.memref_slice %arg14[%dma_wait3A_46, %dma_wait3A_47] : memref<10000x64xf32, #tpu.memory_space<vmem_shared>> -> memref<10000x64xf32, #tpu.memory_space<vmem_shared>>
    tpu.wait_indirect_dma semaphore(%arg16 : memref<!tpu.dma_semaphore, #tpu.memory_space<semaphore_mem>>) src(%dma_wait3A_48 : memref<10000x64xf32, #tpu.memory_space<vmem_shared>>) dst(%arg10 : memref<80x64xf32, #tpu.memory_space<vmem>>)
    %dma_start3A_49 = arith.constant 1 : i32
    %dma_start3A_50 = arith.constant 0 : i32
    %dma_start3A_51 = tpu.memref_slice %arg8[%dma_start3A_49, %dma_start3A_50] : memref<125x80xi32, #tpu.memory_space<vmem>> -> memref<1x80xi32, #tpu.memory_space<vmem>>
    %dma_start3A_52 = tpu.memref_squeeze %dma_start3A_51 : memref<1x80xi32, #tpu.memory_space<vmem>> -> memref<80xi32, #tpu.memory_space<vmem>>
    %dma_start3A_53 = arith.constant 0 : i32
    %dma_start3A_54 = arith.constant 0 : i32
    %dma_start3A_55 = tpu.memref_slice %arg13[%dma_start3A_53, %dma_start3A_54] : memref<10112x64xf32, #tpu.memory_space<vmem_shared>> -> memref<10112x64xf32, #tpu.memory_space<vmem_shared>>
    tpu.enqueue_indirect_dma source(%arg10 : memref<80x64xf32, #tpu.memory_space<vmem>>) target(%dma_start3A_55 : memref<10112x64xf32, #tpu.memory_space<vmem_shared>>) offsets(%dma_start3A_52 : memref<80xi32, #tpu.memory_space<vmem>>) semaphore(%arg20 : memref<!tpu.dma_semaphore, #tpu.memory_space<semaphore_mem>>) {add = true}
    %dma_start3A_56 = arith.constant 3 : i32
    %dma_start3A_57 = arith.constant 0 : i32
    %dma_start3A_58 = tpu.memref_slice %arg7[%dma_start3A_56, %dma_start3A_57] : memref<125x80xi32, #tpu.memory_space<vmem>> -> memref<1x80xi32, #tpu.memory_space<vmem>>
    %dma_start3A_59 = tpu.memref_squeeze %dma_start3A_58 : memref<1x80xi32, #tpu.memory_space<vmem>> -> memref<80xi32, #tpu.memory_space<vmem>>
    %dma_start3A_60 = arith.constant 0 : i32
    %dma_start3A_61 = arith.constant 0 : i32
    %dma_start3A_62 = tpu.memref_slice %arg14[%dma_start3A_60, %dma_start3A_61] : memref<10000x64xf32, #tpu.memory_space<vmem_shared>> -> memref<10000x64xf32, #tpu.memory_space<vmem_shared>>
    tpu.enqueue_indirect_dma source(%dma_start3A_62 : memref<10000x64xf32, #tpu.memory_space<vmem_shared>>) target(%arg12 : memref<80x64xf32, #tpu.memory_space<vmem>>) offsets(%dma_start3A_59 : memref<80xi32, #tpu.memory_space<vmem>>) semaphore(%arg18 : memref<!tpu.dma_semaphore, #tpu.memory_space<semaphore_mem>>)
    %scan3A = arith.constant 0 : i32
    %scan3A_63 = arith.constant 0 : i32
    %scan3A_64 = arith.constant 30 : i32
    %scan3A_65 = arith.addi %scan3A_63, %scan3A_64 : i32
    %scan3A_66 = arith.constant 1 : i32
    scf.for %scan3A_157 = %scan3A_63 to %scan3A_65 step %scan3A_66  : i32 {
      %mul3A_158 = arith.constant 4 : i32
      %mul3A_159 = arith.muli %mul3A_158, %scan3A_157 : i32
      %add3A_160 = arith.constant 2 : i32
      %add3A_161 = arith.addi %add3A_160, %mul3A_159 : i32
      %add3A_162 = arith.constant 0 : i32
      %add3A_163 = arith.addi %add3A_161, %add3A_162 : i32
      %dma_wait3A_164 = arith.constant 0 : i32
      %dma_wait3A_165 = tpu.memref_slice %arg7[%add3A_163, %dma_wait3A_164] : memref<125x80xi32, #tpu.memory_space<vmem>> -> memref<1x80xi32, #tpu.memory_space<vmem>>
      %dma_wait3A_166 = tpu.memref_squeeze %dma_wait3A_165 : memref<1x80xi32, #tpu.memory_space<vmem>> -> memref<80xi32, #tpu.memory_space<vmem>>
      %dma_wait3A_167 = arith.constant 0 : i32
      %dma_wait3A_168 = arith.constant 0 : i32
      %dma_wait3A_169 = tpu.memref_slice %arg14[%dma_wait3A_167, %dma_wait3A_168] : memref<10000x64xf32, #tpu.memory_space<vmem_shared>> -> memref<10000x64xf32, #tpu.memory_space<vmem_shared>>
      tpu.wait_indirect_dma semaphore(%arg17 : memref<!tpu.dma_semaphore, #tpu.memory_space<semaphore_mem>>) src(%dma_wait3A_169 : memref<10000x64xf32, #tpu.memory_space<vmem_shared>>) dst(%arg11 : memref<80x64xf32, #tpu.memory_space<vmem>>)
      %dma_start3A_170 = arith.constant 0 : i32
      %dma_start3A_171 = tpu.memref_slice %arg8[%add3A_163, %dma_start3A_170] : memref<125x80xi32, #tpu.memory_space<vmem>> -> memref<1x80xi32, #tpu.memory_space<vmem>>
      %dma_start3A_172 = tpu.memref_squeeze %dma_start3A_171 : memref<1x80xi32, #tpu.memory_space<vmem>> -> memref<80xi32, #tpu.memory_space<vmem>>
      %dma_start3A_173 = arith.constant 0 : i32
      %dma_start3A_174 = arith.constant 0 : i32
      %dma_start3A_175 = tpu.memref_slice %arg13[%dma_start3A_173, %dma_start3A_174] : memref<10112x64xf32, #tpu.memory_space<vmem_shared>> -> memref<10112x64xf32, #tpu.memory_space<vmem_shared>>
      tpu.enqueue_indirect_dma source(%arg11 : memref<80x64xf32, #tpu.memory_space<vmem>>) target(%dma_start3A_175 : memref<10112x64xf32, #tpu.memory_space<vmem_shared>>) offsets(%dma_start3A_172 : memref<80xi32, #tpu.memory_space<vmem>>) semaphore(%arg21 : memref<!tpu.dma_semaphore, #tpu.memory_space<semaphore_mem>>) {add = true}
      %sub3A = arith.constant 2 : i32
      %sub3A_176 = arith.subi %add3A_163, %sub3A : i32
      %dma_wait3A_177 = arith.constant 0 : i32
      %dma_wait3A_178 = tpu.memref_slice %arg8[%sub3A_176, %dma_wait3A_177] : memref<125x80xi32, #tpu.memory_space<vmem>> -> memref<1x80xi32, #tpu.memory_space<vmem>>
      %dma_wait3A_179 = tpu.memref_squeeze %dma_wait3A_178 : memref<1x80xi32, #tpu.memory_space<vmem>> -> memref<80xi32, #tpu.memory_space<vmem>>
      %dma_wait3A_180 = arith.constant 0 : i32
      %dma_wait3A_181 = arith.constant 0 : i32
      %dma_wait3A_182 = tpu.memref_slice %arg13[%dma_wait3A_180, %dma_wait3A_181] : memref<10112x64xf32, #tpu.memory_space<vmem_shared>> -> memref<10112x64xf32, #tpu.memory_space<vmem_shared>>
      tpu.wait_indirect_dma semaphore(%arg19 : memref<!tpu.dma_semaphore, #tpu.memory_space<semaphore_mem>>) src(%arg9 : memref<80x64xf32, #tpu.memory_space<vmem>>) dst(%dma_wait3A_182 : memref<10112x64xf32, #tpu.memory_space<vmem_shared>>)
      %add3A_183 = arith.constant 2 : i32
      %add3A_184 = arith.addi %add3A_163, %add3A_183 : i32
      %dma_start3A_185 = arith.constant 0 : i32
      %dma_start3A_186 = tpu.memref_slice %arg7[%add3A_184, %dma_start3A_185] : memref<125x80xi32, #tpu.memory_space<vmem>> -> memref<1x80xi32, #tpu.memory_space<vmem>>
      %dma_start3A_187 = tpu.memref_squeeze %dma_start3A_186 : memref<1x80xi32, #tpu.memory_space<vmem>> -> memref<80xi32, #tpu.memory_space<vmem>>
      %dma_start3A_188 = arith.constant 0 : i32
      %dma_start3A_189 = arith.constant 0 : i32
      %dma_start3A_190 = tpu.memref_slice %arg14[%dma_start3A_188, %dma_start3A_189] : memref<10000x64xf32, #tpu.memory_space<vmem_shared>> -> memref<10000x64xf32, #tpu.memory_space<vmem_shared>>
      tpu.enqueue_indirect_dma source(%dma_start3A_190 : memref<10000x64xf32, #tpu.memory_space<vmem_shared>>) target(%arg9 : memref<80x64xf32, #tpu.memory_space<vmem>>) offsets(%dma_start3A_187 : memref<80xi32, #tpu.memory_space<vmem>>) semaphore(%arg15 : memref<!tpu.dma_semaphore, #tpu.memory_space<semaphore_mem>>)
      %add3A_191 = arith.constant 1 : i32
      %add3A_192 = arith.addi %add3A_161, %add3A_191 : i32
      %dma_wait3A_193 = arith.constant 0 : i32
      %dma_wait3A_194 = tpu.memref_slice %arg7[%add3A_192, %dma_wait3A_193] : memref<125x80xi32, #tpu.memory_space<vmem>> -> memref<1x80xi32, #tpu.memory_space<vmem>>
      %dma_wait3A_195 = tpu.memref_squeeze %dma_wait3A_194 : memref<1x80xi32, #tpu.memory_space<vmem>> -> memref<80xi32, #tpu.memory_space<vmem>>
      %dma_wait3A_196 = arith.constant 0 : i32
      %dma_wait3A_197 = arith.constant 0 : i32
      %dma_wait3A_198 = tpu.memref_slice %arg14[%dma_wait3A_196, %dma_wait3A_197] : memref<10000x64xf32, #tpu.memory_space<vmem_shared>> -> memref<10000x64xf32, #tpu.memory_space<vmem_shared>>
      tpu.wait_indirect_dma semaphore(%arg18 : memref<!tpu.dma_semaphore, #tpu.memory_space<semaphore_mem>>) src(%dma_wait3A_198 : memref<10000x64xf32, #tpu.memory_space<vmem_shared>>) dst(%arg12 : memref<80x64xf32, #tpu.memory_space<vmem>>)
      %dma_start3A_199 = arith.constant 0 : i32
      %dma_start3A_200 = tpu.memref_slice %arg8[%add3A_192, %dma_start3A_199] : memref<125x80xi32, #tpu.memory_space<vmem>> -> memref<1x80xi32, #tpu.memory_space<vmem>>
      %dma_start3A_201 = tpu.memref_squeeze %dma_start3A_200 : memref<1x80xi32, #tpu.memory_space<vmem>> -> memref<80xi32, #tpu.memory_space<vmem>>
      %dma_start3A_202 = arith.constant 0 : i32
      %dma_start3A_203 = arith.constant 0 : i32
      %dma_start3A_204 = tpu.memref_slice %arg13[%dma_start3A_202, %dma_start3A_203] : memref<10112x64xf32, #tpu.memory_space<vmem_shared>> -> memref<10112x64xf32, #tpu.memory_space<vmem_shared>>
      tpu.enqueue_indirect_dma source(%arg12 : memref<80x64xf32, #tpu.memory_space<vmem>>) target(%dma_start3A_204 : memref<10112x64xf32, #tpu.memory_space<vmem_shared>>) offsets(%dma_start3A_201 : memref<80xi32, #tpu.memory_space<vmem>>) semaphore(%arg22 : memref<!tpu.dma_semaphore, #tpu.memory_space<semaphore_mem>>) {add = true}
      %sub3A_205 = arith.constant 2 : i32
      %sub3A_206 = arith.subi %add3A_192, %sub3A_205 : i32
      %dma_wait3A_207 = arith.constant 0 : i32
      %dma_wait3A_208 = tpu.memref_slice %arg8[%sub3A_206, %dma_wait3A_207] : memref<125x80xi32, #tpu.memory_space<vmem>> -> memref<1x80xi32, #tpu.memory_space<vmem>>
      %dma_wait3A_209 = tpu.memref_squeeze %dma_wait3A_208 : memref<1x80xi32, #tpu.memory_space<vmem>> -> memref<80xi32, #tpu.memory_space<vmem>>
      %dma_wait3A_210 = arith.constant 0 : i32
      %dma_wait3A_211 = arith.constant 0 : i32
      %dma_wait3A_212 = tpu.memref_slice %arg13[%dma_wait3A_210, %dma_wait3A_211] : memref<10112x64xf32, #tpu.memory_space<vmem_shared>> -> memref<10112x64xf32, #tpu.memory_space<vmem_shared>>
      tpu.wait_indirect_dma semaphore(%arg20 : memref<!tpu.dma_semaphore, #tpu.memory_space<semaphore_mem>>) src(%arg10 : memref<80x64xf32, #tpu.memory_space<vmem>>) dst(%dma_wait3A_212 : memref<10112x64xf32, #tpu.memory_space<vmem_shared>>)
      %add3A_213 = arith.constant 2 : i32
      %add3A_214 = arith.addi %add3A_192, %add3A_213 : i32
      %dma_start3A_215 = arith.constant 0 : i32
      %dma_start3A_216 = tpu.memref_slice %arg7[%add3A_214, %dma_start3A_215] : memref<125x80xi32, #tpu.memory_space<vmem>> -> memref<1x80xi32, #tpu.memory_space<vmem>>
      %dma_start3A_217 = tpu.memref_squeeze %dma_start3A_216 : memref<1x80xi32, #tpu.memory_space<vmem>> -> memref<80xi32, #tpu.memory_space<vmem>>
      %dma_start3A_218 = arith.constant 0 : i32
      %dma_start3A_219 = arith.constant 0 : i32
      %dma_start3A_220 = tpu.memref_slice %arg14[%dma_start3A_218, %dma_start3A_219] : memref<10000x64xf32, #tpu.memory_space<vmem_shared>> -> memref<10000x64xf32, #tpu.memory_space<vmem_shared>>
      tpu.enqueue_indirect_dma source(%dma_start3A_220 : memref<10000x64xf32, #tpu.memory_space<vmem_shared>>) target(%arg10 : memref<80x64xf32, #tpu.memory_space<vmem>>) offsets(%dma_start3A_217 : memref<80xi32, #tpu.memory_space<vmem>>) semaphore(%arg16 : memref<!tpu.dma_semaphore, #tpu.memory_space<semaphore_mem>>)
      %add3A_221 = arith.constant 2 : i32
      %add3A_222 = arith.addi %add3A_161, %add3A_221 : i32
      %dma_wait3A_223 = arith.constant 0 : i32
      %dma_wait3A_224 = tpu.memref_slice %arg7[%add3A_222, %dma_wait3A_223] : memref<125x80xi32, #tpu.memory_space<vmem>> -> memref<1x80xi32, #tpu.memory_space<vmem>>
      %dma_wait3A_225 = tpu.memref_squeeze %dma_wait3A_224 : memref<1x80xi32, #tpu.memory_space<vmem>> -> memref<80xi32, #tpu.memory_space<vmem>>
      %dma_wait3A_226 = arith.constant 0 : i32
      %dma_wait3A_227 = arith.constant 0 : i32
      %dma_wait3A_228 = tpu.memref_slice %arg14[%dma_wait3A_226, %dma_wait3A_227] : memref<10000x64xf32, #tpu.memory_space<vmem_shared>> -> memref<10000x64xf32, #tpu.memory_space<vmem_shared>>
      tpu.wait_indirect_dma semaphore(%arg15 : memref<!tpu.dma_semaphore, #tpu.memory_space<semaphore_mem>>) src(%dma_wait3A_228 : memref<10000x64xf32, #tpu.memory_space<vmem_shared>>) dst(%arg9 : memref<80x64xf32, #tpu.memory_space<vmem>>)
      %dma_start3A_229 = arith.constant 0 : i32
      %dma_start3A_230 = tpu.memref_slice %arg8[%add3A_222, %dma_start3A_229] : memref<125x80xi32, #tpu.memory_space<vmem>> -> memref<1x80xi32, #tpu.memory_space<vmem>>
      %dma_start3A_231 = tpu.memref_squeeze %dma_start3A_230 : memref<1x80xi32, #tpu.memory_space<vmem>> -> memref<80xi32, #tpu.memory_space<vmem>>
      %dma_start3A_232 = arith.constant 0 : i32
      %dma_start3A_233 = arith.constant 0 : i32
      %dma_start3A_234 = tpu.memref_slice %arg13[%dma_start3A_232, %dma_start3A_233] : memref<10112x64xf32, #tpu.memory_space<vmem_shared>> -> memref<10112x64xf32, #tpu.memory_space<vmem_shared>>
      tpu.enqueue_indirect_dma source(%arg9 : memref<80x64xf32, #tpu.memory_space<vmem>>) target(%dma_start3A_234 : memref<10112x64xf32, #tpu.memory_space<vmem_shared>>) offsets(%dma_start3A_231 : memref<80xi32, #tpu.memory_space<vmem>>) semaphore(%arg19 : memref<!tpu.dma_semaphore, #tpu.memory_space<semaphore_mem>>) {add = true}
      %sub3A_235 = arith.constant 2 : i32
      %sub3A_236 = arith.subi %add3A_222, %sub3A_235 : i32
      %dma_wait3A_237 = arith.constant 0 : i32
      %dma_wait3A_238 = tpu.memref_slice %arg8[%sub3A_236, %dma_wait3A_237] : memref<125x80xi32, #tpu.memory_space<vmem>> -> memref<1x80xi32, #tpu.memory_space<vmem>>
      %dma_wait3A_239 = tpu.memref_squeeze %dma_wait3A_238 : memref<1x80xi32, #tpu.memory_space<vmem>> -> memref<80xi32, #tpu.memory_space<vmem>>
      %dma_wait3A_240 = arith.constant 0 : i32
      %dma_wait3A_241 = arith.constant 0 : i32
      %dma_wait3A_242 = tpu.memref_slice %arg13[%dma_wait3A_240, %dma_wait3A_241] : memref<10112x64xf32, #tpu.memory_space<vmem_shared>> -> memref<10112x64xf32, #tpu.memory_space<vmem_shared>>
      tpu.wait_indirect_dma semaphore(%arg21 : memref<!tpu.dma_semaphore, #tpu.memory_space<semaphore_mem>>) src(%arg11 : memref<80x64xf32, #tpu.memory_space<vmem>>) dst(%dma_wait3A_242 : memref<10112x64xf32, #tpu.memory_space<vmem_shared>>)
      %add3A_243 = arith.constant 2 : i32
      %add3A_244 = arith.addi %add3A_222, %add3A_243 : i32
      %dma_start3A_245 = arith.constant 0 : i32
      %dma_start3A_246 = tpu.memref_slice %arg7[%add3A_244, %dma_start3A_245] : memref<125x80xi32, #tpu.memory_space<vmem>> -> memref<1x80xi32, #tpu.memory_space<vmem>>
      %dma_start3A_247 = tpu.memref_squeeze %dma_start3A_246 : memref<1x80xi32, #tpu.memory_space<vmem>> -> memref<80xi32, #tpu.memory_space<vmem>>
      %dma_start3A_248 = arith.constant 0 : i32
      %dma_start3A_249 = arith.constant 0 : i32
      %dma_start3A_250 = tpu.memref_slice %arg14[%dma_start3A_248, %dma_start3A_249] : memref<10000x64xf32, #tpu.memory_space<vmem_shared>> -> memref<10000x64xf32, #tpu.memory_space<vmem_shared>>
      tpu.enqueue_indirect_dma source(%dma_start3A_250 : memref<10000x64xf32, #tpu.memory_space<vmem_shared>>) target(%arg11 : memref<80x64xf32, #tpu.memory_space<vmem>>) offsets(%dma_start3A_247 : memref<80xi32, #tpu.memory_space<vmem>>) semaphore(%arg17 : memref<!tpu.dma_semaphore, #tpu.memory_space<semaphore_mem>>)
      %add3A_251 = arith.constant 3 : i32
      %add3A_252 = arith.addi %add3A_161, %add3A_251 : i32
      %dma_wait3A_253 = arith.constant 0 : i32
      %dma_wait3A_254 = tpu.memref_slice %arg7[%add3A_252, %dma_wait3A_253] : memref<125x80xi32, #tpu.memory_space<vmem>> -> memref<1x80xi32, #tpu.memory_space<vmem>>
      %dma_wait3A_255 = tpu.memref_squeeze %dma_wait3A_254 : memref<1x80xi32, #tpu.memory_space<vmem>> -> memref<80xi32, #tpu.memory_space<vmem>>
      %dma_wait3A_256 = arith.constant 0 : i32
      %dma_wait3A_257 = arith.constant 0 : i32
      %dma_wait3A_258 = tpu.memref_slice %arg14[%dma_wait3A_256, %dma_wait3A_257] : memref<10000x64xf32, #tpu.memory_space<vmem_shared>> -> memref<10000x64xf32, #tpu.memory_space<vmem_shared>>
      tpu.wait_indirect_dma semaphore(%arg16 : memref<!tpu.dma_semaphore, #tpu.memory_space<semaphore_mem>>) src(%dma_wait3A_258 : memref<10000x64xf32, #tpu.memory_space<vmem_shared>>) dst(%arg10 : memref<80x64xf32, #tpu.memory_space<vmem>>)
      %dma_start3A_259 = arith.constant 0 : i32
      %dma_start3A_260 = tpu.memref_slice %arg8[%add3A_252, %dma_start3A_259] : memref<125x80xi32, #tpu.memory_space<vmem>> -> memref<1x80xi32, #tpu.memory_space<vmem>>
      %dma_start3A_261 = tpu.memref_squeeze %dma_start3A_260 : memref<1x80xi32, #tpu.memory_space<vmem>> -> memref<80xi32, #tpu.memory_space<vmem>>
      %dma_start3A_262 = arith.constant 0 : i32
      %dma_start3A_263 = arith.constant 0 : i32
      %dma_start3A_264 = tpu.memref_slice %arg13[%dma_start3A_262, %dma_start3A_263] : memref<10112x64xf32, #tpu.memory_space<vmem_shared>> -> memref<10112x64xf32, #tpu.memory_space<vmem_shared>>
      tpu.enqueue_indirect_dma source(%arg10 : memref<80x64xf32, #tpu.memory_space<vmem>>) target(%dma_start3A_264 : memref<10112x64xf32, #tpu.memory_space<vmem_shared>>) offsets(%dma_start3A_261 : memref<80xi32, #tpu.memory_space<vmem>>) semaphore(%arg20 : memref<!tpu.dma_semaphore, #tpu.memory_space<semaphore_mem>>) {add = true}
      %sub3A_265 = arith.constant 2 : i32
      %sub3A_266 = arith.subi %add3A_252, %sub3A_265 : i32
      %dma_wait3A_267 = arith.constant 0 : i32
      %dma_wait3A_268 = tpu.memref_slice %arg8[%sub3A_266, %dma_wait3A_267] : memref<125x80xi32, #tpu.memory_space<vmem>> -> memref<1x80xi32, #tpu.memory_space<vmem>>
      %dma_wait3A_269 = tpu.memref_squeeze %dma_wait3A_268 : memref<1x80xi32, #tpu.memory_space<vmem>> -> memref<80xi32, #tpu.memory_space<vmem>>
      %dma_wait3A_270 = arith.constant 0 : i32
      %dma_wait3A_271 = arith.constant 0 : i32
      %dma_wait3A_272 = tpu.memref_slice %arg13[%dma_wait3A_270, %dma_wait3A_271] : memref<10112x64xf32, #tpu.memory_space<vmem_shared>> -> memref<10112x64xf32, #tpu.memory_space<vmem_shared>>
      tpu.wait_indirect_dma semaphore(%arg22 : memref<!tpu.dma_semaphore, #tpu.memory_space<semaphore_mem>>) src(%arg12 : memref<80x64xf32, #tpu.memory_space<vmem>>) dst(%dma_wait3A_272 : memref<10112x64xf32, #tpu.memory_space<vmem_shared>>)
      %add3A_273 = arith.constant 2 : i32
      %add3A_274 = arith.addi %add3A_252, %add3A_273 : i32
      %dma_start3A_275 = arith.constant 0 : i32
      %dma_start3A_276 = tpu.memref_slice %arg7[%add3A_274, %dma_start3A_275] : memref<125x80xi32, #tpu.memory_space<vmem>> -> memref<1x80xi32, #tpu.memory_space<vmem>>
      %dma_start3A_277 = tpu.memref_squeeze %dma_start3A_276 : memref<1x80xi32, #tpu.memory_space<vmem>> -> memref<80xi32, #tpu.memory_space<vmem>>
      %dma_start3A_278 = arith.constant 0 : i32
      %dma_start3A_279 = arith.constant 0 : i32
      %dma_start3A_280 = tpu.memref_slice %arg14[%dma_start3A_278, %dma_start3A_279] : memref<10000x64xf32, #tpu.memory_space<vmem_shared>> -> memref<10000x64xf32, #tpu.memory_space<vmem_shared>>
      tpu.enqueue_indirect_dma source(%dma_start3A_280 : memref<10000x64xf32, #tpu.memory_space<vmem_shared>>) target(%arg12 : memref<80x64xf32, #tpu.memory_space<vmem>>) offsets(%dma_start3A_277 : memref<80xi32, #tpu.memory_space<vmem>>) semaphore(%arg18 : memref<!tpu.dma_semaphore, #tpu.memory_space<semaphore_mem>>)
    }
    %scan3A_67 = arith.constant 30 : i32
    %dma_wait3A_68 = arith.constant 122 : i32
    %dma_wait3A_69 = arith.constant 0 : i32
    %dma_wait3A_70 = tpu.memref_slice %arg7[%dma_wait3A_68, %dma_wait3A_69] : memref<125x80xi32, #tpu.memory_space<vmem>> -> memref<1x80xi32, #tpu.memory_space<vmem>>
    %dma_wait3A_71 = tpu.memref_squeeze %dma_wait3A_70 : memref<1x80xi32, #tpu.memory_space<vmem>> -> memref<80xi32, #tpu.memory_space<vmem>>
    %dma_wait3A_72 = arith.constant 0 : i32
    %dma_wait3A_73 = arith.constant 0 : i32
    %dma_wait3A_74 = tpu.memref_slice %arg14[%dma_wait3A_72, %dma_wait3A_73] : memref<10000x64xf32, #tpu.memory_space<vmem_shared>> -> memref<10000x64xf32, #tpu.memory_space<vmem_shared>>
    tpu.wait_indirect_dma semaphore(%arg17 : memref<!tpu.dma_semaphore, #tpu.memory_space<semaphore_mem>>) src(%dma_wait3A_74 : memref<10000x64xf32, #tpu.memory_space<vmem_shared>>) dst(%arg11 : memref<80x64xf32, #tpu.memory_space<vmem>>)
    %dma_start3A_75 = arith.constant 122 : i32
    %dma_start3A_76 = arith.constant 0 : i32
    %dma_start3A_77 = tpu.memref_slice %arg8[%dma_start3A_75, %dma_start3A_76] : memref<125x80xi32, #tpu.memory_space<vmem>> -> memref<1x80xi32, #tpu.memory_space<vmem>>
    %dma_start3A_78 = tpu.memref_squeeze %dma_start3A_77 : memref<1x80xi32, #tpu.memory_space<vmem>> -> memref<80xi32, #tpu.memory_space<vmem>>
    %dma_start3A_79 = arith.constant 0 : i32
    %dma_start3A_80 = arith.constant 0 : i32
    %dma_start3A_81 = tpu.memref_slice %arg13[%dma_start3A_79, %dma_start3A_80] : memref<10112x64xf32, #tpu.memory_space<vmem_shared>> -> memref<10112x64xf32, #tpu.memory_space<vmem_shared>>
    tpu.enqueue_indirect_dma source(%arg11 : memref<80x64xf32, #tpu.memory_space<vmem>>) target(%dma_start3A_81 : memref<10112x64xf32, #tpu.memory_space<vmem_shared>>) offsets(%dma_start3A_78 : memref<80xi32, #tpu.memory_space<vmem>>) semaphore(%arg21 : memref<!tpu.dma_semaphore, #tpu.memory_space<semaphore_mem>>) {add = true}
    %dma_wait3A_82 = arith.constant 120 : i32
    %dma_wait3A_83 = arith.constant 0 : i32
    %dma_wait3A_84 = tpu.memref_slice %arg8[%dma_wait3A_82, %dma_wait3A_83] : memref<125x80xi32, #tpu.memory_space<vmem>> -> memref<1x80xi32, #tpu.memory_space<vmem>>
    %dma_wait3A_85 = tpu.memref_squeeze %dma_wait3A_84 : memref<1x80xi32, #tpu.memory_space<vmem>> -> memref<80xi32, #tpu.memory_space<vmem>>
    %dma_wait3A_86 = arith.constant 0 : i32
    %dma_wait3A_87 = arith.constant 0 : i32
    %dma_wait3A_88 = tpu.memref_slice %arg13[%dma_wait3A_86, %dma_wait3A_87] : memref<10112x64xf32, #tpu.memory_space<vmem_shared>> -> memref<10112x64xf32, #tpu.memory_space<vmem_shared>>
    tpu.wait_indirect_dma semaphore(%arg19 : memref<!tpu.dma_semaphore, #tpu.memory_space<semaphore_mem>>) src(%arg9 : memref<80x64xf32, #tpu.memory_space<vmem>>) dst(%dma_wait3A_88 : memref<10112x64xf32, #tpu.memory_space<vmem_shared>>)
    %dma_start3A_89 = arith.constant 124 : i32
    %dma_start3A_90 = arith.constant 0 : i32
    %dma_start3A_91 = tpu.memref_slice %arg7[%dma_start3A_89, %dma_start3A_90] : memref<125x80xi32, #tpu.memory_space<vmem>> -> memref<1x80xi32, #tpu.memory_space<vmem>>
    %dma_start3A_92 = tpu.memref_squeeze %dma_start3A_91 : memref<1x80xi32, #tpu.memory_space<vmem>> -> memref<80xi32, #tpu.memory_space<vmem>>
    %dma_start3A_93 = arith.constant 0 : i32
    %dma_start3A_94 = arith.constant 0 : i32
    %dma_start3A_95 = tpu.memref_slice %arg14[%dma_start3A_93, %dma_start3A_94] : memref<10000x64xf32, #tpu.memory_space<vmem_shared>> -> memref<10000x64xf32, #tpu.memory_space<vmem_shared>>
    tpu.enqueue_indirect_dma source(%dma_start3A_95 : memref<10000x64xf32, #tpu.memory_space<vmem_shared>>) target(%arg9 : memref<80x64xf32, #tpu.memory_space<vmem>>) offsets(%dma_start3A_92 : memref<80xi32, #tpu.memory_space<vmem>>) semaphore(%arg15 : memref<!tpu.dma_semaphore, #tpu.memory_space<semaphore_mem>>)
    %dma_wait3A_96 = arith.constant 123 : i32
    %dma_wait3A_97 = arith.constant 0 : i32
    %dma_wait3A_98 = tpu.memref_slice %arg7[%dma_wait3A_96, %dma_wait3A_97] : memref<125x80xi32, #tpu.memory_space<vmem>> -> memref<1x80xi32, #tpu.memory_space<vmem>>
    %dma_wait3A_99 = tpu.memref_squeeze %dma_wait3A_98 : memref<1x80xi32, #tpu.memory_space<vmem>> -> memref<80xi32, #tpu.memory_space<vmem>>
    %dma_wait3A_100 = arith.constant 0 : i32
    %dma_wait3A_101 = arith.constant 0 : i32
    %dma_wait3A_102 = tpu.memref_slice %arg14[%dma_wait3A_100, %dma_wait3A_101] : memref<10000x64xf32, #tpu.memory_space<vmem_shared>> -> memref<10000x64xf32, #tpu.memory_space<vmem_shared>>
    tpu.wait_indirect_dma semaphore(%arg18 : memref<!tpu.dma_semaphore, #tpu.memory_space<semaphore_mem>>) src(%dma_wait3A_102 : memref<10000x64xf32, #tpu.memory_space<vmem_shared>>) dst(%arg12 : memref<80x64xf32, #tpu.memory_space<vmem>>)
    %dma_start3A_103 = arith.constant 123 : i32
    %dma_start3A_104 = arith.constant 0 : i32
    %dma_start3A_105 = tpu.memref_slice %arg8[%dma_start3A_103, %dma_start3A_104] : memref<125x80xi32, #tpu.memory_space<vmem>> -> memref<1x80xi32, #tpu.memory_space<vmem>>
    %dma_start3A_106 = tpu.memref_squeeze %dma_start3A_105 : memref<1x80xi32, #tpu.memory_space<vmem>> -> memref<80xi32, #tpu.memory_space<vmem>>
    %dma_start3A_107 = arith.constant 0 : i32
    %dma_start3A_108 = arith.constant 0 : i32
    %dma_start3A_109 = tpu.memref_slice %arg13[%dma_start3A_107, %dma_start3A_108] : memref<10112x64xf32, #tpu.memory_space<vmem_shared>> -> memref<10112x64xf32, #tpu.memory_space<vmem_shared>>
    tpu.enqueue_indirect_dma source(%arg12 : memref<80x64xf32, #tpu.memory_space<vmem>>) target(%dma_start3A_109 : memref<10112x64xf32, #tpu.memory_space<vmem_shared>>) offsets(%dma_start3A_106 : memref<80xi32, #tpu.memory_space<vmem>>) semaphore(%arg22 : memref<!tpu.dma_semaphore, #tpu.memory_space<semaphore_mem>>) {add = true}
    %dma_wait3A_110 = arith.constant 124 : i32
    %dma_wait3A_111 = arith.constant 0 : i32
    %dma_wait3A_112 = tpu.memref_slice %arg7[%dma_wait3A_110, %dma_wait3A_111] : memref<125x80xi32, #tpu.memory_space<vmem>> -> memref<1x80xi32, #tpu.memory_space<vmem>>
    %dma_wait3A_113 = tpu.memref_squeeze %dma_wait3A_112 : memref<1x80xi32, #tpu.memory_space<vmem>> -> memref<80xi32, #tpu.memory_space<vmem>>
    %dma_wait3A_114 = arith.constant 0 : i32
    %dma_wait3A_115 = arith.constant 0 : i32
    %dma_wait3A_116 = tpu.memref_slice %arg14[%dma_wait3A_114, %dma_wait3A_115] : memref<10000x64xf32, #tpu.memory_space<vmem_shared>> -> memref<10000x64xf32, #tpu.memory_space<vmem_shared>>
    tpu.wait_indirect_dma semaphore(%arg15 : memref<!tpu.dma_semaphore, #tpu.memory_space<semaphore_mem>>) src(%dma_wait3A_116 : memref<10000x64xf32, #tpu.memory_space<vmem_shared>>) dst(%arg9 : memref<80x64xf32, #tpu.memory_space<vmem>>)
    %dma_start3A_117 = arith.constant 124 : i32
    %dma_start3A_118 = arith.constant 0 : i32
    %dma_start3A_119 = tpu.memref_slice %arg8[%dma_start3A_117, %dma_start3A_118] : memref<125x80xi32, #tpu.memory_space<vmem>> -> memref<1x80xi32, #tpu.memory_space<vmem>>
    %dma_start3A_120 = tpu.memref_squeeze %dma_start3A_119 : memref<1x80xi32, #tpu.memory_space<vmem>> -> memref<80xi32, #tpu.memory_space<vmem>>
    %dma_start3A_121 = arith.constant 0 : i32
    %dma_start3A_122 = arith.constant 0 : i32
    %dma_start3A_123 = tpu.memref_slice %arg13[%dma_start3A_121, %dma_start3A_122] : memref<10112x64xf32, #tpu.memory_space<vmem_shared>> -> memref<10112x64xf32, #tpu.memory_space<vmem_shared>>
    tpu.enqueue_indirect_dma source(%arg9 : memref<80x64xf32, #tpu.memory_space<vmem>>) target(%dma_start3A_123 : memref<10112x64xf32, #tpu.memory_space<vmem_shared>>) offsets(%dma_start3A_120 : memref<80xi32, #tpu.memory_space<vmem>>) semaphore(%arg19 : memref<!tpu.dma_semaphore, #tpu.memory_space<semaphore_mem>>) {add = true}
    %dma_wait3A_124 = arith.constant 121 : i32
    %dma_wait3A_125 = arith.constant 0 : i32
    %dma_wait3A_126 = tpu.memref_slice %arg8[%dma_wait3A_124, %dma_wait3A_125] : memref<125x80xi32, #tpu.memory_space<vmem>> -> memref<1x80xi32, #tpu.memory_space<vmem>>
    %dma_wait3A_127 = tpu.memref_squeeze %dma_wait3A_126 : memref<1x80xi32, #tpu.memory_space<vmem>> -> memref<80xi32, #tpu.memory_space<vmem>>
    %dma_wait3A_128 = arith.constant 0 : i32
    %dma_wait3A_129 = arith.constant 0 : i32
    %dma_wait3A_130 = tpu.memref_slice %arg13[%dma_wait3A_128, %dma_wait3A_129] : memref<10112x64xf32, #tpu.memory_space<vmem_shared>> -> memref<10112x64xf32, #tpu.memory_space<vmem_shared>>
    tpu.wait_indirect_dma semaphore(%arg20 : memref<!tpu.dma_semaphore, #tpu.memory_space<semaphore_mem>>) src(%arg10 : memref<80x64xf32, #tpu.memory_space<vmem>>) dst(%dma_wait3A_130 : memref<10112x64xf32, #tpu.memory_space<vmem_shared>>)
    %dma_wait3A_131 = arith.constant 122 : i32
    %dma_wait3A_132 = arith.constant 0 : i32
    %dma_wait3A_133 = tpu.memref_slice %arg8[%dma_wait3A_131, %dma_wait3A_132] : memref<125x80xi32, #tpu.memory_space<vmem>> -> memref<1x80xi32, #tpu.memory_space<vmem>>
    %dma_wait3A_134 = tpu.memref_squeeze %dma_wait3A_133 : memref<1x80xi32, #tpu.memory_space<vmem>> -> memref<80xi32, #tpu.memory_space<vmem>>
    %dma_wait3A_135 = arith.constant 0 : i32
    %dma_wait3A_136 = arith.constant 0 : i32
    %dma_wait3A_137 = tpu.memref_slice %arg13[%dma_wait3A_135, %dma_wait3A_136] : memref<10112x64xf32, #tpu.memory_space<vmem_shared>> -> memref<10112x64xf32, #tpu.memory_space<vmem_shared>>
    tpu.wait_indirect_dma semaphore(%arg21 : memref<!tpu.dma_semaphore, #tpu.memory_space<semaphore_mem>>) src(%arg11 : memref<80x64xf32, #tpu.memory_space<vmem>>) dst(%dma_wait3A_137 : memref<10112x64xf32, #tpu.memory_space<vmem_shared>>)
    %dma_wait3A_138 = arith.constant 123 : i32
    %dma_wait3A_139 = arith.constant 0 : i32
    %dma_wait3A_140 = tpu.memref_slice %arg8[%dma_wait3A_138, %dma_wait3A_139] : memref<125x80xi32, #tpu.memory_space<vmem>> -> memref<1x80xi32, #tpu.memory_space<vmem>>
    %dma_wait3A_141 = tpu.memref_squeeze %dma_wait3A_140 : memref<1x80xi32, #tpu.memory_space<vmem>> -> memref<80xi32, #tpu.memory_space<vmem>>
    %dma_wait3A_142 = arith.constant 0 : i32
    %dma_wait3A_143 = arith.constant 0 : i32
    %dma_wait3A_144 = tpu.memref_slice %arg13[%dma_wait3A_142, %dma_wait3A_143] : memref<10112x64xf32, #tpu.memory_space<vmem_shared>> -> memref<10112x64xf32, #tpu.memory_space<vmem_shared>>
    tpu.wait_indirect_dma semaphore(%arg22 : memref<!tpu.dma_semaphore, #tpu.memory_space<semaphore_mem>>) src(%arg12 : memref<80x64xf32, #tpu.memory_space<vmem>>) dst(%dma_wait3A_144 : memref<10112x64xf32, #tpu.memory_space<vmem_shared>>)
    %dma_wait3A_145 = arith.constant 124 : i32
    %dma_wait3A_146 = arith.constant 0 : i32
    %dma_wait3A_147 = tpu.memref_slice %arg8[%dma_wait3A_145, %dma_wait3A_146] : memref<125x80xi32, #tpu.memory_space<vmem>> -> memref<1x80xi32, #tpu.memory_space<vmem>>
    %dma_wait3A_148 = tpu.memref_squeeze %dma_wait3A_147 : memref<1x80xi32, #tpu.memory_space<vmem>> -> memref<80xi32, #tpu.memory_space<vmem>>
    %dma_wait3A_149 = arith.constant 0 : i32
    %dma_wait3A_150 = arith.constant 0 : i32
    %dma_wait3A_151 = tpu.memref_slice %arg13[%dma_wait3A_149, %dma_wait3A_150] : memref<10112x64xf32, #tpu.memory_space<vmem_shared>> -> memref<10112x64xf32, #tpu.memory_space<vmem_shared>>
    tpu.wait_indirect_dma semaphore(%arg19 : memref<!tpu.dma_semaphore, #tpu.memory_space<semaphore_mem>>) src(%arg9 : memref<80x64xf32, #tpu.memory_space<vmem>>) dst(%dma_wait3A_151 : memref<10112x64xf32, #tpu.memory_space<vmem_shared>>)
    %barrier3A_152 = arith.constant 0 : index
    tpu.barrier barrier_id(%barrier3A_152)
    %mul3A_153 = arith.constant 632 : i32
    %mul3A_154 = arith.muli %arg1, %mul3A_153 : i32
    %mul3A_155 = arith.constant 632 : i32
    %mul3A_156 = arith.muli %arg1, %mul3A_155 : i32
    "tpu.region"() ({
      %run_scoped3A = tpu.sem_alloc : memref<!tpu.dma_semaphore, #tpu.memory_space<semaphore_mem>>
      %dma_start3A_157 = arith.constant 0 : i32
      %dma_start3A_158 = tpu.memref_slice %arg6[%arg0, %mul3A_156, %dma_start3A_157] : memref<2x10112x64xf32, #tpu.memory_space<hbm>> -> memref<1x632x64xf32, #tpu.memory_space<hbm>>
      %dma_start3A_159 = tpu.memref_squeeze %dma_start3A_158 : memref<1x632x64xf32, #tpu.memory_space<hbm>> -> memref<632x64xf32, #tpu.memory_space<hbm>>
      %dma_start3A_160 = arith.constant 0 : i32
      %dma_start3A_161 = tpu.memref_slice %arg13[%mul3A_154, %dma_start3A_160] : memref<10112x64xf32, #tpu.memory_space<vmem_shared>> -> memref<632x64xf32, #tpu.memory_space<vmem_shared>>
      tpu.enqueue_dma source(%dma_start3A_161 : memref<632x64xf32, #tpu.memory_space<vmem_shared>>) target(%dma_start3A_159 : memref<632x64xf32, #tpu.memory_space<hbm>>) target_semaphore(%run_scoped3A : memref<!tpu.dma_semaphore, #tpu.memory_space<semaphore_mem>>)
      %dma_wait3A_162 = arith.constant 0 : i32
      %dma_wait3A_163 = tpu.memref_slice %arg6[%arg0, %mul3A_156, %dma_wait3A_162] : memref<2x10112x64xf32, #tpu.memory_space<hbm>> -> memref<1x632x64xf32, #tpu.memory_space<hbm>>
      %dma_wait3A_164 = tpu.memref_squeeze %dma_wait3A_163 : memref<1x632x64xf32, #tpu.memory_space<hbm>> -> memref<632x64xf32, #tpu.memory_space<hbm>>
      %dma_wait3A_165 = arith.constant 0 : i32
      %dma_wait3A_166 = tpu.memref_slice %arg13[%mul3A_154, %dma_wait3A_165] : memref<10112x64xf32, #tpu.memory_space<vmem_shared>> -> memref<632x64xf32, #tpu.memory_space<vmem_shared>>
      tpu.wait_dma2 semaphore(%run_scoped3A : memref<!tpu.dma_semaphore, #tpu.memory_space<semaphore_mem>>) src(%dma_wait3A_166 : memref<632x64xf32, #tpu.memory_space<vmem_shared>>) dst(%dma_wait3A_164 : memref<632x64xf32, #tpu.memory_space<hbm>>)
      tpu.yield
    }) : () -> ()
    return
  }
}

#map = affine_map<(d0, d1) -> (0, 0, 0)>
#map1 = affine_map<(d0, d1) -> (0, 0)>
module attributes {stable_mosaic.version = 14 : i64} {
  func.func @_sc_degree(%arg0: i32, %arg1: i32, %arg2: memref<32x125x80xi32, #tpu.memory_space<hbm>>, %arg3: memref<80x16xf32, #tpu.memory_space<hbm>>, %arg4: memref<10112x16xf32, #tpu.memory_space<hbm>>, %arg5: memref<2x10112x16xf32, #tpu.memory_space<hbm>>, %arg6: memref<125x80xi32, #tpu.memory_space<vmem>>, %arg7: memref<80x16xf32, #tpu.memory_space<vmem>>, %arg8: memref<10112x16xf32, #tpu.memory_space<vmem_shared>>, %arg9: memref<!tpu.dma_semaphore, #tpu.memory_space<semaphore_mem>>, %arg10: memref<!tpu.dma_semaphore, #tpu.memory_space<semaphore_mem>>, %arg11: memref<!tpu.dma_semaphore, #tpu.memory_space<semaphore_mem>>, %arg12: memref<!tpu.dma_semaphore, #tpu.memory_space<semaphore_mem>>) attributes {dimension_semantics = [#tpu.dimension_semantics<core_parallel>, #tpu.dimension_semantics<subcore_parallel>], iteration_bounds = array<i64: 2, 16>, scalar_prefetch = 0 : i64, scratch_operands = 7 : i64, tpu.core_type = #tpu.core_type<sc_vector_subcore>, window_params = [{transform_indices = #map}, {transform_indices = #map1}, {transform_indices = #map1}, {transform_indices = #map}]} {
    %mul3A = arith.constant 16 : i32
    %mul3A_0 = arith.muli %arg0, %mul3A : i32
    %add3A = arith.addi %mul3A_0, %arg1 : i32
    "tpu.region"() ({
      %run_scoped3A_15 = tpu.sem_alloc : memref<!tpu.dma_semaphore, #tpu.memory_space<semaphore_mem>>
      %dma_start3A = arith.constant 0 : i32
      %dma_start3A_16 = arith.constant 0 : i32
      %dma_start3A_17 = tpu.memref_slice %arg2[%add3A, %dma_start3A, %dma_start3A_16] : memref<32x125x80xi32, #tpu.memory_space<hbm>> -> memref<1x125x80xi32, #tpu.memory_space<hbm>>
      %dma_start3A_18 = tpu.memref_squeeze %dma_start3A_17 : memref<1x125x80xi32, #tpu.memory_space<hbm>> -> memref<125x80xi32, #tpu.memory_space<hbm>>
      %dma_start3A_19 = arith.constant 0 : i32
      %dma_start3A_20 = arith.constant 0 : i32
      %dma_start3A_21 = tpu.memref_slice %arg2[%add3A, %dma_start3A_19, %dma_start3A_20] : memref<32x125x80xi32, #tpu.memory_space<hbm>> -> memref<1x125x80xi32, #tpu.memory_space<hbm>>
      %dma_start3A_22 = tpu.memref_squeeze %dma_start3A_21 : memref<1x125x80xi32, #tpu.memory_space<hbm>> -> memref<125x80xi32, #tpu.memory_space<hbm>>
      tpu.enqueue_dma source(%dma_start3A_22 : memref<125x80xi32, #tpu.memory_space<hbm>>) target(%arg6 : memref<125x80xi32, #tpu.memory_space<vmem>>) target_semaphore(%run_scoped3A_15 : memref<!tpu.dma_semaphore, #tpu.memory_space<semaphore_mem>>)
      %dma_wait3A = arith.constant 0 : i32
      %dma_wait3A_23 = arith.constant 0 : i32
      %dma_wait3A_24 = tpu.memref_slice %arg2[%add3A, %dma_wait3A, %dma_wait3A_23] : memref<32x125x80xi32, #tpu.memory_space<hbm>> -> memref<1x125x80xi32, #tpu.memory_space<hbm>>
      %dma_wait3A_25 = tpu.memref_squeeze %dma_wait3A_24 : memref<1x125x80xi32, #tpu.memory_space<hbm>> -> memref<125x80xi32, #tpu.memory_space<hbm>>
      %dma_wait3A_26 = arith.constant 0 : i32
      %dma_wait3A_27 = arith.constant 0 : i32
      %dma_wait3A_28 = tpu.memref_slice %arg2[%add3A, %dma_wait3A_26, %dma_wait3A_27] : memref<32x125x80xi32, #tpu.memory_space<hbm>> -> memref<1x125x80xi32, #tpu.memory_space<hbm>>
      %dma_wait3A_29 = tpu.memref_squeeze %dma_wait3A_28 : memref<1x125x80xi32, #tpu.memory_space<hbm>> -> memref<125x80xi32, #tpu.memory_space<hbm>>
      tpu.wait_dma2 semaphore(%run_scoped3A_15 : memref<!tpu.dma_semaphore, #tpu.memory_space<semaphore_mem>>) src(%dma_wait3A_29 : memref<125x80xi32, #tpu.memory_space<hbm>>) dst(%arg6 : memref<125x80xi32, #tpu.memory_space<vmem>>)
      tpu.yield
    }) : () -> ()
    "tpu.region"() ({
      %run_scoped3A_15 = tpu.sem_alloc : memref<!tpu.dma_semaphore, #tpu.memory_space<semaphore_mem>>
      tpu.enqueue_dma source(%arg3 : memref<80x16xf32, #tpu.memory_space<hbm>>) target(%arg7 : memref<80x16xf32, #tpu.memory_space<vmem>>) target_semaphore(%run_scoped3A_15 : memref<!tpu.dma_semaphore, #tpu.memory_space<semaphore_mem>>)
      tpu.wait_dma2 semaphore(%run_scoped3A_15 : memref<!tpu.dma_semaphore, #tpu.memory_space<semaphore_mem>>) src(%arg3 : memref<80x16xf32, #tpu.memory_space<hbm>>) dst(%arg7 : memref<80x16xf32, #tpu.memory_space<vmem>>)
      tpu.yield
    }) : () -> ()
    %mul3A_1 = arith.constant 632 : i32
    %mul3A_2 = arith.muli %arg1, %mul3A_1 : i32
    %mul3A_3 = arith.constant 632 : i32
    %mul3A_4 = arith.muli %arg1, %mul3A_3 : i32
    "tpu.region"() ({
      %run_scoped3A_15 = tpu.sem_alloc : memref<!tpu.dma_semaphore, #tpu.memory_space<semaphore_mem>>
      %dma_start3A = arith.constant 0 : i32
      %dma_start3A_16 = tpu.memref_slice %arg8[%mul3A_4, %dma_start3A] : memref<10112x16xf32, #tpu.memory_space<vmem_shared>> -> memref<632x16xf32, #tpu.memory_space<vmem_shared>>
      %dma_start3A_17 = arith.constant 0 : i32
      %dma_start3A_18 = tpu.memref_slice %arg4[%mul3A_2, %dma_start3A_17] : memref<10112x16xf32, #tpu.memory_space<hbm>> -> memref<632x16xf32, #tpu.memory_space<hbm>>
      tpu.enqueue_dma source(%dma_start3A_18 : memref<632x16xf32, #tpu.memory_space<hbm>>) target(%dma_start3A_16 : memref<632x16xf32, #tpu.memory_space<vmem_shared>>) target_semaphore(%run_scoped3A_15 : memref<!tpu.dma_semaphore, #tpu.memory_space<semaphore_mem>>)
      %dma_wait3A = arith.constant 0 : i32
      %dma_wait3A_19 = tpu.memref_slice %arg8[%mul3A_4, %dma_wait3A] : memref<10112x16xf32, #tpu.memory_space<vmem_shared>> -> memref<632x16xf32, #tpu.memory_space<vmem_shared>>
      %dma_wait3A_20 = arith.constant 0 : i32
      %dma_wait3A_21 = tpu.memref_slice %arg4[%mul3A_2, %dma_wait3A_20] : memref<10112x16xf32, #tpu.memory_space<hbm>> -> memref<632x16xf32, #tpu.memory_space<hbm>>
      tpu.wait_dma2 semaphore(%run_scoped3A_15 : memref<!tpu.dma_semaphore, #tpu.memory_space<semaphore_mem>>) src(%dma_wait3A_21 : memref<632x16xf32, #tpu.memory_space<hbm>>) dst(%dma_wait3A_19 : memref<632x16xf32, #tpu.memory_space<vmem_shared>>)
      tpu.yield
    }) : () -> ()
    %barrier3A = arith.constant 0 : index
    tpu.barrier barrier_id(%barrier3A)
    %scan3A = arith.constant 0 : i32
    %scan3A_5 = arith.constant 0 : i32
    %scan3A_6 = arith.constant 31 : i32
    %scan3A_7 = arith.addi %scan3A_5, %scan3A_6 : i32
    %scan3A_8 = arith.constant 1 : i32
    scf.for %scan3A_15 = %scan3A_5 to %scan3A_7 step %scan3A_8  : i32 {
      %mul3A_16 = arith.constant 4 : i32
      %mul3A_17 = arith.muli %mul3A_16, %scan3A_15 : i32
      %add3A_18 = arith.constant 0 : i32
      %add3A_19 = arith.addi %mul3A_17, %add3A_18 : i32
      %dma_start3A = arith.constant 0 : i32
      %dma_start3A_20 = tpu.memref_slice %arg6[%add3A_19, %dma_start3A] : memref<125x80xi32, #tpu.memory_space<vmem>> -> memref<1x80xi32, #tpu.memory_space<vmem>>
      %dma_start3A_21 = tpu.memref_squeeze %dma_start3A_20 : memref<1x80xi32, #tpu.memory_space<vmem>> -> memref<80xi32, #tpu.memory_space<vmem>>
      %dma_start3A_22 = arith.constant 0 : i32
      %dma_start3A_23 = arith.constant 0 : i32
      %dma_start3A_24 = tpu.memref_slice %arg8[%dma_start3A_22, %dma_start3A_23] : memref<10112x16xf32, #tpu.memory_space<vmem_shared>> -> memref<10112x16xf32, #tpu.memory_space<vmem_shared>>
      tpu.enqueue_indirect_dma source(%arg7 : memref<80x16xf32, #tpu.memory_space<vmem>>) target(%dma_start3A_24 : memref<10112x16xf32, #tpu.memory_space<vmem_shared>>) offsets(%dma_start3A_21 : memref<80xi32, #tpu.memory_space<vmem>>) semaphore(%arg9 : memref<!tpu.dma_semaphore, #tpu.memory_space<semaphore_mem>>) {add = true}
      %add3A_25 = arith.constant 1 : i32
      %add3A_26 = arith.addi %mul3A_17, %add3A_25 : i32
      %dma_start3A_27 = arith.constant 0 : i32
      %dma_start3A_28 = tpu.memref_slice %arg6[%add3A_26, %dma_start3A_27] : memref<125x80xi32, #tpu.memory_space<vmem>> -> memref<1x80xi32, #tpu.memory_space<vmem>>
      %dma_start3A_29 = tpu.memref_squeeze %dma_start3A_28 : memref<1x80xi32, #tpu.memory_space<vmem>> -> memref<80xi32, #tpu.memory_space<vmem>>
      %dma_start3A_30 = arith.constant 0 : i32
      %dma_start3A_31 = arith.constant 0 : i32
      %dma_start3A_32 = tpu.memref_slice %arg8[%dma_start3A_30, %dma_start3A_31] : memref<10112x16xf32, #tpu.memory_space<vmem_shared>> -> memref<10112x16xf32, #tpu.memory_space<vmem_shared>>
      tpu.enqueue_indirect_dma source(%arg7 : memref<80x16xf32, #tpu.memory_space<vmem>>) target(%dma_start3A_32 : memref<10112x16xf32, #tpu.memory_space<vmem_shared>>) offsets(%dma_start3A_29 : memref<80xi32, #tpu.memory_space<vmem>>) semaphore(%arg10 : memref<!tpu.dma_semaphore, #tpu.memory_space<semaphore_mem>>) {add = true}
      %add3A_33 = arith.constant 2 : i32
      %add3A_34 = arith.addi %mul3A_17, %add3A_33 : i32
      %dma_start3A_35 = arith.constant 0 : i32
      %dma_start3A_36 = tpu.memref_slice %arg6[%add3A_34, %dma_start3A_35] : memref<125x80xi32, #tpu.memory_space<vmem>> -> memref<1x80xi32, #tpu.memory_space<vmem>>
      %dma_start3A_37 = tpu.memref_squeeze %dma_start3A_36 : memref<1x80xi32, #tpu.memory_space<vmem>> -> memref<80xi32, #tpu.memory_space<vmem>>
      %dma_start3A_38 = arith.constant 0 : i32
      %dma_start3A_39 = arith.constant 0 : i32
      %dma_start3A_40 = tpu.memref_slice %arg8[%dma_start3A_38, %dma_start3A_39] : memref<10112x16xf32, #tpu.memory_space<vmem_shared>> -> memref<10112x16xf32, #tpu.memory_space<vmem_shared>>
      tpu.enqueue_indirect_dma source(%arg7 : memref<80x16xf32, #tpu.memory_space<vmem>>) target(%dma_start3A_40 : memref<10112x16xf32, #tpu.memory_space<vmem_shared>>) offsets(%dma_start3A_37 : memref<80xi32, #tpu.memory_space<vmem>>) semaphore(%arg11 : memref<!tpu.dma_semaphore, #tpu.memory_space<semaphore_mem>>) {add = true}
      %add3A_41 = arith.constant 3 : i32
      %add3A_42 = arith.addi %mul3A_17, %add3A_41 : i32
      %dma_start3A_43 = arith.constant 0 : i32
      %dma_start3A_44 = tpu.memref_slice %arg6[%add3A_42, %dma_start3A_43] : memref<125x80xi32, #tpu.memory_space<vmem>> -> memref<1x80xi32, #tpu.memory_space<vmem>>
      %dma_start3A_45 = tpu.memref_squeeze %dma_start3A_44 : memref<1x80xi32, #tpu.memory_space<vmem>> -> memref<80xi32, #tpu.memory_space<vmem>>
      %dma_start3A_46 = arith.constant 0 : i32
      %dma_start3A_47 = arith.constant 0 : i32
      %dma_start3A_48 = tpu.memref_slice %arg8[%dma_start3A_46, %dma_start3A_47] : memref<10112x16xf32, #tpu.memory_space<vmem_shared>> -> memref<10112x16xf32, #tpu.memory_space<vmem_shared>>
      tpu.enqueue_indirect_dma source(%arg7 : memref<80x16xf32, #tpu.memory_space<vmem>>) target(%dma_start3A_48 : memref<10112x16xf32, #tpu.memory_space<vmem_shared>>) offsets(%dma_start3A_45 : memref<80xi32, #tpu.memory_space<vmem>>) semaphore(%arg12 : memref<!tpu.dma_semaphore, #tpu.memory_space<semaphore_mem>>) {add = true}
      %add3A_49 = arith.constant 0 : i32
      %add3A_50 = arith.addi %mul3A_17, %add3A_49 : i32
      %dma_wait3A = arith.constant 0 : i32
      %dma_wait3A_51 = tpu.memref_slice %arg6[%add3A_50, %dma_wait3A] : memref<125x80xi32, #tpu.memory_space<vmem>> -> memref<1x80xi32, #tpu.memory_space<vmem>>
      %dma_wait3A_52 = tpu.memref_squeeze %dma_wait3A_51 : memref<1x80xi32, #tpu.memory_space<vmem>> -> memref<80xi32, #tpu.memory_space<vmem>>
      %dma_wait3A_53 = arith.constant 0 : i32
      %dma_wait3A_54 = arith.constant 0 : i32
      %dma_wait3A_55 = tpu.memref_slice %arg8[%dma_wait3A_53, %dma_wait3A_54] : memref<10112x16xf32, #tpu.memory_space<vmem_shared>> -> memref<10112x16xf32, #tpu.memory_space<vmem_shared>>
      tpu.wait_indirect_dma semaphore(%arg9 : memref<!tpu.dma_semaphore, #tpu.memory_space<semaphore_mem>>) src(%arg7 : memref<80x16xf32, #tpu.memory_space<vmem>>) dst(%dma_wait3A_55 : memref<10112x16xf32, #tpu.memory_space<vmem_shared>>)
      %add3A_56 = arith.constant 1 : i32
      %add3A_57 = arith.addi %mul3A_17, %add3A_56 : i32
      %dma_wait3A_58 = arith.constant 0 : i32
      %dma_wait3A_59 = tpu.memref_slice %arg6[%add3A_57, %dma_wait3A_58] : memref<125x80xi32, #tpu.memory_space<vmem>> -> memref<1x80xi32, #tpu.memory_space<vmem>>
      %dma_wait3A_60 = tpu.memref_squeeze %dma_wait3A_59 : memref<1x80xi32, #tpu.memory_space<vmem>> -> memref<80xi32, #tpu.memory_space<vmem>>
      %dma_wait3A_61 = arith.constant 0 : i32
      %dma_wait3A_62 = arith.constant 0 : i32
      %dma_wait3A_63 = tpu.memref_slice %arg8[%dma_wait3A_61, %dma_wait3A_62] : memref<10112x16xf32, #tpu.memory_space<vmem_shared>> -> memref<10112x16xf32, #tpu.memory_space<vmem_shared>>
      tpu.wait_indirect_dma semaphore(%arg10 : memref<!tpu.dma_semaphore, #tpu.memory_space<semaphore_mem>>) src(%arg7 : memref<80x16xf32, #tpu.memory_space<vmem>>) dst(%dma_wait3A_63 : memref<10112x16xf32, #tpu.memory_space<vmem_shared>>)
      %add3A_64 = arith.constant 2 : i32
      %add3A_65 = arith.addi %mul3A_17, %add3A_64 : i32
      %dma_wait3A_66 = arith.constant 0 : i32
      %dma_wait3A_67 = tpu.memref_slice %arg6[%add3A_65, %dma_wait3A_66] : memref<125x80xi32, #tpu.memory_space<vmem>> -> memref<1x80xi32, #tpu.memory_space<vmem>>
      %dma_wait3A_68 = tpu.memref_squeeze %dma_wait3A_67 : memref<1x80xi32, #tpu.memory_space<vmem>> -> memref<80xi32, #tpu.memory_space<vmem>>
      %dma_wait3A_69 = arith.constant 0 : i32
      %dma_wait3A_70 = arith.constant 0 : i32
      %dma_wait3A_71 = tpu.memref_slice %arg8[%dma_wait3A_69, %dma_wait3A_70] : memref<10112x16xf32, #tpu.memory_space<vmem_shared>> -> memref<10112x16xf32, #tpu.memory_space<vmem_shared>>
      tpu.wait_indirect_dma semaphore(%arg11 : memref<!tpu.dma_semaphore, #tpu.memory_space<semaphore_mem>>) src(%arg7 : memref<80x16xf32, #tpu.memory_space<vmem>>) dst(%dma_wait3A_71 : memref<10112x16xf32, #tpu.memory_space<vmem_shared>>)
      %add3A_72 = arith.constant 3 : i32
      %add3A_73 = arith.addi %mul3A_17, %add3A_72 : i32
      %dma_wait3A_74 = arith.constant 0 : i32
      %dma_wait3A_75 = tpu.memref_slice %arg6[%add3A_73, %dma_wait3A_74] : memref<125x80xi32, #tpu.memory_space<vmem>> -> memref<1x80xi32, #tpu.memory_space<vmem>>
      %dma_wait3A_76 = tpu.memref_squeeze %dma_wait3A_75 : memref<1x80xi32, #tpu.memory_space<vmem>> -> memref<80xi32, #tpu.memory_space<vmem>>
      %dma_wait3A_77 = arith.constant 0 : i32
      %dma_wait3A_78 = arith.constant 0 : i32
      %dma_wait3A_79 = tpu.memref_slice %arg8[%dma_wait3A_77, %dma_wait3A_78] : memref<10112x16xf32, #tpu.memory_space<vmem_shared>> -> memref<10112x16xf32, #tpu.memory_space<vmem_shared>>
      tpu.wait_indirect_dma semaphore(%arg12 : memref<!tpu.dma_semaphore, #tpu.memory_space<semaphore_mem>>) src(%arg7 : memref<80x16xf32, #tpu.memory_space<vmem>>) dst(%dma_wait3A_79 : memref<10112x16xf32, #tpu.memory_space<vmem_shared>>)
    }
    %scan3A_9 = arith.constant 31 : i32
    %run_scoped3A = arith.constant 124 : i32
    "tpu.region"() ({
      %run_scoped3A_15 = tpu.sem_alloc : memref<!tpu.dma_semaphore, #tpu.memory_space<semaphore_mem>>
      %dma_start3A = arith.constant 0 : i32
      %dma_start3A_16 = tpu.memref_slice %arg6[%run_scoped3A, %dma_start3A] : memref<125x80xi32, #tpu.memory_space<vmem>> -> memref<1x80xi32, #tpu.memory_space<vmem>>
      %dma_start3A_17 = tpu.memref_squeeze %dma_start3A_16 : memref<1x80xi32, #tpu.memory_space<vmem>> -> memref<80xi32, #tpu.memory_space<vmem>>
      %dma_start3A_18 = arith.constant 0 : i32
      %dma_start3A_19 = arith.constant 0 : i32
      %dma_start3A_20 = tpu.memref_slice %arg8[%dma_start3A_18, %dma_start3A_19] : memref<10112x16xf32, #tpu.memory_space<vmem_shared>> -> memref<10112x16xf32, #tpu.memory_space<vmem_shared>>
      tpu.enqueue_indirect_dma source(%arg7 : memref<80x16xf32, #tpu.memory_space<vmem>>) target(%dma_start3A_20 : memref<10112x16xf32, #tpu.memory_space<vmem_shared>>) offsets(%dma_start3A_17 : memref<80xi32, #tpu.memory_space<vmem>>) semaphore(%run_scoped3A_15 : memref<!tpu.dma_semaphore, #tpu.memory_space<semaphore_mem>>) {add = true}
      %dma_wait3A = arith.constant 0 : i32
      %dma_wait3A_21 = tpu.memref_slice %arg6[%run_scoped3A, %dma_wait3A] : memref<125x80xi32, #tpu.memory_space<vmem>> -> memref<1x80xi32, #tpu.memory_space<vmem>>
      %dma_wait3A_22 = tpu.memref_squeeze %dma_wait3A_21 : memref<1x80xi32, #tpu.memory_space<vmem>> -> memref<80xi32, #tpu.memory_space<vmem>>
      %dma_wait3A_23 = arith.constant 0 : i32
      %dma_wait3A_24 = arith.constant 0 : i32
      %dma_wait3A_25 = tpu.memref_slice %arg8[%dma_wait3A_23, %dma_wait3A_24] : memref<10112x16xf32, #tpu.memory_space<vmem_shared>> -> memref<10112x16xf32, #tpu.memory_space<vmem_shared>>
      tpu.wait_indirect_dma semaphore(%run_scoped3A_15 : memref<!tpu.dma_semaphore, #tpu.memory_space<semaphore_mem>>) src(%arg7 : memref<80x16xf32, #tpu.memory_space<vmem>>) dst(%dma_wait3A_25 : memref<10112x16xf32, #tpu.memory_space<vmem_shared>>)
      tpu.yield
    }) : () -> ()
    %barrier3A_10 = arith.constant 0 : index
    tpu.barrier barrier_id(%barrier3A_10)
    %mul3A_11 = arith.constant 632 : i32
    %mul3A_12 = arith.muli %arg1, %mul3A_11 : i32
    %mul3A_13 = arith.constant 632 : i32
    %mul3A_14 = arith.muli %arg1, %mul3A_13 : i32
    "tpu.region"() ({
      %run_scoped3A_15 = tpu.sem_alloc : memref<!tpu.dma_semaphore, #tpu.memory_space<semaphore_mem>>
      %dma_start3A = arith.constant 0 : i32
      %dma_start3A_16 = tpu.memref_slice %arg5[%arg0, %mul3A_14, %dma_start3A] : memref<2x10112x16xf32, #tpu.memory_space<hbm>> -> memref<1x632x16xf32, #tpu.memory_space<hbm>>
      %dma_start3A_17 = tpu.memref_squeeze %dma_start3A_16 : memref<1x632x16xf32, #tpu.memory_space<hbm>> -> memref<632x16xf32, #tpu.memory_space<hbm>>
      %dma_start3A_18 = arith.constant 0 : i32
      %dma_start3A_19 = tpu.memref_slice %arg8[%mul3A_12, %dma_start3A_18] : memref<10112x16xf32, #tpu.memory_space<vmem_shared>> -> memref<632x16xf32, #tpu.memory_space<vmem_shared>>
      tpu.enqueue_dma source(%dma_start3A_19 : memref<632x16xf32, #tpu.memory_space<vmem_shared>>) target(%dma_start3A_17 : memref<632x16xf32, #tpu.memory_space<hbm>>) target_semaphore(%run_scoped3A_15 : memref<!tpu.dma_semaphore, #tpu.memory_space<semaphore_mem>>)
      %dma_wait3A = arith.constant 0 : i32
      %dma_wait3A_20 = tpu.memref_slice %arg5[%arg0, %mul3A_14, %dma_wait3A] : memref<2x10112x16xf32, #tpu.memory_space<hbm>> -> memref<1x632x16xf32, #tpu.memory_space<hbm>>
      %dma_wait3A_21 = tpu.memref_squeeze %dma_wait3A_20 : memref<1x632x16xf32, #tpu.memory_space<hbm>> -> memref<632x16xf32, #tpu.memory_space<hbm>>
      %dma_wait3A_22 = arith.constant 0 : i32
      %dma_wait3A_23 = tpu.memref_slice %arg8[%mul3A_12, %dma_wait3A_22] : memref<10112x16xf32, #tpu.memory_space<vmem_shared>> -> memref<632x16xf32, #tpu.memory_space<vmem_shared>>
      tpu.wait_dma2 semaphore(%run_scoped3A_15 : memref<!tpu.dma_semaphore, #tpu.memory_space<semaphore_mem>>) src(%dma_wait3A_23 : memref<632x16xf32, #tpu.memory_space<vmem_shared>>) dst(%dma_wait3A_21 : memref<632x16xf32, #tpu.memory_space<hbm>>)
      tpu.yield
    }) : () -> ()
    return
  }
}

#map = affine_map<(d0, d1) -> (0, 0)>
#map1 = affine_map<(d0, d1) -> (0, 0, 0)>
module attributes {stable_mosaic.version = 14 : i64} {
  func.func @_sc_agg(%arg0: i32, %arg1: i32, %arg2: memref<10000x64xf32, #tpu.memory_space<hbm>>, %arg3: memref<32x125x80xi32, #tpu.memory_space<hbm>>, %arg4: memref<32x125x80xi32, #tpu.memory_space<hbm>>, %arg5: memref<10112x64xf32, #tpu.memory_space<hbm>>, %arg6: memref<2x10112x64xf32, #tpu.memory_space<hbm>>, %arg7: memref<125x80xi32, #tpu.memory_space<vmem>>, %arg8: memref<125x80xi32, #tpu.memory_space<vmem>>, %arg9: memref<80x64xf32, #tpu.memory_space<vmem>>, %arg10: memref<80x64xf32, #tpu.memory_space<vmem>>, %arg11: memref<80x64xf32, #tpu.memory_space<vmem>>, %arg12: memref<80x64xf32, #tpu.memory_space<vmem>>, %arg13: memref<10112x64xf32, #tpu.memory_space<vmem_shared>>, %arg14: memref<10000x64xf32, #tpu.memory_space<vmem_shared>>, %arg15: memref<!tpu.dma_semaphore, #tpu.memory_space<semaphore_mem>>, %arg16: memref<!tpu.dma_semaphore, #tpu.memory_space<semaphore_mem>>, %arg17: memref<!tpu.dma_semaphore, #tpu.memory_space<semaphore_mem>>, %arg18: memref<!tpu.dma_semaphore, #tpu.memory_space<semaphore_mem>>, %arg19: memref<!tpu.dma_semaphore, #tpu.memory_space<semaphore_mem>>, %arg20: memref<!tpu.dma_semaphore, #tpu.memory_space<semaphore_mem>>, %arg21: memref<!tpu.dma_semaphore, #tpu.memory_space<semaphore_mem>>, %arg22: memref<!tpu.dma_semaphore, #tpu.memory_space<semaphore_mem>>) attributes {dimension_semantics = [#tpu.dimension_semantics<core_parallel>, #tpu.dimension_semantics<subcore_parallel>], iteration_bounds = array<i64: 2, 16>, scalar_prefetch = 0 : i64, scratch_operands = 16 : i64, tpu.core_type = #tpu.core_type<sc_vector_subcore>, window_params = [{transform_indices = #map}, {transform_indices = #map1}, {transform_indices = #map1}, {transform_indices = #map}, {transform_indices = #map1}]} {
    %mul3A = arith.constant 16 : i32
    %mul3A_0 = arith.muli %arg0, %mul3A : i32
    %add3A = arith.addi %mul3A_0, %arg1 : i32
    "tpu.region"() ({
      %run_scoped3A = tpu.sem_alloc : memref<!tpu.dma_semaphore, #tpu.memory_space<semaphore_mem>>
      %dma_start3A_157 = arith.constant 0 : i32
      %dma_start3A_158 = arith.constant 0 : i32
      %dma_start3A_159 = tpu.memref_slice %arg3[%add3A, %dma_start3A_157, %dma_start3A_158] : memref<32x125x80xi32, #tpu.memory_space<hbm>> -> memref<1x125x80xi32, #tpu.memory_space<hbm>>
      %dma_start3A_160 = tpu.memref_squeeze %dma_start3A_159 : memref<1x125x80xi32, #tpu.memory_space<hbm>> -> memref<125x80xi32, #tpu.memory_space<hbm>>
      %dma_start3A_161 = arith.constant 0 : i32
      %dma_start3A_162 = arith.constant 0 : i32
      %dma_start3A_163 = tpu.memref_slice %arg3[%add3A, %dma_start3A_161, %dma_start3A_162] : memref<32x125x80xi32, #tpu.memory_space<hbm>> -> memref<1x125x80xi32, #tpu.memory_space<hbm>>
      %dma_start3A_164 = tpu.memref_squeeze %dma_start3A_163 : memref<1x125x80xi32, #tpu.memory_space<hbm>> -> memref<125x80xi32, #tpu.memory_space<hbm>>
      tpu.enqueue_dma source(%dma_start3A_164 : memref<125x80xi32, #tpu.memory_space<hbm>>) target(%arg7 : memref<125x80xi32, #tpu.memory_space<vmem>>) target_semaphore(%run_scoped3A : memref<!tpu.dma_semaphore, #tpu.memory_space<semaphore_mem>>)
      %dma_wait3A_165 = arith.constant 0 : i32
      %dma_wait3A_166 = arith.constant 0 : i32
      %dma_wait3A_167 = tpu.memref_slice %arg3[%add3A, %dma_wait3A_165, %dma_wait3A_166] : memref<32x125x80xi32, #tpu.memory_space<hbm>> -> memref<1x125x80xi32, #tpu.memory_space<hbm>>
      %dma_wait3A_168 = tpu.memref_squeeze %dma_wait3A_167 : memref<1x125x80xi32, #tpu.memory_space<hbm>> -> memref<125x80xi32, #tpu.memory_space<hbm>>
      %dma_wait3A_169 = arith.constant 0 : i32
      %dma_wait3A_170 = arith.constant 0 : i32
      %dma_wait3A_171 = tpu.memref_slice %arg3[%add3A, %dma_wait3A_169, %dma_wait3A_170] : memref<32x125x80xi32, #tpu.memory_space<hbm>> -> memref<1x125x80xi32, #tpu.memory_space<hbm>>
      %dma_wait3A_172 = tpu.memref_squeeze %dma_wait3A_171 : memref<1x125x80xi32, #tpu.memory_space<hbm>> -> memref<125x80xi32, #tpu.memory_space<hbm>>
      tpu.wait_dma2 semaphore(%run_scoped3A : memref<!tpu.dma_semaphore, #tpu.memory_space<semaphore_mem>>) src(%dma_wait3A_172 : memref<125x80xi32, #tpu.memory_space<hbm>>) dst(%arg7 : memref<125x80xi32, #tpu.memory_space<vmem>>)
      tpu.yield
    }) : () -> ()
    "tpu.region"() ({
      %run_scoped3A = tpu.sem_alloc : memref<!tpu.dma_semaphore, #tpu.memory_space<semaphore_mem>>
      %dma_start3A_157 = arith.constant 0 : i32
      %dma_start3A_158 = arith.constant 0 : i32
      %dma_start3A_159 = tpu.memref_slice %arg4[%add3A, %dma_start3A_157, %dma_start3A_158] : memref<32x125x80xi32, #tpu.memory_space<hbm>> -> memref<1x125x80xi32, #tpu.memory_space<hbm>>
      %dma_start3A_160 = tpu.memref_squeeze %dma_start3A_159 : memref<1x125x80xi32, #tpu.memory_space<hbm>> -> memref<125x80xi32, #tpu.memory_space<hbm>>
      %dma_start3A_161 = arith.constant 0 : i32
      %dma_start3A_162 = arith.constant 0 : i32
      %dma_start3A_163 = tpu.memref_slice %arg4[%add3A, %dma_start3A_161, %dma_start3A_162] : memref<32x125x80xi32, #tpu.memory_space<hbm>> -> memref<1x125x80xi32, #tpu.memory_space<hbm>>
      %dma_start3A_164 = tpu.memref_squeeze %dma_start3A_163 : memref<1x125x80xi32, #tpu.memory_space<hbm>> -> memref<125x80xi32, #tpu.memory_space<hbm>>
      tpu.enqueue_dma source(%dma_start3A_164 : memref<125x80xi32, #tpu.memory_space<hbm>>) target(%arg8 : memref<125x80xi32, #tpu.memory_space<vmem>>) target_semaphore(%run_scoped3A : memref<!tpu.dma_semaphore, #tpu.memory_space<semaphore_mem>>)
      %dma_wait3A_165 = arith.constant 0 : i32
      %dma_wait3A_166 = arith.constant 0 : i32
      %dma_wait3A_167 = tpu.memref_slice %arg4[%add3A, %dma_wait3A_165, %dma_wait3A_166] : memref<32x125x80xi32, #tpu.memory_space<hbm>> -> memref<1x125x80xi32, #tpu.memory_space<hbm>>
      %dma_wait3A_168 = tpu.memref_squeeze %dma_wait3A_167 : memref<1x125x80xi32, #tpu.memory_space<hbm>> -> memref<125x80xi32, #tpu.memory_space<hbm>>
      %dma_wait3A_169 = arith.constant 0 : i32
      %dma_wait3A_170 = arith.constant 0 : i32
      %dma_wait3A_171 = tpu.memref_slice %arg4[%add3A, %dma_wait3A_169, %dma_wait3A_170] : memref<32x125x80xi32, #tpu.memory_space<hbm>> -> memref<1x125x80xi32, #tpu.memory_space<hbm>>
      %dma_wait3A_172 = tpu.memref_squeeze %dma_wait3A_171 : memref<1x125x80xi32, #tpu.memory_space<hbm>> -> memref<125x80xi32, #tpu.memory_space<hbm>>
      tpu.wait_dma2 semaphore(%run_scoped3A : memref<!tpu.dma_semaphore, #tpu.memory_space<semaphore_mem>>) src(%dma_wait3A_172 : memref<125x80xi32, #tpu.memory_space<hbm>>) dst(%arg8 : memref<125x80xi32, #tpu.memory_space<vmem>>)
      tpu.yield
    }) : () -> ()
    %mul3A_1 = arith.constant 632 : i32
    %mul3A_2 = arith.muli %arg1, %mul3A_1 : i32
    %mul3A_3 = arith.constant 632 : i32
    %mul3A_4 = arith.muli %arg1, %mul3A_3 : i32
    "tpu.region"() ({
      %run_scoped3A = tpu.sem_alloc : memref<!tpu.dma_semaphore, #tpu.memory_space<semaphore_mem>>
      %dma_start3A_157 = arith.constant 0 : i32
      %dma_start3A_158 = tpu.memref_slice %arg13[%mul3A_4, %dma_start3A_157] : memref<10112x64xf32, #tpu.memory_space<vmem_shared>> -> memref<632x64xf32, #tpu.memory_space<vmem_shared>>
      %dma_start3A_159 = arith.constant 0 : i32
      %dma_start3A_160 = tpu.memref_slice %arg5[%mul3A_2, %dma_start3A_159] : memref<10112x64xf32, #tpu.memory_space<hbm>> -> memref<632x64xf32, #tpu.memory_space<hbm>>
      tpu.enqueue_dma source(%dma_start3A_160 : memref<632x64xf32, #tpu.memory_space<hbm>>) target(%dma_start3A_158 : memref<632x64xf32, #tpu.memory_space<vmem_shared>>) target_semaphore(%run_scoped3A : memref<!tpu.dma_semaphore, #tpu.memory_space<semaphore_mem>>)
      %dma_wait3A_161 = arith.constant 0 : i32
      %dma_wait3A_162 = tpu.memref_slice %arg13[%mul3A_4, %dma_wait3A_161] : memref<10112x64xf32, #tpu.memory_space<vmem_shared>> -> memref<632x64xf32, #tpu.memory_space<vmem_shared>>
      %dma_wait3A_163 = arith.constant 0 : i32
      %dma_wait3A_164 = tpu.memref_slice %arg5[%mul3A_2, %dma_wait3A_163] : memref<10112x64xf32, #tpu.memory_space<hbm>> -> memref<632x64xf32, #tpu.memory_space<hbm>>
      tpu.wait_dma2 semaphore(%run_scoped3A : memref<!tpu.dma_semaphore, #tpu.memory_space<semaphore_mem>>) src(%dma_wait3A_164 : memref<632x64xf32, #tpu.memory_space<hbm>>) dst(%dma_wait3A_162 : memref<632x64xf32, #tpu.memory_space<vmem_shared>>)
      tpu.yield
    }) : () -> ()
    %mul3A_5 = arith.constant 625 : i32
    %mul3A_6 = arith.muli %arg1, %mul3A_5 : i32
    %mul3A_7 = arith.constant 625 : i32
    %mul3A_8 = arith.muli %arg1, %mul3A_7 : i32
    "tpu.region"() ({
      %run_scoped3A = tpu.sem_alloc : memref<!tpu.dma_semaphore, #tpu.memory_space<semaphore_mem>>
      %dma_start3A_157 = arith.constant 0 : i32
      %dma_start3A_158 = tpu.memref_slice %arg14[%mul3A_8, %dma_start3A_157] : memref<10000x64xf32, #tpu.memory_space<vmem_shared>> -> memref<625x64xf32, #tpu.memory_space<vmem_shared>>
      %dma_start3A_159 = arith.constant 0 : i32
      %dma_start3A_160 = tpu.memref_slice %arg2[%mul3A_6, %dma_start3A_159] : memref<10000x64xf32, #tpu.memory_space<hbm>> -> memref<625x64xf32, #tpu.memory_space<hbm>>
      tpu.enqueue_dma source(%dma_start3A_160 : memref<625x64xf32, #tpu.memory_space<hbm>>) target(%dma_start3A_158 : memref<625x64xf32, #tpu.memory_space<vmem_shared>>) target_semaphore(%run_scoped3A : memref<!tpu.dma_semaphore, #tpu.memory_space<semaphore_mem>>)
      %dma_wait3A_161 = arith.constant 0 : i32
      %dma_wait3A_162 = tpu.memref_slice %arg14[%mul3A_8, %dma_wait3A_161] : memref<10000x64xf32, #tpu.memory_space<vmem_shared>> -> memref<625x64xf32, #tpu.memory_space<vmem_shared>>
      %dma_wait3A_163 = arith.constant 0 : i32
      %dma_wait3A_164 = tpu.memref_slice %arg2[%mul3A_6, %dma_wait3A_163] : memref<10000x64xf32, #tpu.memory_space<hbm>> -> memref<625x64xf32, #tpu.memory_space<hbm>>
      tpu.wait_dma2 semaphore(%run_scoped3A : memref<!tpu.dma_semaphore, #tpu.memory_space<semaphore_mem>>) src(%dma_wait3A_164 : memref<625x64xf32, #tpu.memory_space<hbm>>) dst(%dma_wait3A_162 : memref<625x64xf32, #tpu.memory_space<vmem_shared>>)
      tpu.yield
    }) : () -> ()
    %barrier3A = arith.constant 0 : index
    tpu.barrier barrier_id(%barrier3A)
    %dma_start3A = arith.constant 0 : i32
    %dma_start3A_9 = arith.constant 0 : i32
    %dma_start3A_10 = tpu.memref_slice %arg7[%dma_start3A, %dma_start3A_9] : memref<125x80xi32, #tpu.memory_space<vmem>> -> memref<1x80xi32, #tpu.memory_space<vmem>>
    %dma_start3A_11 = tpu.memref_squeeze %dma_start3A_10 : memref<1x80xi32, #tpu.memory_space<vmem>> -> memref<80xi32, #tpu.memory_space<vmem>>
    %dma_start3A_12 = arith.constant 0 : i32
    %dma_start3A_13 = arith.constant 0 : i32
    %dma_start3A_14 = tpu.memref_slice %arg14[%dma_start3A_12, %dma_start3A_13] : memref<10000x64xf32, #tpu.memory_space<vmem_shared>> -> memref<10000x64xf32, #tpu.memory_space<vmem_shared>>
    tpu.enqueue_indirect_dma source(%dma_start3A_14 : memref<10000x64xf32, #tpu.memory_space<vmem_shared>>) target(%arg9 : memref<80x64xf32, #tpu.memory_space<vmem>>) offsets(%dma_start3A_11 : memref<80xi32, #tpu.memory_space<vmem>>) semaphore(%arg15 : memref<!tpu.dma_semaphore, #tpu.memory_space<semaphore_mem>>)
    %dma_start3A_15 = arith.constant 1 : i32
    %dma_start3A_16 = arith.constant 0 : i32
    %dma_start3A_17 = tpu.memref_slice %arg7[%dma_start3A_15, %dma_start3A_16] : memref<125x80xi32, #tpu.memory_space<vmem>> -> memref<1x80xi32, #tpu.memory_space<vmem>>
    %dma_start3A_18 = tpu.memref_squeeze %dma_start3A_17 : memref<1x80xi32, #tpu.memory_space<vmem>> -> memref<80xi32, #tpu.memory_space<vmem>>
    %dma_start3A_19 = arith.constant 0 : i32
    %dma_start3A_20 = arith.constant 0 : i32
    %dma_start3A_21 = tpu.memref_slice %arg14[%dma_start3A_19, %dma_start3A_20] : memref<10000x64xf32, #tpu.memory_space<vmem_shared>> -> memref<10000x64xf32, #tpu.memory_space<vmem_shared>>
    tpu.enqueue_indirect_dma source(%dma_start3A_21 : memref<10000x64xf32, #tpu.memory_space<vmem_shared>>) target(%arg10 : memref<80x64xf32, #tpu.memory_space<vmem>>) offsets(%dma_start3A_18 : memref<80xi32, #tpu.memory_space<vmem>>) semaphore(%arg16 : memref<!tpu.dma_semaphore, #tpu.memory_space<semaphore_mem>>)
    %dma_wait3A = arith.constant 0 : i32
    %dma_wait3A_22 = arith.constant 0 : i32
    %dma_wait3A_23 = tpu.memref_slice %arg7[%dma_wait3A, %dma_wait3A_22] : memref<125x80xi32, #tpu.memory_space<vmem>> -> memref<1x80xi32, #tpu.memory_space<vmem>>
    %dma_wait3A_24 = tpu.memref_squeeze %dma_wait3A_23 : memref<1x80xi32, #tpu.memory_space<vmem>> -> memref<80xi32, #tpu.memory_space<vmem>>
    %dma_wait3A_25 = arith.constant 0 : i32
    %dma_wait3A_26 = arith.constant 0 : i32
    %dma_wait3A_27 = tpu.memref_slice %arg14[%dma_wait3A_25, %dma_wait3A_26] : memref<10000x64xf32, #tpu.memory_space<vmem_shared>> -> memref<10000x64xf32, #tpu.memory_space<vmem_shared>>
    tpu.wait_indirect_dma semaphore(%arg15 : memref<!tpu.dma_semaphore, #tpu.memory_space<semaphore_mem>>) src(%dma_wait3A_27 : memref<10000x64xf32, #tpu.memory_space<vmem_shared>>) dst(%arg9 : memref<80x64xf32, #tpu.memory_space<vmem>>)
    %dma_start3A_28 = arith.constant 0 : i32
    %dma_start3A_29 = arith.constant 0 : i32
    %dma_start3A_30 = tpu.memref_slice %arg8[%dma_start3A_28, %dma_start3A_29] : memref<125x80xi32, #tpu.memory_space<vmem>> -> memref<1x80xi32, #tpu.memory_space<vmem>>
    %dma_start3A_31 = tpu.memref_squeeze %dma_start3A_30 : memref<1x80xi32, #tpu.memory_space<vmem>> -> memref<80xi32, #tpu.memory_space<vmem>>
    %dma_start3A_32 = arith.constant 0 : i32
    %dma_start3A_33 = arith.constant 0 : i32
    %dma_start3A_34 = tpu.memref_slice %arg13[%dma_start3A_32, %dma_start3A_33] : memref<10112x64xf32, #tpu.memory_space<vmem_shared>> -> memref<10112x64xf32, #tpu.memory_space<vmem_shared>>
    tpu.enqueue_indirect_dma source(%arg9 : memref<80x64xf32, #tpu.memory_space<vmem>>) target(%dma_start3A_34 : memref<10112x64xf32, #tpu.memory_space<vmem_shared>>) offsets(%dma_start3A_31 : memref<80xi32, #tpu.memory_space<vmem>>) semaphore(%arg19 : memref<!tpu.dma_semaphore, #tpu.memory_space<semaphore_mem>>) {add = true}
    %dma_start3A_35 = arith.constant 2 : i32
    %dma_start3A_36 = arith.constant 0 : i32
    %dma_start3A_37 = tpu.memref_slice %arg7[%dma_start3A_35, %dma_start3A_36] : memref<125x80xi32, #tpu.memory_space<vmem>> -> memref<1x80xi32, #tpu.memory_space<vmem>>
    %dma_start3A_38 = tpu.memref_squeeze %dma_start3A_37 : memref<1x80xi32, #tpu.memory_space<vmem>> -> memref<80xi32, #tpu.memory_space<vmem>>
    %dma_start3A_39 = arith.constant 0 : i32
    %dma_start3A_40 = arith.constant 0 : i32
    %dma_start3A_41 = tpu.memref_slice %arg14[%dma_start3A_39, %dma_start3A_40] : memref<10000x64xf32, #tpu.memory_space<vmem_shared>> -> memref<10000x64xf32, #tpu.memory_space<vmem_shared>>
    tpu.enqueue_indirect_dma source(%dma_start3A_41 : memref<10000x64xf32, #tpu.memory_space<vmem_shared>>) target(%arg11 : memref<80x64xf32, #tpu.memory_space<vmem>>) offsets(%dma_start3A_38 : memref<80xi32, #tpu.memory_space<vmem>>) semaphore(%arg17 : memref<!tpu.dma_semaphore, #tpu.memory_space<semaphore_mem>>)
    %dma_wait3A_42 = arith.constant 1 : i32
    %dma_wait3A_43 = arith.constant 0 : i32
    %dma_wait3A_44 = tpu.memref_slice %arg7[%dma_wait3A_42, %dma_wait3A_43] : memref<125x80xi32, #tpu.memory_space<vmem>> -> memref<1x80xi32, #tpu.memory_space<vmem>>
    %dma_wait3A_45 = tpu.memref_squeeze %dma_wait3A_44 : memref<1x80xi32, #tpu.memory_space<vmem>> -> memref<80xi32, #tpu.memory_space<vmem>>
    %dma_wait3A_46 = arith.constant 0 : i32
    %dma_wait3A_47 = arith.constant 0 : i32
    %dma_wait3A_48 = tpu.memref_slice %arg14[%dma_wait3A_46, %dma_wait3A_47] : memref<10000x64xf32, #tpu.memory_space<vmem_shared>> -> memref<10000x64xf32, #tpu.memory_space<vmem_shared>>
    tpu.wait_indirect_dma semaphore(%arg16 : memref<!tpu.dma_semaphore, #tpu.memory_space<semaphore_mem>>) src(%dma_wait3A_48 : memref<10000x64xf32, #tpu.memory_space<vmem_shared>>) dst(%arg10 : memref<80x64xf32, #tpu.memory_space<vmem>>)
    %dma_start3A_49 = arith.constant 1 : i32
    %dma_start3A_50 = arith.constant 0 : i32
    %dma_start3A_51 = tpu.memref_slice %arg8[%dma_start3A_49, %dma_start3A_50] : memref<125x80xi32, #tpu.memory_space<vmem>> -> memref<1x80xi32, #tpu.memory_space<vmem>>
    %dma_start3A_52 = tpu.memref_squeeze %dma_start3A_51 : memref<1x80xi32, #tpu.memory_space<vmem>> -> memref<80xi32, #tpu.memory_space<vmem>>
    %dma_start3A_53 = arith.constant 0 : i32
    %dma_start3A_54 = arith.constant 0 : i32
    %dma_start3A_55 = tpu.memref_slice %arg13[%dma_start3A_53, %dma_start3A_54] : memref<10112x64xf32, #tpu.memory_space<vmem_shared>> -> memref<10112x64xf32, #tpu.memory_space<vmem_shared>>
    tpu.enqueue_indirect_dma source(%arg10 : memref<80x64xf32, #tpu.memory_space<vmem>>) target(%dma_start3A_55 : memref<10112x64xf32, #tpu.memory_space<vmem_shared>>) offsets(%dma_start3A_52 : memref<80xi32, #tpu.memory_space<vmem>>) semaphore(%arg20 : memref<!tpu.dma_semaphore, #tpu.memory_space<semaphore_mem>>) {add = true}
    %dma_start3A_56 = arith.constant 3 : i32
    %dma_start3A_57 = arith.constant 0 : i32
    %dma_start3A_58 = tpu.memref_slice %arg7[%dma_start3A_56, %dma_start3A_57] : memref<125x80xi32, #tpu.memory_space<vmem>> -> memref<1x80xi32, #tpu.memory_space<vmem>>
    %dma_start3A_59 = tpu.memref_squeeze %dma_start3A_58 : memref<1x80xi32, #tpu.memory_space<vmem>> -> memref<80xi32, #tpu.memory_space<vmem>>
    %dma_start3A_60 = arith.constant 0 : i32
    %dma_start3A_61 = arith.constant 0 : i32
    %dma_start3A_62 = tpu.memref_slice %arg14[%dma_start3A_60, %dma_start3A_61] : memref<10000x64xf32, #tpu.memory_space<vmem_shared>> -> memref<10000x64xf32, #tpu.memory_space<vmem_shared>>
    tpu.enqueue_indirect_dma source(%dma_start3A_62 : memref<10000x64xf32, #tpu.memory_space<vmem_shared>>) target(%arg12 : memref<80x64xf32, #tpu.memory_space<vmem>>) offsets(%dma_start3A_59 : memref<80xi32, #tpu.memory_space<vmem>>) semaphore(%arg18 : memref<!tpu.dma_semaphore, #tpu.memory_space<semaphore_mem>>)
    %scan3A = arith.constant 0 : i32
    %scan3A_63 = arith.constant 0 : i32
    %scan3A_64 = arith.constant 30 : i32
    %scan3A_65 = arith.addi %scan3A_63, %scan3A_64 : i32
    %scan3A_66 = arith.constant 1 : i32
    scf.for %scan3A_157 = %scan3A_63 to %scan3A_65 step %scan3A_66  : i32 {
      %mul3A_158 = arith.constant 4 : i32
      %mul3A_159 = arith.muli %mul3A_158, %scan3A_157 : i32
      %add3A_160 = arith.constant 2 : i32
      %add3A_161 = arith.addi %add3A_160, %mul3A_159 : i32
      %add3A_162 = arith.constant 0 : i32
      %add3A_163 = arith.addi %add3A_161, %add3A_162 : i32
      %dma_wait3A_164 = arith.constant 0 : i32
      %dma_wait3A_165 = tpu.memref_slice %arg7[%add3A_163, %dma_wait3A_164] : memref<125x80xi32, #tpu.memory_space<vmem>> -> memref<1x80xi32, #tpu.memory_space<vmem>>
      %dma_wait3A_166 = tpu.memref_squeeze %dma_wait3A_165 : memref<1x80xi32, #tpu.memory_space<vmem>> -> memref<80xi32, #tpu.memory_space<vmem>>
      %dma_wait3A_167 = arith.constant 0 : i32
      %dma_wait3A_168 = arith.constant 0 : i32
      %dma_wait3A_169 = tpu.memref_slice %arg14[%dma_wait3A_167, %dma_wait3A_168] : memref<10000x64xf32, #tpu.memory_space<vmem_shared>> -> memref<10000x64xf32, #tpu.memory_space<vmem_shared>>
      tpu.wait_indirect_dma semaphore(%arg17 : memref<!tpu.dma_semaphore, #tpu.memory_space<semaphore_mem>>) src(%dma_wait3A_169 : memref<10000x64xf32, #tpu.memory_space<vmem_shared>>) dst(%arg11 : memref<80x64xf32, #tpu.memory_space<vmem>>)
      %dma_start3A_170 = arith.constant 0 : i32
      %dma_start3A_171 = tpu.memref_slice %arg8[%add3A_163, %dma_start3A_170] : memref<125x80xi32, #tpu.memory_space<vmem>> -> memref<1x80xi32, #tpu.memory_space<vmem>>
      %dma_start3A_172 = tpu.memref_squeeze %dma_start3A_171 : memref<1x80xi32, #tpu.memory_space<vmem>> -> memref<80xi32, #tpu.memory_space<vmem>>
      %dma_start3A_173 = arith.constant 0 : i32
      %dma_start3A_174 = arith.constant 0 : i32
      %dma_start3A_175 = tpu.memref_slice %arg13[%dma_start3A_173, %dma_start3A_174] : memref<10112x64xf32, #tpu.memory_space<vmem_shared>> -> memref<10112x64xf32, #tpu.memory_space<vmem_shared>>
      tpu.enqueue_indirect_dma source(%arg11 : memref<80x64xf32, #tpu.memory_space<vmem>>) target(%dma_start3A_175 : memref<10112x64xf32, #tpu.memory_space<vmem_shared>>) offsets(%dma_start3A_172 : memref<80xi32, #tpu.memory_space<vmem>>) semaphore(%arg21 : memref<!tpu.dma_semaphore, #tpu.memory_space<semaphore_mem>>) {add = true}
      %sub3A = arith.constant 2 : i32
      %sub3A_176 = arith.subi %add3A_163, %sub3A : i32
      %dma_wait3A_177 = arith.constant 0 : i32
      %dma_wait3A_178 = tpu.memref_slice %arg8[%sub3A_176, %dma_wait3A_177] : memref<125x80xi32, #tpu.memory_space<vmem>> -> memref<1x80xi32, #tpu.memory_space<vmem>>
      %dma_wait3A_179 = tpu.memref_squeeze %dma_wait3A_178 : memref<1x80xi32, #tpu.memory_space<vmem>> -> memref<80xi32, #tpu.memory_space<vmem>>
      %dma_wait3A_180 = arith.constant 0 : i32
      %dma_wait3A_181 = arith.constant 0 : i32
      %dma_wait3A_182 = tpu.memref_slice %arg13[%dma_wait3A_180, %dma_wait3A_181] : memref<10112x64xf32, #tpu.memory_space<vmem_shared>> -> memref<10112x64xf32, #tpu.memory_space<vmem_shared>>
      tpu.wait_indirect_dma semaphore(%arg19 : memref<!tpu.dma_semaphore, #tpu.memory_space<semaphore_mem>>) src(%arg9 : memref<80x64xf32, #tpu.memory_space<vmem>>) dst(%dma_wait3A_182 : memref<10112x64xf32, #tpu.memory_space<vmem_shared>>)
      %add3A_183 = arith.constant 2 : i32
      %add3A_184 = arith.addi %add3A_163, %add3A_183 : i32
      %dma_start3A_185 = arith.constant 0 : i32
      %dma_start3A_186 = tpu.memref_slice %arg7[%add3A_184, %dma_start3A_185] : memref<125x80xi32, #tpu.memory_space<vmem>> -> memref<1x80xi32, #tpu.memory_space<vmem>>
      %dma_start3A_187 = tpu.memref_squeeze %dma_start3A_186 : memref<1x80xi32, #tpu.memory_space<vmem>> -> memref<80xi32, #tpu.memory_space<vmem>>
      %dma_start3A_188 = arith.constant 0 : i32
      %dma_start3A_189 = arith.constant 0 : i32
      %dma_start3A_190 = tpu.memref_slice %arg14[%dma_start3A_188, %dma_start3A_189] : memref<10000x64xf32, #tpu.memory_space<vmem_shared>> -> memref<10000x64xf32, #tpu.memory_space<vmem_shared>>
      tpu.enqueue_indirect_dma source(%dma_start3A_190 : memref<10000x64xf32, #tpu.memory_space<vmem_shared>>) target(%arg9 : memref<80x64xf32, #tpu.memory_space<vmem>>) offsets(%dma_start3A_187 : memref<80xi32, #tpu.memory_space<vmem>>) semaphore(%arg15 : memref<!tpu.dma_semaphore, #tpu.memory_space<semaphore_mem>>)
      %add3A_191 = arith.constant 1 : i32
      %add3A_192 = arith.addi %add3A_161, %add3A_191 : i32
      %dma_wait3A_193 = arith.constant 0 : i32
      %dma_wait3A_194 = tpu.memref_slice %arg7[%add3A_192, %dma_wait3A_193] : memref<125x80xi32, #tpu.memory_space<vmem>> -> memref<1x80xi32, #tpu.memory_space<vmem>>
      %dma_wait3A_195 = tpu.memref_squeeze %dma_wait3A_194 : memref<1x80xi32, #tpu.memory_space<vmem>> -> memref<80xi32, #tpu.memory_space<vmem>>
      %dma_wait3A_196 = arith.constant 0 : i32
      %dma_wait3A_197 = arith.constant 0 : i32
      %dma_wait3A_198 = tpu.memref_slice %arg14[%dma_wait3A_196, %dma_wait3A_197] : memref<10000x64xf32, #tpu.memory_space<vmem_shared>> -> memref<10000x64xf32, #tpu.memory_space<vmem_shared>>
      tpu.wait_indirect_dma semaphore(%arg18 : memref<!tpu.dma_semaphore, #tpu.memory_space<semaphore_mem>>) src(%dma_wait3A_198 : memref<10000x64xf32, #tpu.memory_space<vmem_shared>>) dst(%arg12 : memref<80x64xf32, #tpu.memory_space<vmem>>)
      %dma_start3A_199 = arith.constant 0 : i32
      %dma_start3A_200 = tpu.memref_slice %arg8[%add3A_192, %dma_start3A_199] : memref<125x80xi32, #tpu.memory_space<vmem>> -> memref<1x80xi32, #tpu.memory_space<vmem>>
      %dma_start3A_201 = tpu.memref_squeeze %dma_start3A_200 : memref<1x80xi32, #tpu.memory_space<vmem>> -> memref<80xi32, #tpu.memory_space<vmem>>
      %dma_start3A_202 = arith.constant 0 : i32
      %dma_start3A_203 = arith.constant 0 : i32
      %dma_start3A_204 = tpu.memref_slice %arg13[%dma_start3A_202, %dma_start3A_203] : memref<10112x64xf32, #tpu.memory_space<vmem_shared>> -> memref<10112x64xf32, #tpu.memory_space<vmem_shared>>
      tpu.enqueue_indirect_dma source(%arg12 : memref<80x64xf32, #tpu.memory_space<vmem>>) target(%dma_start3A_204 : memref<10112x64xf32, #tpu.memory_space<vmem_shared>>) offsets(%dma_start3A_201 : memref<80xi32, #tpu.memory_space<vmem>>) semaphore(%arg22 : memref<!tpu.dma_semaphore, #tpu.memory_space<semaphore_mem>>) {add = true}
      %sub3A_205 = arith.constant 2 : i32
      %sub3A_206 = arith.subi %add3A_192, %sub3A_205 : i32
      %dma_wait3A_207 = arith.constant 0 : i32
      %dma_wait3A_208 = tpu.memref_slice %arg8[%sub3A_206, %dma_wait3A_207] : memref<125x80xi32, #tpu.memory_space<vmem>> -> memref<1x80xi32, #tpu.memory_space<vmem>>
      %dma_wait3A_209 = tpu.memref_squeeze %dma_wait3A_208 : memref<1x80xi32, #tpu.memory_space<vmem>> -> memref<80xi32, #tpu.memory_space<vmem>>
      %dma_wait3A_210 = arith.constant 0 : i32
      %dma_wait3A_211 = arith.constant 0 : i32
      %dma_wait3A_212 = tpu.memref_slice %arg13[%dma_wait3A_210, %dma_wait3A_211] : memref<10112x64xf32, #tpu.memory_space<vmem_shared>> -> memref<10112x64xf32, #tpu.memory_space<vmem_shared>>
      tpu.wait_indirect_dma semaphore(%arg20 : memref<!tpu.dma_semaphore, #tpu.memory_space<semaphore_mem>>) src(%arg10 : memref<80x64xf32, #tpu.memory_space<vmem>>) dst(%dma_wait3A_212 : memref<10112x64xf32, #tpu.memory_space<vmem_shared>>)
      %add3A_213 = arith.constant 2 : i32
      %add3A_214 = arith.addi %add3A_192, %add3A_213 : i32
      %dma_start3A_215 = arith.constant 0 : i32
      %dma_start3A_216 = tpu.memref_slice %arg7[%add3A_214, %dma_start3A_215] : memref<125x80xi32, #tpu.memory_space<vmem>> -> memref<1x80xi32, #tpu.memory_space<vmem>>
      %dma_start3A_217 = tpu.memref_squeeze %dma_start3A_216 : memref<1x80xi32, #tpu.memory_space<vmem>> -> memref<80xi32, #tpu.memory_space<vmem>>
      %dma_start3A_218 = arith.constant 0 : i32
      %dma_start3A_219 = arith.constant 0 : i32
      %dma_start3A_220 = tpu.memref_slice %arg14[%dma_start3A_218, %dma_start3A_219] : memref<10000x64xf32, #tpu.memory_space<vmem_shared>> -> memref<10000x64xf32, #tpu.memory_space<vmem_shared>>
      tpu.enqueue_indirect_dma source(%dma_start3A_220 : memref<10000x64xf32, #tpu.memory_space<vmem_shared>>) target(%arg10 : memref<80x64xf32, #tpu.memory_space<vmem>>) offsets(%dma_start3A_217 : memref<80xi32, #tpu.memory_space<vmem>>) semaphore(%arg16 : memref<!tpu.dma_semaphore, #tpu.memory_space<semaphore_mem>>)
      %add3A_221 = arith.constant 2 : i32
      %add3A_222 = arith.addi %add3A_161, %add3A_221 : i32
      %dma_wait3A_223 = arith.constant 0 : i32
      %dma_wait3A_224 = tpu.memref_slice %arg7[%add3A_222, %dma_wait3A_223] : memref<125x80xi32, #tpu.memory_space<vmem>> -> memref<1x80xi32, #tpu.memory_space<vmem>>
      %dma_wait3A_225 = tpu.memref_squeeze %dma_wait3A_224 : memref<1x80xi32, #tpu.memory_space<vmem>> -> memref<80xi32, #tpu.memory_space<vmem>>
      %dma_wait3A_226 = arith.constant 0 : i32
      %dma_wait3A_227 = arith.constant 0 : i32
      %dma_wait3A_228 = tpu.memref_slice %arg14[%dma_wait3A_226, %dma_wait3A_227] : memref<10000x64xf32, #tpu.memory_space<vmem_shared>> -> memref<10000x64xf32, #tpu.memory_space<vmem_shared>>
      tpu.wait_indirect_dma semaphore(%arg15 : memref<!tpu.dma_semaphore, #tpu.memory_space<semaphore_mem>>) src(%dma_wait3A_228 : memref<10000x64xf32, #tpu.memory_space<vmem_shared>>) dst(%arg9 : memref<80x64xf32, #tpu.memory_space<vmem>>)
      %dma_start3A_229 = arith.constant 0 : i32
      %dma_start3A_230 = tpu.memref_slice %arg8[%add3A_222, %dma_start3A_229] : memref<125x80xi32, #tpu.memory_space<vmem>> -> memref<1x80xi32, #tpu.memory_space<vmem>>
      %dma_start3A_231 = tpu.memref_squeeze %dma_start3A_230 : memref<1x80xi32, #tpu.memory_space<vmem>> -> memref<80xi32, #tpu.memory_space<vmem>>
      %dma_start3A_232 = arith.constant 0 : i32
      %dma_start3A_233 = arith.constant 0 : i32
      %dma_start3A_234 = tpu.memref_slice %arg13[%dma_start3A_232, %dma_start3A_233] : memref<10112x64xf32, #tpu.memory_space<vmem_shared>> -> memref<10112x64xf32, #tpu.memory_space<vmem_shared>>
      tpu.enqueue_indirect_dma source(%arg9 : memref<80x64xf32, #tpu.memory_space<vmem>>) target(%dma_start3A_234 : memref<10112x64xf32, #tpu.memory_space<vmem_shared>>) offsets(%dma_start3A_231 : memref<80xi32, #tpu.memory_space<vmem>>) semaphore(%arg19 : memref<!tpu.dma_semaphore, #tpu.memory_space<semaphore_mem>>) {add = true}
      %sub3A_235 = arith.constant 2 : i32
      %sub3A_236 = arith.subi %add3A_222, %sub3A_235 : i32
      %dma_wait3A_237 = arith.constant 0 : i32
      %dma_wait3A_238 = tpu.memref_slice %arg8[%sub3A_236, %dma_wait3A_237] : memref<125x80xi32, #tpu.memory_space<vmem>> -> memref<1x80xi32, #tpu.memory_space<vmem>>
      %dma_wait3A_239 = tpu.memref_squeeze %dma_wait3A_238 : memref<1x80xi32, #tpu.memory_space<vmem>> -> memref<80xi32, #tpu.memory_space<vmem>>
      %dma_wait3A_240 = arith.constant 0 : i32
      %dma_wait3A_241 = arith.constant 0 : i32
      %dma_wait3A_242 = tpu.memref_slice %arg13[%dma_wait3A_240, %dma_wait3A_241] : memref<10112x64xf32, #tpu.memory_space<vmem_shared>> -> memref<10112x64xf32, #tpu.memory_space<vmem_shared>>
      tpu.wait_indirect_dma semaphore(%arg21 : memref<!tpu.dma_semaphore, #tpu.memory_space<semaphore_mem>>) src(%arg11 : memref<80x64xf32, #tpu.memory_space<vmem>>) dst(%dma_wait3A_242 : memref<10112x64xf32, #tpu.memory_space<vmem_shared>>)
      %add3A_243 = arith.constant 2 : i32
      %add3A_244 = arith.addi %add3A_222, %add3A_243 : i32
      %dma_start3A_245 = arith.constant 0 : i32
      %dma_start3A_246 = tpu.memref_slice %arg7[%add3A_244, %dma_start3A_245] : memref<125x80xi32, #tpu.memory_space<vmem>> -> memref<1x80xi32, #tpu.memory_space<vmem>>
      %dma_start3A_247 = tpu.memref_squeeze %dma_start3A_246 : memref<1x80xi32, #tpu.memory_space<vmem>> -> memref<80xi32, #tpu.memory_space<vmem>>
      %dma_start3A_248 = arith.constant 0 : i32
      %dma_start3A_249 = arith.constant 0 : i32
      %dma_start3A_250 = tpu.memref_slice %arg14[%dma_start3A_248, %dma_start3A_249] : memref<10000x64xf32, #tpu.memory_space<vmem_shared>> -> memref<10000x64xf32, #tpu.memory_space<vmem_shared>>
      tpu.enqueue_indirect_dma source(%dma_start3A_250 : memref<10000x64xf32, #tpu.memory_space<vmem_shared>>) target(%arg11 : memref<80x64xf32, #tpu.memory_space<vmem>>) offsets(%dma_start3A_247 : memref<80xi32, #tpu.memory_space<vmem>>) semaphore(%arg17 : memref<!tpu.dma_semaphore, #tpu.memory_space<semaphore_mem>>)
      %add3A_251 = arith.constant 3 : i32
      %add3A_252 = arith.addi %add3A_161, %add3A_251 : i32
      %dma_wait3A_253 = arith.constant 0 : i32
      %dma_wait3A_254 = tpu.memref_slice %arg7[%add3A_252, %dma_wait3A_253] : memref<125x80xi32, #tpu.memory_space<vmem>> -> memref<1x80xi32, #tpu.memory_space<vmem>>
      %dma_wait3A_255 = tpu.memref_squeeze %dma_wait3A_254 : memref<1x80xi32, #tpu.memory_space<vmem>> -> memref<80xi32, #tpu.memory_space<vmem>>
      %dma_wait3A_256 = arith.constant 0 : i32
      %dma_wait3A_257 = arith.constant 0 : i32
      %dma_wait3A_258 = tpu.memref_slice %arg14[%dma_wait3A_256, %dma_wait3A_257] : memref<10000x64xf32, #tpu.memory_space<vmem_shared>> -> memref<10000x64xf32, #tpu.memory_space<vmem_shared>>
      tpu.wait_indirect_dma semaphore(%arg16 : memref<!tpu.dma_semaphore, #tpu.memory_space<semaphore_mem>>) src(%dma_wait3A_258 : memref<10000x64xf32, #tpu.memory_space<vmem_shared>>) dst(%arg10 : memref<80x64xf32, #tpu.memory_space<vmem>>)
      %dma_start3A_259 = arith.constant 0 : i32
      %dma_start3A_260 = tpu.memref_slice %arg8[%add3A_252, %dma_start3A_259] : memref<125x80xi32, #tpu.memory_space<vmem>> -> memref<1x80xi32, #tpu.memory_space<vmem>>
      %dma_start3A_261 = tpu.memref_squeeze %dma_start3A_260 : memref<1x80xi32, #tpu.memory_space<vmem>> -> memref<80xi32, #tpu.memory_space<vmem>>
      %dma_start3A_262 = arith.constant 0 : i32
      %dma_start3A_263 = arith.constant 0 : i32
      %dma_start3A_264 = tpu.memref_slice %arg13[%dma_start3A_262, %dma_start3A_263] : memref<10112x64xf32, #tpu.memory_space<vmem_shared>> -> memref<10112x64xf32, #tpu.memory_space<vmem_shared>>
      tpu.enqueue_indirect_dma source(%arg10 : memref<80x64xf32, #tpu.memory_space<vmem>>) target(%dma_start3A_264 : memref<10112x64xf32, #tpu.memory_space<vmem_shared>>) offsets(%dma_start3A_261 : memref<80xi32, #tpu.memory_space<vmem>>) semaphore(%arg20 : memref<!tpu.dma_semaphore, #tpu.memory_space<semaphore_mem>>) {add = true}
      %sub3A_265 = arith.constant 2 : i32
      %sub3A_266 = arith.subi %add3A_252, %sub3A_265 : i32
      %dma_wait3A_267 = arith.constant 0 : i32
      %dma_wait3A_268 = tpu.memref_slice %arg8[%sub3A_266, %dma_wait3A_267] : memref<125x80xi32, #tpu.memory_space<vmem>> -> memref<1x80xi32, #tpu.memory_space<vmem>>
      %dma_wait3A_269 = tpu.memref_squeeze %dma_wait3A_268 : memref<1x80xi32, #tpu.memory_space<vmem>> -> memref<80xi32, #tpu.memory_space<vmem>>
      %dma_wait3A_270 = arith.constant 0 : i32
      %dma_wait3A_271 = arith.constant 0 : i32
      %dma_wait3A_272 = tpu.memref_slice %arg13[%dma_wait3A_270, %dma_wait3A_271] : memref<10112x64xf32, #tpu.memory_space<vmem_shared>> -> memref<10112x64xf32, #tpu.memory_space<vmem_shared>>
      tpu.wait_indirect_dma semaphore(%arg22 : memref<!tpu.dma_semaphore, #tpu.memory_space<semaphore_mem>>) src(%arg12 : memref<80x64xf32, #tpu.memory_space<vmem>>) dst(%dma_wait3A_272 : memref<10112x64xf32, #tpu.memory_space<vmem_shared>>)
      %add3A_273 = arith.constant 2 : i32
      %add3A_274 = arith.addi %add3A_252, %add3A_273 : i32
      %dma_start3A_275 = arith.constant 0 : i32
      %dma_start3A_276 = tpu.memref_slice %arg7[%add3A_274, %dma_start3A_275] : memref<125x80xi32, #tpu.memory_space<vmem>> -> memref<1x80xi32, #tpu.memory_space<vmem>>
      %dma_start3A_277 = tpu.memref_squeeze %dma_start3A_276 : memref<1x80xi32, #tpu.memory_space<vmem>> -> memref<80xi32, #tpu.memory_space<vmem>>
      %dma_start3A_278 = arith.constant 0 : i32
      %dma_start3A_279 = arith.constant 0 : i32
      %dma_start3A_280 = tpu.memref_slice %arg14[%dma_start3A_278, %dma_start3A_279] : memref<10000x64xf32, #tpu.memory_space<vmem_shared>> -> memref<10000x64xf32, #tpu.memory_space<vmem_shared>>
      tpu.enqueue_indirect_dma source(%dma_start3A_280 : memref<10000x64xf32, #tpu.memory_space<vmem_shared>>) target(%arg12 : memref<80x64xf32, #tpu.memory_space<vmem>>) offsets(%dma_start3A_277 : memref<80xi32, #tpu.memory_space<vmem>>) semaphore(%arg18 : memref<!tpu.dma_semaphore, #tpu.memory_space<semaphore_mem>>)
    }
    %scan3A_67 = arith.constant 30 : i32
    %dma_wait3A_68 = arith.constant 122 : i32
    %dma_wait3A_69 = arith.constant 0 : i32
    %dma_wait3A_70 = tpu.memref_slice %arg7[%dma_wait3A_68, %dma_wait3A_69] : memref<125x80xi32, #tpu.memory_space<vmem>> -> memref<1x80xi32, #tpu.memory_space<vmem>>
    %dma_wait3A_71 = tpu.memref_squeeze %dma_wait3A_70 : memref<1x80xi32, #tpu.memory_space<vmem>> -> memref<80xi32, #tpu.memory_space<vmem>>
    %dma_wait3A_72 = arith.constant 0 : i32
    %dma_wait3A_73 = arith.constant 0 : i32
    %dma_wait3A_74 = tpu.memref_slice %arg14[%dma_wait3A_72, %dma_wait3A_73] : memref<10000x64xf32, #tpu.memory_space<vmem_shared>> -> memref<10000x64xf32, #tpu.memory_space<vmem_shared>>
    tpu.wait_indirect_dma semaphore(%arg17 : memref<!tpu.dma_semaphore, #tpu.memory_space<semaphore_mem>>) src(%dma_wait3A_74 : memref<10000x64xf32, #tpu.memory_space<vmem_shared>>) dst(%arg11 : memref<80x64xf32, #tpu.memory_space<vmem>>)
    %dma_start3A_75 = arith.constant 122 : i32
    %dma_start3A_76 = arith.constant 0 : i32
    %dma_start3A_77 = tpu.memref_slice %arg8[%dma_start3A_75, %dma_start3A_76] : memref<125x80xi32, #tpu.memory_space<vmem>> -> memref<1x80xi32, #tpu.memory_space<vmem>>
    %dma_start3A_78 = tpu.memref_squeeze %dma_start3A_77 : memref<1x80xi32, #tpu.memory_space<vmem>> -> memref<80xi32, #tpu.memory_space<vmem>>
    %dma_start3A_79 = arith.constant 0 : i32
    %dma_start3A_80 = arith.constant 0 : i32
    %dma_start3A_81 = tpu.memref_slice %arg13[%dma_start3A_79, %dma_start3A_80] : memref<10112x64xf32, #tpu.memory_space<vmem_shared>> -> memref<10112x64xf32, #tpu.memory_space<vmem_shared>>
    tpu.enqueue_indirect_dma source(%arg11 : memref<80x64xf32, #tpu.memory_space<vmem>>) target(%dma_start3A_81 : memref<10112x64xf32, #tpu.memory_space<vmem_shared>>) offsets(%dma_start3A_78 : memref<80xi32, #tpu.memory_space<vmem>>) semaphore(%arg21 : memref<!tpu.dma_semaphore, #tpu.memory_space<semaphore_mem>>) {add = true}
    %dma_wait3A_82 = arith.constant 120 : i32
    %dma_wait3A_83 = arith.constant 0 : i32
    %dma_wait3A_84 = tpu.memref_slice %arg8[%dma_wait3A_82, %dma_wait3A_83] : memref<125x80xi32, #tpu.memory_space<vmem>> -> memref<1x80xi32, #tpu.memory_space<vmem>>
    %dma_wait3A_85 = tpu.memref_squeeze %dma_wait3A_84 : memref<1x80xi32, #tpu.memory_space<vmem>> -> memref<80xi32, #tpu.memory_space<vmem>>
    %dma_wait3A_86 = arith.constant 0 : i32
    %dma_wait3A_87 = arith.constant 0 : i32
    %dma_wait3A_88 = tpu.memref_slice %arg13[%dma_wait3A_86, %dma_wait3A_87] : memref<10112x64xf32, #tpu.memory_space<vmem_shared>> -> memref<10112x64xf32, #tpu.memory_space<vmem_shared>>
    tpu.wait_indirect_dma semaphore(%arg19 : memref<!tpu.dma_semaphore, #tpu.memory_space<semaphore_mem>>) src(%arg9 : memref<80x64xf32, #tpu.memory_space<vmem>>) dst(%dma_wait3A_88 : memref<10112x64xf32, #tpu.memory_space<vmem_shared>>)
    %dma_start3A_89 = arith.constant 124 : i32
    %dma_start3A_90 = arith.constant 0 : i32
    %dma_start3A_91 = tpu.memref_slice %arg7[%dma_start3A_89, %dma_start3A_90] : memref<125x80xi32, #tpu.memory_space<vmem>> -> memref<1x80xi32, #tpu.memory_space<vmem>>
    %dma_start3A_92 = tpu.memref_squeeze %dma_start3A_91 : memref<1x80xi32, #tpu.memory_space<vmem>> -> memref<80xi32, #tpu.memory_space<vmem>>
    %dma_start3A_93 = arith.constant 0 : i32
    %dma_start3A_94 = arith.constant 0 : i32
    %dma_start3A_95 = tpu.memref_slice %arg14[%dma_start3A_93, %dma_start3A_94] : memref<10000x64xf32, #tpu.memory_space<vmem_shared>> -> memref<10000x64xf32, #tpu.memory_space<vmem_shared>>
    tpu.enqueue_indirect_dma source(%dma_start3A_95 : memref<10000x64xf32, #tpu.memory_space<vmem_shared>>) target(%arg9 : memref<80x64xf32, #tpu.memory_space<vmem>>) offsets(%dma_start3A_92 : memref<80xi32, #tpu.memory_space<vmem>>) semaphore(%arg15 : memref<!tpu.dma_semaphore, #tpu.memory_space<semaphore_mem>>)
    %dma_wait3A_96 = arith.constant 123 : i32
    %dma_wait3A_97 = arith.constant 0 : i32
    %dma_wait3A_98 = tpu.memref_slice %arg7[%dma_wait3A_96, %dma_wait3A_97] : memref<125x80xi32, #tpu.memory_space<vmem>> -> memref<1x80xi32, #tpu.memory_space<vmem>>
    %dma_wait3A_99 = tpu.memref_squeeze %dma_wait3A_98 : memref<1x80xi32, #tpu.memory_space<vmem>> -> memref<80xi32, #tpu.memory_space<vmem>>
    %dma_wait3A_100 = arith.constant 0 : i32
    %dma_wait3A_101 = arith.constant 0 : i32
    %dma_wait3A_102 = tpu.memref_slice %arg14[%dma_wait3A_100, %dma_wait3A_101] : memref<10000x64xf32, #tpu.memory_space<vmem_shared>> -> memref<10000x64xf32, #tpu.memory_space<vmem_shared>>
    tpu.wait_indirect_dma semaphore(%arg18 : memref<!tpu.dma_semaphore, #tpu.memory_space<semaphore_mem>>) src(%dma_wait3A_102 : memref<10000x64xf32, #tpu.memory_space<vmem_shared>>) dst(%arg12 : memref<80x64xf32, #tpu.memory_space<vmem>>)
    %dma_start3A_103 = arith.constant 123 : i32
    %dma_start3A_104 = arith.constant 0 : i32
    %dma_start3A_105 = tpu.memref_slice %arg8[%dma_start3A_103, %dma_start3A_104] : memref<125x80xi32, #tpu.memory_space<vmem>> -> memref<1x80xi32, #tpu.memory_space<vmem>>
    %dma_start3A_106 = tpu.memref_squeeze %dma_start3A_105 : memref<1x80xi32, #tpu.memory_space<vmem>> -> memref<80xi32, #tpu.memory_space<vmem>>
    %dma_start3A_107 = arith.constant 0 : i32
    %dma_start3A_108 = arith.constant 0 : i32
    %dma_start3A_109 = tpu.memref_slice %arg13[%dma_start3A_107, %dma_start3A_108] : memref<10112x64xf32, #tpu.memory_space<vmem_shared>> -> memref<10112x64xf32, #tpu.memory_space<vmem_shared>>
    tpu.enqueue_indirect_dma source(%arg12 : memref<80x64xf32, #tpu.memory_space<vmem>>) target(%dma_start3A_109 : memref<10112x64xf32, #tpu.memory_space<vmem_shared>>) offsets(%dma_start3A_106 : memref<80xi32, #tpu.memory_space<vmem>>) semaphore(%arg22 : memref<!tpu.dma_semaphore, #tpu.memory_space<semaphore_mem>>) {add = true}
    %dma_wait3A_110 = arith.constant 124 : i32
    %dma_wait3A_111 = arith.constant 0 : i32
    %dma_wait3A_112 = tpu.memref_slice %arg7[%dma_wait3A_110, %dma_wait3A_111] : memref<125x80xi32, #tpu.memory_space<vmem>> -> memref<1x80xi32, #tpu.memory_space<vmem>>
    %dma_wait3A_113 = tpu.memref_squeeze %dma_wait3A_112 : memref<1x80xi32, #tpu.memory_space<vmem>> -> memref<80xi32, #tpu.memory_space<vmem>>
    %dma_wait3A_114 = arith.constant 0 : i32
    %dma_wait3A_115 = arith.constant 0 : i32
    %dma_wait3A_116 = tpu.memref_slice %arg14[%dma_wait3A_114, %dma_wait3A_115] : memref<10000x64xf32, #tpu.memory_space<vmem_shared>> -> memref<10000x64xf32, #tpu.memory_space<vmem_shared>>
    tpu.wait_indirect_dma semaphore(%arg15 : memref<!tpu.dma_semaphore, #tpu.memory_space<semaphore_mem>>) src(%dma_wait3A_116 : memref<10000x64xf32, #tpu.memory_space<vmem_shared>>) dst(%arg9 : memref<80x64xf32, #tpu.memory_space<vmem>>)
    %dma_start3A_117 = arith.constant 124 : i32
    %dma_start3A_118 = arith.constant 0 : i32
    %dma_start3A_119 = tpu.memref_slice %arg8[%dma_start3A_117, %dma_start3A_118] : memref<125x80xi32, #tpu.memory_space<vmem>> -> memref<1x80xi32, #tpu.memory_space<vmem>>
    %dma_start3A_120 = tpu.memref_squeeze %dma_start3A_119 : memref<1x80xi32, #tpu.memory_space<vmem>> -> memref<80xi32, #tpu.memory_space<vmem>>
    %dma_start3A_121 = arith.constant 0 : i32
    %dma_start3A_122 = arith.constant 0 : i32
    %dma_start3A_123 = tpu.memref_slice %arg13[%dma_start3A_121, %dma_start3A_122] : memref<10112x64xf32, #tpu.memory_space<vmem_shared>> -> memref<10112x64xf32, #tpu.memory_space<vmem_shared>>
    tpu.enqueue_indirect_dma source(%arg9 : memref<80x64xf32, #tpu.memory_space<vmem>>) target(%dma_start3A_123 : memref<10112x64xf32, #tpu.memory_space<vmem_shared>>) offsets(%dma_start3A_120 : memref<80xi32, #tpu.memory_space<vmem>>) semaphore(%arg19 : memref<!tpu.dma_semaphore, #tpu.memory_space<semaphore_mem>>) {add = true}
    %dma_wait3A_124 = arith.constant 121 : i32
    %dma_wait3A_125 = arith.constant 0 : i32
    %dma_wait3A_126 = tpu.memref_slice %arg8[%dma_wait3A_124, %dma_wait3A_125] : memref<125x80xi32, #tpu.memory_space<vmem>> -> memref<1x80xi32, #tpu.memory_space<vmem>>
    %dma_wait3A_127 = tpu.memref_squeeze %dma_wait3A_126 : memref<1x80xi32, #tpu.memory_space<vmem>> -> memref<80xi32, #tpu.memory_space<vmem>>
    %dma_wait3A_128 = arith.constant 0 : i32
    %dma_wait3A_129 = arith.constant 0 : i32
    %dma_wait3A_130 = tpu.memref_slice %arg13[%dma_wait3A_128, %dma_wait3A_129] : memref<10112x64xf32, #tpu.memory_space<vmem_shared>> -> memref<10112x64xf32, #tpu.memory_space<vmem_shared>>
    tpu.wait_indirect_dma semaphore(%arg20 : memref<!tpu.dma_semaphore, #tpu.memory_space<semaphore_mem>>) src(%arg10 : memref<80x64xf32, #tpu.memory_space<vmem>>) dst(%dma_wait3A_130 : memref<10112x64xf32, #tpu.memory_space<vmem_shared>>)
    %dma_wait3A_131 = arith.constant 122 : i32
    %dma_wait3A_132 = arith.constant 0 : i32
    %dma_wait3A_133 = tpu.memref_slice %arg8[%dma_wait3A_131, %dma_wait3A_132] : memref<125x80xi32, #tpu.memory_space<vmem>> -> memref<1x80xi32, #tpu.memory_space<vmem>>
    %dma_wait3A_134 = tpu.memref_squeeze %dma_wait3A_133 : memref<1x80xi32, #tpu.memory_space<vmem>> -> memref<80xi32, #tpu.memory_space<vmem>>
    %dma_wait3A_135 = arith.constant 0 : i32
    %dma_wait3A_136 = arith.constant 0 : i32
    %dma_wait3A_137 = tpu.memref_slice %arg13[%dma_wait3A_135, %dma_wait3A_136] : memref<10112x64xf32, #tpu.memory_space<vmem_shared>> -> memref<10112x64xf32, #tpu.memory_space<vmem_shared>>
    tpu.wait_indirect_dma semaphore(%arg21 : memref<!tpu.dma_semaphore, #tpu.memory_space<semaphore_mem>>) src(%arg11 : memref<80x64xf32, #tpu.memory_space<vmem>>) dst(%dma_wait3A_137 : memref<10112x64xf32, #tpu.memory_space<vmem_shared>>)
    %dma_wait3A_138 = arith.constant 123 : i32
    %dma_wait3A_139 = arith.constant 0 : i32
    %dma_wait3A_140 = tpu.memref_slice %arg8[%dma_wait3A_138, %dma_wait3A_139] : memref<125x80xi32, #tpu.memory_space<vmem>> -> memref<1x80xi32, #tpu.memory_space<vmem>>
    %dma_wait3A_141 = tpu.memref_squeeze %dma_wait3A_140 : memref<1x80xi32, #tpu.memory_space<vmem>> -> memref<80xi32, #tpu.memory_space<vmem>>
    %dma_wait3A_142 = arith.constant 0 : i32
    %dma_wait3A_143 = arith.constant 0 : i32
    %dma_wait3A_144 = tpu.memref_slice %arg13[%dma_wait3A_142, %dma_wait3A_143] : memref<10112x64xf32, #tpu.memory_space<vmem_shared>> -> memref<10112x64xf32, #tpu.memory_space<vmem_shared>>
    tpu.wait_indirect_dma semaphore(%arg22 : memref<!tpu.dma_semaphore, #tpu.memory_space<semaphore_mem>>) src(%arg12 : memref<80x64xf32, #tpu.memory_space<vmem>>) dst(%dma_wait3A_144 : memref<10112x64xf32, #tpu.memory_space<vmem_shared>>)
    %dma_wait3A_145 = arith.constant 124 : i32
    %dma_wait3A_146 = arith.constant 0 : i32
    %dma_wait3A_147 = tpu.memref_slice %arg8[%dma_wait3A_145, %dma_wait3A_146] : memref<125x80xi32, #tpu.memory_space<vmem>> -> memref<1x80xi32, #tpu.memory_space<vmem>>
    %dma_wait3A_148 = tpu.memref_squeeze %dma_wait3A_147 : memref<1x80xi32, #tpu.memory_space<vmem>> -> memref<80xi32, #tpu.memory_space<vmem>>
    %dma_wait3A_149 = arith.constant 0 : i32
    %dma_wait3A_150 = arith.constant 0 : i32
    %dma_wait3A_151 = tpu.memref_slice %arg13[%dma_wait3A_149, %dma_wait3A_150] : memref<10112x64xf32, #tpu.memory_space<vmem_shared>> -> memref<10112x64xf32, #tpu.memory_space<vmem_shared>>
    tpu.wait_indirect_dma semaphore(%arg19 : memref<!tpu.dma_semaphore, #tpu.memory_space<semaphore_mem>>) src(%arg9 : memref<80x64xf32, #tpu.memory_space<vmem>>) dst(%dma_wait3A_151 : memref<10112x64xf32, #tpu.memory_space<vmem_shared>>)
    %barrier3A_152 = arith.constant 0 : index
    tpu.barrier barrier_id(%barrier3A_152)
    %mul3A_153 = arith.constant 632 : i32
    %mul3A_154 = arith.muli %arg1, %mul3A_153 : i32
    %mul3A_155 = arith.constant 632 : i32
    %mul3A_156 = arith.muli %arg1, %mul3A_155 : i32
    "tpu.region"() ({
      %run_scoped3A = tpu.sem_alloc : memref<!tpu.dma_semaphore, #tpu.memory_space<semaphore_mem>>
      %dma_start3A_157 = arith.constant 0 : i32
      %dma_start3A_158 = tpu.memref_slice %arg6[%arg0, %mul3A_156, %dma_start3A_157] : memref<2x10112x64xf32, #tpu.memory_space<hbm>> -> memref<1x632x64xf32, #tpu.memory_space<hbm>>
      %dma_start3A_159 = tpu.memref_squeeze %dma_start3A_158 : memref<1x632x64xf32, #tpu.memory_space<hbm>> -> memref<632x64xf32, #tpu.memory_space<hbm>>
      %dma_start3A_160 = arith.constant 0 : i32
      %dma_start3A_161 = tpu.memref_slice %arg13[%mul3A_154, %dma_start3A_160] : memref<10112x64xf32, #tpu.memory_space<vmem_shared>> -> memref<632x64xf32, #tpu.memory_space<vmem_shared>>
      tpu.enqueue_dma source(%dma_start3A_161 : memref<632x64xf32, #tpu.memory_space<vmem_shared>>) target(%dma_start3A_159 : memref<632x64xf32, #tpu.memory_space<hbm>>) target_semaphore(%run_scoped3A : memref<!tpu.dma_semaphore, #tpu.memory_space<semaphore_mem>>)
      %dma_wait3A_162 = arith.constant 0 : i32
      %dma_wait3A_163 = tpu.memref_slice %arg6[%arg0, %mul3A_156, %dma_wait3A_162] : memref<2x10112x64xf32, #tpu.memory_space<hbm>> -> memref<1x632x64xf32, #tpu.memory_space<hbm>>
      %dma_wait3A_164 = tpu.memref_squeeze %dma_wait3A_163 : memref<1x632x64xf32, #tpu.memory_space<hbm>> -> memref<632x64xf32, #tpu.memory_space<hbm>>
      %dma_wait3A_165 = arith.constant 0 : i32
      %dma_wait3A_166 = tpu.memref_slice %arg13[%mul3A_154, %dma_wait3A_165] : memref<10112x64xf32, #tpu.memory_space<vmem_shared>> -> memref<632x64xf32, #tpu.memory_space<vmem_shared>>
      tpu.wait_dma2 semaphore(%run_scoped3A : memref<!tpu.dma_semaphore, #tpu.memory_space<semaphore_mem>>) src(%dma_wait3A_166 : memref<632x64xf32, #tpu.memory_space<vmem_shared>>) dst(%dma_wait3A_164 : memref<632x64xf32, #tpu.memory_space<hbm>>)
      tpu.yield
    }) : () -> ()
    return
  }
}

#map = affine_map<(d0, d1) -> (0, 0)>
#map1 = affine_map<(d0, d1) -> (0, 0, 0)>
module attributes {stable_mosaic.version = 14 : i64} {
  func.func @_sc_agg(%arg0: i32, %arg1: i32, %arg2: memref<10000x64xf32, #tpu.memory_space<hbm>>, %arg3: memref<32x125x80xi32, #tpu.memory_space<hbm>>, %arg4: memref<32x125x80xi32, #tpu.memory_space<hbm>>, %arg5: memref<10112x64xf32, #tpu.memory_space<hbm>>, %arg6: memref<2x10112x64xf32, #tpu.memory_space<hbm>>, %arg7: memref<125x80xi32, #tpu.memory_space<vmem>>, %arg8: memref<125x80xi32, #tpu.memory_space<vmem>>, %arg9: memref<80x64xf32, #tpu.memory_space<vmem>>, %arg10: memref<80x64xf32, #tpu.memory_space<vmem>>, %arg11: memref<80x64xf32, #tpu.memory_space<vmem>>, %arg12: memref<80x64xf32, #tpu.memory_space<vmem>>, %arg13: memref<10112x64xf32, #tpu.memory_space<vmem_shared>>, %arg14: memref<10000x64xf32, #tpu.memory_space<vmem_shared>>, %arg15: memref<!tpu.dma_semaphore, #tpu.memory_space<semaphore_mem>>, %arg16: memref<!tpu.dma_semaphore, #tpu.memory_space<semaphore_mem>>, %arg17: memref<!tpu.dma_semaphore, #tpu.memory_space<semaphore_mem>>, %arg18: memref<!tpu.dma_semaphore, #tpu.memory_space<semaphore_mem>>, %arg19: memref<!tpu.dma_semaphore, #tpu.memory_space<semaphore_mem>>, %arg20: memref<!tpu.dma_semaphore, #tpu.memory_space<semaphore_mem>>, %arg21: memref<!tpu.dma_semaphore, #tpu.memory_space<semaphore_mem>>, %arg22: memref<!tpu.dma_semaphore, #tpu.memory_space<semaphore_mem>>) attributes {dimension_semantics = [#tpu.dimension_semantics<core_parallel>, #tpu.dimension_semantics<subcore_parallel>], iteration_bounds = array<i64: 2, 16>, scalar_prefetch = 0 : i64, scratch_operands = 16 : i64, tpu.core_type = #tpu.core_type<sc_vector_subcore>, window_params = [{transform_indices = #map}, {transform_indices = #map1}, {transform_indices = #map1}, {transform_indices = #map}, {transform_indices = #map1}]} {
    %mul3A = arith.constant 16 : i32
    %mul3A_0 = arith.muli %arg0, %mul3A : i32
    %add3A = arith.addi %mul3A_0, %arg1 : i32
    "tpu.region"() ({
      %run_scoped3A = tpu.sem_alloc : memref<!tpu.dma_semaphore, #tpu.memory_space<semaphore_mem>>
      %dma_start3A_157 = arith.constant 0 : i32
      %dma_start3A_158 = arith.constant 0 : i32
      %dma_start3A_159 = tpu.memref_slice %arg3[%add3A, %dma_start3A_157, %dma_start3A_158] : memref<32x125x80xi32, #tpu.memory_space<hbm>> -> memref<1x125x80xi32, #tpu.memory_space<hbm>>
      %dma_start3A_160 = tpu.memref_squeeze %dma_start3A_159 : memref<1x125x80xi32, #tpu.memory_space<hbm>> -> memref<125x80xi32, #tpu.memory_space<hbm>>
      %dma_start3A_161 = arith.constant 0 : i32
      %dma_start3A_162 = arith.constant 0 : i32
      %dma_start3A_163 = tpu.memref_slice %arg3[%add3A, %dma_start3A_161, %dma_start3A_162] : memref<32x125x80xi32, #tpu.memory_space<hbm>> -> memref<1x125x80xi32, #tpu.memory_space<hbm>>
      %dma_start3A_164 = tpu.memref_squeeze %dma_start3A_163 : memref<1x125x80xi32, #tpu.memory_space<hbm>> -> memref<125x80xi32, #tpu.memory_space<hbm>>
      tpu.enqueue_dma source(%dma_start3A_164 : memref<125x80xi32, #tpu.memory_space<hbm>>) target(%arg7 : memref<125x80xi32, #tpu.memory_space<vmem>>) target_semaphore(%run_scoped3A : memref<!tpu.dma_semaphore, #tpu.memory_space<semaphore_mem>>)
      %dma_wait3A_165 = arith.constant 0 : i32
      %dma_wait3A_166 = arith.constant 0 : i32
      %dma_wait3A_167 = tpu.memref_slice %arg3[%add3A, %dma_wait3A_165, %dma_wait3A_166] : memref<32x125x80xi32, #tpu.memory_space<hbm>> -> memref<1x125x80xi32, #tpu.memory_space<hbm>>
      %dma_wait3A_168 = tpu.memref_squeeze %dma_wait3A_167 : memref<1x125x80xi32, #tpu.memory_space<hbm>> -> memref<125x80xi32, #tpu.memory_space<hbm>>
      %dma_wait3A_169 = arith.constant 0 : i32
      %dma_wait3A_170 = arith.constant 0 : i32
      %dma_wait3A_171 = tpu.memref_slice %arg3[%add3A, %dma_wait3A_169, %dma_wait3A_170] : memref<32x125x80xi32, #tpu.memory_space<hbm>> -> memref<1x125x80xi32, #tpu.memory_space<hbm>>
      %dma_wait3A_172 = tpu.memref_squeeze %dma_wait3A_171 : memref<1x125x80xi32, #tpu.memory_space<hbm>> -> memref<125x80xi32, #tpu.memory_space<hbm>>
      tpu.wait_dma2 semaphore(%run_scoped3A : memref<!tpu.dma_semaphore, #tpu.memory_space<semaphore_mem>>) src(%dma_wait3A_172 : memref<125x80xi32, #tpu.memory_space<hbm>>) dst(%arg7 : memref<125x80xi32, #tpu.memory_space<vmem>>)
      tpu.yield
    }) : () -> ()
    "tpu.region"() ({
      %run_scoped3A = tpu.sem_alloc : memref<!tpu.dma_semaphore, #tpu.memory_space<semaphore_mem>>
      %dma_start3A_157 = arith.constant 0 : i32
      %dma_start3A_158 = arith.constant 0 : i32
      %dma_start3A_159 = tpu.memref_slice %arg4[%add3A, %dma_start3A_157, %dma_start3A_158] : memref<32x125x80xi32, #tpu.memory_space<hbm>> -> memref<1x125x80xi32, #tpu.memory_space<hbm>>
      %dma_start3A_160 = tpu.memref_squeeze %dma_start3A_159 : memref<1x125x80xi32, #tpu.memory_space<hbm>> -> memref<125x80xi32, #tpu.memory_space<hbm>>
      %dma_start3A_161 = arith.constant 0 : i32
      %dma_start3A_162 = arith.constant 0 : i32
      %dma_start3A_163 = tpu.memref_slice %arg4[%add3A, %dma_start3A_161, %dma_start3A_162] : memref<32x125x80xi32, #tpu.memory_space<hbm>> -> memref<1x125x80xi32, #tpu.memory_space<hbm>>
      %dma_start3A_164 = tpu.memref_squeeze %dma_start3A_163 : memref<1x125x80xi32, #tpu.memory_space<hbm>> -> memref<125x80xi32, #tpu.memory_space<hbm>>
      tpu.enqueue_dma source(%dma_start3A_164 : memref<125x80xi32, #tpu.memory_space<hbm>>) target(%arg8 : memref<125x80xi32, #tpu.memory_space<vmem>>) target_semaphore(%run_scoped3A : memref<!tpu.dma_semaphore, #tpu.memory_space<semaphore_mem>>)
      %dma_wait3A_165 = arith.constant 0 : i32
      %dma_wait3A_166 = arith.constant 0 : i32
      %dma_wait3A_167 = tpu.memref_slice %arg4[%add3A, %dma_wait3A_165, %dma_wait3A_166] : memref<32x125x80xi32, #tpu.memory_space<hbm>> -> memref<1x125x80xi32, #tpu.memory_space<hbm>>
      %dma_wait3A_168 = tpu.memref_squeeze %dma_wait3A_167 : memref<1x125x80xi32, #tpu.memory_space<hbm>> -> memref<125x80xi32, #tpu.memory_space<hbm>>
      %dma_wait3A_169 = arith.constant 0 : i32
      %dma_wait3A_170 = arith.constant 0 : i32
      %dma_wait3A_171 = tpu.memref_slice %arg4[%add3A, %dma_wait3A_169, %dma_wait3A_170] : memref<32x125x80xi32, #tpu.memory_space<hbm>> -> memref<1x125x80xi32, #tpu.memory_space<hbm>>
      %dma_wait3A_172 = tpu.memref_squeeze %dma_wait3A_171 : memref<1x125x80xi32, #tpu.memory_space<hbm>> -> memref<125x80xi32, #tpu.memory_space<hbm>>
      tpu.wait_dma2 semaphore(%run_scoped3A : memref<!tpu.dma_semaphore, #tpu.memory_space<semaphore_mem>>) src(%dma_wait3A_172 : memref<125x80xi32, #tpu.memory_space<hbm>>) dst(%arg8 : memref<125x80xi32, #tpu.memory_space<vmem>>)
      tpu.yield
    }) : () -> ()
    %mul3A_1 = arith.constant 632 : i32
    %mul3A_2 = arith.muli %arg1, %mul3A_1 : i32
    %mul3A_3 = arith.constant 632 : i32
    %mul3A_4 = arith.muli %arg1, %mul3A_3 : i32
    "tpu.region"() ({
      %run_scoped3A = tpu.sem_alloc : memref<!tpu.dma_semaphore, #tpu.memory_space<semaphore_mem>>
      %dma_start3A_157 = arith.constant 0 : i32
      %dma_start3A_158 = tpu.memref_slice %arg13[%mul3A_4, %dma_start3A_157] : memref<10112x64xf32, #tpu.memory_space<vmem_shared>> -> memref<632x64xf32, #tpu.memory_space<vmem_shared>>
      %dma_start3A_159 = arith.constant 0 : i32
      %dma_start3A_160 = tpu.memref_slice %arg5[%mul3A_2, %dma_start3A_159] : memref<10112x64xf32, #tpu.memory_space<hbm>> -> memref<632x64xf32, #tpu.memory_space<hbm>>
      tpu.enqueue_dma source(%dma_start3A_160 : memref<632x64xf32, #tpu.memory_space<hbm>>) target(%dma_start3A_158 : memref<632x64xf32, #tpu.memory_space<vmem_shared>>) target_semaphore(%run_scoped3A : memref<!tpu.dma_semaphore, #tpu.memory_space<semaphore_mem>>)
      %dma_wait3A_161 = arith.constant 0 : i32
      %dma_wait3A_162 = tpu.memref_slice %arg13[%mul3A_4, %dma_wait3A_161] : memref<10112x64xf32, #tpu.memory_space<vmem_shared>> -> memref<632x64xf32, #tpu.memory_space<vmem_shared>>
      %dma_wait3A_163 = arith.constant 0 : i32
      %dma_wait3A_164 = tpu.memref_slice %arg5[%mul3A_2, %dma_wait3A_163] : memref<10112x64xf32, #tpu.memory_space<hbm>> -> memref<632x64xf32, #tpu.memory_space<hbm>>
      tpu.wait_dma2 semaphore(%run_scoped3A : memref<!tpu.dma_semaphore, #tpu.memory_space<semaphore_mem>>) src(%dma_wait3A_164 : memref<632x64xf32, #tpu.memory_space<hbm>>) dst(%dma_wait3A_162 : memref<632x64xf32, #tpu.memory_space<vmem_shared>>)
      tpu.yield
    }) : () -> ()
    %mul3A_5 = arith.constant 625 : i32
    %mul3A_6 = arith.muli %arg1, %mul3A_5 : i32
    %mul3A_7 = arith.constant 625 : i32
    %mul3A_8 = arith.muli %arg1, %mul3A_7 : i32
    "tpu.region"() ({
      %run_scoped3A = tpu.sem_alloc : memref<!tpu.dma_semaphore, #tpu.memory_space<semaphore_mem>>
      %dma_start3A_157 = arith.constant 0 : i32
      %dma_start3A_158 = tpu.memref_slice %arg14[%mul3A_8, %dma_start3A_157] : memref<10000x64xf32, #tpu.memory_space<vmem_shared>> -> memref<625x64xf32, #tpu.memory_space<vmem_shared>>
      %dma_start3A_159 = arith.constant 0 : i32
      %dma_start3A_160 = tpu.memref_slice %arg2[%mul3A_6, %dma_start3A_159] : memref<10000x64xf32, #tpu.memory_space<hbm>> -> memref<625x64xf32, #tpu.memory_space<hbm>>
      tpu.enqueue_dma source(%dma_start3A_160 : memref<625x64xf32, #tpu.memory_space<hbm>>) target(%dma_start3A_158 : memref<625x64xf32, #tpu.memory_space<vmem_shared>>) target_semaphore(%run_scoped3A : memref<!tpu.dma_semaphore, #tpu.memory_space<semaphore_mem>>)
      %dma_wait3A_161 = arith.constant 0 : i32
      %dma_wait3A_162 = tpu.memref_slice %arg14[%mul3A_8, %dma_wait3A_161] : memref<10000x64xf32, #tpu.memory_space<vmem_shared>> -> memref<625x64xf32, #tpu.memory_space<vmem_shared>>
      %dma_wait3A_163 = arith.constant 0 : i32
      %dma_wait3A_164 = tpu.memref_slice %arg2[%mul3A_6, %dma_wait3A_163] : memref<10000x64xf32, #tpu.memory_space<hbm>> -> memref<625x64xf32, #tpu.memory_space<hbm>>
      tpu.wait_dma2 semaphore(%run_scoped3A : memref<!tpu.dma_semaphore, #tpu.memory_space<semaphore_mem>>) src(%dma_wait3A_164 : memref<625x64xf32, #tpu.memory_space<hbm>>) dst(%dma_wait3A_162 : memref<625x64xf32, #tpu.memory_space<vmem_shared>>)
      tpu.yield
    }) : () -> ()
    %barrier3A = arith.constant 0 : index
    tpu.barrier barrier_id(%barrier3A)
    %dma_start3A = arith.constant 0 : i32
    %dma_start3A_9 = arith.constant 0 : i32
    %dma_start3A_10 = tpu.memref_slice %arg7[%dma_start3A, %dma_start3A_9] : memref<125x80xi32, #tpu.memory_space<vmem>> -> memref<1x80xi32, #tpu.memory_space<vmem>>
    %dma_start3A_11 = tpu.memref_squeeze %dma_start3A_10 : memref<1x80xi32, #tpu.memory_space<vmem>> -> memref<80xi32, #tpu.memory_space<vmem>>
    %dma_start3A_12 = arith.constant 0 : i32
    %dma_start3A_13 = arith.constant 0 : i32
    %dma_start3A_14 = tpu.memref_slice %arg14[%dma_start3A_12, %dma_start3A_13] : memref<10000x64xf32, #tpu.memory_space<vmem_shared>> -> memref<10000x64xf32, #tpu.memory_space<vmem_shared>>
    tpu.enqueue_indirect_dma source(%dma_start3A_14 : memref<10000x64xf32, #tpu.memory_space<vmem_shared>>) target(%arg9 : memref<80x64xf32, #tpu.memory_space<vmem>>) offsets(%dma_start3A_11 : memref<80xi32, #tpu.memory_space<vmem>>) semaphore(%arg15 : memref<!tpu.dma_semaphore, #tpu.memory_space<semaphore_mem>>)
    %dma_start3A_15 = arith.constant 1 : i32
    %dma_start3A_16 = arith.constant 0 : i32
    %dma_start3A_17 = tpu.memref_slice %arg7[%dma_start3A_15, %dma_start3A_16] : memref<125x80xi32, #tpu.memory_space<vmem>> -> memref<1x80xi32, #tpu.memory_space<vmem>>
    %dma_start3A_18 = tpu.memref_squeeze %dma_start3A_17 : memref<1x80xi32, #tpu.memory_space<vmem>> -> memref<80xi32, #tpu.memory_space<vmem>>
    %dma_start3A_19 = arith.constant 0 : i32
    %dma_start3A_20 = arith.constant 0 : i32
    %dma_start3A_21 = tpu.memref_slice %arg14[%dma_start3A_19, %dma_start3A_20] : memref<10000x64xf32, #tpu.memory_space<vmem_shared>> -> memref<10000x64xf32, #tpu.memory_space<vmem_shared>>
    tpu.enqueue_indirect_dma source(%dma_start3A_21 : memref<10000x64xf32, #tpu.memory_space<vmem_shared>>) target(%arg10 : memref<80x64xf32, #tpu.memory_space<vmem>>) offsets(%dma_start3A_18 : memref<80xi32, #tpu.memory_space<vmem>>) semaphore(%arg16 : memref<!tpu.dma_semaphore, #tpu.memory_space<semaphore_mem>>)
    %dma_wait3A = arith.constant 0 : i32
    %dma_wait3A_22 = arith.constant 0 : i32
    %dma_wait3A_23 = tpu.memref_slice %arg7[%dma_wait3A, %dma_wait3A_22] : memref<125x80xi32, #tpu.memory_space<vmem>> -> memref<1x80xi32, #tpu.memory_space<vmem>>
    %dma_wait3A_24 = tpu.memref_squeeze %dma_wait3A_23 : memref<1x80xi32, #tpu.memory_space<vmem>> -> memref<80xi32, #tpu.memory_space<vmem>>
    %dma_wait3A_25 = arith.constant 0 : i32
    %dma_wait3A_26 = arith.constant 0 : i32
    %dma_wait3A_27 = tpu.memref_slice %arg14[%dma_wait3A_25, %dma_wait3A_26] : memref<10000x64xf32, #tpu.memory_space<vmem_shared>> -> memref<10000x64xf32, #tpu.memory_space<vmem_shared>>
    tpu.wait_indirect_dma semaphore(%arg15 : memref<!tpu.dma_semaphore, #tpu.memory_space<semaphore_mem>>) src(%dma_wait3A_27 : memref<10000x64xf32, #tpu.memory_space<vmem_shared>>) dst(%arg9 : memref<80x64xf32, #tpu.memory_space<vmem>>)
    %dma_start3A_28 = arith.constant 0 : i32
    %dma_start3A_29 = arith.constant 0 : i32
    %dma_start3A_30 = tpu.memref_slice %arg8[%dma_start3A_28, %dma_start3A_29] : memref<125x80xi32, #tpu.memory_space<vmem>> -> memref<1x80xi32, #tpu.memory_space<vmem>>
    %dma_start3A_31 = tpu.memref_squeeze %dma_start3A_30 : memref<1x80xi32, #tpu.memory_space<vmem>> -> memref<80xi32, #tpu.memory_space<vmem>>
    %dma_start3A_32 = arith.constant 0 : i32
    %dma_start3A_33 = arith.constant 0 : i32
    %dma_start3A_34 = tpu.memref_slice %arg13[%dma_start3A_32, %dma_start3A_33] : memref<10112x64xf32, #tpu.memory_space<vmem_shared>> -> memref<10112x64xf32, #tpu.memory_space<vmem_shared>>
    tpu.enqueue_indirect_dma source(%arg9 : memref<80x64xf32, #tpu.memory_space<vmem>>) target(%dma_start3A_34 : memref<10112x64xf32, #tpu.memory_space<vmem_shared>>) offsets(%dma_start3A_31 : memref<80xi32, #tpu.memory_space<vmem>>) semaphore(%arg19 : memref<!tpu.dma_semaphore, #tpu.memory_space<semaphore_mem>>) {add = true}
    %dma_start3A_35 = arith.constant 2 : i32
    %dma_start3A_36 = arith.constant 0 : i32
    %dma_start3A_37 = tpu.memref_slice %arg7[%dma_start3A_35, %dma_start3A_36] : memref<125x80xi32, #tpu.memory_space<vmem>> -> memref<1x80xi32, #tpu.memory_space<vmem>>
    %dma_start3A_38 = tpu.memref_squeeze %dma_start3A_37 : memref<1x80xi32, #tpu.memory_space<vmem>> -> memref<80xi32, #tpu.memory_space<vmem>>
    %dma_start3A_39 = arith.constant 0 : i32
    %dma_start3A_40 = arith.constant 0 : i32
    %dma_start3A_41 = tpu.memref_slice %arg14[%dma_start3A_39, %dma_start3A_40] : memref<10000x64xf32, #tpu.memory_space<vmem_shared>> -> memref<10000x64xf32, #tpu.memory_space<vmem_shared>>
    tpu.enqueue_indirect_dma source(%dma_start3A_41 : memref<10000x64xf32, #tpu.memory_space<vmem_shared>>) target(%arg11 : memref<80x64xf32, #tpu.memory_space<vmem>>) offsets(%dma_start3A_38 : memref<80xi32, #tpu.memory_space<vmem>>) semaphore(%arg17 : memref<!tpu.dma_semaphore, #tpu.memory_space<semaphore_mem>>)
    %dma_wait3A_42 = arith.constant 1 : i32
    %dma_wait3A_43 = arith.constant 0 : i32
    %dma_wait3A_44 = tpu.memref_slice %arg7[%dma_wait3A_42, %dma_wait3A_43] : memref<125x80xi32, #tpu.memory_space<vmem>> -> memref<1x80xi32, #tpu.memory_space<vmem>>
    %dma_wait3A_45 = tpu.memref_squeeze %dma_wait3A_44 : memref<1x80xi32, #tpu.memory_space<vmem>> -> memref<80xi32, #tpu.memory_space<vmem>>
    %dma_wait3A_46 = arith.constant 0 : i32
    %dma_wait3A_47 = arith.constant 0 : i32
    %dma_wait3A_48 = tpu.memref_slice %arg14[%dma_wait3A_46, %dma_wait3A_47] : memref<10000x64xf32, #tpu.memory_space<vmem_shared>> -> memref<10000x64xf32, #tpu.memory_space<vmem_shared>>
    tpu.wait_indirect_dma semaphore(%arg16 : memref<!tpu.dma_semaphore, #tpu.memory_space<semaphore_mem>>) src(%dma_wait3A_48 : memref<10000x64xf32, #tpu.memory_space<vmem_shared>>) dst(%arg10 : memref<80x64xf32, #tpu.memory_space<vmem>>)
    %dma_start3A_49 = arith.constant 1 : i32
    %dma_start3A_50 = arith.constant 0 : i32
    %dma_start3A_51 = tpu.memref_slice %arg8[%dma_start3A_49, %dma_start3A_50] : memref<125x80xi32, #tpu.memory_space<vmem>> -> memref<1x80xi32, #tpu.memory_space<vmem>>
    %dma_start3A_52 = tpu.memref_squeeze %dma_start3A_51 : memref<1x80xi32, #tpu.memory_space<vmem>> -> memref<80xi32, #tpu.memory_space<vmem>>
    %dma_start3A_53 = arith.constant 0 : i32
    %dma_start3A_54 = arith.constant 0 : i32
    %dma_start3A_55 = tpu.memref_slice %arg13[%dma_start3A_53, %dma_start3A_54] : memref<10112x64xf32, #tpu.memory_space<vmem_shared>> -> memref<10112x64xf32, #tpu.memory_space<vmem_shared>>
    tpu.enqueue_indirect_dma source(%arg10 : memref<80x64xf32, #tpu.memory_space<vmem>>) target(%dma_start3A_55 : memref<10112x64xf32, #tpu.memory_space<vmem_shared>>) offsets(%dma_start3A_52 : memref<80xi32, #tpu.memory_space<vmem>>) semaphore(%arg20 : memref<!tpu.dma_semaphore, #tpu.memory_space<semaphore_mem>>) {add = true}
    %dma_start3A_56 = arith.constant 3 : i32
    %dma_start3A_57 = arith.constant 0 : i32
    %dma_start3A_58 = tpu.memref_slice %arg7[%dma_start3A_56, %dma_start3A_57] : memref<125x80xi32, #tpu.memory_space<vmem>> -> memref<1x80xi32, #tpu.memory_space<vmem>>
    %dma_start3A_59 = tpu.memref_squeeze %dma_start3A_58 : memref<1x80xi32, #tpu.memory_space<vmem>> -> memref<80xi32, #tpu.memory_space<vmem>>
    %dma_start3A_60 = arith.constant 0 : i32
    %dma_start3A_61 = arith.constant 0 : i32
    %dma_start3A_62 = tpu.memref_slice %arg14[%dma_start3A_60, %dma_start3A_61] : memref<10000x64xf32, #tpu.memory_space<vmem_shared>> -> memref<10000x64xf32, #tpu.memory_space<vmem_shared>>
    tpu.enqueue_indirect_dma source(%dma_start3A_62 : memref<10000x64xf32, #tpu.memory_space<vmem_shared>>) target(%arg12 : memref<80x64xf32, #tpu.memory_space<vmem>>) offsets(%dma_start3A_59 : memref<80xi32, #tpu.memory_space<vmem>>) semaphore(%arg18 : memref<!tpu.dma_semaphore, #tpu.memory_space<semaphore_mem>>)
    %scan3A = arith.constant 0 : i32
    %scan3A_63 = arith.constant 0 : i32
    %scan3A_64 = arith.constant 30 : i32
    %scan3A_65 = arith.addi %scan3A_63, %scan3A_64 : i32
    %scan3A_66 = arith.constant 1 : i32
    scf.for %scan3A_157 = %scan3A_63 to %scan3A_65 step %scan3A_66  : i32 {
      %mul3A_158 = arith.constant 4 : i32
      %mul3A_159 = arith.muli %mul3A_158, %scan3A_157 : i32
      %add3A_160 = arith.constant 2 : i32
      %add3A_161 = arith.addi %add3A_160, %mul3A_159 : i32
      %add3A_162 = arith.constant 0 : i32
      %add3A_163 = arith.addi %add3A_161, %add3A_162 : i32
      %dma_wait3A_164 = arith.constant 0 : i32
      %dma_wait3A_165 = tpu.memref_slice %arg7[%add3A_163, %dma_wait3A_164] : memref<125x80xi32, #tpu.memory_space<vmem>> -> memref<1x80xi32, #tpu.memory_space<vmem>>
      %dma_wait3A_166 = tpu.memref_squeeze %dma_wait3A_165 : memref<1x80xi32, #tpu.memory_space<vmem>> -> memref<80xi32, #tpu.memory_space<vmem>>
      %dma_wait3A_167 = arith.constant 0 : i32
      %dma_wait3A_168 = arith.constant 0 : i32
      %dma_wait3A_169 = tpu.memref_slice %arg14[%dma_wait3A_167, %dma_wait3A_168] : memref<10000x64xf32, #tpu.memory_space<vmem_shared>> -> memref<10000x64xf32, #tpu.memory_space<vmem_shared>>
      tpu.wait_indirect_dma semaphore(%arg17 : memref<!tpu.dma_semaphore, #tpu.memory_space<semaphore_mem>>) src(%dma_wait3A_169 : memref<10000x64xf32, #tpu.memory_space<vmem_shared>>) dst(%arg11 : memref<80x64xf32, #tpu.memory_space<vmem>>)
      %dma_start3A_170 = arith.constant 0 : i32
      %dma_start3A_171 = tpu.memref_slice %arg8[%add3A_163, %dma_start3A_170] : memref<125x80xi32, #tpu.memory_space<vmem>> -> memref<1x80xi32, #tpu.memory_space<vmem>>
      %dma_start3A_172 = tpu.memref_squeeze %dma_start3A_171 : memref<1x80xi32, #tpu.memory_space<vmem>> -> memref<80xi32, #tpu.memory_space<vmem>>
      %dma_start3A_173 = arith.constant 0 : i32
      %dma_start3A_174 = arith.constant 0 : i32
      %dma_start3A_175 = tpu.memref_slice %arg13[%dma_start3A_173, %dma_start3A_174] : memref<10112x64xf32, #tpu.memory_space<vmem_shared>> -> memref<10112x64xf32, #tpu.memory_space<vmem_shared>>
      tpu.enqueue_indirect_dma source(%arg11 : memref<80x64xf32, #tpu.memory_space<vmem>>) target(%dma_start3A_175 : memref<10112x64xf32, #tpu.memory_space<vmem_shared>>) offsets(%dma_start3A_172 : memref<80xi32, #tpu.memory_space<vmem>>) semaphore(%arg21 : memref<!tpu.dma_semaphore, #tpu.memory_space<semaphore_mem>>) {add = true}
      %sub3A = arith.constant 2 : i32
      %sub3A_176 = arith.subi %add3A_163, %sub3A : i32
      %dma_wait3A_177 = arith.constant 0 : i32
      %dma_wait3A_178 = tpu.memref_slice %arg8[%sub3A_176, %dma_wait3A_177] : memref<125x80xi32, #tpu.memory_space<vmem>> -> memref<1x80xi32, #tpu.memory_space<vmem>>
      %dma_wait3A_179 = tpu.memref_squeeze %dma_wait3A_178 : memref<1x80xi32, #tpu.memory_space<vmem>> -> memref<80xi32, #tpu.memory_space<vmem>>
      %dma_wait3A_180 = arith.constant 0 : i32
      %dma_wait3A_181 = arith.constant 0 : i32
      %dma_wait3A_182 = tpu.memref_slice %arg13[%dma_wait3A_180, %dma_wait3A_181] : memref<10112x64xf32, #tpu.memory_space<vmem_shared>> -> memref<10112x64xf32, #tpu.memory_space<vmem_shared>>
      tpu.wait_indirect_dma semaphore(%arg19 : memref<!tpu.dma_semaphore, #tpu.memory_space<semaphore_mem>>) src(%arg9 : memref<80x64xf32, #tpu.memory_space<vmem>>) dst(%dma_wait3A_182 : memref<10112x64xf32, #tpu.memory_space<vmem_shared>>)
      %add3A_183 = arith.constant 2 : i32
      %add3A_184 = arith.addi %add3A_163, %add3A_183 : i32
      %dma_start3A_185 = arith.constant 0 : i32
      %dma_start3A_186 = tpu.memref_slice %arg7[%add3A_184, %dma_start3A_185] : memref<125x80xi32, #tpu.memory_space<vmem>> -> memref<1x80xi32, #tpu.memory_space<vmem>>
      %dma_start3A_187 = tpu.memref_squeeze %dma_start3A_186 : memref<1x80xi32, #tpu.memory_space<vmem>> -> memref<80xi32, #tpu.memory_space<vmem>>
      %dma_start3A_188 = arith.constant 0 : i32
      %dma_start3A_189 = arith.constant 0 : i32
      %dma_start3A_190 = tpu.memref_slice %arg14[%dma_start3A_188, %dma_start3A_189] : memref<10000x64xf32, #tpu.memory_space<vmem_shared>> -> memref<10000x64xf32, #tpu.memory_space<vmem_shared>>
      tpu.enqueue_indirect_dma source(%dma_start3A_190 : memref<10000x64xf32, #tpu.memory_space<vmem_shared>>) target(%arg9 : memref<80x64xf32, #tpu.memory_space<vmem>>) offsets(%dma_start3A_187 : memref<80xi32, #tpu.memory_space<vmem>>) semaphore(%arg15 : memref<!tpu.dma_semaphore, #tpu.memory_space<semaphore_mem>>)
      %add3A_191 = arith.constant 1 : i32
      %add3A_192 = arith.addi %add3A_161, %add3A_191 : i32
      %dma_wait3A_193 = arith.constant 0 : i32
      %dma_wait3A_194 = tpu.memref_slice %arg7[%add3A_192, %dma_wait3A_193] : memref<125x80xi32, #tpu.memory_space<vmem>> -> memref<1x80xi32, #tpu.memory_space<vmem>>
      %dma_wait3A_195 = tpu.memref_squeeze %dma_wait3A_194 : memref<1x80xi32, #tpu.memory_space<vmem>> -> memref<80xi32, #tpu.memory_space<vmem>>
      %dma_wait3A_196 = arith.constant 0 : i32
      %dma_wait3A_197 = arith.constant 0 : i32
      %dma_wait3A_198 = tpu.memref_slice %arg14[%dma_wait3A_196, %dma_wait3A_197] : memref<10000x64xf32, #tpu.memory_space<vmem_shared>> -> memref<10000x64xf32, #tpu.memory_space<vmem_shared>>
      tpu.wait_indirect_dma semaphore(%arg18 : memref<!tpu.dma_semaphore, #tpu.memory_space<semaphore_mem>>) src(%dma_wait3A_198 : memref<10000x64xf32, #tpu.memory_space<vmem_shared>>) dst(%arg12 : memref<80x64xf32, #tpu.memory_space<vmem>>)
      %dma_start3A_199 = arith.constant 0 : i32
      %dma_start3A_200 = tpu.memref_slice %arg8[%add3A_192, %dma_start3A_199] : memref<125x80xi32, #tpu.memory_space<vmem>> -> memref<1x80xi32, #tpu.memory_space<vmem>>
      %dma_start3A_201 = tpu.memref_squeeze %dma_start3A_200 : memref<1x80xi32, #tpu.memory_space<vmem>> -> memref<80xi32, #tpu.memory_space<vmem>>
      %dma_start3A_202 = arith.constant 0 : i32
      %dma_start3A_203 = arith.constant 0 : i32
      %dma_start3A_204 = tpu.memref_slice %arg13[%dma_start3A_202, %dma_start3A_203] : memref<10112x64xf32, #tpu.memory_space<vmem_shared>> -> memref<10112x64xf32, #tpu.memory_space<vmem_shared>>
      tpu.enqueue_indirect_dma source(%arg12 : memref<80x64xf32, #tpu.memory_space<vmem>>) target(%dma_start3A_204 : memref<10112x64xf32, #tpu.memory_space<vmem_shared>>) offsets(%dma_start3A_201 : memref<80xi32, #tpu.memory_space<vmem>>) semaphore(%arg22 : memref<!tpu.dma_semaphore, #tpu.memory_space<semaphore_mem>>) {add = true}
      %sub3A_205 = arith.constant 2 : i32
      %sub3A_206 = arith.subi %add3A_192, %sub3A_205 : i32
      %dma_wait3A_207 = arith.constant 0 : i32
      %dma_wait3A_208 = tpu.memref_slice %arg8[%sub3A_206, %dma_wait3A_207] : memref<125x80xi32, #tpu.memory_space<vmem>> -> memref<1x80xi32, #tpu.memory_space<vmem>>
      %dma_wait3A_209 = tpu.memref_squeeze %dma_wait3A_208 : memref<1x80xi32, #tpu.memory_space<vmem>> -> memref<80xi32, #tpu.memory_space<vmem>>
      %dma_wait3A_210 = arith.constant 0 : i32
      %dma_wait3A_211 = arith.constant 0 : i32
      %dma_wait3A_212 = tpu.memref_slice %arg13[%dma_wait3A_210, %dma_wait3A_211] : memref<10112x64xf32, #tpu.memory_space<vmem_shared>> -> memref<10112x64xf32, #tpu.memory_space<vmem_shared>>
      tpu.wait_indirect_dma semaphore(%arg20 : memref<!tpu.dma_semaphore, #tpu.memory_space<semaphore_mem>>) src(%arg10 : memref<80x64xf32, #tpu.memory_space<vmem>>) dst(%dma_wait3A_212 : memref<10112x64xf32, #tpu.memory_space<vmem_shared>>)
      %add3A_213 = arith.constant 2 : i32
      %add3A_214 = arith.addi %add3A_192, %add3A_213 : i32
      %dma_start3A_215 = arith.constant 0 : i32
      %dma_start3A_216 = tpu.memref_slice %arg7[%add3A_214, %dma_start3A_215] : memref<125x80xi32, #tpu.memory_space<vmem>> -> memref<1x80xi32, #tpu.memory_space<vmem>>
      %dma_start3A_217 = tpu.memref_squeeze %dma_start3A_216 : memref<1x80xi32, #tpu.memory_space<vmem>> -> memref<80xi32, #tpu.memory_space<vmem>>
      %dma_start3A_218 = arith.constant 0 : i32
      %dma_start3A_219 = arith.constant 0 : i32
      %dma_start3A_220 = tpu.memref_slice %arg14[%dma_start3A_218, %dma_start3A_219] : memref<10000x64xf32, #tpu.memory_space<vmem_shared>> -> memref<10000x64xf32, #tpu.memory_space<vmem_shared>>
      tpu.enqueue_indirect_dma source(%dma_start3A_220 : memref<10000x64xf32, #tpu.memory_space<vmem_shared>>) target(%arg10 : memref<80x64xf32, #tpu.memory_space<vmem>>) offsets(%dma_start3A_217 : memref<80xi32, #tpu.memory_space<vmem>>) semaphore(%arg16 : memref<!tpu.dma_semaphore, #tpu.memory_space<semaphore_mem>>)
      %add3A_221 = arith.constant 2 : i32
      %add3A_222 = arith.addi %add3A_161, %add3A_221 : i32
      %dma_wait3A_223 = arith.constant 0 : i32
      %dma_wait3A_224 = tpu.memref_slice %arg7[%add3A_222, %dma_wait3A_223] : memref<125x80xi32, #tpu.memory_space<vmem>> -> memref<1x80xi32, #tpu.memory_space<vmem>>
      %dma_wait3A_225 = tpu.memref_squeeze %dma_wait3A_224 : memref<1x80xi32, #tpu.memory_space<vmem>> -> memref<80xi32, #tpu.memory_space<vmem>>
      %dma_wait3A_226 = arith.constant 0 : i32
      %dma_wait3A_227 = arith.constant 0 : i32
      %dma_wait3A_228 = tpu.memref_slice %arg14[%dma_wait3A_226, %dma_wait3A_227] : memref<10000x64xf32, #tpu.memory_space<vmem_shared>> -> memref<10000x64xf32, #tpu.memory_space<vmem_shared>>
      tpu.wait_indirect_dma semaphore(%arg15 : memref<!tpu.dma_semaphore, #tpu.memory_space<semaphore_mem>>) src(%dma_wait3A_228 : memref<10000x64xf32, #tpu.memory_space<vmem_shared>>) dst(%arg9 : memref<80x64xf32, #tpu.memory_space<vmem>>)
      %dma_start3A_229 = arith.constant 0 : i32
      %dma_start3A_230 = tpu.memref_slice %arg8[%add3A_222, %dma_start3A_229] : memref<125x80xi32, #tpu.memory_space<vmem>> -> memref<1x80xi32, #tpu.memory_space<vmem>>
      %dma_start3A_231 = tpu.memref_squeeze %dma_start3A_230 : memref<1x80xi32, #tpu.memory_space<vmem>> -> memref<80xi32, #tpu.memory_space<vmem>>
      %dma_start3A_232 = arith.constant 0 : i32
      %dma_start3A_233 = arith.constant 0 : i32
      %dma_start3A_234 = tpu.memref_slice %arg13[%dma_start3A_232, %dma_start3A_233] : memref<10112x64xf32, #tpu.memory_space<vmem_shared>> -> memref<10112x64xf32, #tpu.memory_space<vmem_shared>>
      tpu.enqueue_indirect_dma source(%arg9 : memref<80x64xf32, #tpu.memory_space<vmem>>) target(%dma_start3A_234 : memref<10112x64xf32, #tpu.memory_space<vmem_shared>>) offsets(%dma_start3A_231 : memref<80xi32, #tpu.memory_space<vmem>>) semaphore(%arg19 : memref<!tpu.dma_semaphore, #tpu.memory_space<semaphore_mem>>) {add = true}
      %sub3A_235 = arith.constant 2 : i32
      %sub3A_236 = arith.subi %add3A_222, %sub3A_235 : i32
      %dma_wait3A_237 = arith.constant 0 : i32
      %dma_wait3A_238 = tpu.memref_slice %arg8[%sub3A_236, %dma_wait3A_237] : memref<125x80xi32, #tpu.memory_space<vmem>> -> memref<1x80xi32, #tpu.memory_space<vmem>>
      %dma_wait3A_239 = tpu.memref_squeeze %dma_wait3A_238 : memref<1x80xi32, #tpu.memory_space<vmem>> -> memref<80xi32, #tpu.memory_space<vmem>>
      %dma_wait3A_240 = arith.constant 0 : i32
      %dma_wait3A_241 = arith.constant 0 : i32
      %dma_wait3A_242 = tpu.memref_slice %arg13[%dma_wait3A_240, %dma_wait3A_241] : memref<10112x64xf32, #tpu.memory_space<vmem_shared>> -> memref<10112x64xf32, #tpu.memory_space<vmem_shared>>
      tpu.wait_indirect_dma semaphore(%arg21 : memref<!tpu.dma_semaphore, #tpu.memory_space<semaphore_mem>>) src(%arg11 : memref<80x64xf32, #tpu.memory_space<vmem>>) dst(%dma_wait3A_242 : memref<10112x64xf32, #tpu.memory_space<vmem_shared>>)
      %add3A_243 = arith.constant 2 : i32
      %add3A_244 = arith.addi %add3A_222, %add3A_243 : i32
      %dma_start3A_245 = arith.constant 0 : i32
      %dma_start3A_246 = tpu.memref_slice %arg7[%add3A_244, %dma_start3A_245] : memref<125x80xi32, #tpu.memory_space<vmem>> -> memref<1x80xi32, #tpu.memory_space<vmem>>
      %dma_start3A_247 = tpu.memref_squeeze %dma_start3A_246 : memref<1x80xi32, #tpu.memory_space<vmem>> -> memref<80xi32, #tpu.memory_space<vmem>>
      %dma_start3A_248 = arith.constant 0 : i32
      %dma_start3A_249 = arith.constant 0 : i32
      %dma_start3A_250 = tpu.memref_slice %arg14[%dma_start3A_248, %dma_start3A_249] : memref<10000x64xf32, #tpu.memory_space<vmem_shared>> -> memref<10000x64xf32, #tpu.memory_space<vmem_shared>>
      tpu.enqueue_indirect_dma source(%dma_start3A_250 : memref<10000x64xf32, #tpu.memory_space<vmem_shared>>) target(%arg11 : memref<80x64xf32, #tpu.memory_space<vmem>>) offsets(%dma_start3A_247 : memref<80xi32, #tpu.memory_space<vmem>>) semaphore(%arg17 : memref<!tpu.dma_semaphore, #tpu.memory_space<semaphore_mem>>)
      %add3A_251 = arith.constant 3 : i32
      %add3A_252 = arith.addi %add3A_161, %add3A_251 : i32
      %dma_wait3A_253 = arith.constant 0 : i32
      %dma_wait3A_254 = tpu.memref_slice %arg7[%add3A_252, %dma_wait3A_253] : memref<125x80xi32, #tpu.memory_space<vmem>> -> memref<1x80xi32, #tpu.memory_space<vmem>>
      %dma_wait3A_255 = tpu.memref_squeeze %dma_wait3A_254 : memref<1x80xi32, #tpu.memory_space<vmem>> -> memref<80xi32, #tpu.memory_space<vmem>>
      %dma_wait3A_256 = arith.constant 0 : i32
      %dma_wait3A_257 = arith.constant 0 : i32
      %dma_wait3A_258 = tpu.memref_slice %arg14[%dma_wait3A_256, %dma_wait3A_257] : memref<10000x64xf32, #tpu.memory_space<vmem_shared>> -> memref<10000x64xf32, #tpu.memory_space<vmem_shared>>
      tpu.wait_indirect_dma semaphore(%arg16 : memref<!tpu.dma_semaphore, #tpu.memory_space<semaphore_mem>>) src(%dma_wait3A_258 : memref<10000x64xf32, #tpu.memory_space<vmem_shared>>) dst(%arg10 : memref<80x64xf32, #tpu.memory_space<vmem>>)
      %dma_start3A_259 = arith.constant 0 : i32
      %dma_start3A_260 = tpu.memref_slice %arg8[%add3A_252, %dma_start3A_259] : memref<125x80xi32, #tpu.memory_space<vmem>> -> memref<1x80xi32, #tpu.memory_space<vmem>>
      %dma_start3A_261 = tpu.memref_squeeze %dma_start3A_260 : memref<1x80xi32, #tpu.memory_space<vmem>> -> memref<80xi32, #tpu.memory_space<vmem>>
      %dma_start3A_262 = arith.constant 0 : i32
      %dma_start3A_263 = arith.constant 0 : i32
      %dma_start3A_264 = tpu.memref_slice %arg13[%dma_start3A_262, %dma_start3A_263] : memref<10112x64xf32, #tpu.memory_space<vmem_shared>> -> memref<10112x64xf32, #tpu.memory_space<vmem_shared>>
      tpu.enqueue_indirect_dma source(%arg10 : memref<80x64xf32, #tpu.memory_space<vmem>>) target(%dma_start3A_264 : memref<10112x64xf32, #tpu.memory_space<vmem_shared>>) offsets(%dma_start3A_261 : memref<80xi32, #tpu.memory_space<vmem>>) semaphore(%arg20 : memref<!tpu.dma_semaphore, #tpu.memory_space<semaphore_mem>>) {add = true}
      %sub3A_265 = arith.constant 2 : i32
      %sub3A_266 = arith.subi %add3A_252, %sub3A_265 : i32
      %dma_wait3A_267 = arith.constant 0 : i32
      %dma_wait3A_268 = tpu.memref_slice %arg8[%sub3A_266, %dma_wait3A_267] : memref<125x80xi32, #tpu.memory_space<vmem>> -> memref<1x80xi32, #tpu.memory_space<vmem>>
      %dma_wait3A_269 = tpu.memref_squeeze %dma_wait3A_268 : memref<1x80xi32, #tpu.memory_space<vmem>> -> memref<80xi32, #tpu.memory_space<vmem>>
      %dma_wait3A_270 = arith.constant 0 : i32
      %dma_wait3A_271 = arith.constant 0 : i32
      %dma_wait3A_272 = tpu.memref_slice %arg13[%dma_wait3A_270, %dma_wait3A_271] : memref<10112x64xf32, #tpu.memory_space<vmem_shared>> -> memref<10112x64xf32, #tpu.memory_space<vmem_shared>>
      tpu.wait_indirect_dma semaphore(%arg22 : memref<!tpu.dma_semaphore, #tpu.memory_space<semaphore_mem>>) src(%arg12 : memref<80x64xf32, #tpu.memory_space<vmem>>) dst(%dma_wait3A_272 : memref<10112x64xf32, #tpu.memory_space<vmem_shared>>)
      %add3A_273 = arith.constant 2 : i32
      %add3A_274 = arith.addi %add3A_252, %add3A_273 : i32
      %dma_start3A_275 = arith.constant 0 : i32
      %dma_start3A_276 = tpu.memref_slice %arg7[%add3A_274, %dma_start3A_275] : memref<125x80xi32, #tpu.memory_space<vmem>> -> memref<1x80xi32, #tpu.memory_space<vmem>>
      %dma_start3A_277 = tpu.memref_squeeze %dma_start3A_276 : memref<1x80xi32, #tpu.memory_space<vmem>> -> memref<80xi32, #tpu.memory_space<vmem>>
      %dma_start3A_278 = arith.constant 0 : i32
      %dma_start3A_279 = arith.constant 0 : i32
      %dma_start3A_280 = tpu.memref_slice %arg14[%dma_start3A_278, %dma_start3A_279] : memref<10000x64xf32, #tpu.memory_space<vmem_shared>> -> memref<10000x64xf32, #tpu.memory_space<vmem_shared>>
      tpu.enqueue_indirect_dma source(%dma_start3A_280 : memref<10000x64xf32, #tpu.memory_space<vmem_shared>>) target(%arg12 : memref<80x64xf32, #tpu.memory_space<vmem>>) offsets(%dma_start3A_277 : memref<80xi32, #tpu.memory_space<vmem>>) semaphore(%arg18 : memref<!tpu.dma_semaphore, #tpu.memory_space<semaphore_mem>>)
    }
    %scan3A_67 = arith.constant 30 : i32
    %dma_wait3A_68 = arith.constant 122 : i32
    %dma_wait3A_69 = arith.constant 0 : i32
    %dma_wait3A_70 = tpu.memref_slice %arg7[%dma_wait3A_68, %dma_wait3A_69] : memref<125x80xi32, #tpu.memory_space<vmem>> -> memref<1x80xi32, #tpu.memory_space<vmem>>
    %dma_wait3A_71 = tpu.memref_squeeze %dma_wait3A_70 : memref<1x80xi32, #tpu.memory_space<vmem>> -> memref<80xi32, #tpu.memory_space<vmem>>
    %dma_wait3A_72 = arith.constant 0 : i32
    %dma_wait3A_73 = arith.constant 0 : i32
    %dma_wait3A_74 = tpu.memref_slice %arg14[%dma_wait3A_72, %dma_wait3A_73] : memref<10000x64xf32, #tpu.memory_space<vmem_shared>> -> memref<10000x64xf32, #tpu.memory_space<vmem_shared>>
    tpu.wait_indirect_dma semaphore(%arg17 : memref<!tpu.dma_semaphore, #tpu.memory_space<semaphore_mem>>) src(%dma_wait3A_74 : memref<10000x64xf32, #tpu.memory_space<vmem_shared>>) dst(%arg11 : memref<80x64xf32, #tpu.memory_space<vmem>>)
    %dma_start3A_75 = arith.constant 122 : i32
    %dma_start3A_76 = arith.constant 0 : i32
    %dma_start3A_77 = tpu.memref_slice %arg8[%dma_start3A_75, %dma_start3A_76] : memref<125x80xi32, #tpu.memory_space<vmem>> -> memref<1x80xi32, #tpu.memory_space<vmem>>
    %dma_start3A_78 = tpu.memref_squeeze %dma_start3A_77 : memref<1x80xi32, #tpu.memory_space<vmem>> -> memref<80xi32, #tpu.memory_space<vmem>>
    %dma_start3A_79 = arith.constant 0 : i32
    %dma_start3A_80 = arith.constant 0 : i32
    %dma_start3A_81 = tpu.memref_slice %arg13[%dma_start3A_79, %dma_start3A_80] : memref<10112x64xf32, #tpu.memory_space<vmem_shared>> -> memref<10112x64xf32, #tpu.memory_space<vmem_shared>>
    tpu.enqueue_indirect_dma source(%arg11 : memref<80x64xf32, #tpu.memory_space<vmem>>) target(%dma_start3A_81 : memref<10112x64xf32, #tpu.memory_space<vmem_shared>>) offsets(%dma_start3A_78 : memref<80xi32, #tpu.memory_space<vmem>>) semaphore(%arg21 : memref<!tpu.dma_semaphore, #tpu.memory_space<semaphore_mem>>) {add = true}
    %dma_wait3A_82 = arith.constant 120 : i32
    %dma_wait3A_83 = arith.constant 0 : i32
    %dma_wait3A_84 = tpu.memref_slice %arg8[%dma_wait3A_82, %dma_wait3A_83] : memref<125x80xi32, #tpu.memory_space<vmem>> -> memref<1x80xi32, #tpu.memory_space<vmem>>
    %dma_wait3A_85 = tpu.memref_squeeze %dma_wait3A_84 : memref<1x80xi32, #tpu.memory_space<vmem>> -> memref<80xi32, #tpu.memory_space<vmem>>
    %dma_wait3A_86 = arith.constant 0 : i32
    %dma_wait3A_87 = arith.constant 0 : i32
    %dma_wait3A_88 = tpu.memref_slice %arg13[%dma_wait3A_86, %dma_wait3A_87] : memref<10112x64xf32, #tpu.memory_space<vmem_shared>> -> memref<10112x64xf32, #tpu.memory_space<vmem_shared>>
    tpu.wait_indirect_dma semaphore(%arg19 : memref<!tpu.dma_semaphore, #tpu.memory_space<semaphore_mem>>) src(%arg9 : memref<80x64xf32, #tpu.memory_space<vmem>>) dst(%dma_wait3A_88 : memref<10112x64xf32, #tpu.memory_space<vmem_shared>>)
    %dma_start3A_89 = arith.constant 124 : i32
    %dma_start3A_90 = arith.constant 0 : i32
    %dma_start3A_91 = tpu.memref_slice %arg7[%dma_start3A_89, %dma_start3A_90] : memref<125x80xi32, #tpu.memory_space<vmem>> -> memref<1x80xi32, #tpu.memory_space<vmem>>
    %dma_start3A_92 = tpu.memref_squeeze %dma_start3A_91 : memref<1x80xi32, #tpu.memory_space<vmem>> -> memref<80xi32, #tpu.memory_space<vmem>>
    %dma_start3A_93 = arith.constant 0 : i32
    %dma_start3A_94 = arith.constant 0 : i32
    %dma_start3A_95 = tpu.memref_slice %arg14[%dma_start3A_93, %dma_start3A_94] : memref<10000x64xf32, #tpu.memory_space<vmem_shared>> -> memref<10000x64xf32, #tpu.memory_space<vmem_shared>>
    tpu.enqueue_indirect_dma source(%dma_start3A_95 : memref<10000x64xf32, #tpu.memory_space<vmem_shared>>) target(%arg9 : memref<80x64xf32, #tpu.memory_space<vmem>>) offsets(%dma_start3A_92 : memref<80xi32, #tpu.memory_space<vmem>>) semaphore(%arg15 : memref<!tpu.dma_semaphore, #tpu.memory_space<semaphore_mem>>)
    %dma_wait3A_96 = arith.constant 123 : i32
    %dma_wait3A_97 = arith.constant 0 : i32
    %dma_wait3A_98 = tpu.memref_slice %arg7[%dma_wait3A_96, %dma_wait3A_97] : memref<125x80xi32, #tpu.memory_space<vmem>> -> memref<1x80xi32, #tpu.memory_space<vmem>>
    %dma_wait3A_99 = tpu.memref_squeeze %dma_wait3A_98 : memref<1x80xi32, #tpu.memory_space<vmem>> -> memref<80xi32, #tpu.memory_space<vmem>>
    %dma_wait3A_100 = arith.constant 0 : i32
    %dma_wait3A_101 = arith.constant 0 : i32
    %dma_wait3A_102 = tpu.memref_slice %arg14[%dma_wait3A_100, %dma_wait3A_101] : memref<10000x64xf32, #tpu.memory_space<vmem_shared>> -> memref<10000x64xf32, #tpu.memory_space<vmem_shared>>
    tpu.wait_indirect_dma semaphore(%arg18 : memref<!tpu.dma_semaphore, #tpu.memory_space<semaphore_mem>>) src(%dma_wait3A_102 : memref<10000x64xf32, #tpu.memory_space<vmem_shared>>) dst(%arg12 : memref<80x64xf32, #tpu.memory_space<vmem>>)
    %dma_start3A_103 = arith.constant 123 : i32
    %dma_start3A_104 = arith.constant 0 : i32
    %dma_start3A_105 = tpu.memref_slice %arg8[%dma_start3A_103, %dma_start3A_104] : memref<125x80xi32, #tpu.memory_space<vmem>> -> memref<1x80xi32, #tpu.memory_space<vmem>>
    %dma_start3A_106 = tpu.memref_squeeze %dma_start3A_105 : memref<1x80xi32, #tpu.memory_space<vmem>> -> memref<80xi32, #tpu.memory_space<vmem>>
    %dma_start3A_107 = arith.constant 0 : i32
    %dma_start3A_108 = arith.constant 0 : i32
    %dma_start3A_109 = tpu.memref_slice %arg13[%dma_start3A_107, %dma_start3A_108] : memref<10112x64xf32, #tpu.memory_space<vmem_shared>> -> memref<10112x64xf32, #tpu.memory_space<vmem_shared>>
    tpu.enqueue_indirect_dma source(%arg12 : memref<80x64xf32, #tpu.memory_space<vmem>>) target(%dma_start3A_109 : memref<10112x64xf32, #tpu.memory_space<vmem_shared>>) offsets(%dma_start3A_106 : memref<80xi32, #tpu.memory_space<vmem>>) semaphore(%arg22 : memref<!tpu.dma_semaphore, #tpu.memory_space<semaphore_mem>>) {add = true}
    %dma_wait3A_110 = arith.constant 124 : i32
    %dma_wait3A_111 = arith.constant 0 : i32
    %dma_wait3A_112 = tpu.memref_slice %arg7[%dma_wait3A_110, %dma_wait3A_111] : memref<125x80xi32, #tpu.memory_space<vmem>> -> memref<1x80xi32, #tpu.memory_space<vmem>>
    %dma_wait3A_113 = tpu.memref_squeeze %dma_wait3A_112 : memref<1x80xi32, #tpu.memory_space<vmem>> -> memref<80xi32, #tpu.memory_space<vmem>>
    %dma_wait3A_114 = arith.constant 0 : i32
    %dma_wait3A_115 = arith.constant 0 : i32
    %dma_wait3A_116 = tpu.memref_slice %arg14[%dma_wait3A_114, %dma_wait3A_115] : memref<10000x64xf32, #tpu.memory_space<vmem_shared>> -> memref<10000x64xf32, #tpu.memory_space<vmem_shared>>
    tpu.wait_indirect_dma semaphore(%arg15 : memref<!tpu.dma_semaphore, #tpu.memory_space<semaphore_mem>>) src(%dma_wait3A_116 : memref<10000x64xf32, #tpu.memory_space<vmem_shared>>) dst(%arg9 : memref<80x64xf32, #tpu.memory_space<vmem>>)
    %dma_start3A_117 = arith.constant 124 : i32
    %dma_start3A_118 = arith.constant 0 : i32
    %dma_start3A_119 = tpu.memref_slice %arg8[%dma_start3A_117, %dma_start3A_118] : memref<125x80xi32, #tpu.memory_space<vmem>> -> memref<1x80xi32, #tpu.memory_space<vmem>>
    %dma_start3A_120 = tpu.memref_squeeze %dma_start3A_119 : memref<1x80xi32, #tpu.memory_space<vmem>> -> memref<80xi32, #tpu.memory_space<vmem>>
    %dma_start3A_121 = arith.constant 0 : i32
    %dma_start3A_122 = arith.constant 0 : i32
    %dma_start3A_123 = tpu.memref_slice %arg13[%dma_start3A_121, %dma_start3A_122] : memref<10112x64xf32, #tpu.memory_space<vmem_shared>> -> memref<10112x64xf32, #tpu.memory_space<vmem_shared>>
    tpu.enqueue_indirect_dma source(%arg9 : memref<80x64xf32, #tpu.memory_space<vmem>>) target(%dma_start3A_123 : memref<10112x64xf32, #tpu.memory_space<vmem_shared>>) offsets(%dma_start3A_120 : memref<80xi32, #tpu.memory_space<vmem>>) semaphore(%arg19 : memref<!tpu.dma_semaphore, #tpu.memory_space<semaphore_mem>>) {add = true}
    %dma_wait3A_124 = arith.constant 121 : i32
    %dma_wait3A_125 = arith.constant 0 : i32
    %dma_wait3A_126 = tpu.memref_slice %arg8[%dma_wait3A_124, %dma_wait3A_125] : memref<125x80xi32, #tpu.memory_space<vmem>> -> memref<1x80xi32, #tpu.memory_space<vmem>>
    %dma_wait3A_127 = tpu.memref_squeeze %dma_wait3A_126 : memref<1x80xi32, #tpu.memory_space<vmem>> -> memref<80xi32, #tpu.memory_space<vmem>>
    %dma_wait3A_128 = arith.constant 0 : i32
    %dma_wait3A_129 = arith.constant 0 : i32
    %dma_wait3A_130 = tpu.memref_slice %arg13[%dma_wait3A_128, %dma_wait3A_129] : memref<10112x64xf32, #tpu.memory_space<vmem_shared>> -> memref<10112x64xf32, #tpu.memory_space<vmem_shared>>
    tpu.wait_indirect_dma semaphore(%arg20 : memref<!tpu.dma_semaphore, #tpu.memory_space<semaphore_mem>>) src(%arg10 : memref<80x64xf32, #tpu.memory_space<vmem>>) dst(%dma_wait3A_130 : memref<10112x64xf32, #tpu.memory_space<vmem_shared>>)
    %dma_wait3A_131 = arith.constant 122 : i32
    %dma_wait3A_132 = arith.constant 0 : i32
    %dma_wait3A_133 = tpu.memref_slice %arg8[%dma_wait3A_131, %dma_wait3A_132] : memref<125x80xi32, #tpu.memory_space<vmem>> -> memref<1x80xi32, #tpu.memory_space<vmem>>
    %dma_wait3A_134 = tpu.memref_squeeze %dma_wait3A_133 : memref<1x80xi32, #tpu.memory_space<vmem>> -> memref<80xi32, #tpu.memory_space<vmem>>
    %dma_wait3A_135 = arith.constant 0 : i32
    %dma_wait3A_136 = arith.constant 0 : i32
    %dma_wait3A_137 = tpu.memref_slice %arg13[%dma_wait3A_135, %dma_wait3A_136] : memref<10112x64xf32, #tpu.memory_space<vmem_shared>> -> memref<10112x64xf32, #tpu.memory_space<vmem_shared>>
    tpu.wait_indirect_dma semaphore(%arg21 : memref<!tpu.dma_semaphore, #tpu.memory_space<semaphore_mem>>) src(%arg11 : memref<80x64xf32, #tpu.memory_space<vmem>>) dst(%dma_wait3A_137 : memref<10112x64xf32, #tpu.memory_space<vmem_shared>>)
    %dma_wait3A_138 = arith.constant 123 : i32
    %dma_wait3A_139 = arith.constant 0 : i32
    %dma_wait3A_140 = tpu.memref_slice %arg8[%dma_wait3A_138, %dma_wait3A_139] : memref<125x80xi32, #tpu.memory_space<vmem>> -> memref<1x80xi32, #tpu.memory_space<vmem>>
    %dma_wait3A_141 = tpu.memref_squeeze %dma_wait3A_140 : memref<1x80xi32, #tpu.memory_space<vmem>> -> memref<80xi32, #tpu.memory_space<vmem>>
    %dma_wait3A_142 = arith.constant 0 : i32
    %dma_wait3A_143 = arith.constant 0 : i32
    %dma_wait3A_144 = tpu.memref_slice %arg13[%dma_wait3A_142, %dma_wait3A_143] : memref<10112x64xf32, #tpu.memory_space<vmem_shared>> -> memref<10112x64xf32, #tpu.memory_space<vmem_shared>>
    tpu.wait_indirect_dma semaphore(%arg22 : memref<!tpu.dma_semaphore, #tpu.memory_space<semaphore_mem>>) src(%arg12 : memref<80x64xf32, #tpu.memory_space<vmem>>) dst(%dma_wait3A_144 : memref<10112x64xf32, #tpu.memory_space<vmem_shared>>)
    %dma_wait3A_145 = arith.constant 124 : i32
    %dma_wait3A_146 = arith.constant 0 : i32
    %dma_wait3A_147 = tpu.memref_slice %arg8[%dma_wait3A_145, %dma_wait3A_146] : memref<125x80xi32, #tpu.memory_space<vmem>> -> memref<1x80xi32, #tpu.memory_space<vmem>>
    %dma_wait3A_148 = tpu.memref_squeeze %dma_wait3A_147 : memref<1x80xi32, #tpu.memory_space<vmem>> -> memref<80xi32, #tpu.memory_space<vmem>>
    %dma_wait3A_149 = arith.constant 0 : i32
    %dma_wait3A_150 = arith.constant 0 : i32
    %dma_wait3A_151 = tpu.memref_slice %arg13[%dma_wait3A_149, %dma_wait3A_150] : memref<10112x64xf32, #tpu.memory_space<vmem_shared>> -> memref<10112x64xf32, #tpu.memory_space<vmem_shared>>
    tpu.wait_indirect_dma semaphore(%arg19 : memref<!tpu.dma_semaphore, #tpu.memory_space<semaphore_mem>>) src(%arg9 : memref<80x64xf32, #tpu.memory_space<vmem>>) dst(%dma_wait3A_151 : memref<10112x64xf32, #tpu.memory_space<vmem_shared>>)
    %barrier3A_152 = arith.constant 0 : index
    tpu.barrier barrier_id(%barrier3A_152)
    %mul3A_153 = arith.constant 632 : i32
    %mul3A_154 = arith.muli %arg1, %mul3A_153 : i32
    %mul3A_155 = arith.constant 632 : i32
    %mul3A_156 = arith.muli %arg1, %mul3A_155 : i32
    "tpu.region"() ({
      %run_scoped3A = tpu.sem_alloc : memref<!tpu.dma_semaphore, #tpu.memory_space<semaphore_mem>>
      %dma_start3A_157 = arith.constant 0 : i32
      %dma_start3A_158 = tpu.memref_slice %arg6[%arg0, %mul3A_156, %dma_start3A_157] : memref<2x10112x64xf32, #tpu.memory_space<hbm>> -> memref<1x632x64xf32, #tpu.memory_space<hbm>>
      %dma_start3A_159 = tpu.memref_squeeze %dma_start3A_158 : memref<1x632x64xf32, #tpu.memory_space<hbm>> -> memref<632x64xf32, #tpu.memory_space<hbm>>
      %dma_start3A_160 = arith.constant 0 : i32
      %dma_start3A_161 = tpu.memref_slice %arg13[%mul3A_154, %dma_start3A_160] : memref<10112x64xf32, #tpu.memory_space<vmem_shared>> -> memref<632x64xf32, #tpu.memory_space<vmem_shared>>
      tpu.enqueue_dma source(%dma_start3A_161 : memref<632x64xf32, #tpu.memory_space<vmem_shared>>) target(%dma_start3A_159 : memref<632x64xf32, #tpu.memory_space<hbm>>) target_semaphore(%run_scoped3A : memref<!tpu.dma_semaphore, #tpu.memory_space<semaphore_mem>>)
      %dma_wait3A_162 = arith.constant 0 : i32
      %dma_wait3A_163 = tpu.memref_slice %arg6[%arg0, %mul3A_156, %dma_wait3A_162] : memref<2x10112x64xf32, #tpu.memory_space<hbm>> -> memref<1x632x64xf32, #tpu.memory_space<hbm>>
      %dma_wait3A_164 = tpu.memref_squeeze %dma_wait3A_163 : memref<1x632x64xf32, #tpu.memory_space<hbm>> -> memref<632x64xf32, #tpu.memory_space<hbm>>
      %dma_wait3A_165 = arith.constant 0 : i32
      %dma_wait3A_166 = tpu.memref_slice %arg13[%mul3A_154, %dma_wait3A_165] : memref<10112x64xf32, #tpu.memory_space<vmem_shared>> -> memref<632x64xf32, #tpu.memory_space<vmem_shared>>
      tpu.wait_dma2 semaphore(%run_scoped3A : memref<!tpu.dma_semaphore, #tpu.memory_space<semaphore_mem>>) src(%dma_wait3A_166 : memref<632x64xf32, #tpu.memory_space<vmem_shared>>) dst(%dma_wait3A_164 : memref<632x64xf32, #tpu.memory_space<hbm>>)
      tpu.yield
    }) : () -> ()
    return
  }
}

#map = affine_map<(d0, d1) -> (0, 0)>
#map1 = affine_map<(d0, d1) -> (0, 0, 0)>
module attributes {stable_mosaic.version = 14 : i64} {
  func.func @_sc_agg(%arg0: i32, %arg1: i32, %arg2: memref<10000x64xf32, #tpu.memory_space<hbm>>, %arg3: memref<32x125x80xi32, #tpu.memory_space<hbm>>, %arg4: memref<32x125x80xi32, #tpu.memory_space<hbm>>, %arg5: memref<10112x64xf32, #tpu.memory_space<hbm>>, %arg6: memref<2x10112x64xf32, #tpu.memory_space<hbm>>, %arg7: memref<125x80xi32, #tpu.memory_space<vmem>>, %arg8: memref<125x80xi32, #tpu.memory_space<vmem>>, %arg9: memref<80x64xf32, #tpu.memory_space<vmem>>, %arg10: memref<80x64xf32, #tpu.memory_space<vmem>>, %arg11: memref<80x64xf32, #tpu.memory_space<vmem>>, %arg12: memref<80x64xf32, #tpu.memory_space<vmem>>, %arg13: memref<10112x64xf32, #tpu.memory_space<vmem_shared>>, %arg14: memref<10000x64xf32, #tpu.memory_space<vmem_shared>>, %arg15: memref<!tpu.dma_semaphore, #tpu.memory_space<semaphore_mem>>, %arg16: memref<!tpu.dma_semaphore, #tpu.memory_space<semaphore_mem>>, %arg17: memref<!tpu.dma_semaphore, #tpu.memory_space<semaphore_mem>>, %arg18: memref<!tpu.dma_semaphore, #tpu.memory_space<semaphore_mem>>, %arg19: memref<!tpu.dma_semaphore, #tpu.memory_space<semaphore_mem>>, %arg20: memref<!tpu.dma_semaphore, #tpu.memory_space<semaphore_mem>>, %arg21: memref<!tpu.dma_semaphore, #tpu.memory_space<semaphore_mem>>, %arg22: memref<!tpu.dma_semaphore, #tpu.memory_space<semaphore_mem>>) attributes {dimension_semantics = [#tpu.dimension_semantics<core_parallel>, #tpu.dimension_semantics<subcore_parallel>], iteration_bounds = array<i64: 2, 16>, scalar_prefetch = 0 : i64, scratch_operands = 16 : i64, tpu.core_type = #tpu.core_type<sc_vector_subcore>, window_params = [{transform_indices = #map}, {transform_indices = #map1}, {transform_indices = #map1}, {transform_indices = #map}, {transform_indices = #map1}]} {
    %mul3A = arith.constant 16 : i32
    %mul3A_0 = arith.muli %arg0, %mul3A : i32
    %add3A = arith.addi %mul3A_0, %arg1 : i32
    "tpu.region"() ({
      %run_scoped3A = tpu.sem_alloc : memref<!tpu.dma_semaphore, #tpu.memory_space<semaphore_mem>>
      %dma_start3A_157 = arith.constant 0 : i32
      %dma_start3A_158 = arith.constant 0 : i32
      %dma_start3A_159 = tpu.memref_slice %arg3[%add3A, %dma_start3A_157, %dma_start3A_158] : memref<32x125x80xi32, #tpu.memory_space<hbm>> -> memref<1x125x80xi32, #tpu.memory_space<hbm>>
      %dma_start3A_160 = tpu.memref_squeeze %dma_start3A_159 : memref<1x125x80xi32, #tpu.memory_space<hbm>> -> memref<125x80xi32, #tpu.memory_space<hbm>>
      %dma_start3A_161 = arith.constant 0 : i32
      %dma_start3A_162 = arith.constant 0 : i32
      %dma_start3A_163 = tpu.memref_slice %arg3[%add3A, %dma_start3A_161, %dma_start3A_162] : memref<32x125x80xi32, #tpu.memory_space<hbm>> -> memref<1x125x80xi32, #tpu.memory_space<hbm>>
      %dma_start3A_164 = tpu.memref_squeeze %dma_start3A_163 : memref<1x125x80xi32, #tpu.memory_space<hbm>> -> memref<125x80xi32, #tpu.memory_space<hbm>>
      tpu.enqueue_dma source(%dma_start3A_164 : memref<125x80xi32, #tpu.memory_space<hbm>>) target(%arg7 : memref<125x80xi32, #tpu.memory_space<vmem>>) target_semaphore(%run_scoped3A : memref<!tpu.dma_semaphore, #tpu.memory_space<semaphore_mem>>)
      %dma_wait3A_165 = arith.constant 0 : i32
      %dma_wait3A_166 = arith.constant 0 : i32
      %dma_wait3A_167 = tpu.memref_slice %arg3[%add3A, %dma_wait3A_165, %dma_wait3A_166] : memref<32x125x80xi32, #tpu.memory_space<hbm>> -> memref<1x125x80xi32, #tpu.memory_space<hbm>>
      %dma_wait3A_168 = tpu.memref_squeeze %dma_wait3A_167 : memref<1x125x80xi32, #tpu.memory_space<hbm>> -> memref<125x80xi32, #tpu.memory_space<hbm>>
      %dma_wait3A_169 = arith.constant 0 : i32
      %dma_wait3A_170 = arith.constant 0 : i32
      %dma_wait3A_171 = tpu.memref_slice %arg3[%add3A, %dma_wait3A_169, %dma_wait3A_170] : memref<32x125x80xi32, #tpu.memory_space<hbm>> -> memref<1x125x80xi32, #tpu.memory_space<hbm>>
      %dma_wait3A_172 = tpu.memref_squeeze %dma_wait3A_171 : memref<1x125x80xi32, #tpu.memory_space<hbm>> -> memref<125x80xi32, #tpu.memory_space<hbm>>
      tpu.wait_dma2 semaphore(%run_scoped3A : memref<!tpu.dma_semaphore, #tpu.memory_space<semaphore_mem>>) src(%dma_wait3A_172 : memref<125x80xi32, #tpu.memory_space<hbm>>) dst(%arg7 : memref<125x80xi32, #tpu.memory_space<vmem>>)
      tpu.yield
    }) : () -> ()
    "tpu.region"() ({
      %run_scoped3A = tpu.sem_alloc : memref<!tpu.dma_semaphore, #tpu.memory_space<semaphore_mem>>
      %dma_start3A_157 = arith.constant 0 : i32
      %dma_start3A_158 = arith.constant 0 : i32
      %dma_start3A_159 = tpu.memref_slice %arg4[%add3A, %dma_start3A_157, %dma_start3A_158] : memref<32x125x80xi32, #tpu.memory_space<hbm>> -> memref<1x125x80xi32, #tpu.memory_space<hbm>>
      %dma_start3A_160 = tpu.memref_squeeze %dma_start3A_159 : memref<1x125x80xi32, #tpu.memory_space<hbm>> -> memref<125x80xi32, #tpu.memory_space<hbm>>
      %dma_start3A_161 = arith.constant 0 : i32
      %dma_start3A_162 = arith.constant 0 : i32
      %dma_start3A_163 = tpu.memref_slice %arg4[%add3A, %dma_start3A_161, %dma_start3A_162] : memref<32x125x80xi32, #tpu.memory_space<hbm>> -> memref<1x125x80xi32, #tpu.memory_space<hbm>>
      %dma_start3A_164 = tpu.memref_squeeze %dma_start3A_163 : memref<1x125x80xi32, #tpu.memory_space<hbm>> -> memref<125x80xi32, #tpu.memory_space<hbm>>
      tpu.enqueue_dma source(%dma_start3A_164 : memref<125x80xi32, #tpu.memory_space<hbm>>) target(%arg8 : memref<125x80xi32, #tpu.memory_space<vmem>>) target_semaphore(%run_scoped3A : memref<!tpu.dma_semaphore, #tpu.memory_space<semaphore_mem>>)
      %dma_wait3A_165 = arith.constant 0 : i32
      %dma_wait3A_166 = arith.constant 0 : i32
      %dma_wait3A_167 = tpu.memref_slice %arg4[%add3A, %dma_wait3A_165, %dma_wait3A_166] : memref<32x125x80xi32, #tpu.memory_space<hbm>> -> memref<1x125x80xi32, #tpu.memory_space<hbm>>
      %dma_wait3A_168 = tpu.memref_squeeze %dma_wait3A_167 : memref<1x125x80xi32, #tpu.memory_space<hbm>> -> memref<125x80xi32, #tpu.memory_space<hbm>>
      %dma_wait3A_169 = arith.constant 0 : i32
      %dma_wait3A_170 = arith.constant 0 : i32
      %dma_wait3A_171 = tpu.memref_slice %arg4[%add3A, %dma_wait3A_169, %dma_wait3A_170] : memref<32x125x80xi32, #tpu.memory_space<hbm>> -> memref<1x125x80xi32, #tpu.memory_space<hbm>>
      %dma_wait3A_172 = tpu.memref_squeeze %dma_wait3A_171 : memref<1x125x80xi32, #tpu.memory_space<hbm>> -> memref<125x80xi32, #tpu.memory_space<hbm>>
      tpu.wait_dma2 semaphore(%run_scoped3A : memref<!tpu.dma_semaphore, #tpu.memory_space<semaphore_mem>>) src(%dma_wait3A_172 : memref<125x80xi32, #tpu.memory_space<hbm>>) dst(%arg8 : memref<125x80xi32, #tpu.memory_space<vmem>>)
      tpu.yield
    }) : () -> ()
    %mul3A_1 = arith.constant 632 : i32
    %mul3A_2 = arith.muli %arg1, %mul3A_1 : i32
    %mul3A_3 = arith.constant 632 : i32
    %mul3A_4 = arith.muli %arg1, %mul3A_3 : i32
    "tpu.region"() ({
      %run_scoped3A = tpu.sem_alloc : memref<!tpu.dma_semaphore, #tpu.memory_space<semaphore_mem>>
      %dma_start3A_157 = arith.constant 0 : i32
      %dma_start3A_158 = tpu.memref_slice %arg13[%mul3A_4, %dma_start3A_157] : memref<10112x64xf32, #tpu.memory_space<vmem_shared>> -> memref<632x64xf32, #tpu.memory_space<vmem_shared>>
      %dma_start3A_159 = arith.constant 0 : i32
      %dma_start3A_160 = tpu.memref_slice %arg5[%mul3A_2, %dma_start3A_159] : memref<10112x64xf32, #tpu.memory_space<hbm>> -> memref<632x64xf32, #tpu.memory_space<hbm>>
      tpu.enqueue_dma source(%dma_start3A_160 : memref<632x64xf32, #tpu.memory_space<hbm>>) target(%dma_start3A_158 : memref<632x64xf32, #tpu.memory_space<vmem_shared>>) target_semaphore(%run_scoped3A : memref<!tpu.dma_semaphore, #tpu.memory_space<semaphore_mem>>)
      %dma_wait3A_161 = arith.constant 0 : i32
      %dma_wait3A_162 = tpu.memref_slice %arg13[%mul3A_4, %dma_wait3A_161] : memref<10112x64xf32, #tpu.memory_space<vmem_shared>> -> memref<632x64xf32, #tpu.memory_space<vmem_shared>>
      %dma_wait3A_163 = arith.constant 0 : i32
      %dma_wait3A_164 = tpu.memref_slice %arg5[%mul3A_2, %dma_wait3A_163] : memref<10112x64xf32, #tpu.memory_space<hbm>> -> memref<632x64xf32, #tpu.memory_space<hbm>>
      tpu.wait_dma2 semaphore(%run_scoped3A : memref<!tpu.dma_semaphore, #tpu.memory_space<semaphore_mem>>) src(%dma_wait3A_164 : memref<632x64xf32, #tpu.memory_space<hbm>>) dst(%dma_wait3A_162 : memref<632x64xf32, #tpu.memory_space<vmem_shared>>)
      tpu.yield
    }) : () -> ()
    %mul3A_5 = arith.constant 625 : i32
    %mul3A_6 = arith.muli %arg1, %mul3A_5 : i32
    %mul3A_7 = arith.constant 625 : i32
    %mul3A_8 = arith.muli %arg1, %mul3A_7 : i32
    "tpu.region"() ({
      %run_scoped3A = tpu.sem_alloc : memref<!tpu.dma_semaphore, #tpu.memory_space<semaphore_mem>>
      %dma_start3A_157 = arith.constant 0 : i32
      %dma_start3A_158 = tpu.memref_slice %arg14[%mul3A_8, %dma_start3A_157] : memref<10000x64xf32, #tpu.memory_space<vmem_shared>> -> memref<625x64xf32, #tpu.memory_space<vmem_shared>>
      %dma_start3A_159 = arith.constant 0 : i32
      %dma_start3A_160 = tpu.memref_slice %arg2[%mul3A_6, %dma_start3A_159] : memref<10000x64xf32, #tpu.memory_space<hbm>> -> memref<625x64xf32, #tpu.memory_space<hbm>>
      tpu.enqueue_dma source(%dma_start3A_160 : memref<625x64xf32, #tpu.memory_space<hbm>>) target(%dma_start3A_158 : memref<625x64xf32, #tpu.memory_space<vmem_shared>>) target_semaphore(%run_scoped3A : memref<!tpu.dma_semaphore, #tpu.memory_space<semaphore_mem>>)
      %dma_wait3A_161 = arith.constant 0 : i32
      %dma_wait3A_162 = tpu.memref_slice %arg14[%mul3A_8, %dma_wait3A_161] : memref<10000x64xf32, #tpu.memory_space<vmem_shared>> -> memref<625x64xf32, #tpu.memory_space<vmem_shared>>
      %dma_wait3A_163 = arith.constant 0 : i32
      %dma_wait3A_164 = tpu.memref_slice %arg2[%mul3A_6, %dma_wait3A_163] : memref<10000x64xf32, #tpu.memory_space<hbm>> -> memref<625x64xf32, #tpu.memory_space<hbm>>
      tpu.wait_dma2 semaphore(%run_scoped3A : memref<!tpu.dma_semaphore, #tpu.memory_space<semaphore_mem>>) src(%dma_wait3A_164 : memref<625x64xf32, #tpu.memory_space<hbm>>) dst(%dma_wait3A_162 : memref<625x64xf32, #tpu.memory_space<vmem_shared>>)
      tpu.yield
    }) : () -> ()
    %barrier3A = arith.constant 0 : index
    tpu.barrier barrier_id(%barrier3A)
    %dma_start3A = arith.constant 0 : i32
    %dma_start3A_9 = arith.constant 0 : i32
    %dma_start3A_10 = tpu.memref_slice %arg7[%dma_start3A, %dma_start3A_9] : memref<125x80xi32, #tpu.memory_space<vmem>> -> memref<1x80xi32, #tpu.memory_space<vmem>>
    %dma_start3A_11 = tpu.memref_squeeze %dma_start3A_10 : memref<1x80xi32, #tpu.memory_space<vmem>> -> memref<80xi32, #tpu.memory_space<vmem>>
    %dma_start3A_12 = arith.constant 0 : i32
    %dma_start3A_13 = arith.constant 0 : i32
    %dma_start3A_14 = tpu.memref_slice %arg14[%dma_start3A_12, %dma_start3A_13] : memref<10000x64xf32, #tpu.memory_space<vmem_shared>> -> memref<10000x64xf32, #tpu.memory_space<vmem_shared>>
    tpu.enqueue_indirect_dma source(%dma_start3A_14 : memref<10000x64xf32, #tpu.memory_space<vmem_shared>>) target(%arg9 : memref<80x64xf32, #tpu.memory_space<vmem>>) offsets(%dma_start3A_11 : memref<80xi32, #tpu.memory_space<vmem>>) semaphore(%arg15 : memref<!tpu.dma_semaphore, #tpu.memory_space<semaphore_mem>>)
    %dma_start3A_15 = arith.constant 1 : i32
    %dma_start3A_16 = arith.constant 0 : i32
    %dma_start3A_17 = tpu.memref_slice %arg7[%dma_start3A_15, %dma_start3A_16] : memref<125x80xi32, #tpu.memory_space<vmem>> -> memref<1x80xi32, #tpu.memory_space<vmem>>
    %dma_start3A_18 = tpu.memref_squeeze %dma_start3A_17 : memref<1x80xi32, #tpu.memory_space<vmem>> -> memref<80xi32, #tpu.memory_space<vmem>>
    %dma_start3A_19 = arith.constant 0 : i32
    %dma_start3A_20 = arith.constant 0 : i32
    %dma_start3A_21 = tpu.memref_slice %arg14[%dma_start3A_19, %dma_start3A_20] : memref<10000x64xf32, #tpu.memory_space<vmem_shared>> -> memref<10000x64xf32, #tpu.memory_space<vmem_shared>>
    tpu.enqueue_indirect_dma source(%dma_start3A_21 : memref<10000x64xf32, #tpu.memory_space<vmem_shared>>) target(%arg10 : memref<80x64xf32, #tpu.memory_space<vmem>>) offsets(%dma_start3A_18 : memref<80xi32, #tpu.memory_space<vmem>>) semaphore(%arg16 : memref<!tpu.dma_semaphore, #tpu.memory_space<semaphore_mem>>)
    %dma_wait3A = arith.constant 0 : i32
    %dma_wait3A_22 = arith.constant 0 : i32
    %dma_wait3A_23 = tpu.memref_slice %arg7[%dma_wait3A, %dma_wait3A_22] : memref<125x80xi32, #tpu.memory_space<vmem>> -> memref<1x80xi32, #tpu.memory_space<vmem>>
    %dma_wait3A_24 = tpu.memref_squeeze %dma_wait3A_23 : memref<1x80xi32, #tpu.memory_space<vmem>> -> memref<80xi32, #tpu.memory_space<vmem>>
    %dma_wait3A_25 = arith.constant 0 : i32
    %dma_wait3A_26 = arith.constant 0 : i32
    %dma_wait3A_27 = tpu.memref_slice %arg14[%dma_wait3A_25, %dma_wait3A_26] : memref<10000x64xf32, #tpu.memory_space<vmem_shared>> -> memref<10000x64xf32, #tpu.memory_space<vmem_shared>>
    tpu.wait_indirect_dma semaphore(%arg15 : memref<!tpu.dma_semaphore, #tpu.memory_space<semaphore_mem>>) src(%dma_wait3A_27 : memref<10000x64xf32, #tpu.memory_space<vmem_shared>>) dst(%arg9 : memref<80x64xf32, #tpu.memory_space<vmem>>)
    %dma_start3A_28 = arith.constant 0 : i32
    %dma_start3A_29 = arith.constant 0 : i32
    %dma_start3A_30 = tpu.memref_slice %arg8[%dma_start3A_28, %dma_start3A_29] : memref<125x80xi32, #tpu.memory_space<vmem>> -> memref<1x80xi32, #tpu.memory_space<vmem>>
    %dma_start3A_31 = tpu.memref_squeeze %dma_start3A_30 : memref<1x80xi32, #tpu.memory_space<vmem>> -> memref<80xi32, #tpu.memory_space<vmem>>
    %dma_start3A_32 = arith.constant 0 : i32
    %dma_start3A_33 = arith.constant 0 : i32
    %dma_start3A_34 = tpu.memref_slice %arg13[%dma_start3A_32, %dma_start3A_33] : memref<10112x64xf32, #tpu.memory_space<vmem_shared>> -> memref<10112x64xf32, #tpu.memory_space<vmem_shared>>
    tpu.enqueue_indirect_dma source(%arg9 : memref<80x64xf32, #tpu.memory_space<vmem>>) target(%dma_start3A_34 : memref<10112x64xf32, #tpu.memory_space<vmem_shared>>) offsets(%dma_start3A_31 : memref<80xi32, #tpu.memory_space<vmem>>) semaphore(%arg19 : memref<!tpu.dma_semaphore, #tpu.memory_space<semaphore_mem>>) {add = true}
    %dma_start3A_35 = arith.constant 2 : i32
    %dma_start3A_36 = arith.constant 0 : i32
    %dma_start3A_37 = tpu.memref_slice %arg7[%dma_start3A_35, %dma_start3A_36] : memref<125x80xi32, #tpu.memory_space<vmem>> -> memref<1x80xi32, #tpu.memory_space<vmem>>
    %dma_start3A_38 = tpu.memref_squeeze %dma_start3A_37 : memref<1x80xi32, #tpu.memory_space<vmem>> -> memref<80xi32, #tpu.memory_space<vmem>>
    %dma_start3A_39 = arith.constant 0 : i32
    %dma_start3A_40 = arith.constant 0 : i32
    %dma_start3A_41 = tpu.memref_slice %arg14[%dma_start3A_39, %dma_start3A_40] : memref<10000x64xf32, #tpu.memory_space<vmem_shared>> -> memref<10000x64xf32, #tpu.memory_space<vmem_shared>>
    tpu.enqueue_indirect_dma source(%dma_start3A_41 : memref<10000x64xf32, #tpu.memory_space<vmem_shared>>) target(%arg11 : memref<80x64xf32, #tpu.memory_space<vmem>>) offsets(%dma_start3A_38 : memref<80xi32, #tpu.memory_space<vmem>>) semaphore(%arg17 : memref<!tpu.dma_semaphore, #tpu.memory_space<semaphore_mem>>)
    %dma_wait3A_42 = arith.constant 1 : i32
    %dma_wait3A_43 = arith.constant 0 : i32
    %dma_wait3A_44 = tpu.memref_slice %arg7[%dma_wait3A_42, %dma_wait3A_43] : memref<125x80xi32, #tpu.memory_space<vmem>> -> memref<1x80xi32, #tpu.memory_space<vmem>>
    %dma_wait3A_45 = tpu.memref_squeeze %dma_wait3A_44 : memref<1x80xi32, #tpu.memory_space<vmem>> -> memref<80xi32, #tpu.memory_space<vmem>>
    %dma_wait3A_46 = arith.constant 0 : i32
    %dma_wait3A_47 = arith.constant 0 : i32
    %dma_wait3A_48 = tpu.memref_slice %arg14[%dma_wait3A_46, %dma_wait3A_47] : memref<10000x64xf32, #tpu.memory_space<vmem_shared>> -> memref<10000x64xf32, #tpu.memory_space<vmem_shared>>
    tpu.wait_indirect_dma semaphore(%arg16 : memref<!tpu.dma_semaphore, #tpu.memory_space<semaphore_mem>>) src(%dma_wait3A_48 : memref<10000x64xf32, #tpu.memory_space<vmem_shared>>) dst(%arg10 : memref<80x64xf32, #tpu.memory_space<vmem>>)
    %dma_start3A_49 = arith.constant 1 : i32
    %dma_start3A_50 = arith.constant 0 : i32
    %dma_start3A_51 = tpu.memref_slice %arg8[%dma_start3A_49, %dma_start3A_50] : memref<125x80xi32, #tpu.memory_space<vmem>> -> memref<1x80xi32, #tpu.memory_space<vmem>>
    %dma_start3A_52 = tpu.memref_squeeze %dma_start3A_51 : memref<1x80xi32, #tpu.memory_space<vmem>> -> memref<80xi32, #tpu.memory_space<vmem>>
    %dma_start3A_53 = arith.constant 0 : i32
    %dma_start3A_54 = arith.constant 0 : i32
    %dma_start3A_55 = tpu.memref_slice %arg13[%dma_start3A_53, %dma_start3A_54] : memref<10112x64xf32, #tpu.memory_space<vmem_shared>> -> memref<10112x64xf32, #tpu.memory_space<vmem_shared>>
    tpu.enqueue_indirect_dma source(%arg10 : memref<80x64xf32, #tpu.memory_space<vmem>>) target(%dma_start3A_55 : memref<10112x64xf32, #tpu.memory_space<vmem_shared>>) offsets(%dma_start3A_52 : memref<80xi32, #tpu.memory_space<vmem>>) semaphore(%arg20 : memref<!tpu.dma_semaphore, #tpu.memory_space<semaphore_mem>>) {add = true}
    %dma_start3A_56 = arith.constant 3 : i32
    %dma_start3A_57 = arith.constant 0 : i32
    %dma_start3A_58 = tpu.memref_slice %arg7[%dma_start3A_56, %dma_start3A_57] : memref<125x80xi32, #tpu.memory_space<vmem>> -> memref<1x80xi32, #tpu.memory_space<vmem>>
    %dma_start3A_59 = tpu.memref_squeeze %dma_start3A_58 : memref<1x80xi32, #tpu.memory_space<vmem>> -> memref<80xi32, #tpu.memory_space<vmem>>
    %dma_start3A_60 = arith.constant 0 : i32
    %dma_start3A_61 = arith.constant 0 : i32
    %dma_start3A_62 = tpu.memref_slice %arg14[%dma_start3A_60, %dma_start3A_61] : memref<10000x64xf32, #tpu.memory_space<vmem_shared>> -> memref<10000x64xf32, #tpu.memory_space<vmem_shared>>
    tpu.enqueue_indirect_dma source(%dma_start3A_62 : memref<10000x64xf32, #tpu.memory_space<vmem_shared>>) target(%arg12 : memref<80x64xf32, #tpu.memory_space<vmem>>) offsets(%dma_start3A_59 : memref<80xi32, #tpu.memory_space<vmem>>) semaphore(%arg18 : memref<!tpu.dma_semaphore, #tpu.memory_space<semaphore_mem>>)
    %scan3A = arith.constant 0 : i32
    %scan3A_63 = arith.constant 0 : i32
    %scan3A_64 = arith.constant 30 : i32
    %scan3A_65 = arith.addi %scan3A_63, %scan3A_64 : i32
    %scan3A_66 = arith.constant 1 : i32
    scf.for %scan3A_157 = %scan3A_63 to %scan3A_65 step %scan3A_66  : i32 {
      %mul3A_158 = arith.constant 4 : i32
      %mul3A_159 = arith.muli %mul3A_158, %scan3A_157 : i32
      %add3A_160 = arith.constant 2 : i32
      %add3A_161 = arith.addi %add3A_160, %mul3A_159 : i32
      %add3A_162 = arith.constant 0 : i32
      %add3A_163 = arith.addi %add3A_161, %add3A_162 : i32
      %dma_wait3A_164 = arith.constant 0 : i32
      %dma_wait3A_165 = tpu.memref_slice %arg7[%add3A_163, %dma_wait3A_164] : memref<125x80xi32, #tpu.memory_space<vmem>> -> memref<1x80xi32, #tpu.memory_space<vmem>>
      %dma_wait3A_166 = tpu.memref_squeeze %dma_wait3A_165 : memref<1x80xi32, #tpu.memory_space<vmem>> -> memref<80xi32, #tpu.memory_space<vmem>>
      %dma_wait3A_167 = arith.constant 0 : i32
      %dma_wait3A_168 = arith.constant 0 : i32
      %dma_wait3A_169 = tpu.memref_slice %arg14[%dma_wait3A_167, %dma_wait3A_168] : memref<10000x64xf32, #tpu.memory_space<vmem_shared>> -> memref<10000x64xf32, #tpu.memory_space<vmem_shared>>
      tpu.wait_indirect_dma semaphore(%arg17 : memref<!tpu.dma_semaphore, #tpu.memory_space<semaphore_mem>>) src(%dma_wait3A_169 : memref<10000x64xf32, #tpu.memory_space<vmem_shared>>) dst(%arg11 : memref<80x64xf32, #tpu.memory_space<vmem>>)
      %dma_start3A_170 = arith.constant 0 : i32
      %dma_start3A_171 = tpu.memref_slice %arg8[%add3A_163, %dma_start3A_170] : memref<125x80xi32, #tpu.memory_space<vmem>> -> memref<1x80xi32, #tpu.memory_space<vmem>>
      %dma_start3A_172 = tpu.memref_squeeze %dma_start3A_171 : memref<1x80xi32, #tpu.memory_space<vmem>> -> memref<80xi32, #tpu.memory_space<vmem>>
      %dma_start3A_173 = arith.constant 0 : i32
      %dma_start3A_174 = arith.constant 0 : i32
      %dma_start3A_175 = tpu.memref_slice %arg13[%dma_start3A_173, %dma_start3A_174] : memref<10112x64xf32, #tpu.memory_space<vmem_shared>> -> memref<10112x64xf32, #tpu.memory_space<vmem_shared>>
      tpu.enqueue_indirect_dma source(%arg11 : memref<80x64xf32, #tpu.memory_space<vmem>>) target(%dma_start3A_175 : memref<10112x64xf32, #tpu.memory_space<vmem_shared>>) offsets(%dma_start3A_172 : memref<80xi32, #tpu.memory_space<vmem>>) semaphore(%arg21 : memref<!tpu.dma_semaphore, #tpu.memory_space<semaphore_mem>>) {add = true}
      %sub3A = arith.constant 2 : i32
      %sub3A_176 = arith.subi %add3A_163, %sub3A : i32
      %dma_wait3A_177 = arith.constant 0 : i32
      %dma_wait3A_178 = tpu.memref_slice %arg8[%sub3A_176, %dma_wait3A_177] : memref<125x80xi32, #tpu.memory_space<vmem>> -> memref<1x80xi32, #tpu.memory_space<vmem>>
      %dma_wait3A_179 = tpu.memref_squeeze %dma_wait3A_178 : memref<1x80xi32, #tpu.memory_space<vmem>> -> memref<80xi32, #tpu.memory_space<vmem>>
      %dma_wait3A_180 = arith.constant 0 : i32
      %dma_wait3A_181 = arith.constant 0 : i32
      %dma_wait3A_182 = tpu.memref_slice %arg13[%dma_wait3A_180, %dma_wait3A_181] : memref<10112x64xf32, #tpu.memory_space<vmem_shared>> -> memref<10112x64xf32, #tpu.memory_space<vmem_shared>>
      tpu.wait_indirect_dma semaphore(%arg19 : memref<!tpu.dma_semaphore, #tpu.memory_space<semaphore_mem>>) src(%arg9 : memref<80x64xf32, #tpu.memory_space<vmem>>) dst(%dma_wait3A_182 : memref<10112x64xf32, #tpu.memory_space<vmem_shared>>)
      %add3A_183 = arith.constant 2 : i32
      %add3A_184 = arith.addi %add3A_163, %add3A_183 : i32
      %dma_start3A_185 = arith.constant 0 : i32
      %dma_start3A_186 = tpu.memref_slice %arg7[%add3A_184, %dma_start3A_185] : memref<125x80xi32, #tpu.memory_space<vmem>> -> memref<1x80xi32, #tpu.memory_space<vmem>>
      %dma_start3A_187 = tpu.memref_squeeze %dma_start3A_186 : memref<1x80xi32, #tpu.memory_space<vmem>> -> memref<80xi32, #tpu.memory_space<vmem>>
      %dma_start3A_188 = arith.constant 0 : i32
      %dma_start3A_189 = arith.constant 0 : i32
      %dma_start3A_190 = tpu.memref_slice %arg14[%dma_start3A_188, %dma_start3A_189] : memref<10000x64xf32, #tpu.memory_space<vmem_shared>> -> memref<10000x64xf32, #tpu.memory_space<vmem_shared>>
      tpu.enqueue_indirect_dma source(%dma_start3A_190 : memref<10000x64xf32, #tpu.memory_space<vmem_shared>>) target(%arg9 : memref<80x64xf32, #tpu.memory_space<vmem>>) offsets(%dma_start3A_187 : memref<80xi32, #tpu.memory_space<vmem>>) semaphore(%arg15 : memref<!tpu.dma_semaphore, #tpu.memory_space<semaphore_mem>>)
      %add3A_191 = arith.constant 1 : i32
      %add3A_192 = arith.addi %add3A_161, %add3A_191 : i32
      %dma_wait3A_193 = arith.constant 0 : i32
      %dma_wait3A_194 = tpu.memref_slice %arg7[%add3A_192, %dma_wait3A_193] : memref<125x80xi32, #tpu.memory_space<vmem>> -> memref<1x80xi32, #tpu.memory_space<vmem>>
      %dma_wait3A_195 = tpu.memref_squeeze %dma_wait3A_194 : memref<1x80xi32, #tpu.memory_space<vmem>> -> memref<80xi32, #tpu.memory_space<vmem>>
      %dma_wait3A_196 = arith.constant 0 : i32
      %dma_wait3A_197 = arith.constant 0 : i32
      %dma_wait3A_198 = tpu.memref_slice %arg14[%dma_wait3A_196, %dma_wait3A_197] : memref<10000x64xf32, #tpu.memory_space<vmem_shared>> -> memref<10000x64xf32, #tpu.memory_space<vmem_shared>>
      tpu.wait_indirect_dma semaphore(%arg18 : memref<!tpu.dma_semaphore, #tpu.memory_space<semaphore_mem>>) src(%dma_wait3A_198 : memref<10000x64xf32, #tpu.memory_space<vmem_shared>>) dst(%arg12 : memref<80x64xf32, #tpu.memory_space<vmem>>)
      %dma_start3A_199 = arith.constant 0 : i32
      %dma_start3A_200 = tpu.memref_slice %arg8[%add3A_192, %dma_start3A_199] : memref<125x80xi32, #tpu.memory_space<vmem>> -> memref<1x80xi32, #tpu.memory_space<vmem>>
      %dma_start3A_201 = tpu.memref_squeeze %dma_start3A_200 : memref<1x80xi32, #tpu.memory_space<vmem>> -> memref<80xi32, #tpu.memory_space<vmem>>
      %dma_start3A_202 = arith.constant 0 : i32
      %dma_start3A_203 = arith.constant 0 : i32
      %dma_start3A_204 = tpu.memref_slice %arg13[%dma_start3A_202, %dma_start3A_203] : memref<10112x64xf32, #tpu.memory_space<vmem_shared>> -> memref<10112x64xf32, #tpu.memory_space<vmem_shared>>
      tpu.enqueue_indirect_dma source(%arg12 : memref<80x64xf32, #tpu.memory_space<vmem>>) target(%dma_start3A_204 : memref<10112x64xf32, #tpu.memory_space<vmem_shared>>) offsets(%dma_start3A_201 : memref<80xi32, #tpu.memory_space<vmem>>) semaphore(%arg22 : memref<!tpu.dma_semaphore, #tpu.memory_space<semaphore_mem>>) {add = true}
      %sub3A_205 = arith.constant 2 : i32
      %sub3A_206 = arith.subi %add3A_192, %sub3A_205 : i32
      %dma_wait3A_207 = arith.constant 0 : i32
      %dma_wait3A_208 = tpu.memref_slice %arg8[%sub3A_206, %dma_wait3A_207] : memref<125x80xi32, #tpu.memory_space<vmem>> -> memref<1x80xi32, #tpu.memory_space<vmem>>
      %dma_wait3A_209 = tpu.memref_squeeze %dma_wait3A_208 : memref<1x80xi32, #tpu.memory_space<vmem>> -> memref<80xi32, #tpu.memory_space<vmem>>
      %dma_wait3A_210 = arith.constant 0 : i32
      %dma_wait3A_211 = arith.constant 0 : i32
      %dma_wait3A_212 = tpu.memref_slice %arg13[%dma_wait3A_210, %dma_wait3A_211] : memref<10112x64xf32, #tpu.memory_space<vmem_shared>> -> memref<10112x64xf32, #tpu.memory_space<vmem_shared>>
      tpu.wait_indirect_dma semaphore(%arg20 : memref<!tpu.dma_semaphore, #tpu.memory_space<semaphore_mem>>) src(%arg10 : memref<80x64xf32, #tpu.memory_space<vmem>>) dst(%dma_wait3A_212 : memref<10112x64xf32, #tpu.memory_space<vmem_shared>>)
      %add3A_213 = arith.constant 2 : i32
      %add3A_214 = arith.addi %add3A_192, %add3A_213 : i32
      %dma_start3A_215 = arith.constant 0 : i32
      %dma_start3A_216 = tpu.memref_slice %arg7[%add3A_214, %dma_start3A_215] : memref<125x80xi32, #tpu.memory_space<vmem>> -> memref<1x80xi32, #tpu.memory_space<vmem>>
      %dma_start3A_217 = tpu.memref_squeeze %dma_start3A_216 : memref<1x80xi32, #tpu.memory_space<vmem>> -> memref<80xi32, #tpu.memory_space<vmem>>
      %dma_start3A_218 = arith.constant 0 : i32
      %dma_start3A_219 = arith.constant 0 : i32
      %dma_start3A_220 = tpu.memref_slice %arg14[%dma_start3A_218, %dma_start3A_219] : memref<10000x64xf32, #tpu.memory_space<vmem_shared>> -> memref<10000x64xf32, #tpu.memory_space<vmem_shared>>
      tpu.enqueue_indirect_dma source(%dma_start3A_220 : memref<10000x64xf32, #tpu.memory_space<vmem_shared>>) target(%arg10 : memref<80x64xf32, #tpu.memory_space<vmem>>) offsets(%dma_start3A_217 : memref<80xi32, #tpu.memory_space<vmem>>) semaphore(%arg16 : memref<!tpu.dma_semaphore, #tpu.memory_space<semaphore_mem>>)
      %add3A_221 = arith.constant 2 : i32
      %add3A_222 = arith.addi %add3A_161, %add3A_221 : i32
      %dma_wait3A_223 = arith.constant 0 : i32
      %dma_wait3A_224 = tpu.memref_slice %arg7[%add3A_222, %dma_wait3A_223] : memref<125x80xi32, #tpu.memory_space<vmem>> -> memref<1x80xi32, #tpu.memory_space<vmem>>
      %dma_wait3A_225 = tpu.memref_squeeze %dma_wait3A_224 : memref<1x80xi32, #tpu.memory_space<vmem>> -> memref<80xi32, #tpu.memory_space<vmem>>
      %dma_wait3A_226 = arith.constant 0 : i32
      %dma_wait3A_227 = arith.constant 0 : i32
      %dma_wait3A_228 = tpu.memref_slice %arg14[%dma_wait3A_226, %dma_wait3A_227] : memref<10000x64xf32, #tpu.memory_space<vmem_shared>> -> memref<10000x64xf32, #tpu.memory_space<vmem_shared>>
      tpu.wait_indirect_dma semaphore(%arg15 : memref<!tpu.dma_semaphore, #tpu.memory_space<semaphore_mem>>) src(%dma_wait3A_228 : memref<10000x64xf32, #tpu.memory_space<vmem_shared>>) dst(%arg9 : memref<80x64xf32, #tpu.memory_space<vmem>>)
      %dma_start3A_229 = arith.constant 0 : i32
      %dma_start3A_230 = tpu.memref_slice %arg8[%add3A_222, %dma_start3A_229] : memref<125x80xi32, #tpu.memory_space<vmem>> -> memref<1x80xi32, #tpu.memory_space<vmem>>
      %dma_start3A_231 = tpu.memref_squeeze %dma_start3A_230 : memref<1x80xi32, #tpu.memory_space<vmem>> -> memref<80xi32, #tpu.memory_space<vmem>>
      %dma_start3A_232 = arith.constant 0 : i32
      %dma_start3A_233 = arith.constant 0 : i32
      %dma_start3A_234 = tpu.memref_slice %arg13[%dma_start3A_232, %dma_start3A_233] : memref<10112x64xf32, #tpu.memory_space<vmem_shared>> -> memref<10112x64xf32, #tpu.memory_space<vmem_shared>>
      tpu.enqueue_indirect_dma source(%arg9 : memref<80x64xf32, #tpu.memory_space<vmem>>) target(%dma_start3A_234 : memref<10112x64xf32, #tpu.memory_space<vmem_shared>>) offsets(%dma_start3A_231 : memref<80xi32, #tpu.memory_space<vmem>>) semaphore(%arg19 : memref<!tpu.dma_semaphore, #tpu.memory_space<semaphore_mem>>) {add = true}
      %sub3A_235 = arith.constant 2 : i32
      %sub3A_236 = arith.subi %add3A_222, %sub3A_235 : i32
      %dma_wait3A_237 = arith.constant 0 : i32
      %dma_wait3A_238 = tpu.memref_slice %arg8[%sub3A_236, %dma_wait3A_237] : memref<125x80xi32, #tpu.memory_space<vmem>> -> memref<1x80xi32, #tpu.memory_space<vmem>>
      %dma_wait3A_239 = tpu.memref_squeeze %dma_wait3A_238 : memref<1x80xi32, #tpu.memory_space<vmem>> -> memref<80xi32, #tpu.memory_space<vmem>>
      %dma_wait3A_240 = arith.constant 0 : i32
      %dma_wait3A_241 = arith.constant 0 : i32
      %dma_wait3A_242 = tpu.memref_slice %arg13[%dma_wait3A_240, %dma_wait3A_241] : memref<10112x64xf32, #tpu.memory_space<vmem_shared>> -> memref<10112x64xf32, #tpu.memory_space<vmem_shared>>
      tpu.wait_indirect_dma semaphore(%arg21 : memref<!tpu.dma_semaphore, #tpu.memory_space<semaphore_mem>>) src(%arg11 : memref<80x64xf32, #tpu.memory_space<vmem>>) dst(%dma_wait3A_242 : memref<10112x64xf32, #tpu.memory_space<vmem_shared>>)
      %add3A_243 = arith.constant 2 : i32
      %add3A_244 = arith.addi %add3A_222, %add3A_243 : i32
      %dma_start3A_245 = arith.constant 0 : i32
      %dma_start3A_246 = tpu.memref_slice %arg7[%add3A_244, %dma_start3A_245] : memref<125x80xi32, #tpu.memory_space<vmem>> -> memref<1x80xi32, #tpu.memory_space<vmem>>
      %dma_start3A_247 = tpu.memref_squeeze %dma_start3A_246 : memref<1x80xi32, #tpu.memory_space<vmem>> -> memref<80xi32, #tpu.memory_space<vmem>>
      %dma_start3A_248 = arith.constant 0 : i32
      %dma_start3A_249 = arith.constant 0 : i32
      %dma_start3A_250 = tpu.memref_slice %arg14[%dma_start3A_248, %dma_start3A_249] : memref<10000x64xf32, #tpu.memory_space<vmem_shared>> -> memref<10000x64xf32, #tpu.memory_space<vmem_shared>>
      tpu.enqueue_indirect_dma source(%dma_start3A_250 : memref<10000x64xf32, #tpu.memory_space<vmem_shared>>) target(%arg11 : memref<80x64xf32, #tpu.memory_space<vmem>>) offsets(%dma_start3A_247 : memref<80xi32, #tpu.memory_space<vmem>>) semaphore(%arg17 : memref<!tpu.dma_semaphore, #tpu.memory_space<semaphore_mem>>)
      %add3A_251 = arith.constant 3 : i32
      %add3A_252 = arith.addi %add3A_161, %add3A_251 : i32
      %dma_wait3A_253 = arith.constant 0 : i32
      %dma_wait3A_254 = tpu.memref_slice %arg7[%add3A_252, %dma_wait3A_253] : memref<125x80xi32, #tpu.memory_space<vmem>> -> memref<1x80xi32, #tpu.memory_space<vmem>>
      %dma_wait3A_255 = tpu.memref_squeeze %dma_wait3A_254 : memref<1x80xi32, #tpu.memory_space<vmem>> -> memref<80xi32, #tpu.memory_space<vmem>>
      %dma_wait3A_256 = arith.constant 0 : i32
      %dma_wait3A_257 = arith.constant 0 : i32
      %dma_wait3A_258 = tpu.memref_slice %arg14[%dma_wait3A_256, %dma_wait3A_257] : memref<10000x64xf32, #tpu.memory_space<vmem_shared>> -> memref<10000x64xf32, #tpu.memory_space<vmem_shared>>
      tpu.wait_indirect_dma semaphore(%arg16 : memref<!tpu.dma_semaphore, #tpu.memory_space<semaphore_mem>>) src(%dma_wait3A_258 : memref<10000x64xf32, #tpu.memory_space<vmem_shared>>) dst(%arg10 : memref<80x64xf32, #tpu.memory_space<vmem>>)
      %dma_start3A_259 = arith.constant 0 : i32
      %dma_start3A_260 = tpu.memref_slice %arg8[%add3A_252, %dma_start3A_259] : memref<125x80xi32, #tpu.memory_space<vmem>> -> memref<1x80xi32, #tpu.memory_space<vmem>>
      %dma_start3A_261 = tpu.memref_squeeze %dma_start3A_260 : memref<1x80xi32, #tpu.memory_space<vmem>> -> memref<80xi32, #tpu.memory_space<vmem>>
      %dma_start3A_262 = arith.constant 0 : i32
      %dma_start3A_263 = arith.constant 0 : i32
      %dma_start3A_264 = tpu.memref_slice %arg13[%dma_start3A_262, %dma_start3A_263] : memref<10112x64xf32, #tpu.memory_space<vmem_shared>> -> memref<10112x64xf32, #tpu.memory_space<vmem_shared>>
      tpu.enqueue_indirect_dma source(%arg10 : memref<80x64xf32, #tpu.memory_space<vmem>>) target(%dma_start3A_264 : memref<10112x64xf32, #tpu.memory_space<vmem_shared>>) offsets(%dma_start3A_261 : memref<80xi32, #tpu.memory_space<vmem>>) semaphore(%arg20 : memref<!tpu.dma_semaphore, #tpu.memory_space<semaphore_mem>>) {add = true}
      %sub3A_265 = arith.constant 2 : i32
      %sub3A_266 = arith.subi %add3A_252, %sub3A_265 : i32
      %dma_wait3A_267 = arith.constant 0 : i32
      %dma_wait3A_268 = tpu.memref_slice %arg8[%sub3A_266, %dma_wait3A_267] : memref<125x80xi32, #tpu.memory_space<vmem>> -> memref<1x80xi32, #tpu.memory_space<vmem>>
      %dma_wait3A_269 = tpu.memref_squeeze %dma_wait3A_268 : memref<1x80xi32, #tpu.memory_space<vmem>> -> memref<80xi32, #tpu.memory_space<vmem>>
      %dma_wait3A_270 = arith.constant 0 : i32
      %dma_wait3A_271 = arith.constant 0 : i32
      %dma_wait3A_272 = tpu.memref_slice %arg13[%dma_wait3A_270, %dma_wait3A_271] : memref<10112x64xf32, #tpu.memory_space<vmem_shared>> -> memref<10112x64xf32, #tpu.memory_space<vmem_shared>>
      tpu.wait_indirect_dma semaphore(%arg22 : memref<!tpu.dma_semaphore, #tpu.memory_space<semaphore_mem>>) src(%arg12 : memref<80x64xf32, #tpu.memory_space<vmem>>) dst(%dma_wait3A_272 : memref<10112x64xf32, #tpu.memory_space<vmem_shared>>)
      %add3A_273 = arith.constant 2 : i32
      %add3A_274 = arith.addi %add3A_252, %add3A_273 : i32
      %dma_start3A_275 = arith.constant 0 : i32
      %dma_start3A_276 = tpu.memref_slice %arg7[%add3A_274, %dma_start3A_275] : memref<125x80xi32, #tpu.memory_space<vmem>> -> memref<1x80xi32, #tpu.memory_space<vmem>>
      %dma_start3A_277 = tpu.memref_squeeze %dma_start3A_276 : memref<1x80xi32, #tpu.memory_space<vmem>> -> memref<80xi32, #tpu.memory_space<vmem>>
      %dma_start3A_278 = arith.constant 0 : i32
      %dma_start3A_279 = arith.constant 0 : i32
      %dma_start3A_280 = tpu.memref_slice %arg14[%dma_start3A_278, %dma_start3A_279] : memref<10000x64xf32, #tpu.memory_space<vmem_shared>> -> memref<10000x64xf32, #tpu.memory_space<vmem_shared>>
      tpu.enqueue_indirect_dma source(%dma_start3A_280 : memref<10000x64xf32, #tpu.memory_space<vmem_shared>>) target(%arg12 : memref<80x64xf32, #tpu.memory_space<vmem>>) offsets(%dma_start3A_277 : memref<80xi32, #tpu.memory_space<vmem>>) semaphore(%arg18 : memref<!tpu.dma_semaphore, #tpu.memory_space<semaphore_mem>>)
    }
    %scan3A_67 = arith.constant 30 : i32
    %dma_wait3A_68 = arith.constant 122 : i32
    %dma_wait3A_69 = arith.constant 0 : i32
    %dma_wait3A_70 = tpu.memref_slice %arg7[%dma_wait3A_68, %dma_wait3A_69] : memref<125x80xi32, #tpu.memory_space<vmem>> -> memref<1x80xi32, #tpu.memory_space<vmem>>
    %dma_wait3A_71 = tpu.memref_squeeze %dma_wait3A_70 : memref<1x80xi32, #tpu.memory_space<vmem>> -> memref<80xi32, #tpu.memory_space<vmem>>
    %dma_wait3A_72 = arith.constant 0 : i32
    %dma_wait3A_73 = arith.constant 0 : i32
    %dma_wait3A_74 = tpu.memref_slice %arg14[%dma_wait3A_72, %dma_wait3A_73] : memref<10000x64xf32, #tpu.memory_space<vmem_shared>> -> memref<10000x64xf32, #tpu.memory_space<vmem_shared>>
    tpu.wait_indirect_dma semaphore(%arg17 : memref<!tpu.dma_semaphore, #tpu.memory_space<semaphore_mem>>) src(%dma_wait3A_74 : memref<10000x64xf32, #tpu.memory_space<vmem_shared>>) dst(%arg11 : memref<80x64xf32, #tpu.memory_space<vmem>>)
    %dma_start3A_75 = arith.constant 122 : i32
    %dma_start3A_76 = arith.constant 0 : i32
    %dma_start3A_77 = tpu.memref_slice %arg8[%dma_start3A_75, %dma_start3A_76] : memref<125x80xi32, #tpu.memory_space<vmem>> -> memref<1x80xi32, #tpu.memory_space<vmem>>
    %dma_start3A_78 = tpu.memref_squeeze %dma_start3A_77 : memref<1x80xi32, #tpu.memory_space<vmem>> -> memref<80xi32, #tpu.memory_space<vmem>>
    %dma_start3A_79 = arith.constant 0 : i32
    %dma_start3A_80 = arith.constant 0 : i32
    %dma_start3A_81 = tpu.memref_slice %arg13[%dma_start3A_79, %dma_start3A_80] : memref<10112x64xf32, #tpu.memory_space<vmem_shared>> -> memref<10112x64xf32, #tpu.memory_space<vmem_shared>>
    tpu.enqueue_indirect_dma source(%arg11 : memref<80x64xf32, #tpu.memory_space<vmem>>) target(%dma_start3A_81 : memref<10112x64xf32, #tpu.memory_space<vmem_shared>>) offsets(%dma_start3A_78 : memref<80xi32, #tpu.memory_space<vmem>>) semaphore(%arg21 : memref<!tpu.dma_semaphore, #tpu.memory_space<semaphore_mem>>) {add = true}
    %dma_wait3A_82 = arith.constant 120 : i32
    %dma_wait3A_83 = arith.constant 0 : i32
    %dma_wait3A_84 = tpu.memref_slice %arg8[%dma_wait3A_82, %dma_wait3A_83] : memref<125x80xi32, #tpu.memory_space<vmem>> -> memref<1x80xi32, #tpu.memory_space<vmem>>
    %dma_wait3A_85 = tpu.memref_squeeze %dma_wait3A_84 : memref<1x80xi32, #tpu.memory_space<vmem>> -> memref<80xi32, #tpu.memory_space<vmem>>
    %dma_wait3A_86 = arith.constant 0 : i32
    %dma_wait3A_87 = arith.constant 0 : i32
    %dma_wait3A_88 = tpu.memref_slice %arg13[%dma_wait3A_86, %dma_wait3A_87] : memref<10112x64xf32, #tpu.memory_space<vmem_shared>> -> memref<10112x64xf32, #tpu.memory_space<vmem_shared>>
    tpu.wait_indirect_dma semaphore(%arg19 : memref<!tpu.dma_semaphore, #tpu.memory_space<semaphore_mem>>) src(%arg9 : memref<80x64xf32, #tpu.memory_space<vmem>>) dst(%dma_wait3A_88 : memref<10112x64xf32, #tpu.memory_space<vmem_shared>>)
    %dma_start3A_89 = arith.constant 124 : i32
    %dma_start3A_90 = arith.constant 0 : i32
    %dma_start3A_91 = tpu.memref_slice %arg7[%dma_start3A_89, %dma_start3A_90] : memref<125x80xi32, #tpu.memory_space<vmem>> -> memref<1x80xi32, #tpu.memory_space<vmem>>
    %dma_start3A_92 = tpu.memref_squeeze %dma_start3A_91 : memref<1x80xi32, #tpu.memory_space<vmem>> -> memref<80xi32, #tpu.memory_space<vmem>>
    %dma_start3A_93 = arith.constant 0 : i32
    %dma_start3A_94 = arith.constant 0 : i32
    %dma_start3A_95 = tpu.memref_slice %arg14[%dma_start3A_93, %dma_start3A_94] : memref<10000x64xf32, #tpu.memory_space<vmem_shared>> -> memref<10000x64xf32, #tpu.memory_space<vmem_shared>>
    tpu.enqueue_indirect_dma source(%dma_start3A_95 : memref<10000x64xf32, #tpu.memory_space<vmem_shared>>) target(%arg9 : memref<80x64xf32, #tpu.memory_space<vmem>>) offsets(%dma_start3A_92 : memref<80xi32, #tpu.memory_space<vmem>>) semaphore(%arg15 : memref<!tpu.dma_semaphore, #tpu.memory_space<semaphore_mem>>)
    %dma_wait3A_96 = arith.constant 123 : i32
    %dma_wait3A_97 = arith.constant 0 : i32
    %dma_wait3A_98 = tpu.memref_slice %arg7[%dma_wait3A_96, %dma_wait3A_97] : memref<125x80xi32, #tpu.memory_space<vmem>> -> memref<1x80xi32, #tpu.memory_space<vmem>>
    %dma_wait3A_99 = tpu.memref_squeeze %dma_wait3A_98 : memref<1x80xi32, #tpu.memory_space<vmem>> -> memref<80xi32, #tpu.memory_space<vmem>>
    %dma_wait3A_100 = arith.constant 0 : i32
    %dma_wait3A_101 = arith.constant 0 : i32
    %dma_wait3A_102 = tpu.memref_slice %arg14[%dma_wait3A_100, %dma_wait3A_101] : memref<10000x64xf32, #tpu.memory_space<vmem_shared>> -> memref<10000x64xf32, #tpu.memory_space<vmem_shared>>
    tpu.wait_indirect_dma semaphore(%arg18 : memref<!tpu.dma_semaphore, #tpu.memory_space<semaphore_mem>>) src(%dma_wait3A_102 : memref<10000x64xf32, #tpu.memory_space<vmem_shared>>) dst(%arg12 : memref<80x64xf32, #tpu.memory_space<vmem>>)
    %dma_start3A_103 = arith.constant 123 : i32
    %dma_start3A_104 = arith.constant 0 : i32
    %dma_start3A_105 = tpu.memref_slice %arg8[%dma_start3A_103, %dma_start3A_104] : memref<125x80xi32, #tpu.memory_space<vmem>> -> memref<1x80xi32, #tpu.memory_space<vmem>>
    %dma_start3A_106 = tpu.memref_squeeze %dma_start3A_105 : memref<1x80xi32, #tpu.memory_space<vmem>> -> memref<80xi32, #tpu.memory_space<vmem>>
    %dma_start3A_107 = arith.constant 0 : i32
    %dma_start3A_108 = arith.constant 0 : i32
    %dma_start3A_109 = tpu.memref_slice %arg13[%dma_start3A_107, %dma_start3A_108] : memref<10112x64xf32, #tpu.memory_space<vmem_shared>> -> memref<10112x64xf32, #tpu.memory_space<vmem_shared>>
    tpu.enqueue_indirect_dma source(%arg12 : memref<80x64xf32, #tpu.memory_space<vmem>>) target(%dma_start3A_109 : memref<10112x64xf32, #tpu.memory_space<vmem_shared>>) offsets(%dma_start3A_106 : memref<80xi32, #tpu.memory_space<vmem>>) semaphore(%arg22 : memref<!tpu.dma_semaphore, #tpu.memory_space<semaphore_mem>>) {add = true}
    %dma_wait3A_110 = arith.constant 124 : i32
    %dma_wait3A_111 = arith.constant 0 : i32
    %dma_wait3A_112 = tpu.memref_slice %arg7[%dma_wait3A_110, %dma_wait3A_111] : memref<125x80xi32, #tpu.memory_space<vmem>> -> memref<1x80xi32, #tpu.memory_space<vmem>>
    %dma_wait3A_113 = tpu.memref_squeeze %dma_wait3A_112 : memref<1x80xi32, #tpu.memory_space<vmem>> -> memref<80xi32, #tpu.memory_space<vmem>>
    %dma_wait3A_114 = arith.constant 0 : i32
    %dma_wait3A_115 = arith.constant 0 : i32
    %dma_wait3A_116 = tpu.memref_slice %arg14[%dma_wait3A_114, %dma_wait3A_115] : memref<10000x64xf32, #tpu.memory_space<vmem_shared>> -> memref<10000x64xf32, #tpu.memory_space<vmem_shared>>
    tpu.wait_indirect_dma semaphore(%arg15 : memref<!tpu.dma_semaphore, #tpu.memory_space<semaphore_mem>>) src(%dma_wait3A_116 : memref<10000x64xf32, #tpu.memory_space<vmem_shared>>) dst(%arg9 : memref<80x64xf32, #tpu.memory_space<vmem>>)
    %dma_start3A_117 = arith.constant 124 : i32
    %dma_start3A_118 = arith.constant 0 : i32
    %dma_start3A_119 = tpu.memref_slice %arg8[%dma_start3A_117, %dma_start3A_118] : memref<125x80xi32, #tpu.memory_space<vmem>> -> memref<1x80xi32, #tpu.memory_space<vmem>>
    %dma_start3A_120 = tpu.memref_squeeze %dma_start3A_119 : memref<1x80xi32, #tpu.memory_space<vmem>> -> memref<80xi32, #tpu.memory_space<vmem>>
    %dma_start3A_121 = arith.constant 0 : i32
    %dma_start3A_122 = arith.constant 0 : i32
    %dma_start3A_123 = tpu.memref_slice %arg13[%dma_start3A_121, %dma_start3A_122] : memref<10112x64xf32, #tpu.memory_space<vmem_shared>> -> memref<10112x64xf32, #tpu.memory_space<vmem_shared>>
    tpu.enqueue_indirect_dma source(%arg9 : memref<80x64xf32, #tpu.memory_space<vmem>>) target(%dma_start3A_123 : memref<10112x64xf32, #tpu.memory_space<vmem_shared>>) offsets(%dma_start3A_120 : memref<80xi32, #tpu.memory_space<vmem>>) semaphore(%arg19 : memref<!tpu.dma_semaphore, #tpu.memory_space<semaphore_mem>>) {add = true}
    %dma_wait3A_124 = arith.constant 121 : i32
    %dma_wait3A_125 = arith.constant 0 : i32
    %dma_wait3A_126 = tpu.memref_slice %arg8[%dma_wait3A_124, %dma_wait3A_125] : memref<125x80xi32, #tpu.memory_space<vmem>> -> memref<1x80xi32, #tpu.memory_space<vmem>>
    %dma_wait3A_127 = tpu.memref_squeeze %dma_wait3A_126 : memref<1x80xi32, #tpu.memory_space<vmem>> -> memref<80xi32, #tpu.memory_space<vmem>>
    %dma_wait3A_128 = arith.constant 0 : i32
    %dma_wait3A_129 = arith.constant 0 : i32
    %dma_wait3A_130 = tpu.memref_slice %arg13[%dma_wait3A_128, %dma_wait3A_129] : memref<10112x64xf32, #tpu.memory_space<vmem_shared>> -> memref<10112x64xf32, #tpu.memory_space<vmem_shared>>
    tpu.wait_indirect_dma semaphore(%arg20 : memref<!tpu.dma_semaphore, #tpu.memory_space<semaphore_mem>>) src(%arg10 : memref<80x64xf32, #tpu.memory_space<vmem>>) dst(%dma_wait3A_130 : memref<10112x64xf32, #tpu.memory_space<vmem_shared>>)
    %dma_wait3A_131 = arith.constant 122 : i32
    %dma_wait3A_132 = arith.constant 0 : i32
    %dma_wait3A_133 = tpu.memref_slice %arg8[%dma_wait3A_131, %dma_wait3A_132] : memref<125x80xi32, #tpu.memory_space<vmem>> -> memref<1x80xi32, #tpu.memory_space<vmem>>
    %dma_wait3A_134 = tpu.memref_squeeze %dma_wait3A_133 : memref<1x80xi32, #tpu.memory_space<vmem>> -> memref<80xi32, #tpu.memory_space<vmem>>
    %dma_wait3A_135 = arith.constant 0 : i32
    %dma_wait3A_136 = arith.constant 0 : i32
    %dma_wait3A_137 = tpu.memref_slice %arg13[%dma_wait3A_135, %dma_wait3A_136] : memref<10112x64xf32, #tpu.memory_space<vmem_shared>> -> memref<10112x64xf32, #tpu.memory_space<vmem_shared>>
    tpu.wait_indirect_dma semaphore(%arg21 : memref<!tpu.dma_semaphore, #tpu.memory_space<semaphore_mem>>) src(%arg11 : memref<80x64xf32, #tpu.memory_space<vmem>>) dst(%dma_wait3A_137 : memref<10112x64xf32, #tpu.memory_space<vmem_shared>>)
    %dma_wait3A_138 = arith.constant 123 : i32
    %dma_wait3A_139 = arith.constant 0 : i32
    %dma_wait3A_140 = tpu.memref_slice %arg8[%dma_wait3A_138, %dma_wait3A_139] : memref<125x80xi32, #tpu.memory_space<vmem>> -> memref<1x80xi32, #tpu.memory_space<vmem>>
    %dma_wait3A_141 = tpu.memref_squeeze %dma_wait3A_140 : memref<1x80xi32, #tpu.memory_space<vmem>> -> memref<80xi32, #tpu.memory_space<vmem>>
    %dma_wait3A_142 = arith.constant 0 : i32
    %dma_wait3A_143 = arith.constant 0 : i32
    %dma_wait3A_144 = tpu.memref_slice %arg13[%dma_wait3A_142, %dma_wait3A_143] : memref<10112x64xf32, #tpu.memory_space<vmem_shared>> -> memref<10112x64xf32, #tpu.memory_space<vmem_shared>>
    tpu.wait_indirect_dma semaphore(%arg22 : memref<!tpu.dma_semaphore, #tpu.memory_space<semaphore_mem>>) src(%arg12 : memref<80x64xf32, #tpu.memory_space<vmem>>) dst(%dma_wait3A_144 : memref<10112x64xf32, #tpu.memory_space<vmem_shared>>)
    %dma_wait3A_145 = arith.constant 124 : i32
    %dma_wait3A_146 = arith.constant 0 : i32
    %dma_wait3A_147 = tpu.memref_slice %arg8[%dma_wait3A_145, %dma_wait3A_146] : memref<125x80xi32, #tpu.memory_space<vmem>> -> memref<1x80xi32, #tpu.memory_space<vmem>>
    %dma_wait3A_148 = tpu.memref_squeeze %dma_wait3A_147 : memref<1x80xi32, #tpu.memory_space<vmem>> -> memref<80xi32, #tpu.memory_space<vmem>>
    %dma_wait3A_149 = arith.constant 0 : i32
    %dma_wait3A_150 = arith.constant 0 : i32
    %dma_wait3A_151 = tpu.memref_slice %arg13[%dma_wait3A_149, %dma_wait3A_150] : memref<10112x64xf32, #tpu.memory_space<vmem_shared>> -> memref<10112x64xf32, #tpu.memory_space<vmem_shared>>
    tpu.wait_indirect_dma semaphore(%arg19 : memref<!tpu.dma_semaphore, #tpu.memory_space<semaphore_mem>>) src(%arg9 : memref<80x64xf32, #tpu.memory_space<vmem>>) dst(%dma_wait3A_151 : memref<10112x64xf32, #tpu.memory_space<vmem_shared>>)
    %barrier3A_152 = arith.constant 0 : index
    tpu.barrier barrier_id(%barrier3A_152)
    %mul3A_153 = arith.constant 632 : i32
    %mul3A_154 = arith.muli %arg1, %mul3A_153 : i32
    %mul3A_155 = arith.constant 632 : i32
    %mul3A_156 = arith.muli %arg1, %mul3A_155 : i32
    "tpu.region"() ({
      %run_scoped3A = tpu.sem_alloc : memref<!tpu.dma_semaphore, #tpu.memory_space<semaphore_mem>>
      %dma_start3A_157 = arith.constant 0 : i32
      %dma_start3A_158 = tpu.memref_slice %arg6[%arg0, %mul3A_156, %dma_start3A_157] : memref<2x10112x64xf32, #tpu.memory_space<hbm>> -> memref<1x632x64xf32, #tpu.memory_space<hbm>>
      %dma_start3A_159 = tpu.memref_squeeze %dma_start3A_158 : memref<1x632x64xf32, #tpu.memory_space<hbm>> -> memref<632x64xf32, #tpu.memory_space<hbm>>
      %dma_start3A_160 = arith.constant 0 : i32
      %dma_start3A_161 = tpu.memref_slice %arg13[%mul3A_154, %dma_start3A_160] : memref<10112x64xf32, #tpu.memory_space<vmem_shared>> -> memref<632x64xf32, #tpu.memory_space<vmem_shared>>
      tpu.enqueue_dma source(%dma_start3A_161 : memref<632x64xf32, #tpu.memory_space<vmem_shared>>) target(%dma_start3A_159 : memref<632x64xf32, #tpu.memory_space<hbm>>) target_semaphore(%run_scoped3A : memref<!tpu.dma_semaphore, #tpu.memory_space<semaphore_mem>>)
      %dma_wait3A_162 = arith.constant 0 : i32
      %dma_wait3A_163 = tpu.memref_slice %arg6[%arg0, %mul3A_156, %dma_wait3A_162] : memref<2x10112x64xf32, #tpu.memory_space<hbm>> -> memref<1x632x64xf32, #tpu.memory_space<hbm>>
      %dma_wait3A_164 = tpu.memref_squeeze %dma_wait3A_163 : memref<1x632x64xf32, #tpu.memory_space<hbm>> -> memref<632x64xf32, #tpu.memory_space<hbm>>
      %dma_wait3A_165 = arith.constant 0 : i32
      %dma_wait3A_166 = tpu.memref_slice %arg13[%mul3A_154, %dma_wait3A_165] : memref<10112x64xf32, #tpu.memory_space<vmem_shared>> -> memref<632x64xf32, #tpu.memory_space<vmem_shared>>
      tpu.wait_dma2 semaphore(%run_scoped3A : memref<!tpu.dma_semaphore, #tpu.memory_space<semaphore_mem>>) src(%dma_wait3A_166 : memref<632x64xf32, #tpu.memory_space<vmem_shared>>) dst(%dma_wait3A_164 : memref<632x64xf32, #tpu.memory_space<hbm>>)
      tpu.yield
    }) : () -> ()
    return
  }
}

module attributes {stable_mosaic.version = 14 : i64} {
  func.func @_tc_first_body(%arg0: memref<10000x128xf32, #tpu.memory_space<vmem>>, %arg1: memref<128x64xf32, #tpu.memory_space<vmem>>, %arg2: memref<10112x16xf32, #tpu.memory_space<vmem>>, %arg3: memref<10112x16xf32, #tpu.memory_space<vmem>>, %arg4: memref<10000x64xf32, #tpu.memory_space<vmem>>) attributes {dimension_semantics = [], scalar_prefetch = 0 : i64, scratch_operands = 0 : i64, tpu.core_type = #tpu.core_type<tc>} {
    %get3A = arith.constant 0 : index
    %get3A_0 = arith.constant 0 : index
    %get3A_1 = vector.load %arg2[%get3A, %get3A_0] : memref<10112x16xf32, #tpu.memory_space<vmem>>, vector<10112x16xf32>
    %slice3A = vector.extract_strided_slice %get3A_1 {offsets = [0, 0], sizes = [10000, 16], strides = [1, 1]} : vector<10112x16xf32> to vector<10000x16xf32>
    %get3A_2 = arith.constant 0 : index
    %get3A_3 = arith.constant 0 : index
    %get3A_4 = vector.load %arg3[%get3A_2, %get3A_3] : memref<10112x16xf32, #tpu.memory_space<vmem>>, vector<10112x16xf32>
    %slice3A_5 = vector.extract_strided_slice %get3A_4 {offsets = [0, 0], sizes = [10000, 16], strides = [1, 1]} : vector<10112x16xf32> to vector<10000x16xf32>
    %add3A = arith.addf %slice3A, %slice3A_5 : vector<10000x16xf32>
    %add3A_6 = arith.constant 1.000000e+00 : f32
    %add3A_7 = vector.broadcast %add3A_6 : f32 to vector<10000x16xf32>
    %add3A_8 = arith.addf %add3A, %add3A_7 : vector<10000x16xf32>
    %slice3A_9 = vector.extract_strided_slice %add3A_8 {offsets = [0, 0], sizes = [10000, 1], strides = [1, 1]} : vector<10000x16xf32> to vector<10000x1xf32>
    %rsqrt3A = math.rsqrt %slice3A_9 : vector<10000x1xf32>
    %get3A_10 = arith.constant 0 : index
    %get3A_11 = arith.constant 0 : index
    %get3A_12 = vector.load %arg0[%get3A_10, %get3A_11] : memref<10000x128xf32, #tpu.memory_space<vmem>>, vector<10000x128xf32>
    %get3A_13 = arith.constant 0 : index
    %get3A_14 = arith.constant 0 : index
    %get3A_15 = vector.load %arg1[%get3A_13, %get3A_14] : memref<128x64xf32, #tpu.memory_space<vmem>>, vector<128x64xf32>
    %dot_general3A = arith.constant dense<0.000000e+00> : vector<10000x64xf32>
    %dot_general3A_16 = tpu.matmul %get3A_12, %get3A_15, %dot_general3A {dimension_numbers = #tpu.dot_dimension_numbers<[1], [0], [0], [1], [0, 0, 1, 1], [], []>, transpose_lhs_hint = false} : vector<10000x128xf32>, vector<128x64xf32>, vector<10000x64xf32> -> vector<10000x64xf32>
    %mul3A = vector.broadcast %rsqrt3A : vector<10000x1xf32> to vector<10000x64xf32>
    %mul3A_17 = arith.mulf %dot_general3A_16, %mul3A : vector<10000x64xf32>
    %swap3A = arith.constant 0 : index
    %swap3A_18 = arith.constant 0 : index
    %swap3A_19 = vector.load %arg4[%swap3A, %swap3A_18] : memref<10000x64xf32, #tpu.memory_space<vmem>>, vector<10000x64xf32>
    tpu.vector_store %arg4[%swap3A, %swap3A_18], %mul3A_17 {strides = array<i32>} : memref<10000x64xf32, #tpu.memory_space<vmem>>, vector<10000x64xf32>,
    return
  }
}

module attributes {stable_mosaic.version = 14 : i64} {
  func.func @_tc_mid_body(%arg0: memref<10112x64xf32, #tpu.memory_space<vmem>>, %arg1: memref<10112x64xf32, #tpu.memory_space<vmem>>, %arg2: memref<10000x64xf32, #tpu.memory_space<vmem>>, %arg3: memref<10112x16xf32, #tpu.memory_space<vmem>>, %arg4: memref<10112x16xf32, #tpu.memory_space<vmem>>, %arg5: memref<1x64xf32, #tpu.memory_space<vmem>>, %arg6: memref<64x64xf32, #tpu.memory_space<vmem>>, %arg7: memref<10000x64xf32, #tpu.memory_space<vmem>>) attributes {dimension_semantics = [], scalar_prefetch = 0 : i64, scratch_operands = 0 : i64, tpu.core_type = #tpu.core_type<tc>} {
    %get3A = arith.constant 0 : index
    %get3A_0 = arith.constant 0 : index
    %get3A_1 = vector.load %arg3[%get3A, %get3A_0] : memref<10112x16xf32, #tpu.memory_space<vmem>>, vector<10112x16xf32>
    %slice3A = vector.extract_strided_slice %get3A_1 {offsets = [0, 0], sizes = [10000, 16], strides = [1, 1]} : vector<10112x16xf32> to vector<10000x16xf32>
    %get3A_2 = arith.constant 0 : index
    %get3A_3 = arith.constant 0 : index
    %get3A_4 = vector.load %arg4[%get3A_2, %get3A_3] : memref<10112x16xf32, #tpu.memory_space<vmem>>, vector<10112x16xf32>
    %slice3A_5 = vector.extract_strided_slice %get3A_4 {offsets = [0, 0], sizes = [10000, 16], strides = [1, 1]} : vector<10112x16xf32> to vector<10000x16xf32>
    %add3A = arith.addf %slice3A, %slice3A_5 : vector<10000x16xf32>
    %add3A_6 = arith.constant 1.000000e+00 : f32
    %add3A_7 = vector.broadcast %add3A_6 : f32 to vector<10000x16xf32>
    %add3A_8 = arith.addf %add3A, %add3A_7 : vector<10000x16xf32>
    %slice3A_9 = vector.extract_strided_slice %add3A_8 {offsets = [0, 0], sizes = [10000, 1], strides = [1, 1]} : vector<10000x16xf32> to vector<10000x1xf32>
    %rsqrt3A = math.rsqrt %slice3A_9 : vector<10000x1xf32>
    %get3A_10 = arith.constant 0 : index
    %get3A_11 = arith.constant 0 : index
    %get3A_12 = vector.load %arg0[%get3A_10, %get3A_11] : memref<10112x64xf32, #tpu.memory_space<vmem>>, vector<10112x64xf32>
    %slice3A_13 = vector.extract_strided_slice %get3A_12 {offsets = [0, 0], sizes = [10000, 64], strides = [1, 1]} : vector<10112x64xf32> to vector<10000x64xf32>
    %get3A_14 = arith.constant 0 : index
    %get3A_15 = arith.constant 0 : index
    %get3A_16 = vector.load %arg1[%get3A_14, %get3A_15] : memref<10112x64xf32, #tpu.memory_space<vmem>>, vector<10112x64xf32>
    %slice3A_17 = vector.extract_strided_slice %get3A_16 {offsets = [0, 0], sizes = [10000, 64], strides = [1, 1]} : vector<10112x64xf32> to vector<10000x64xf32>
    %add3A_18 = arith.addf %slice3A_13, %slice3A_17 : vector<10000x64xf32>
    %get3A_19 = arith.constant 0 : index
    %get3A_20 = arith.constant 0 : index
    %get3A_21 = vector.load %arg2[%get3A_19, %get3A_20] : memref<10000x64xf32, #tpu.memory_space<vmem>>, vector<10000x64xf32>
    %add3A_22 = arith.addf %add3A_18, %get3A_21 : vector<10000x64xf32>
    %mul3A = vector.broadcast %rsqrt3A : vector<10000x1xf32> to vector<10000x64xf32>
    %mul3A_23 = arith.mulf %mul3A, %add3A_22 : vector<10000x64xf32>
    %get3A_24 = arith.constant 0 : index
    %get3A_25 = arith.constant 0 : index
    %get3A_26 = vector.load %arg5[%get3A_24, %get3A_25] : memref<1x64xf32, #tpu.memory_space<vmem>>, vector<1x64xf32>
    %add3A_27 = vector.broadcast %get3A_26 : vector<1x64xf32> to vector<10000x64xf32>
    %add3A_28 = arith.addf %mul3A_23, %add3A_27 : vector<10000x64xf32>
    %tanh3A = math.tanh %add3A_28 : vector<10000x64xf32>
    %get3A_29 = arith.constant 0 : index
    %get3A_30 = arith.constant 0 : index
    %get3A_31 = vector.load %arg6[%get3A_29, %get3A_30] : memref<64x64xf32, #tpu.memory_space<vmem>>, vector<64x64xf32>
    %dot_general3A = arith.constant dense<0.000000e+00> : vector<10000x64xf32>
    %dot_general3A_32 = tpu.matmul %tanh3A, %get3A_31, %dot_general3A {dimension_numbers = #tpu.dot_dimension_numbers<[1], [0], [0], [1], [0, 0, 1, 1], [], []>, transpose_lhs_hint = false} : vector<10000x64xf32>, vector<64x64xf32>, vector<10000x64xf32> -> vector<10000x64xf32>
    %mul3A_33 = vector.broadcast %rsqrt3A : vector<10000x1xf32> to vector<10000x64xf32>
    %mul3A_34 = arith.mulf %dot_general3A_32, %mul3A_33 : vector<10000x64xf32>
    %swap3A = arith.constant 0 : index
    %swap3A_35 = arith.constant 0 : index
    %swap3A_36 = vector.load %arg7[%swap3A, %swap3A_35] : memref<10000x64xf32, #tpu.memory_space<vmem>>, vector<10000x64xf32>
    tpu.vector_store %arg7[%swap3A, %swap3A_35], %mul3A_34 {strides = array<i32>} : memref<10000x64xf32, #tpu.memory_space<vmem>>, vector<10000x64xf32>,
    return
  }
}

module attributes {stable_mosaic.version = 14 : i64} {
  func.func @_tc_pool_body(%arg0: memref<10112x64xf32, #tpu.memory_space<vmem>>, %arg1: memref<10112x64xf32, #tpu.memory_space<vmem>>, %arg2: memref<10000x64xf32, #tpu.memory_space<vmem>>, %arg3: memref<10112x16xf32, #tpu.memory_space<vmem>>, %arg4: memref<10112x16xf32, #tpu.memory_space<vmem>>, %arg5: memref<1x64xf32, #tpu.memory_space<vmem>>, %arg6: memref<10000x1xi32, #tpu.memory_space<vmem>>, %arg7: memref<128x1xf32, #tpu.memory_space<vmem>>, %arg8: memref<1x1xf32, #tpu.memory_space<vmem>>, %arg9: memref<128x1xf32, #tpu.memory_space<vmem>>, %arg10: memref<128x128xf32, #tpu.memory_space<vmem>>) attributes {dimension_semantics = [], scalar_prefetch = 0 : i64, scratch_operands = 0 : i64, tpu.core_type = #tpu.core_type<tc>} {
    %get3A = arith.constant 0 : index
    %get3A_0 = arith.constant 0 : index
    %get3A_1 = vector.load %arg3[%get3A, %get3A_0] : memref<10112x16xf32, #tpu.memory_space<vmem>>, vector<10112x16xf32>
    %slice3A = vector.extract_strided_slice %get3A_1 {offsets = [0, 0], sizes = [10000, 16], strides = [1, 1]} : vector<10112x16xf32> to vector<10000x16xf32>
    %get3A_2 = arith.constant 0 : index
    %get3A_3 = arith.constant 0 : index
    %get3A_4 = vector.load %arg4[%get3A_2, %get3A_3] : memref<10112x16xf32, #tpu.memory_space<vmem>>, vector<10112x16xf32>
    %slice3A_5 = vector.extract_strided_slice %get3A_4 {offsets = [0, 0], sizes = [10000, 16], strides = [1, 1]} : vector<10112x16xf32> to vector<10000x16xf32>
    %add3A = arith.addf %slice3A, %slice3A_5 : vector<10000x16xf32>
    %add3A_6 = arith.constant 1.000000e+00 : f32
    %add3A_7 = vector.broadcast %add3A_6 : f32 to vector<10000x16xf32>
    %add3A_8 = arith.addf %add3A, %add3A_7 : vector<10000x16xf32>
    %slice3A_9 = vector.extract_strided_slice %add3A_8 {offsets = [0, 0], sizes = [10000, 1], strides = [1, 1]} : vector<10000x16xf32> to vector<10000x1xf32>
    %rsqrt3A = math.rsqrt %slice3A_9 : vector<10000x1xf32>
    %get3A_10 = arith.constant 0 : index
    %get3A_11 = arith.constant 0 : index
    %get3A_12 = vector.load %arg0[%get3A_10, %get3A_11] : memref<10112x64xf32, #tpu.memory_space<vmem>>, vector<10112x64xf32>
    %slice3A_13 = vector.extract_strided_slice %get3A_12 {offsets = [0, 0], sizes = [10000, 64], strides = [1, 1]} : vector<10112x64xf32> to vector<10000x64xf32>
    %get3A_14 = arith.constant 0 : index
    %get3A_15 = arith.constant 0 : index
    %get3A_16 = vector.load %arg1[%get3A_14, %get3A_15] : memref<10112x64xf32, #tpu.memory_space<vmem>>, vector<10112x64xf32>
    %slice3A_17 = vector.extract_strided_slice %get3A_16 {offsets = [0, 0], sizes = [10000, 64], strides = [1, 1]} : vector<10112x64xf32> to vector<10000x64xf32>
    %add3A_18 = arith.addf %slice3A_13, %slice3A_17 : vector<10000x64xf32>
    %get3A_19 = arith.constant 0 : index
    %get3A_20 = arith.constant 0 : index
    %get3A_21 = vector.load %arg2[%get3A_19, %get3A_20] : memref<10000x64xf32, #tpu.memory_space<vmem>>, vector<10000x64xf32>
    %add3A_22 = arith.addf %add3A_18, %get3A_21 : vector<10000x64xf32>
    %mul3A = vector.broadcast %rsqrt3A : vector<10000x1xf32> to vector<10000x64xf32>
    %mul3A_23 = arith.mulf %mul3A, %add3A_22 : vector<10000x64xf32>
    %get3A_24 = arith.constant 0 : index
    %get3A_25 = arith.constant 0 : index
    %get3A_26 = vector.load %arg5[%get3A_24, %get3A_25] : memref<1x64xf32, #tpu.memory_space<vmem>>, vector<1x64xf32>
    %add3A_27 = vector.broadcast %get3A_26 : vector<1x64xf32> to vector<10000x64xf32>
    %add3A_28 = arith.addf %mul3A_23, %add3A_27 : vector<10000x64xf32>
    %tanh3A = math.tanh %add3A_28 : vector<10000x64xf32>
    %get3A_29 = arith.constant 0 : index
    %get3A_30 = arith.constant 0 : index
    %get3A_31 = vector.load %arg6[%get3A_29, %get3A_30] : memref<10000x1xi32, #tpu.memory_space<vmem>>, vector<10000x1xi32>
    %iota3A = tpu.iota {dimensions = array<i32: 1>} : vector<1x128xi32>
    %eq3A = vector.broadcast %get3A_31 : vector<10000x1xi32> to vector<10000x128xi32>
    %eq3A_32 = vector.broadcast %iota3A : vector<1x128xi32> to vector<10000x128xi32>
    %eq3A_33 = arith.cmpi eq, %eq3A, %eq3A_32 : vector<10000x128xi32>
    %convert_element_type3A = arith.extui %eq3A_33 : vector<10000x128xi1> to vector<10000x128xi32>
    %convert_element_type3A_34 = arith.sitofp %convert_element_type3A : vector<10000x128xi32> to vector<10000x128xf32>
    %dot_general3A = arith.constant dense<0.000000e+00> : vector<128x64xf32>
    %dot_general3A_35 = tpu.matmul %convert_element_type3A_34, %tanh3A, %dot_general3A {dimension_numbers = #tpu.dot_dimension_numbers<[0], [0], [1], [1], [0, 1, 1, 1], [], []>, transpose_lhs_hint = false} : vector<10000x128xf32>, vector<10000x64xf32>, vector<128x64xf32> -> vector<128x64xf32>
    %broadcast_in_dim3A = arith.constant 1.000000e+00 : f32
    %broadcast_in_dim3A_36 = vector.broadcast %broadcast_in_dim3A : f32 to vector<10000x1xf32>
    %dot_general3A_37 = arith.constant dense<0.000000e+00> : vector<128x1xf32>
    %dot_general3A_38 = tpu.matmul %convert_element_type3A_34, %broadcast_in_dim3A_36, %dot_general3A_37 {dimension_numbers = #tpu.dot_dimension_numbers<[0], [0], [1], [1], [0, 1, 1, 1], [], []>, transpose_lhs_hint = false} : vector<10000x128xf32>, vector<10000x1xf32>, vector<128x1xf32> -> vector<128x1xf32>
    %broadcast_in_dim3A_39 = arith.constant -1 : i32
    %broadcast_in_dim3A_40 = vector.broadcast %broadcast_in_dim3A_39 : i32 to vector<1x1xi32>
    %slice3A_41 = vector.extract_strided_slice %get3A_31 {offsets = [0, 0], sizes = [9999, 1], strides = [1, 1]} : vector<10000x1xi32> to vector<9999x1xi32>
    %concatenate3A = tpu.concatenate %broadcast_in_dim3A_40, %slice3A_41 in 0 : vector<1x1xi32>, vector<9999x1xi32> -> vector<10000x1xi32>
    %broadcast_in_dim3A_42 = arith.constant 0xFF800000 : f32
    %broadcast_in_dim3A_43 = vector.broadcast %broadcast_in_dim3A_42 : f32 to vector<1x64xf32>
    %slice3A_44 = vector.extract_strided_slice %tanh3A {offsets = [0, 0], sizes = [9999, 64], strides = [1, 1]} : vector<10000x64xf32> to vector<9999x64xf32>
    %concatenate3A_45 = tpu.concatenate %broadcast_in_dim3A_43, %slice3A_44 in 0 : vector<1x64xf32>, vector<9999x64xf32> -> vector<10000x64xf32>
    %eq3A_46 = arith.cmpi eq, %concatenate3A, %get3A_31 : vector<10000x1xi32>
    %jit3A = arith.constant 0xFF800000 : f32
    %broadcast_in_dim3A_47 = vector.shape_cast %eq3A_46 : vector<10000x1xi1> to vector<10000x1xi1>
    %broadcast_in_dim3A_48 = vector.broadcast %broadcast_in_dim3A_47 : vector<10000x1xi1> to vector<10000x64xi1>
    %broadcast_in_dim3A_49 = vector.broadcast %jit3A : f32 to vector<10000x64xf32>
    %select_n3A = arith.select %broadcast_in_dim3A_48, %concatenate3A_45, %broadcast_in_dim3A_49 : vector<10000x64xi1>, vector<10000x64xf32>
    %max3A = arith.maximumf %tanh3A, %select_n3A : vector<10000x64xf32>
    %broadcast_in_dim3A_50 = arith.constant -1 : i32
    %broadcast_in_dim3A_51 = vector.broadcast %broadcast_in_dim3A_50 : i32 to vector<2x1xi32>
    %slice3A_52 = vector.extract_strided_slice %get3A_31 {offsets = [0, 0], sizes = [9998, 1], strides = [1, 1]} : vector<10000x1xi32> to vector<9998x1xi32>
    %concatenate3A_53 = tpu.concatenate %broadcast_in_dim3A_51, %slice3A_52 in 0 : vector<2x1xi32>, vector<9998x1xi32> -> vector<10000x1xi32>
    %broadcast_in_dim3A_54 = arith.constant 0xFF800000 : f32
    %broadcast_in_dim3A_55 = vector.broadcast %broadcast_in_dim3A_54 : f32 to vector<2x64xf32>
    %slice3A_56 = vector.extract_strided_slice %max3A {offsets = [0, 0], sizes = [9998, 64], strides = [1, 1]} : vector<10000x64xf32> to vector<9998x64xf32>
    %concatenate3A_57 = tpu.concatenate %broadcast_in_dim3A_55, %slice3A_56 in 0 : vector<2x64xf32>, vector<9998x64xf32> -> vector<10000x64xf32>
    %eq3A_58 = arith.cmpi eq, %concatenate3A_53, %get3A_31 : vector<10000x1xi32>
    %jit3A_59 = arith.constant 0xFF800000 : f32
    %broadcast_in_dim3A_60 = vector.shape_cast %eq3A_58 : vector<10000x1xi1> to vector<10000x1xi1>
    %broadcast_in_dim3A_61 = vector.broadcast %broadcast_in_dim3A_60 : vector<10000x1xi1> to vector<10000x64xi1>
    %broadcast_in_dim3A_62 = vector.broadcast %jit3A_59 : f32 to vector<10000x64xf32>
    %select_n3A_63 = arith.select %broadcast_in_dim3A_61, %concatenate3A_57, %broadcast_in_dim3A_62 : vector<10000x64xi1>, vector<10000x64xf32>
    %max3A_64 = arith.maximumf %max3A, %select_n3A_63 : vector<10000x64xf32>
    %broadcast_in_dim3A_65 = arith.constant -1 : i32
    %broadcast_in_dim3A_66 = vector.broadcast %broadcast_in_dim3A_65 : i32 to vector<4x1xi32>
    %slice3A_67 = vector.extract_strided_slice %get3A_31 {offsets = [0, 0], sizes = [9996, 1], strides = [1, 1]} : vector<10000x1xi32> to vector<9996x1xi32>
    %concatenate3A_68 = tpu.concatenate %broadcast_in_dim3A_66, %slice3A_67 in 0 : vector<4x1xi32>, vector<9996x1xi32> -> vector<10000x1xi32>
    %broadcast_in_dim3A_69 = arith.constant 0xFF800000 : f32
    %broadcast_in_dim3A_70 = vector.broadcast %broadcast_in_dim3A_69 : f32 to vector<4x64xf32>
    %slice3A_71 = vector.extract_strided_slice %max3A_64 {offsets = [0, 0], sizes = [9996, 64], strides = [1, 1]} : vector<10000x64xf32> to vector<9996x64xf32>
    %concatenate3A_72 = tpu.concatenate %broadcast_in_dim3A_70, %slice3A_71 in 0 : vector<4x64xf32>, vector<9996x64xf32> -> vector<10000x64xf32>
    %eq3A_73 = arith.cmpi eq, %concatenate3A_68, %get3A_31 : vector<10000x1xi32>
    %jit3A_74 = arith.constant 0xFF800000 : f32
    %broadcast_in_dim3A_75 = vector.shape_cast %eq3A_73 : vector<10000x1xi1> to vector<10000x1xi1>
    %broadcast_in_dim3A_76 = vector.broadcast %broadcast_in_dim3A_75 : vector<10000x1xi1> to vector<10000x64xi1>
    %broadcast_in_dim3A_77 = vector.broadcast %jit3A_74 : f32 to vector<10000x64xf32>
    %select_n3A_78 = arith.select %broadcast_in_dim3A_76, %concatenate3A_72, %broadcast_in_dim3A_77 : vector<10000x64xi1>, vector<10000x64xf32>
    %max3A_79 = arith.maximumf %max3A_64, %select_n3A_78 : vector<10000x64xf32>
    %broadcast_in_dim3A_80 = arith.constant -1 : i32
    %broadcast_in_dim3A_81 = vector.broadcast %broadcast_in_dim3A_80 : i32 to vector<8x1xi32>
    %slice3A_82 = vector.extract_strided_slice %get3A_31 {offsets = [0, 0], sizes = [9992, 1], strides = [1, 1]} : vector<10000x1xi32> to vector<9992x1xi32>
    %concatenate3A_83 = tpu.concatenate %broadcast_in_dim3A_81, %slice3A_82 in 0 : vector<8x1xi32>, vector<9992x1xi32> -> vector<10000x1xi32>
    %broadcast_in_dim3A_84 = arith.constant 0xFF800000 : f32
    %broadcast_in_dim3A_85 = vector.broadcast %broadcast_in_dim3A_84 : f32 to vector<8x64xf32>
    %slice3A_86 = vector.extract_strided_slice %max3A_79 {offsets = [0, 0], sizes = [9992, 64], strides = [1, 1]} : vector<10000x64xf32> to vector<9992x64xf32>
    %concatenate3A_87 = tpu.concatenate %broadcast_in_dim3A_85, %slice3A_86 in 0 : vector<8x64xf32>, vector<9992x64xf32> -> vector<10000x64xf32>
    %eq3A_88 = arith.cmpi eq, %concatenate3A_83, %get3A_31 : vector<10000x1xi32>
    %jit3A_89 = arith.constant 0xFF800000 : f32
    %broadcast_in_dim3A_90 = vector.shape_cast %eq3A_88 : vector<10000x1xi1> to vector<10000x1xi1>
    %broadcast_in_dim3A_91 = vector.broadcast %broadcast_in_dim3A_90 : vector<10000x1xi1> to vector<10000x64xi1>
    %broadcast_in_dim3A_92 = vector.broadcast %jit3A_89 : f32 to vector<10000x64xf32>
    %select_n3A_93 = arith.select %broadcast_in_dim3A_91, %concatenate3A_87, %broadcast_in_dim3A_92 : vector<10000x64xi1>, vector<10000x64xf32>
    %max3A_94 = arith.maximumf %max3A_79, %select_n3A_93 : vector<10000x64xf32>
    %broadcast_in_dim3A_95 = arith.constant -1 : i32
    %broadcast_in_dim3A_96 = vector.broadcast %broadcast_in_dim3A_95 : i32 to vector<16x1xi32>
    %slice3A_97 = vector.extract_strided_slice %get3A_31 {offsets = [0, 0], sizes = [9984, 1], strides = [1, 1]} : vector<10000x1xi32> to vector<9984x1xi32>
    %concatenate3A_98 = tpu.concatenate %broadcast_in_dim3A_96, %slice3A_97 in 0 : vector<16x1xi32>, vector<9984x1xi32> -> vector<10000x1xi32>
    %broadcast_in_dim3A_99 = arith.constant 0xFF800000 : f32
    %broadcast_in_dim3A_100 = vector.broadcast %broadcast_in_dim3A_99 : f32 to vector<16x64xf32>
    %slice3A_101 = vector.extract_strided_slice %max3A_94 {offsets = [0, 0], sizes = [9984, 64], strides = [1, 1]} : vector<10000x64xf32> to vector<9984x64xf32>
    %concatenate3A_102 = tpu.concatenate %broadcast_in_dim3A_100, %slice3A_101 in 0 : vector<16x64xf32>, vector<9984x64xf32> -> vector<10000x64xf32>
    %eq3A_103 = arith.cmpi eq, %concatenate3A_98, %get3A_31 : vector<10000x1xi32>
    %jit3A_104 = arith.constant 0xFF800000 : f32
    %broadcast_in_dim3A_105 = vector.shape_cast %eq3A_103 : vector<10000x1xi1> to vector<10000x1xi1>
    %broadcast_in_dim3A_106 = vector.broadcast %broadcast_in_dim3A_105 : vector<10000x1xi1> to vector<10000x64xi1>
    %broadcast_in_dim3A_107 = vector.broadcast %jit3A_104 : f32 to vector<10000x64xf32>
    %select_n3A_108 = arith.select %broadcast_in_dim3A_106, %concatenate3A_102, %broadcast_in_dim3A_107 : vector<10000x64xi1>, vector<10000x64xf32>
    %max3A_109 = arith.maximumf %max3A_94, %select_n3A_108 : vector<10000x64xf32>
    %broadcast_in_dim3A_110 = arith.constant -1 : i32
    %broadcast_in_dim3A_111 = vector.broadcast %broadcast_in_dim3A_110 : i32 to vector<32x1xi32>
    %slice3A_112 = vector.extract_strided_slice %get3A_31 {offsets = [0, 0], sizes = [9968, 1], strides = [1, 1]} : vector<10000x1xi32> to vector<9968x1xi32>
    %concatenate3A_113 = tpu.concatenate %broadcast_in_dim3A_111, %slice3A_112 in 0 : vector<32x1xi32>, vector<9968x1xi32> -> vector<10000x1xi32>
    %broadcast_in_dim3A_114 = arith.constant 0xFF800000 : f32
    %broadcast_in_dim3A_115 = vector.broadcast %broadcast_in_dim3A_114 : f32 to vector<32x64xf32>
    %slice3A_116 = vector.extract_strided_slice %max3A_109 {offsets = [0, 0], sizes = [9968, 64], strides = [1, 1]} : vector<10000x64xf32> to vector<9968x64xf32>
    %concatenate3A_117 = tpu.concatenate %broadcast_in_dim3A_115, %slice3A_116 in 0 : vector<32x64xf32>, vector<9968x64xf32> -> vector<10000x64xf32>
    %eq3A_118 = arith.cmpi eq, %concatenate3A_113, %get3A_31 : vector<10000x1xi32>
    %jit3A_119 = arith.constant 0xFF800000 : f32
    %broadcast_in_dim3A_120 = vector.shape_cast %eq3A_118 : vector<10000x1xi1> to vector<10000x1xi1>
    %broadcast_in_dim3A_121 = vector.broadcast %broadcast_in_dim3A_120 : vector<10000x1xi1> to vector<10000x64xi1>
    %broadcast_in_dim3A_122 = vector.broadcast %jit3A_119 : f32 to vector<10000x64xf32>
    %select_n3A_123 = arith.select %broadcast_in_dim3A_121, %concatenate3A_117, %broadcast_in_dim3A_122 : vector<10000x64xi1>, vector<10000x64xf32>
    %max3A_124 = arith.maximumf %max3A_109, %select_n3A_123 : vector<10000x64xf32>
    %broadcast_in_dim3A_125 = arith.constant -1 : i32
    %broadcast_in_dim3A_126 = vector.broadcast %broadcast_in_dim3A_125 : i32 to vector<64x1xi32>
    %slice3A_127 = vector.extract_strided_slice %get3A_31 {offsets = [0, 0], sizes = [9936, 1], strides = [1, 1]} : vector<10000x1xi32> to vector<9936x1xi32>
    %concatenate3A_128 = tpu.concatenate %broadcast_in_dim3A_126, %slice3A_127 in 0 : vector<64x1xi32>, vector<9936x1xi32> -> vector<10000x1xi32>
    %broadcast_in_dim3A_129 = arith.constant 0xFF800000 : f32
    %broadcast_in_dim3A_130 = vector.broadcast %broadcast_in_dim3A_129 : f32 to vector<64x64xf32>
    %slice3A_131 = vector.extract_strided_slice %max3A_124 {offsets = [0, 0], sizes = [9936, 64], strides = [1, 1]} : vector<10000x64xf32> to vector<9936x64xf32>
    %concatenate3A_132 = tpu.concatenate %broadcast_in_dim3A_130, %slice3A_131 in 0 : vector<64x64xf32>, vector<9936x64xf32> -> vector<10000x64xf32>
    %eq3A_133 = arith.cmpi eq, %concatenate3A_128, %get3A_31 : vector<10000x1xi32>
    %jit3A_134 = arith.constant 0xFF800000 : f32
    %broadcast_in_dim3A_135 = vector.shape_cast %eq3A_133 : vector<10000x1xi1> to vector<10000x1xi1>
    %broadcast_in_dim3A_136 = vector.broadcast %broadcast_in_dim3A_135 : vector<10000x1xi1> to vector<10000x64xi1>
    %broadcast_in_dim3A_137 = vector.broadcast %jit3A_134 : f32 to vector<10000x64xf32>
    %select_n3A_138 = arith.select %broadcast_in_dim3A_136, %concatenate3A_132, %broadcast_in_dim3A_137 : vector<10000x64xi1>, vector<10000x64xf32>
    %max3A_139 = arith.maximumf %max3A_124, %select_n3A_138 : vector<10000x64xf32>
    %broadcast_in_dim3A_140 = arith.constant -1 : i32
    %broadcast_in_dim3A_141 = vector.broadcast %broadcast_in_dim3A_140 : i32 to vector<128x1xi32>
    %slice3A_142 = vector.extract_strided_slice %get3A_31 {offsets = [0, 0], sizes = [9872, 1], strides = [1, 1]} : vector<10000x1xi32> to vector<9872x1xi32>
    %concatenate3A_143 = tpu.concatenate %broadcast_in_dim3A_141, %slice3A_142 in 0 : vector<128x1xi32>, vector<9872x1xi32> -> vector<10000x1xi32>
    %broadcast_in_dim3A_144 = arith.constant 0xFF800000 : f32
    %broadcast_in_dim3A_145 = vector.broadcast %broadcast_in_dim3A_144 : f32 to vector<128x64xf32>
    %slice3A_146 = vector.extract_strided_slice %max3A_139 {offsets = [0, 0], sizes = [9872, 64], strides = [1, 1]} : vector<10000x64xf32> to vector<9872x64xf32>
    %concatenate3A_147 = tpu.concatenate %broadcast_in_dim3A_145, %slice3A_146 in 0 : vector<128x64xf32>, vector<9872x64xf32> -> vector<10000x64xf32>
    %eq3A_148 = arith.cmpi eq, %concatenate3A_143, %get3A_31 : vector<10000x1xi32>
    %jit3A_149 = arith.constant 0xFF800000 : f32
    %broadcast_in_dim3A_150 = vector.shape_cast %eq3A_148 : vector<10000x1xi1> to vector<10000x1xi1>
    %broadcast_in_dim3A_151 = vector.broadcast %broadcast_in_dim3A_150 : vector<10000x1xi1> to vector<10000x64xi1>
    %broadcast_in_dim3A_152 = vector.broadcast %jit3A_149 : f32 to vector<10000x64xf32>
    %select_n3A_153 = arith.select %broadcast_in_dim3A_151, %concatenate3A_147, %broadcast_in_dim3A_152 : vector<10000x64xi1>, vector<10000x64xf32>
    %max3A_154 = arith.maximumf %max3A_139, %select_n3A_153 : vector<10000x64xf32>
    %broadcast_in_dim3A_155 = arith.constant -1 : i32
    %broadcast_in_dim3A_156 = vector.broadcast %broadcast_in_dim3A_155 : i32 to vector<256x1xi32>
    %slice3A_157 = vector.extract_strided_slice %get3A_31 {offsets = [0, 0], sizes = [9744, 1], strides = [1, 1]} : vector<10000x1xi32> to vector<9744x1xi32>
    %concatenate3A_158 = tpu.concatenate %broadcast_in_dim3A_156, %slice3A_157 in 0 : vector<256x1xi32>, vector<9744x1xi32> -> vector<10000x1xi32>
    %broadcast_in_dim3A_159 = arith.constant 0xFF800000 : f32
    %broadcast_in_dim3A_160 = vector.broadcast %broadcast_in_dim3A_159 : f32 to vector<256x64xf32>
    %slice3A_161 = vector.extract_strided_slice %max3A_154 {offsets = [0, 0], sizes = [9744, 64], strides = [1, 1]} : vector<10000x64xf32> to vector<9744x64xf32>
    %concatenate3A_162 = tpu.concatenate %broadcast_in_dim3A_160, %slice3A_161 in 0 : vector<256x64xf32>, vector<9744x64xf32> -> vector<10000x64xf32>
    %eq3A_163 = arith.cmpi eq, %concatenate3A_158, %get3A_31 : vector<10000x1xi32>
    %jit3A_164 = arith.constant 0xFF800000 : f32
    %broadcast_in_dim3A_165 = vector.shape_cast %eq3A_163 : vector<10000x1xi1> to vector<10000x1xi1>
    %broadcast_in_dim3A_166 = vector.broadcast %broadcast_in_dim3A_165 : vector<10000x1xi1> to vector<10000x64xi1>
    %broadcast_in_dim3A_167 = vector.broadcast %jit3A_164 : f32 to vector<10000x64xf32>
    %select_n3A_168 = arith.select %broadcast_in_dim3A_166, %concatenate3A_162, %broadcast_in_dim3A_167 : vector<10000x64xi1>, vector<10000x64xf32>
    %max3A_169 = arith.maximumf %max3A_154, %select_n3A_168 : vector<10000x64xf32>
    %broadcast_in_dim3A_170 = arith.constant -1 : i32
    %broadcast_in_dim3A_171 = vector.broadcast %broadcast_in_dim3A_170 : i32 to vector<512x1xi32>
    %slice3A_172 = vector.extract_strided_slice %get3A_31 {offsets = [0, 0], sizes = [9488, 1], strides = [1, 1]} : vector<10000x1xi32> to vector<9488x1xi32>
    %concatenate3A_173 = tpu.concatenate %broadcast_in_dim3A_171, %slice3A_172 in 0 : vector<512x1xi32>, vector<9488x1xi32> -> vector<10000x1xi32>
    %broadcast_in_dim3A_174 = arith.constant 0xFF800000 : f32
    %broadcast_in_dim3A_175 = vector.broadcast %broadcast_in_dim3A_174 : f32 to vector<512x64xf32>
    %slice3A_176 = vector.extract_strided_slice %max3A_169 {offsets = [0, 0], sizes = [9488, 64], strides = [1, 1]} : vector<10000x64xf32> to vector<9488x64xf32>
    %concatenate3A_177 = tpu.concatenate %broadcast_in_dim3A_175, %slice3A_176 in 0 : vector<512x64xf32>, vector<9488x64xf32> -> vector<10000x64xf32>
    %eq3A_178 = arith.cmpi eq, %concatenate3A_173, %get3A_31 : vector<10000x1xi32>
    %jit3A_179 = arith.constant 0xFF800000 : f32
    %broadcast_in_dim3A_180 = vector.shape_cast %eq3A_178 : vector<10000x1xi1> to vector<10000x1xi1>
    %broadcast_in_dim3A_181 = vector.broadcast %broadcast_in_dim3A_180 : vector<10000x1xi1> to vector<10000x64xi1>
    %broadcast_in_dim3A_182 = vector.broadcast %jit3A_179 : f32 to vector<10000x64xf32>
    %select_n3A_183 = arith.select %broadcast_in_dim3A_181, %concatenate3A_177, %broadcast_in_dim3A_182 : vector<10000x64xi1>, vector<10000x64xf32>
    %max3A_184 = arith.maximumf %max3A_169, %select_n3A_183 : vector<10000x64xf32>
    %broadcast_in_dim3A_185 = arith.constant -1 : i32
    %broadcast_in_dim3A_186 = vector.broadcast %broadcast_in_dim3A_185 : i32 to vector<1024x1xi32>
    %slice3A_187 = vector.extract_strided_slice %get3A_31 {offsets = [0, 0], sizes = [8976, 1], strides = [1, 1]} : vector<10000x1xi32> to vector<8976x1xi32>
    %concatenate3A_188 = tpu.concatenate %broadcast_in_dim3A_186, %slice3A_187 in 0 : vector<1024x1xi32>, vector<8976x1xi32> -> vector<10000x1xi32>
    %broadcast_in_dim3A_189 = arith.constant 0xFF800000 : f32
    %broadcast_in_dim3A_190 = vector.broadcast %broadcast_in_dim3A_189 : f32 to vector<1024x64xf32>
    %slice3A_191 = vector.extract_strided_slice %max3A_184 {offsets = [0, 0], sizes = [8976, 64], strides = [1, 1]} : vector<10000x64xf32> to vector<8976x64xf32>
    %concatenate3A_192 = tpu.concatenate %broadcast_in_dim3A_190, %slice3A_191 in 0 : vector<1024x64xf32>, vector<8976x64xf32> -> vector<10000x64xf32>
    %eq3A_193 = arith.cmpi eq, %concatenate3A_188, %get3A_31 : vector<10000x1xi32>
    %jit3A_194 = arith.constant 0xFF800000 : f32
    %broadcast_in_dim3A_195 = vector.shape_cast %eq3A_193 : vector<10000x1xi1> to vector<10000x1xi1>
    %broadcast_in_dim3A_196 = vector.broadcast %broadcast_in_dim3A_195 : vector<10000x1xi1> to vector<10000x64xi1>
    %broadcast_in_dim3A_197 = vector.broadcast %jit3A_194 : f32 to vector<10000x64xf32>
    %select_n3A_198 = arith.select %broadcast_in_dim3A_196, %concatenate3A_192, %broadcast_in_dim3A_197 : vector<10000x64xi1>, vector<10000x64xf32>
    %max3A_199 = arith.maximumf %max3A_184, %select_n3A_198 : vector<10000x64xf32>
    %broadcast_in_dim3A_200 = arith.constant -1 : i32
    %broadcast_in_dim3A_201 = vector.broadcast %broadcast_in_dim3A_200 : i32 to vector<2048x1xi32>
    %slice3A_202 = vector.extract_strided_slice %get3A_31 {offsets = [0, 0], sizes = [7952, 1], strides = [1, 1]} : vector<10000x1xi32> to vector<7952x1xi32>
    %concatenate3A_203 = tpu.concatenate %broadcast_in_dim3A_201, %slice3A_202 in 0 : vector<2048x1xi32>, vector<7952x1xi32> -> vector<10000x1xi32>
    %broadcast_in_dim3A_204 = arith.constant 0xFF800000 : f32
    %broadcast_in_dim3A_205 = vector.broadcast %broadcast_in_dim3A_204 : f32 to vector<2048x64xf32>
    %slice3A_206 = vector.extract_strided_slice %max3A_199 {offsets = [0, 0], sizes = [7952, 64], strides = [1, 1]} : vector<10000x64xf32> to vector<7952x64xf32>
    %concatenate3A_207 = tpu.concatenate %broadcast_in_dim3A_205, %slice3A_206 in 0 : vector<2048x64xf32>, vector<7952x64xf32> -> vector<10000x64xf32>
    %eq3A_208 = arith.cmpi eq, %concatenate3A_203, %get3A_31 : vector<10000x1xi32>
    %jit3A_209 = arith.constant 0xFF800000 : f32
    %broadcast_in_dim3A_210 = vector.shape_cast %eq3A_208 : vector<10000x1xi1> to vector<10000x1xi1>
    %broadcast_in_dim3A_211 = vector.broadcast %broadcast_in_dim3A_210 : vector<10000x1xi1> to vector<10000x64xi1>
    %broadcast_in_dim3A_212 = vector.broadcast %jit3A_209 : f32 to vector<10000x64xf32>
    %select_n3A_213 = arith.select %broadcast_in_dim3A_211, %concatenate3A_207, %broadcast_in_dim3A_212 : vector<10000x64xi1>, vector<10000x64xf32>
    %max3A_214 = arith.maximumf %max3A_199, %select_n3A_213 : vector<10000x64xf32>
    %broadcast_in_dim3A_215 = arith.constant -1 : i32
    %broadcast_in_dim3A_216 = vector.broadcast %broadcast_in_dim3A_215 : i32 to vector<4096x1xi32>
    %slice3A_217 = vector.extract_strided_slice %get3A_31 {offsets = [0, 0], sizes = [5904, 1], strides = [1, 1]} : vector<10000x1xi32> to vector<5904x1xi32>
    %concatenate3A_218 = tpu.concatenate %broadcast_in_dim3A_216, %slice3A_217 in 0 : vector<4096x1xi32>, vector<5904x1xi32> -> vector<10000x1xi32>
    %broadcast_in_dim3A_219 = arith.constant 0xFF800000 : f32
    %broadcast_in_dim3A_220 = vector.broadcast %broadcast_in_dim3A_219 : f32 to vector<4096x64xf32>
    %slice3A_221 = vector.extract_strided_slice %max3A_214 {offsets = [0, 0], sizes = [5904, 64], strides = [1, 1]} : vector<10000x64xf32> to vector<5904x64xf32>
    %concatenate3A_222 = tpu.concatenate %broadcast_in_dim3A_220, %slice3A_221 in 0 : vector<4096x64xf32>, vector<5904x64xf32> -> vector<10000x64xf32>
    %eq3A_223 = arith.cmpi eq, %concatenate3A_218, %get3A_31 : vector<10000x1xi32>
    %jit3A_224 = arith.constant 0xFF800000 : f32
    %broadcast_in_dim3A_225 = vector.shape_cast %eq3A_223 : vector<10000x1xi1> to vector<10000x1xi1>
    %broadcast_in_dim3A_226 = vector.broadcast %broadcast_in_dim3A_225 : vector<10000x1xi1> to vector<10000x64xi1>
    %broadcast_in_dim3A_227 = vector.broadcast %jit3A_224 : f32 to vector<10000x64xf32>
    %select_n3A_228 = arith.select %broadcast_in_dim3A_226, %concatenate3A_222, %broadcast_in_dim3A_227 : vector<10000x64xi1>, vector<10000x64xf32>
    %max3A_229 = arith.maximumf %max3A_214, %select_n3A_228 : vector<10000x64xf32>
    %broadcast_in_dim3A_230 = arith.constant -1 : i32
    %broadcast_in_dim3A_231 = vector.broadcast %broadcast_in_dim3A_230 : i32 to vector<8192x1xi32>
    %slice3A_232 = vector.extract_strided_slice %get3A_31 {offsets = [0, 0], sizes = [1808, 1], strides = [1, 1]} : vector<10000x1xi32> to vector<1808x1xi32>
    %concatenate3A_233 = tpu.concatenate %broadcast_in_dim3A_231, %slice3A_232 in 0 : vector<8192x1xi32>, vector<1808x1xi32> -> vector<10000x1xi32>
    %broadcast_in_dim3A_234 = arith.constant 0xFF800000 : f32
    %broadcast_in_dim3A_235 = vector.broadcast %broadcast_in_dim3A_234 : f32 to vector<8192x64xf32>
    %slice3A_236 = vector.extract_strided_slice %max3A_229 {offsets = [0, 0], sizes = [1808, 64], strides = [1, 1]} : vector<10000x64xf32> to vector<1808x64xf32>
    %concatenate3A_237 = tpu.concatenate %broadcast_in_dim3A_235, %slice3A_236 in 0 : vector<8192x64xf32>, vector<1808x64xf32> -> vector<10000x64xf32>
    %eq3A_238 = arith.cmpi eq, %concatenate3A_233, %get3A_31 : vector<10000x1xi32>
    %jit3A_239 = arith.constant 0xFF800000 : f32
    %broadcast_in_dim3A_240 = vector.shape_cast %eq3A_238 : vector<10000x1xi1> to vector<10000x1xi1>
    %broadcast_in_dim3A_241 = vector.broadcast %broadcast_in_dim3A_240 : vector<10000x1xi1> to vector<10000x64xi1>
    %broadcast_in_dim3A_242 = vector.broadcast %jit3A_239 : f32 to vector<10000x64xf32>
    %select_n3A_243 = arith.select %broadcast_in_dim3A_241, %concatenate3A_237, %broadcast_in_dim3A_242 : vector<10000x64xi1>, vector<10000x64xf32>
    %max3A_244 = arith.maximumf %max3A_229, %select_n3A_243 : vector<10000x64xf32>
    %slice3A_245 = vector.extract_strided_slice %get3A_31 {offsets = [1, 0], sizes = [9999, 1], strides = [1, 1]} : vector<10000x1xi32> to vector<9999x1xi32>
    %broadcast_in_dim3A_246 = arith.constant -1 : i32
    %broadcast_in_dim3A_247 = vector.broadcast %broadcast_in_dim3A_246 : i32 to vector<1x1xi32>
    %concatenate3A_248 = tpu.concatenate %slice3A_245, %broadcast_in_dim3A_247 in 0 : vector<9999x1xi32>, vector<1x1xi32> -> vector<10000x1xi32>
    %ne3A = arith.cmpi ne, %get3A_31, %concatenate3A_248 : vector<10000x1xi32>
    %convert_element_type3A_249 = arith.extui %ne3A : vector<10000x1xi1> to vector<10000x1xi32>
    %convert_element_type3A_250 = arith.sitofp %convert_element_type3A_249 : vector<10000x1xi32> to vector<10000x1xf32>
    %mul3A_251 = vector.broadcast %convert_element_type3A_250 : vector<10000x1xf32> to vector<10000x128xf32>
    %mul3A_252 = arith.mulf %convert_element_type3A_34, %mul3A_251 : vector<10000x128xf32>
    %dot_general3A_253 = arith.constant dense<0.000000e+00> : vector<128x64xf32>
    %dot_general3A_254 = tpu.matmul %mul3A_252, %max3A_244, %dot_general3A_253 {dimension_numbers = #tpu.dot_dimension_numbers<[0], [0], [1], [1], [0, 1, 1, 1], [], []>, transpose_lhs_hint = false} : vector<10000x128xf32>, vector<10000x64xf32>, vector<128x64xf32> -> vector<128x64xf32>
    %gt3A = arith.constant 0.000000e+00 : f32
    %gt3A_255 = vector.broadcast %gt3A : f32 to vector<128x1xf32>
    %gt3A_256 = arith.cmpf ogt, %dot_general3A_38, %gt3A_255 : vector<128x1xf32>
    %jit3A_257 = arith.constant 0.000000e+00 : f32
    %broadcast_in_dim3A_258 = vector.shape_cast %gt3A_256 : vector<128x1xi1> to vector<128x1xi1>
    %broadcast_in_dim3A_259 = vector.broadcast %broadcast_in_dim3A_258 : vector<128x1xi1> to vector<128x64xi1>
    %broadcast_in_dim3A_260 = vector.broadcast %jit3A_257 : f32 to vector<128x64xf32>
    %select_n3A_261 = arith.select %broadcast_in_dim3A_259, %dot_general3A_254, %broadcast_in_dim3A_260 : vector<128x64xi1>, vector<128x64xf32>
    %max3A_262 = arith.constant 1.000000e+00 : f32
    %max3A_263 = vector.broadcast %max3A_262 : f32 to vector<128x1xf32>
    %max3A_264 = arith.maximumf %dot_general3A_38, %max3A_263 : vector<128x1xf32>
    %div3A = vector.broadcast %max3A_264 : vector<128x1xf32> to vector<128x64xf32>
    %div3A_265 = arith.divf %dot_general3A_35, %div3A : vector<128x64xf32>
    %concatenate3A_266 = tpu.concatenate %select_n3A_261, %div3A_265 in 1 : vector<128x64xf32>, vector<128x64xf32> -> vector<128x128xf32>
    %get3A_267 = arith.constant 0 : index
    %get3A_268 = arith.constant 0 : index
    %get3A_269 = vector.load %arg7[%get3A_267, %get3A_268] : memref<128x1xf32, #tpu.memory_space<vmem>>, vector<128x1xf32>
    %dot_general3A_270 = arith.constant dense<0.000000e+00> : vector<128x1xf32>
    %dot_general3A_271 = tpu.matmul %concatenate3A_266, %get3A_269, %dot_general3A_270 {dimension_numbers = #tpu.dot_dimension_numbers<[1], [0], [0], [1], [0, 0, 1, 1], [], []>, transpose_lhs_hint = false} : vector<128x128xf32>, vector<128x1xf32>, vector<128x1xf32> -> vector<128x1xf32>
    %get3A_272 = arith.constant 0 : index
    %get3A_273 = arith.constant 0 : index
    %get3A_274 = vector.load %arg8[%get3A_272, %get3A_273] : memref<1x1xf32, #tpu.memory_space<vmem>>, vector<1x1xf32>
    %add3A_275 = vector.broadcast %get3A_274 : vector<1x1xf32> to vector<128x1xf32>
    %add3A_276 = arith.addf %dot_general3A_271, %add3A_275 : vector<128x1xf32>
    %swap3A = arith.constant 0 : index
    %swap3A_277 = arith.constant 0 : index
    %swap3A_278 = vector.load %arg9[%swap3A, %swap3A_277] : memref<128x1xf32, #tpu.memory_space<vmem>>, vector<128x1xf32>
    tpu.vector_store %arg9[%swap3A, %swap3A_277], %add3A_276 {strides = array<i32>} : memref<128x1xf32, #tpu.memory_space<vmem>>, vector<128x1xf32>,
    %swap3A_279 = arith.constant 0 : index
    %swap3A_280 = arith.constant 0 : index
    %swap3A_281 = vector.load %arg10[%swap3A_279, %swap3A_280] : memref<128x128xf32, #tpu.memory_space<vmem>>, vector<128x128xf32>
    tpu.vector_store %arg10[%swap3A_279, %swap3A_280], %concatenate3A_266 {strides = array<i32>} : memref<128x128xf32, #tpu.memory_space<vmem>>, vector<128x128xf32>,
    return
  }
}

</mosaic_0001>

<sc_bundles>
// kernel: kernel.12.cloned.1.call-start
scs
__scs_entry_jumppad:
0x0: {  	(pc) =	sbr.rel $0x88, $3  }
0x1: {  	(tag) =	ssettag $0x0;
	lr =	simm.s32 $0x1  }
0x2: {  	[smem:$0x3F94] =	sst lr;
	_ =	strace $0xD0000000  }
0x3: {  	_ = 	snop  }
0x4: {  	_ = 	snop  }
0x5: {  	_ = 	snop  }
0x6: {  	_ = 	snop  }
0x7: {  	_ = 	snop  }
__scs_overlays_trampoline_lowered:
0x8: {  	[smem:$0x3FA3] =	sst s0  }
0x9: {  	[smem:$0x3FA4] =	sst s1  }
0xa: {  	[smem:$0x3FA5] =	sst s2  }
0xb: {  	[smem:$0x3FA6] =	sst s3  }
0xc: {  	[smem:$0x3FA7] =	sst s4  }
0xd: {  	[smem:$0x3FA8] =	sst s5  }
0xe: {  	[smem:$0x3FA9] =	sst s6  }
0xf: {  	[smem:$0x3FAA] =	sst s7  }
0x10: {  	[smem:$0x3FAB] =	sst s8  }
0x11: {  	[smem:$0x3FAC] =	sst s9;
	s0 =	simm.s32 @!p0 $0x0  }
0x12: {  	s1 =	sld [smem:$0x3F92];
	s0 =	simm.s32 @p0 $0x1  }
0x13: {  	[smem:$0x3FAD] =	sst s0;
	s0 =	simm.s32 @!p1 $0x0  }
0x14: {  	s2 =	sld [smem:$0x3F91];
	s0 =	simm.s32 @p1 $0x1  }
0x15: {  	[smem:$0x3FAE] =	sst s0;
	s0 =	simm.s32 @!p2 $0x0  }
0x16: {  	s3 =	sld [smem:$0x3FDB];
	s0 =	simm.s32 @p2 $0x1  }
0x17: {  	s4 =	simm.s32 $0x1BF5;
	[smem:$0x3FB0] =	sst s0  }
0x18: {  	s0 =	sld [smem:$0x3F93];
	_ =	swait.ge [sflag:s4], $0x0  }
0x19: {  	s7 =	sld [smem:$0x3F94]  }
0x1a: {  	s8 =	sadd.s32 $0xFFFFE003, lr  }
0x1b: {  	s9 =	sadd.s32 $0xFFFFFEF7, lr;
	s5 =	simm.s32 $0xFFFFFFFF;
	p2 =	slt.u32 s8, $0xFFFFF086  }
0x1c: {  	p1 =	slt.u32 s9, $0xF7A;
	s5 =	simm.s32 @!p2 $0x0  }
0x1d: {  	s5 =	simm.s32 @p1 $0x1;
	p0 =	seq.s32 s7, s2  }
0x1e: {  	s7 =	smul.u32 @!p0 $0xF7A, s2;
	p2 =	seq.s32 @!p0 s5, $0x0  }
0x1f: {  	s9 =	smul.u32 $0xF7A, s1;
	s8 =	simm.s32 @!p0 $0x1BF5;
	p2 =	por !p2, p0  }
0x20: {  	[sflag:s8] =	ssyncset.s32 @!p0 $0xFFFFF086;
	s6 =	sadd.s32 @!p0 s3, s7;
	s7 =	simm.s32 @!p0 $0x108  }
0x21: {  	s3 =	sadd.s32 s3, s9;
	s6 =	sadd.s32 @!p0 $0x88, s6;
	s7 =	simm.s32 @p2 $0x1082  }
0x22: {  	[simem:s7], [sflag:s8] =	dma.local @!p0 [hbm:s6], $0xF7A  }
0x23: {  	s9 =	sor.u32 $0xD0000000, s2;
	s6 =	simm.s32 $0x108;
	_ =	swait.ge @!p0 [sflag:s8], $0x0  }
0x24: {  	s3 =	sadd.s32 $0x88, s3;
	s6 =	simm.s32 @!p1 $0x1082;
	[sflag:s4] =	ssyncset.s32 $0xFFFFF086  }
0x25: {  	[simem:s6], [sflag:s4] =	dma.local [hbm:s3], $0xF7A  }
0x26: {  	[smem:$0x3F94] =	sst s1;
	(tag) =	ssettag s2;
	_ =	strace s9  }
0x27: {  	s1 =	sld [smem:$0x3FA4]  }
0x28: {  	s2 =	sld [smem:$0x3FA5]  }
0x29: {  	s4 =	sld [smem:$0x3FA7]  }
0x2a: {  	p0 =	seq.s32 s5, $0x0;
	s5 =	sld [smem:$0x3FA8]  }
0x2b: {  	s6 =	sld [smem:$0x3FA9]  }
0x2c: {  	s7 =	sld [smem:$0x3FAA]  }
0x2d: {  	s3 =	simm.s32 $0x108;
	s8 =	sld [smem:$0x3FAB]  }
0x2e: {  	s3 =	simm.s32 @!p0 $0x1082;
	s9 =	sld [smem:$0x3FAC]  }
0x2f: {  	lr =	sadd.s32 s0, s3;
	s0 =	sld [smem:$0x3FA3]  }
0x30: {  	s3 =	sld [smem:$0x3FA6]  }
0x31: {  	[smem:$0x3FAF] =	sst s10  }
0x32: {  	s10 =	sld [smem:$0x3FAD];
	_ =	sdelay $0x3  }
0x33: {  	p0 =	seq.s32 s10, $0x1;
	s10 =	sld [smem:$0x3FAF];
	_ =	sdelay $0x3  }
0x34: {  	[smem:$0x3FAF] =	sst s10  }
0x35: {  	s10 =	sld [smem:$0x3FAE];
	_ =	sdelay $0x3  }
0x36: {  	p1 =	seq.s32 s10, $0x1;
	s10 =	sld [smem:$0x3FAF];
	_ =	sdelay $0x3  }
0x37: {  	[smem:$0x3FAF] =	sst s10  }
0x38: {  	s10 =	sld [smem:$0x3FB0]  }
0x39: {  	_ = 	snop;
	(pc) =	sbr.ind lr, $3  }
0x3a: {  	_ = 	snop  }
0x3b: {  	_ = 	snop  }
0x3c: {  	p2 =	seq.s32 s10, $0x1;
	s10 =	sld [smem:$0x3FAF]  }
0x3d: {  	_ =	shalt  }
0x3e: {  	_ =	shalt  }
0x3f: {  	_ =	shalt  }
0x40: {  	_ =	shalt  }
0x41: {  	_ =	shalt  }
0x42: {  	_ =	shalt  }
0x43: {  	_ =	shalt  }
0x44: {  	_ =	shalt  }
0x45: {  	_ =	shalt  }
0x46: {  	_ =	shalt  }
0x47: {  	_ =	shalt  }
0x48: {  	_ =	shalt  }
0x49: {  	_ =	shalt  }
0x4a: {  	_ =	shalt  }
0x4b: {  	_ =	shalt  }
0x4c: {  	_ =	shalt  }
0x4d: {  	_ =	shalt  }
0x4e: {  	_ =	shalt  }
0x4f: {  	_ =	shalt  }
0x50: {  	_ =	shalt  }
0x51: {  	_ =	shalt  }
0x52: {  	_ =	shalt  }
0x53: {  	_ =	shalt  }
0x54: {  	_ =	shalt  }
0x55: {  	_ =	shalt  }
0x56: {  	_ =	shalt  }
0x57: {  	_ =	shalt  }
0x58: {  	_ =	shalt  }
0x59: {  	_ =	shalt  }
0x5a: {  	_ =	shalt  }
0x5b: {  	_ =	shalt  }
0x5c: {  	_ =	shalt  }
0x5d: {  	_ =	shalt  }
0x5e: {  	_ =	shalt  }
0x5f: {  	_ =	shalt  }
0x60: {  	_ =	shalt  }
0x61: {  	_ =	shalt  }
0x62: {  	_ =	shalt  }
0x63: {  	_ =	shalt  }
0x64: {  	_ =	shalt  }
0x65: {  	_ =	shalt  }
0x66: {  	_ =	shalt  }
0x67: {  	_ =	shalt  }
0x68: {  	_ =	shalt  }
0x69: {  	_ =	shalt  }
0x6a: {  	_ =	shalt  }
0x6b: {  	_ =	shalt  }
0x6c: {  	_ =	shalt  }
0x6d: {  	_ =	shalt  }
0x6e: {  	_ =	shalt  }
0x6f: {  	_ =	shalt  }
0x70: {  	_ =	shalt  }
0x71: {  	_ =	shalt  }
0x72: {  	_ =	shalt  }
0x73: {  	_ =	shalt  }
0x74: {  	_ =	shalt  }
0x75: {  	_ =	shalt  }
0x76: {  	_ =	shalt  }
0x77: {  	_ =	shalt  }
0x78: {  	_ =	shalt  }
0x79: {  	_ =	shalt  }
0x7a: {  	_ =	shalt  }
0x7b: {  	_ =	shalt  }
0x7c: {  	_ =	shalt  }
0x7d: {  	_ =	shalt  }
0x7e: {  	_ =	shalt  }
0x7f: {  	_ =	shalt  }
0x80: {  	_ =	shalt  }
0x81: {  	_ =	shalt  }
0x82: {  	_ =	shalt  }
0x83: {  	_ =	shalt  }
0x84: {  	_ =	shalt  }
0x85: {  	_ =	shalt  }
0x86: {  	_ =	shalt  }
0x87: {  	_ =	shalt  }
.Lfunc_end0:
.L_simem_size_0:
called_computation_lowered:
.L_overlay_start_0:
0x88: {  	s2 =	sld [smem:$0x3FD9]  }
0x89: {  	s3 =	sld [smem:$0x3FFE];
	_ =	sdelay $0x1  }
0x8a: {  	s1 =	srdreg.scid  }
0x8b: {  	s0 =	sand.u32 $0x1, s1  }
0x8c: {  	s14 =	sshll.u32 s0, $0xA;
	s2 =	sadd.s32 s3, s2  }
0x8d: {  	s2 =	sadd.s32 s2, s14  }
0x8e: {  	[smem:$0x3FBB] =	sst s2  }
0x8f: {  	_ = 	snop  }
0x90: {  	s2 =	sld [smem:$0x3FD0];
	_ =	sdelay $0x2  }
0x91: {  	s15 =	simm.s32 $0xA;
	s4 =	simm.s32 $0x10  }
0x92: {  	[smem:s4], [sflag:s15] =	dma.local [hbm:s2], $0x1  }
0x93: {  	_ =	swait.eq [sflag:s15], $0x1  }
0x94: {  	[sflag:s15] =	ssyncset.done $0x0  }
0x95: {  	[sflag:s15] =	ssyncadd.s32 $0xFFFFFFFF  }
0x96: {  	s16 =	sld [smem:$0x11];
	(tm) =	ssettm $0x1  }
0x97: {  	s17 =	sld [smem:$0x3FFB];
	_ =	sdelay $0x3  }
0x98: {  	_ =	strace s17  }
0x99: {  	s3 =	sld [smem:$0x3FFC];
	_ =	sdelay $0x3  }
0x9a: {  	_ =	strace s3  }
0x9b: {  	s3 =	sld [smem:$0x3FFD];
	_ =	sdelay $0x3  }
0x9c: {  	_ =	strace s3  }
0x9d: {  	_ =	strace $0x8FFFFFFF  }
0x9e: {  	s18 =	sld [smem:$0x3FDB];
	_ =	sdelay $0x1  }
0x9f: {  	s19 =	simm.s32 $_scs_section_size  }
0xa0: {  	s5 =	simm.s32 $_size__tile_overlayer_lowered;
	s6 =	simm.s32 $_tile_overlayer_lowered  }
0xa1: {  	s22 =	simm.s32 $0x1BFF;
	s21 =	sshll.u32 s6, $0x1;
	s3 =	sadd.s32 s19, s18  }
0xa2: {  	s7 =	simm.s32 $0x0;
	s20 =	sshll.u32 s5, $0x1;
	s5 =	sadd.s32 s21, s3  }
0xa3: {  	[timem:s7], [sflag:s22] =	dma.local [hbm:s5], s20  }
0xa4: {  	_ =	swait.ge [sflag:s22], s20  }
0xa5: {  	s4 =	ssub.s32 $0x0, s20;
	[sflag:s22] =	ssyncset.done $0x0  }
0xa6: {  	[sflag:s22] =	ssyncadd.s32 s4;
	_ =	sdelay $0x1  }
0xa7: {  	s23 =	simm.s32 $0x1B8B  }
0xa8: {  	_ =	swait.ge [sflag:s23], $0x1  }
0xa9: {  	[sflag:s23] =	ssyncset.done $0x0  }
0xaa: {  	s25 =	simm.s32 $0x1B8E;
	s24 =	sld [smem:$0x3FFE];
	[sflag:s23] =	ssyncadd.s32 $0xFFFFFFFF  }
0xab: {  	s26 =	simm.s32 $execute0_lowered;
	[smem:$0x3FD2] =	sst s25  }
0xac: {  	s5 =	sshll.u32 s26, $0x1;
	_ =	strace $0x80000046;
	[dreg:$0x1] =	wrdreg $0xFFFFFFFF  }
0xad: {  	s28 =	simm.s32 $_size_execute0_lowered;
	s3 =	sadd.s32 s3, s5;
	[dreg:$0x0] =	wrdreg $0x0  }
0xae: {  	s5 =	sshll.u32 s28, $0x1;
	[dreg:$0x2] =	wrdreg s3  }
0xaf: {  	[dreg:$0x3] =	wrdreg s5  }
0xb0: {  	[dreg:$0x4] =	wrdreg $0xC0  }
0xb1: {  	_ =	task [dreg:s7], $0x5FFFF  }
0xb2: {  	[dreg:$0x1] =	wrdreg $0xFFFFFFFF  }
0xb3: {  	[dreg:$0x0] =	wrdreg $0x60  }
0xb4: {  	[dreg:$0x2] =	wrdreg s24  }
0xb5: {  	[dreg:$0x3] =	wrdreg s16  }
0xb6: {  	[dreg:$0x4] =	wrdreg $0x2C100  }
0xb7: {  	[dreg:$0x5] =	wrdreg $0x9  }
0xb8: {  	_ =	task.clear_ibuf [dreg:s7], $0x6FFFF;
	_ =	strace $0x90000046  }
0xb9: {  	s29 =	simm.s32 $0x9;
	_ =	strace $0x80000048  }
0xba: {  	_ =	swait.ge [sflag:s29], $0x1  }
0xbb: {  	[sflag:s29] =	ssyncadd.s32 $0xFFFFFFFF  }
0xbc: {  	_ =	strace $0x90000048  }
0xbd: {  	_ =	sfence  }
0xbe: {  	s30 =	sld [smem:$0x0];
	_ =	sdelay $0x2  }
0xbf: {  	s31 =	sshll.u32 s1, $0xD;
	s1 =	sshrl.u32 s1, $0x2  }
0xc0: {  	s3 =	sand.u32 $0x4000, s31;
	s1 =	sadd.s32 s1, s30  }
0xc1: {  	s0 =	sor.u32 s3, s0;
	s1 =	sshll.u32 s1, $0x11  }
0xc2: {  	s0 =	sor.u32 s1, s0  }
0xc3: {  	s0 =	sadd.s32 $0x8F2B, s0  }
0xc4: {  	[sflag:s0] =	ssyncadd.remote.s32 $0x1  }
0xc5: {  	_ =	sfence.sel $0xFFFF  }
0xc6: {  	[dreg:$0x0] =	wrdreg $0xFFFFFFFF;
	(pc) =	sbr.abs _section_cstart, $3  }
0xc7: {  	[dreg:$0x1] =	wrdreg $0xFFFFFFFF  }
0xc8: {  	_ =	task.clear_ibuf [dreg:s7], $0x2FFFF;
	_ =	strace $0x9FFFFFFF  }
0xc9: {  	(tm) =	ssettm $0x7FFFFFFF  }
tec
execute0_lowered:
.L_overlay_start_1:
0x0: {  	(tag) =	ssettag $0x1  }
0x1: {  	s6 =	rddreg [dreg:$0x0]  }
0x2: {  	s2 =	rddreg [dreg:$0x1]  }
0x3: {  	s0 =	srdreg.scid;
	s3 =	rddreg [dreg:$0x2];
	s4 =	simm.s32 $0x0  }
0x4: {  	s13 =	simm.s32 $0x50;
	s14 =	simm.s32 $0x1;
	s15 =	simm.s32 $0x2  }
0x5: {  	s16 =	simm.s32 $0x3;
	s17 =	simm.s32 $0x4;
	s18 =	simm.s32 $0x26C0  }
0x6: {  	s19 =	simm.s32 $0x0;
	s5 =	sand.u32 $0x1, s0;
	s0 =	stileid.u32  }
0x7: {  	[smem:$0x7FF] =	sst s4;
	s1 =	sshll.u32 s5, $0x4;
	s8 =	smul.u32 $0x2780, s0  }
0x8: {  	s9 =	smul.u32 $0x27800, s5;
	s5 =	ssub.s32 $0x2, s5;
	s1 =	sor.u32 s0, s1  }
0x9: {  	s31 =	sshll.u32 s0, $0x6;
	s30 =	sshrl.u32 s5, $0x1;
	s7 =	smul.u32 $0x4E2, s1  }
0xa: {  	s1 =	rddreg [dreg:$0x3];
	_ =	strace $0x80000047;
	s9 =	sadd.s32 s8, s9  }
0xb: {  	s10 =	sshrl.u32 s8, $0x3;
	s11 =	ssub.s32 s5, s30;
	s12 =	sadd.s32 s8, s3  }
0xc: {  	s9 =	sshrl.u32 s9, $0x3;
	s10 =	sadd.s32 s10, s6;
	s8 =	smax.u32 s11, $0x1  }
0xd: {  	s11 =	sor.u32 $0x1C05, s31;
	s12 =	sshrl.u32 s12, $0x3;
	s7 =	sadd.s32 s7, s6  }
0xe: {  	s9 =	sadd.s32 s9, s6;
	s6 =	sadd.s32 $0x17400, s10;
	s10 =	simm.s32 $0x2710  }
0xf: {  	s5 =	sadd.s32 $0xD600, s7;
	s7 =	sadd.s32 $0x1C400, s9;
	s9 =	simm.s32 $0x5  }
.LBB2_1:
0x10: {  	[tilespmem:s4], [sflag:$0x5] =	stream.linear.gather [hbm4b:s5+s4], $0x2710, $0x38;
	[tilespmem:$0x5390] =	vst v63  }
0x11: {  	_ =	swait.ge [sflag:s9], $0x2710  }
0x12: {  	[sflag:s9] =	ssyncset.done $0x0  }
0x13: {  	[sflag:s9] =	ssyncadd.s32 $0xFFFFD8F0  }
0x14: {  	[tilespmem:s10], [sflag:$0x5] =	stream.linear.gather [hbm4b:s2+s4], $0x500, $0x38;
	[tilespmem:$0x5390] =	vst v63  }
0x15: {  	_ =	swait.ge [sflag:s9], $0x500  }
0x16: {  	[sflag:s9] =	ssyncset.done $0x0  }
0x17: {  	[sflag:s9] =	ssyncadd.s32 $0xFFFFFB00  }
0x18: {  	[spmem:s12], [sflag:s11] =	dma.local [hbm:s6], $0x4F0  }
0x19: {  	_ =	swait.ge [sflag:s9], $0x4F0  }
0x1a: {  	[sflag:s9] =	ssyncset.done $0x0  }
0x1b: {  	[sflag:s9] =	ssyncadd.s32 $0xFFFFFB10  }
0x1c: {  	s20 =	simm.s32 $0x0;
	[bflag:$0x0] =	sbarrier.arrive $0xFFFF  }
0x1d: {  	[spmem:s3] =	stream.indirect.scatter.add.f32 [tilespmem:s10], [sflag:$0x1], $0x10, s20, s13, $0xb8;
	[tilespmem:$0x5390] =	vst v63  }
0x1e: {  	s29 =	simm.s32 $0x50  }
0x1f: {  	[spmem:s3] =	stream.indirect.scatter.add.f32 [tilespmem:s10], [sflag:$0x2], $0x10, s29, s13, $0xb8;
	[tilespmem:$0x5390] =	vst v63  }
0x20: {  	s30 =	simm.s32 $0xA0  }
0x21: {  	[spmem:s3] =	stream.indirect.scatter.add.f32 [tilespmem:s10], [sflag:$0x3], $0x10, s30, s13, $0xb8;
	[tilespmem:$0x5390] =	vst v63  }
0x22: {  	s31 =	simm.s32 $0xF0  }
0x23: {  	[spmem:s3] =	stream.indirect.scatter.add.f32 [tilespmem:s10], [sflag:$0x4], $0x10, s31, s13, $0xb8;
	[tilespmem:$0x5390] =	vst v63  }
0x24: {  	_ =	swait.ge [sflag:s14], $0x500  }
0x25: {  	[sflag:s14] =	ssyncset.done $0x0  }
0x26: {  	[sflag:s14] =	ssyncadd.s32 $0xFFFFFB00  }
0x27: {  	_ =	swait.ge [sflag:s15], $0x500  }
0x28: {  	[sflag:s15] =	ssyncset.done $0x0  }
0x29: {  	[sflag:s15] =	ssyncadd.s32 $0xFFFFFB00  }
0x2a: {  	_ =	swait.ge [sflag:s16], $0x500  }
0x2b: {  	[sflag:s16] =	ssyncset.done $0x0  }
0x2c: {  	[sflag:s16] =	ssyncadd.s32 $0xFFFFFB00  }
0x2d: {  	_ =	swait.ge [sflag:s17], $0x500  }
0x2e: {  	s21 =	simm.s32 $0xA00;
	s20 =	simm.s32 $0x500;
	[sflag:s17] =	ssyncset.done $0x0  }
.LBB2_2:
0x2f: {  	s22 =	sshra.s32 s20, $0x2  }
0x30: {  	[sflag:s17] =	ssyncadd.s32 $0xFFFFFB00;
	s20 =	smov.u32 s21;
	s23 =	sadd.s32 $0x500, s21  }
0x31: {  	[spmem:s3] =	stream.indirect.scatter.add.f32 [tilespmem:s10], [sflag:$0x1], $0x10, s22, s13, $0xb8;
	[tilespmem:$0x5390] =	vst v63  }
0x32: {  	p0 =	sne.s32 s21, $0x9600;
	s21 =	sadd.s32 $0x50, s22  }
0x33: {  	[spmem:s3] =	stream.indirect.scatter.add.f32 [tilespmem:s10], [sflag:$0x2], $0x10, s21, s13, $0xb8;
	[tilespmem:$0x5390] =	vst v63  }
0x34: {  	s21 =	sadd.s32 $0xA0, s22  }
0x35: {  	[spmem:s3] =	stream.indirect.scatter.add.f32 [tilespmem:s10], [sflag:$0x3], $0x10, s21, s13, $0xb8;
	[tilespmem:$0x5390] =	vst v63  }
0x36: {  	s21 =	sadd.s32 $0xF0, s22  }
0x37: {  	[spmem:s3] =	stream.indirect.scatter.add.f32 [tilespmem:s10], [sflag:$0x4], $0x10, s21, s13, $0xb8;
	[tilespmem:$0x5390] =	vst v63  }
0x38: {  	_ =	swait.ge [sflag:s14], $0x500  }
0x39: {  	[sflag:s14] =	ssyncset.done $0x0  }
0x3a: {  	[sflag:s14] =	ssyncadd.s32 $0xFFFFFB00  }
0x3b: {  	_ =	swait.ge [sflag:s15], $0x500  }
0x3c: {  	[sflag:s15] =	ssyncset.done $0x0  }
0x3d: {  	[sflag:s15] =	ssyncadd.s32 $0xFFFFFB00  }
.Ltmp0:
0x3e: {  	_ =	swait.ge [sflag:s16], $0x500;
	(pc) =	sbr.rel @p0 .LBB2_2-.Ltmp0, $4  }
0x3f: {  	[sflag:s16] =	ssyncset.done $0x0  }
0x40: {  	[sflag:s16] =	ssyncadd.s32 $0xFFFFFB00  }
0x41: {  	_ =	swait.ge [sflag:s17], $0x500  }
0x42: {  	s21 =	smov.u32 s23;
	[sflag:s17] =	ssyncset.done $0x0  }
0x43: {  	s20 =	sshra.s32 s20, $0x2;
	[sflag:s17] =	ssyncadd.s32 $0xFFFFFB00  }
0x44: {  	[spmem:s3] =	stream.indirect.scatter.add.f32 [tilespmem:s10], [sflag:$0x1], $0x10, s20, s13, $0xb8;
	[tilespmem:$0x5390] =	vst v63  }
0x45: {  	s21 =	sadd.s32 $0x50, s20  }
0x46: {  	[spmem:s3] =	stream.indirect.scatter.add.f32 [tilespmem:s10], [sflag:$0x2], $0x10, s21, s13, $0xb8;
	[tilespmem:$0x5390] =	vst v63  }
0x47: {  	s31 =	sadd.s32 $0xA0, s20  }
0x48: {  	[spmem:s3] =	stream.indirect.scatter.add.f32 [tilespmem:s10], [sflag:$0x3], $0x10, s31, s13, $0xb8;
	[tilespmem:$0x5390] =	vst v63  }
0x49: {  	s20 =	sadd.s32 $0xF0, s20  }
0x4a: {  	[spmem:s3] =	stream.indirect.scatter.add.f32 [tilespmem:s10], [sflag:$0x4], $0x10, s20, s13, $0xb8;
	[tilespmem:$0x5390] =	vst v63  }
0x4b: {  	_ =	swait.ge [sflag:s14], $0x500  }
0x4c: {  	[sflag:s14] =	ssyncset.done $0x0  }
0x4d: {  	[sflag:s14] =	ssyncadd.s32 $0xFFFFFB00  }
0x4e: {  	_ =	swait.ge [sflag:s15], $0x500  }
0x4f: {  	[sflag:s15] =	ssyncset.done $0x0  }
0x50: {  	[sflag:s15] =	ssyncadd.s32 $0xFFFFFB00  }
0x51: {  	_ =	swait.ge [sflag:s16], $0x500  }
0x52: {  	[sflag:s16] =	ssyncset.done $0x0  }
0x53: {  	[sflag:s16] =	ssyncadd.s32 $0xFFFFFB00  }
0x54: {  	_ =	swait.ge [sflag:s17], $0x500  }
0x55: {  	[sflag:s17] =	ssyncset.done $0x0  }
0x56: {  	[sflag:s17] =	ssyncadd.s32 $0xFFFFFB00  }
0x57: {  	[spmem:s3] =	stream.indirect.scatter.add.f32 [tilespmem:s10], [sflag:$0x5], $0x10, s18, s13, $0xb8;
	[tilespmem:$0x5390] =	vst v63  }
0x58: {  	_ =	swait.ge [sflag:s9], $0x500  }
0x59: {  	s19 =	sadd.s32 $0x1, s19;
	[sflag:s9] =	ssyncset.done $0x0  }
0x5a: {  	p0 =	sne.s32 s19, s8;
	[sflag:s9] =	ssyncadd.s32 $0xFFFFFB00  }
.Ltmp1:
0x5b: {  	[bflag:$0x0] =	sbarrier.arrive $0xFFFF;
	(pc) =	sbr.rel @p0 .LBB2_1-.Ltmp1, $4  }
0x5c: {  	[hbm:s7], [sflag:s11] =	dma.local [spmem:s12], $0x4F0  }
0x5d: {  	_ =	swait.ge [sflag:s9], $0x4F0  }
0x5e: {  	[sflag:s9] =	ssyncset.done $0x0  }
0x5f: {  	[sflag:s9] =	ssyncadd.s32 $0xFFFFFB10  }
0x60: {  	_ =	sfence.sel $0x180000  }
0x61: {  	[bflag:$0x0] =	sbarrier.arrive $0xFFFF  }
0x62: {  	p0 =	sne.s32 s0, $0x0;
	_ =	strace $0x90000047  }
0x63: {  	s0 =	sadd.s32 @!p0 $0x100000, s1;
	[bflag:$0x2] =	sbarrier.arrive $0xFFFF  }
0x64: {  	[sflag:s0] =	ssyncadd.tile.s32 @!p0 $0x1;
	_ =	shalt  }
.Lfunc_end2:
_tile_overlayer_lowered:
.L_overlay_start_2:
0x65: {  	(tag) =	ssettag $0x2  }
0x66: {  	s0 =	rddreg [dreg:$0x0];
	s2 =	stileid.u32  }
0x67: {  	s1 =	rddreg [dreg:$0x1];
	p0 =	sne.s32 s2, $0x0  }
0x68: {  	s3 =	rddreg [dreg:$0x2];
	[bflag:$0x3] =	sbarrier.arrive $0xFFFF;
	s2 =	simm.s32 @!p0 $0x1C05  }
0x69: {  	[timem:s3], [sflag:s2] =	dma.local @!p0 [hbm:s0], s1  }
0x6a: {  	s0 =	simm.s32 @!p0 $0x5  }
0x6b: {  	_ =	swait.ge @!p0 [sflag:s0], s1  }
0x6c: {  	s1 =	ssub.s32 @!p0 $0x0, s1;
	[sflag:s0] =	ssyncset.done @!p0 $0x0  }
0x6d: {  	[sflag:s0] =	ssyncadd.s32 @!p0 s1  }
0x6e: {  	[bflag:$0x3] =	sbarrier.arrive $0xFFFF  }
0x6f: {  	_ =	shalt  }

// kernel: kernel.15.cloned.1.call-start
scs
__scs_entry_jumppad:
0x0: {  	(pc) =	sbr.rel $0x88, $3  }
0x1: {  	(tag) =	ssettag $0x0;
	lr =	simm.s32 $0x1  }
0x2: {  	[smem:$0x3F94] =	sst lr;
	_ =	strace $0xD0000000  }
0x3: {  	_ = 	snop  }
0x4: {  	_ = 	snop  }
0x5: {  	_ = 	snop  }
0x6: {  	_ = 	snop  }
0x7: {  	_ = 	snop  }
__scs_overlays_trampoline_lowered:
0x8: {  	[smem:$0x3FA3] =	sst s0  }
0x9: {  	[smem:$0x3FA4] =	sst s1  }
0xa: {  	[smem:$0x3FA5] =	sst s2  }
0xb: {  	[smem:$0x3FA6] =	sst s3  }
0xc: {  	[smem:$0x3FA7] =	sst s4  }
0xd: {  	[smem:$0x3FA8] =	sst s5  }
0xe: {  	[smem:$0x3FA9] =	sst s6  }
0xf: {  	[smem:$0x3FAA] =	sst s7  }
0x10: {  	[smem:$0x3FAB] =	sst s8  }
0x11: {  	[smem:$0x3FAC] =	sst s9;
	s0 =	simm.s32 @!p0 $0x0  }
0x12: {  	s1 =	sld [smem:$0x3F92];
	s0 =	simm.s32 @p0 $0x1  }
0x13: {  	[smem:$0x3FAD] =	sst s0;
	s0 =	simm.s32 @!p1 $0x0  }
0x14: {  	s2 =	sld [smem:$0x3F91];
	s0 =	simm.s32 @p1 $0x1  }
0x15: {  	[smem:$0x3FAE] =	sst s0;
	s0 =	simm.s32 @!p2 $0x0  }
0x16: {  	s3 =	sld [smem:$0x3FDB];
	s0 =	simm.s32 @p2 $0x1  }
0x17: {  	s4 =	simm.s32 $0x1BF5;
	[smem:$0x3FB0] =	sst s0  }
0x18: {  	s0 =	sld [smem:$0x3F93];
	_ =	swait.ge [sflag:s4], $0x0  }
0x19: {  	s7 =	sld [smem:$0x3F94]  }
0x1a: {  	s8 =	sadd.s32 $0xFFFFE003, lr  }
0x1b: {  	s9 =	sadd.s32 $0xFFFFFEF7, lr;
	s5 =	simm.s32 $0xFFFFFFFF;
	p2 =	slt.u32 s8, $0xFFFFF086  }
0x1c: {  	p1 =	slt.u32 s9, $0xF7A;
	s5 =	simm.s32 @!p2 $0x0  }
0x1d: {  	s5 =	simm.s32 @p1 $0x1;
	p0 =	seq.s32 s7, s2  }
0x1e: {  	s7 =	smul.u32 @!p0 $0xF7A, s2;
	p2 =	seq.s32 @!p0 s5, $0x0  }
0x1f: {  	s9 =	smul.u32 $0xF7A, s1;
	s8 =	simm.s32 @!p0 $0x1BF5;
	p2 =	por !p2, p0  }
0x20: {  	[sflag:s8] =	ssyncset.s32 @!p0 $0xFFFFF086;
	s6 =	sadd.s32 @!p0 s3, s7;
	s7 =	simm.s32 @!p0 $0x108  }
0x21: {  	s3 =	sadd.s32 s3, s9;
	s6 =	sadd.s32 @!p0 $0x88, s6;
	s7 =	simm.s32 @p2 $0x1082  }
0x22: {  	[simem:s7], [sflag:s8] =	dma.local @!p0 [hbm:s6], $0xF7A  }
0x23: {  	s9 =	sor.u32 $0xD0000000, s2;
	s6 =	simm.s32 $0x108;
	_ =	swait.ge @!p0 [sflag:s8], $0x0  }
0x24: {  	s3 =	sadd.s32 $0x88, s3;
	s6 =	simm.s32 @!p1 $0x1082;
	[sflag:s4] =	ssyncset.s32 $0xFFFFF086  }
0x25: {  	[simem:s6], [sflag:s4] =	dma.local [hbm:s3], $0xF7A  }
0x26: {  	[smem:$0x3F94] =	sst s1;
	(tag) =	ssettag s2;
	_ =	strace s9  }
0x27: {  	s1 =	sld [smem:$0x3FA4]  }
0x28: {  	s2 =	sld [smem:$0x3FA5]  }
0x29: {  	s4 =	sld [smem:$0x3FA7]  }
0x2a: {  	p0 =	seq.s32 s5, $0x0;
	s5 =	sld [smem:$0x3FA8]  }
0x2b: {  	s6 =	sld [smem:$0x3FA9]  }
0x2c: {  	s7 =	sld [smem:$0x3FAA]  }
0x2d: {  	s3 =	simm.s32 $0x108;
	s8 =	sld [smem:$0x3FAB]  }
0x2e: {  	s3 =	simm.s32 @!p0 $0x1082;
	s9 =	sld [smem:$0x3FAC]  }
0x2f: {  	lr =	sadd.s32 s0, s3;
	s0 =	sld [smem:$0x3FA3]  }
0x30: {  	s3 =	sld [smem:$0x3FA6]  }
0x31: {  	[smem:$0x3FAF] =	sst s10  }
0x32: {  	s10 =	sld [smem:$0x3FAD];
	_ =	sdelay $0x3  }
0x33: {  	p0 =	seq.s32 s10, $0x1;
	s10 =	sld [smem:$0x3FAF];
	_ =	sdelay $0x3  }
0x34: {  	[smem:$0x3FAF] =	sst s10  }
0x35: {  	s10 =	sld [smem:$0x3FAE];
	_ =	sdelay $0x3  }
0x36: {  	p1 =	seq.s32 s10, $0x1;
	s10 =	sld [smem:$0x3FAF];
	_ =	sdelay $0x3  }
0x37: {  	[smem:$0x3FAF] =	sst s10  }
0x38: {  	s10 =	sld [smem:$0x3FB0]  }
0x39: {  	_ = 	snop;
	(pc) =	sbr.ind lr, $3  }
0x3a: {  	_ = 	snop  }
0x3b: {  	_ = 	snop  }
0x3c: {  	p2 =	seq.s32 s10, $0x1;
	s10 =	sld [smem:$0x3FAF]  }
0x3d: {  	_ =	shalt  }
0x3e: {  	_ =	shalt  }
0x3f: {  	_ =	shalt  }
0x40: {  	_ =	shalt  }
0x41: {  	_ =	shalt  }
0x42: {  	_ =	shalt  }
0x43: {  	_ =	shalt  }
0x44: {  	_ =	shalt  }
0x45: {  	_ =	shalt  }
0x46: {  	_ =	shalt  }
0x47: {  	_ =	shalt  }
0x48: {  	_ =	shalt  }
0x49: {  	_ =	shalt  }
0x4a: {  	_ =	shalt  }
0x4b: {  	_ =	shalt  }
0x4c: {  	_ =	shalt  }
0x4d: {  	_ =	shalt  }
0x4e: {  	_ =	shalt  }
0x4f: {  	_ =	shalt  }
0x50: {  	_ =	shalt  }
0x51: {  	_ =	shalt  }
0x52: {  	_ =	shalt  }
0x53: {  	_ =	shalt  }
0x54: {  	_ =	shalt  }
0x55: {  	_ =	shalt  }
0x56: {  	_ =	shalt  }
0x57: {  	_ =	shalt  }
0x58: {  	_ =	shalt  }
0x59: {  	_ =	shalt  }
0x5a: {  	_ =	shalt  }
0x5b: {  	_ =	shalt  }
0x5c: {  	_ =	shalt  }
0x5d: {  	_ =	shalt  }
0x5e: {  	_ =	shalt  }
0x5f: {  	_ =	shalt  }
0x60: {  	_ =	shalt  }
0x61: {  	_ =	shalt  }
0x62: {  	_ =	shalt  }
0x63: {  	_ =	shalt  }
0x64: {  	_ =	shalt  }
0x65: {  	_ =	shalt  }
0x66: {  	_ =	shalt  }
0x67: {  	_ =	shalt  }
0x68: {  	_ =	shalt  }
0x69: {  	_ =	shalt  }
0x6a: {  	_ =	shalt  }
0x6b: {  	_ =	shalt  }
0x6c: {  	_ =	shalt  }
0x6d: {  	_ =	shalt  }
0x6e: {  	_ =	shalt  }
0x6f: {  	_ =	shalt  }
0x70: {  	_ =	shalt  }
0x71: {  	_ =	shalt  }
0x72: {  	_ =	shalt  }
0x73: {  	_ =	shalt  }
0x74: {  	_ =	shalt  }
0x75: {  	_ =	shalt  }
0x76: {  	_ =	shalt  }
0x77: {  	_ =	shalt  }
0x78: {  	_ =	shalt  }
0x79: {  	_ =	shalt  }
0x7a: {  	_ =	shalt  }
0x7b: {  	_ =	shalt  }
0x7c: {  	_ =	shalt  }
0x7d: {  	_ =	shalt  }
0x7e: {  	_ =	shalt  }
0x7f: {  	_ =	shalt  }
0x80: {  	_ =	shalt  }
0x81: {  	_ =	shalt  }
0x82: {  	_ =	shalt  }
0x83: {  	_ =	shalt  }
0x84: {  	_ =	shalt  }
0x85: {  	_ =	shalt  }
0x86: {  	_ =	shalt  }
0x87: {  	_ =	shalt  }
.Lfunc_end0:
.L_simem_size_0:
called_computation.1_lowered:
.L_overlay_start_0:
0x88: {  	s2 =	sld [smem:$0x3FD9]  }
0x89: {  	s3 =	sld [smem:$0x3FFE];
	_ =	sdelay $0x1  }
0x8a: {  	s1 =	srdreg.scid  }
0x8b: {  	s0 =	sand.u32 $0x1, s1  }
0x8c: {  	s16 =	sshll.u32 s0, $0xA;
	s2 =	sadd.s32 s3, s2  }
0x8d: {  	s2 =	sadd.s32 s2, s16  }
0x8e: {  	[smem:$0x3FBB] =	sst s2  }
0x8f: {  	_ = 	snop  }
0x90: {  	(tm) =	ssettm $0x1  }
0x91: {  	s17 =	sld [smem:$0x3FFB];
	_ =	sdelay $0x3  }
0x92: {  	_ =	strace s17  }
0x93: {  	s2 =	sld [smem:$0x3FFC];
	_ =	sdelay $0x3  }
0x94: {  	_ =	strace s2  }
0x95: {  	s2 =	sld [smem:$0x3FFD];
	_ =	sdelay $0x3  }
0x96: {  	_ =	strace s2  }
0x97: {  	_ =	strace $0x8FFFFFFF  }
0x98: {  	s18 =	sld [smem:$0x3FDB];
	_ =	sdelay $0x1  }
0x99: {  	s19 =	simm.s32 $_scs_section_size  }
0x9a: {  	s4 =	simm.s32 $_size__tile_overlayer_lowered;
	s5 =	simm.s32 $_tile_overlayer_lowered  }
0x9b: {  	s22 =	simm.s32 $0x1BFF;
	s21 =	sshll.u32 s5, $0x1;
	s2 =	sadd.s32 s19, s18  }
0x9c: {  	s6 =	simm.s32 $0x0;
	s20 =	sshll.u32 s4, $0x1;
	s4 =	sadd.s32 s21, s2  }
0x9d: {  	[timem:s6], [sflag:s22] =	dma.local [hbm:s4], s20  }
0x9e: {  	_ =	swait.ge [sflag:s22], s20  }
0x9f: {  	s3 =	ssub.s32 $0x0, s20;
	[sflag:s22] =	ssyncset.done $0x0  }
0xa0: {  	[sflag:s22] =	ssyncadd.s32 s3;
	_ =	sdelay $0x1  }
0xa1: {  	s23 =	simm.s32 $0x1B8B  }
0xa2: {  	_ =	swait.ge [sflag:s23], $0x1  }
0xa3: {  	[sflag:s23] =	ssyncset.done $0x0  }
0xa4: {  	s25 =	simm.s32 $0x1B8E;
	s24 =	sld [smem:$0x3FFE];
	[sflag:s23] =	ssyncadd.s32 $0xFFFFFFFF  }
0xa5: {  	s26 =	simm.s32 $execute0_lowered;
	[smem:$0x3FD2] =	sst s25  }
0xa6: {  	s4 =	sshll.u32 s26, $0x1;
	_ =	strace $0x80000049;
	[dreg:$0x1] =	wrdreg $0xFFFFFFFF  }
0xa7: {  	s28 =	simm.s32 $_size_execute0_lowered;
	s2 =	sadd.s32 s2, s4;
	[dreg:$0x0] =	wrdreg $0x0  }
0xa8: {  	s4 =	sshll.u32 s28, $0x1;
	[dreg:$0x2] =	wrdreg s2  }
0xa9: {  	[dreg:$0x3] =	wrdreg s4  }
0xaa: {  	[dreg:$0x4] =	wrdreg $0xC0  }
0xab: {  	_ =	task [dreg:s6], $0x5FFFF  }
0xac: {  	[dreg:$0x1] =	wrdreg $0xFFFFFFFF  }
0xad: {  	[dreg:$0x0] =	wrdreg $0x60  }
0xae: {  	[dreg:$0x2] =	wrdreg s24  }
0xaf: {  	[dreg:$0x3] =	wrdreg $0x9E200  }
0xb0: {  	[dreg:$0x4] =	wrdreg $0x13C200  }
0xb1: {  	[dreg:$0x5] =	wrdreg $0x9  }
0xb2: {  	_ =	task.clear_ibuf [dreg:s6], $0x6FFFF;
	_ =	strace $0x90000049  }
0xb3: {  	s29 =	simm.s32 $0x9;
	_ =	strace $0x8000004B  }
0xb4: {  	_ =	swait.ge [sflag:s29], $0x1  }
0xb5: {  	[sflag:s29] =	ssyncadd.s32 $0xFFFFFFFF  }
0xb6: {  	_ =	strace $0x9000004B  }
0xb7: {  	_ =	sfence  }
0xb8: {  	s30 =	sld [smem:$0x0];
	_ =	sdelay $0x2  }
0xb9: {  	s31 =	sshll.u32 s1, $0xD;
	s1 =	sshrl.u32 s1, $0x2  }
0xba: {  	s3 =	sand.u32 $0x4000, s31;
	s1 =	sadd.s32 s1, s30  }
0xbb: {  	s0 =	sor.u32 s3, s0;
	s1 =	sshll.u32 s1, $0x11  }
0xbc: {  	s0 =	sor.u32 s1, s0  }
0xbd: {  	s0 =	sadd.s32 $0x8F2B, s0  }
0xbe: {  	[sflag:s0] =	ssyncadd.remote.s32 $0x1  }
0xbf: {  	_ =	sfence.sel $0xFFFF  }
0xc0: {  	[dreg:$0x0] =	wrdreg $0xFFFFFFFF;
	(pc) =	sbr.abs _section_cstart, $3  }
0xc1: {  	[dreg:$0x1] =	wrdreg $0xFFFFFFFF  }
0xc2: {  	_ =	task.clear_ibuf [dreg:s6], $0x2FFFF;
	_ =	strace $0x9FFFFFFF  }
0xc3: {  	(tm) =	ssettm $0x7FFFFFFF  }
tec
execute0_lowered:
.L_overlay_start_1:
0x0: {  	(tag) =	ssettag $0x1  }
0x1: {  	s0 =	srdreg.scid  }
0x2: {  	s1 =	rddreg [dreg:$0x0];
	s13 =	stileid.u32  }
0x3: {  	s2 =	rddreg [dreg:$0x1];
	s12 =	simm.s32 $0x2710;
	s16 =	simm.s32 $0x50  }
0x4: {  	s17 =	simm.s32 $0x4E20;
	s18 =	simm.s32 $0x6220;
	s19 =	simm.s32 $0x1  }
0x5: {  	s21 =	simm.s32 $0x7620;
	s22 =	simm.s32 $0x2;
	s28 =	simm.s32 $0x5  }
0x6: {  	s29 =	simm.s32 $0x4;
	s30 =	simm.s32 $0x6;
	s8 =	smul.u32 $0x9C40, s13  }
0x7: {  	s31 =	simm.s32 $0x7;
	s0 =	sand.u32 $0x1, s0;
	s7 =	smul.u32 $0x9E00, s13  }
0x8: {  	s26 =	sshll.u32 s13, $0x6;
	s3 =	sshll.u32 s0, $0x4;
	s6 =	smul.u32 $0x9E000, s0  }
0x9: {  	s0 =	ssub.s32 $0x2, s0;
	s4 =	sor.u32 s13, s3;
	s3 =	rddreg [dreg:$0x2]  }
0xa: {  	s9 =	sshrl.u32 s8, $0x3;
	s24 =	sshrl.u32 s7, $0x3;
	s25 =	sshrl.u32 s0, $0x1  }
0xb: {  	s14 =	sadd.s32 s7, s2;
	s13 =	sor.u32 $0x1C09, s26;
	s26 =	simm.s32 $0x3  }
0xc: {  	s5 =	smul.u32 $0x4E2, s4;
	s4 =	simm.s32 $0x0;
	s9 =	sadd.s32 s9, s1  }
0xd: {  	s23 =	sadd.s32 s7, s6;
	s11 =	sadd.s32 s24, s1;
	s0 =	ssub.s32 s0, s25  }
0xe: {  	s15 =	sadd.s32 s8, s3;
	s14 =	sshrl.u32 s14, $0x3;
	s25 =	simm.s32 $0x8A20  }
0xf: {  	[smem:$0x7FF] =	sst s4;
	s7 =	sadd.s32 $0x79E00, s11;
	s8 =	sadd.s32 $0x66400, s9  }
0x10: {  	s11 =	simm.s32 $0x9;
	s10 =	sadd.s32 s5, s1;
	s5 =	sshrl.u32 s23, $0x3  }
0x11: {  	s15 =	sshrl.u32 s15, $0x3;
	_ =	strace $0x8000004A;
	s1 =	sadd.s32 s5, s1  }
0x12: {  	s5 =	sadd.s32 $0x3800, s10;
	s6 =	sadd.s32 $0xD600, s10;
	s10 =	smax.u32 s0, $0x1  }
0x13: {  	s0 =	simm.s32 $0x0;
	s9 =	sadd.s32 $0x8DA00, s1;
	s1 =	simm.s32 $0x8  }
.LBB2_1:
0x14: {  	[tilespmem:s4], [sflag:$0x9] =	stream.linear.gather [hbm4b:s5+s4], $0x2710, $0x38;
	[tilespmem:$0x1D860] =	vst v63  }
0x15: {  	_ =	swait.ge [sflag:s11], $0x2710  }
0x16: {  	[sflag:s11] =	ssyncset.done $0x0  }
0x17: {  	[sflag:s11] =	ssyncadd.s32 $0xFFFFD8F0  }
0x18: {  	[tilespmem:s12], [sflag:$0x9] =	stream.linear.gather [hbm4b:s6+s4], $0x2710, $0x38;
	[tilespmem:$0x1D860] =	vst v63  }
0x19: {  	_ =	swait.ge [sflag:s11], $0x2710  }
0x1a: {  	[sflag:s11] =	ssyncset.done $0x0  }
0x1b: {  	[sflag:s11] =	ssyncadd.s32 $0xFFFFD8F0  }
0x1c: {  	[spmem:s14], [sflag:s13] =	dma.local [hbm:s7], $0x13C0  }
0x1d: {  	_ =	swait.ge [sflag:s11], $0x13C0  }
0x1e: {  	[sflag:s11] =	ssyncset.done $0x0  }
0x1f: {  	[sflag:s11] =	ssyncadd.s32 $0xFFFFEC40  }
0x20: {  	[spmem:s15], [sflag:s13] =	dma.local [hbm:s8], $0x1388  }
0x21: {  	_ =	swait.ge [sflag:s11], $0x1388  }
0x22: {  	[sflag:s11] =	ssyncset.done $0x0  }
0x23: {  	[sflag:s11] =	ssyncadd.s32 $0xFFFFEC78  }
0x24: {  	[bflag:$0x0] =	sbarrier.arrive $0xFFFF  }
0x25: {  	[tilespmem:s17], [sflag:$0x1] =	stream.indirect.gather [spmem:s3], $0x40, s4, s16, $0xb8;
	[tilespmem:$0x1D860] =	vst v63  }
0x26: {  	_ = 	snop  }
0x27: {  	[tilespmem:s18], [sflag:$0x2] =	stream.indirect.gather [spmem:s3], $0x40, s16, s16, $0xb8;
	[tilespmem:$0x1D860] =	vst v63  }
0x28: {  	_ =	swait.ge [sflag:s19], $0x1400  }
0x29: {  	[sflag:s19] =	ssyncset.done $0x0  }
0x2a: {  	[sflag:s19] =	ssyncadd.s32 $0xFFFFEC00  }
0x2b: {  	[spmem:s2] =	stream.indirect.scatter.add.f32 [tilespmem:s17], [sflag:$0x5], $0x40, s12, s16, $0xb8;
	[tilespmem:$0x1D860] =	vst v63  }
0x2c: {  	s20 =	simm.s32 $0xA0  }
0x2d: {  	[tilespmem:s21], [sflag:$0x3] =	stream.indirect.gather [spmem:s3], $0x40, s20, s16, $0xb8;
	[tilespmem:$0x1D860] =	vst v63  }
0x2e: {  	_ =	swait.ge [sflag:s22], $0x1400  }
0x2f: {  	[sflag:s22] =	ssyncset.done $0x0  }
0x30: {  	s24 =	simm.s32 $0x2760;
	[sflag:s22] =	ssyncadd.s32 $0xFFFFEC00  }
0x31: {  	[spmem:s2] =	stream.indirect.scatter.add.f32 [tilespmem:s18], [sflag:$0x6], $0x40, s24, s16, $0xb8;
	[tilespmem:$0x1D860] =	vst v63  }
0x32: {  	s23 =	simm.s32 $0xF0  }
0x33: {  	[tilespmem:s25], [sflag:$0x4] =	stream.indirect.gather [spmem:s3], $0x40, s23, s16, $0xb8;
	[tilespmem:$0x1D860] =	vst v63  }
0x34: {  	_ =	swait.ge [sflag:s26], $0x1400  }
0x35: {  	[sflag:s26] =	ssyncset.done $0x0  }
0x36: {  	s24 =	simm.s32 $0x27B0;
	[sflag:s26] =	ssyncadd.s32 $0xFFFFEC00  }
0x37: {  	[spmem:s2] =	stream.indirect.scatter.add.f32 [tilespmem:s21], [sflag:$0x7], $0x40, s24, s16, $0xb8;
	[tilespmem:$0x1D860] =	vst v63  }
0x38: {  	_ =	swait.ge [sflag:s28], $0x1400  }
0x39: {  	[sflag:s28] =	ssyncset.done $0x0  }
0x3a: {  	s23 =	simm.s32 $0x140;
	[sflag:s28] =	ssyncadd.s32 $0xFFFFEC00  }
0x3b: {  	[tilespmem:s17], [sflag:$0x1] =	stream.indirect.gather [spmem:s3], $0x40, s23, s16, $0xb8;
	[tilespmem:$0x1D860] =	vst v63  }
0x3c: {  	_ =	swait.ge [sflag:s29], $0x1400  }
0x3d: {  	[sflag:s29] =	ssyncset.done $0x0  }
0x3e: {  	s24 =	simm.s32 $0x2800;
	[sflag:s29] =	ssyncadd.s32 $0xFFFFEC00  }
0x3f: {  	[spmem:s2] =	stream.indirect.scatter.add.f32 [tilespmem:s25], [sflag:$0x8], $0x40, s24, s16, $0xb8;
	[tilespmem:$0x1D860] =	vst v63  }
0x40: {  	_ =	swait.ge [sflag:s30], $0x1400  }
0x41: {  	[sflag:s30] =	ssyncset.done $0x0  }
0x42: {  	s23 =	simm.s32 $0x190;
	[sflag:s30] =	ssyncadd.s32 $0xFFFFEC00  }
0x43: {  	[tilespmem:s18], [sflag:$0x2] =	stream.indirect.gather [spmem:s3], $0x40, s23, s16, $0xb8;
	[tilespmem:$0x1D860] =	vst v63  }
0x44: {  	_ =	swait.ge [sflag:s19], $0x1400  }
0x45: {  	[sflag:s19] =	ssyncset.done $0x0  }
0x46: {  	s24 =	simm.s32 $0x2850;
	[sflag:s19] =	ssyncadd.s32 $0xFFFFEC00  }
0x47: {  	[spmem:s2] =	stream.indirect.scatter.add.f32 [tilespmem:s17], [sflag:$0x5], $0x40, s24, s16, $0xb8;
	[tilespmem:$0x1D860] =	vst v63  }
0x48: {  	_ =	swait.ge [sflag:s31], $0x1400  }
0x49: {  	[sflag:s31] =	ssyncset.done $0x0  }
0x4a: {  	s23 =	simm.s32 $0x1E0;
	[sflag:s31] =	ssyncadd.s32 $0xFFFFEC00  }
0x4b: {  	[tilespmem:s21], [sflag:$0x3] =	stream.indirect.gather [spmem:s3], $0x40, s23, s16, $0xb8;
	[tilespmem:$0x1D860] =	vst v63  }
0x4c: {  	_ =	swait.ge [sflag:s22], $0x1400  }
0x4d: {  	[sflag:s22] =	ssyncset.done $0x0  }
0x4e: {  	s24 =	simm.s32 $0x28A0;
	[sflag:s22] =	ssyncadd.s32 $0xFFFFEC00  }
0x4f: {  	[spmem:s2] =	stream.indirect.scatter.add.f32 [tilespmem:s18], [sflag:$0x6], $0x40, s24, s16, $0xb8;
	[tilespmem:$0x1D860] =	vst v63  }
0x50: {  	_ =	swait.ge [sflag:s1], $0x1400  }
0x51: {  	[sflag:s1] =	ssyncset.done $0x0  }
0x52: {  	s20 =	simm.s32 $0x500;
	s23 =	simm.s32 $0x230;
	[sflag:s1] =	ssyncadd.s32 $0xFFFFEC00  }
.LBB2_2:
0x53: {  	[tilespmem:s25], [sflag:$0x4] =	stream.indirect.gather [spmem:s3], $0x40, s23, s16, $0xb8;
	[tilespmem:$0x1D860] =	vst v63  }
0x54: {  	s23 =	smov.u32 s20  }
0x55: {  	p0 =	sne.s32 s20, $0x9100;
	s20 =	sadd.s32 $0x500, s20;
	_ =	swait.ge [sflag:s26], $0x1400  }
0x56: {  	s23 =	sshra.s32 s23, $0x2;
	[sflag:s26] =	ssyncset.done $0x0  }
0x57: {  	s24 =	sadd.s32 $0x27B0, s23;
	[sflag:s26] =	ssyncadd.s32 $0xFFFFEC00  }
0x58: {  	[spmem:s2] =	stream.indirect.scatter.add.f32 [tilespmem:s21], [sflag:$0x7], $0x40, s24, s16, $0xb8;
	[tilespmem:$0x1D860] =	vst v63  }
0x59: {  	_ =	swait.ge [sflag:s28], $0x1400  }
0x5a: {  	[sflag:s28] =	ssyncset.done $0x0  }
0x5b: {  	s24 =	sadd.s32 $0x140, s23;
	[sflag:s28] =	ssyncadd.s32 $0xFFFFEC00  }
0x5c: {  	[tilespmem:s17], [sflag:$0x1] =	stream.indirect.gather [spmem:s3], $0x40, s24, s16, $0xb8;
	[tilespmem:$0x1D860] =	vst v63  }
0x5d: {  	_ =	swait.ge [sflag:s29], $0x1400  }
0x5e: {  	[sflag:s29] =	ssyncset.done $0x0  }
0x5f: {  	s24 =	sadd.s32 $0x2800, s23;
	[sflag:s29] =	ssyncadd.s32 $0xFFFFEC00  }
0x60: {  	[spmem:s2] =	stream.indirect.scatter.add.f32 [tilespmem:s25], [sflag:$0x8], $0x40, s24, s16, $0xb8;
	[tilespmem:$0x1D860] =	vst v63  }
0x61: {  	_ =	swait.ge [sflag:s30], $0x1400  }
0x62: {  	[sflag:s30] =	ssyncset.done $0x0  }
0x63: {  	s24 =	sadd.s32 $0x190, s23;
	[sflag:s30] =	ssyncadd.s32 $0xFFFFEC00  }
0x64: {  	[tilespmem:s18], [sflag:$0x2] =	stream.indirect.gather [spmem:s3], $0x40, s24, s16, $0xb8;
	[tilespmem:$0x1D860] =	vst v63  }
0x65: {  	_ =	swait.ge [sflag:s19], $0x1400  }
0x66: {  	[sflag:s19] =	ssyncset.done $0x0  }
0x67: {  	s24 =	sadd.s32 $0x2850, s23;
	[sflag:s19] =	ssyncadd.s32 $0xFFFFEC00  }
0x68: {  	[spmem:s2] =	stream.indirect.scatter.add.f32 [tilespmem:s17], [sflag:$0x5], $0x40, s24, s16, $0xb8;
	[tilespmem:$0x1D860] =	vst v63  }
0x69: {  	_ =	swait.ge [sflag:s31], $0x1400  }
0x6a: {  	[sflag:s31] =	ssyncset.done $0x0  }
0x6b: {  	s24 =	sadd.s32 $0x1E0, s23;
	[sflag:s31] =	ssyncadd.s32 $0xFFFFEC00  }
0x6c: {  	[tilespmem:s21], [sflag:$0x3] =	stream.indirect.gather [spmem:s3], $0x40, s24, s16, $0xb8;
	[tilespmem:$0x1D860] =	vst v63  }
0x6d: {  	_ =	swait.ge [sflag:s22], $0x1400  }
0x6e: {  	[sflag:s22] =	ssyncset.done $0x0  }
.Ltmp0:
0x6f: {  	s24 =	sadd.s32 $0x28A0, s23;
	[sflag:s22] =	ssyncadd.s32 $0xFFFFEC00;
	(pc) =	sbr.rel @p0 .LBB2_2-.Ltmp0, $4  }
0x70: {  	[spmem:s2] =	stream.indirect.scatter.add.f32 [tilespmem:s18], [sflag:$0x6], $0x40, s24, s16, $0xb8;
	[tilespmem:$0x1D860] =	vst v63  }
0x71: {  	_ =	swait.ge [sflag:s1], $0x1400  }
0x72: {  	[sflag:s1] =	ssyncset.done $0x0  }
0x73: {  	s23 =	sadd.s32 $0x230, s23;
	[sflag:s1] =	ssyncadd.s32 $0xFFFFEC00  }
0x74: {  	[tilespmem:s25], [sflag:$0x4] =	stream.indirect.gather [spmem:s3], $0x40, s23, s16, $0xb8;
	[tilespmem:$0x1D860] =	vst v63  }
0x75: {  	_ =	swait.ge [sflag:s26], $0x1400  }
0x76: {  	[sflag:s26] =	ssyncset.done $0x0  }
0x77: {  	s20 =	simm.s32 $0x4D30;
	[sflag:s26] =	ssyncadd.s32 $0xFFFFEC00  }
0x78: {  	[spmem:s2] =	stream.indirect.scatter.add.f32 [tilespmem:s21], [sflag:$0x7], $0x40, s20, s16, $0xb8;
	[tilespmem:$0x1D860] =	vst v63  }
0x79: {  	_ =	swait.ge [sflag:s28], $0x1400  }
0x7a: {  	[sflag:s28] =	ssyncset.done $0x0  }
0x7b: {  	s24 =	simm.s32 $0x26C0;
	[sflag:s28] =	ssyncadd.s32 $0xFFFFEC00  }
0x7c: {  	[tilespmem:s17], [sflag:$0x1] =	stream.indirect.gather [spmem:s3], $0x40, s24, s16, $0xb8;
	[tilespmem:$0x1D860] =	vst v63  }
0x7d: {  	_ =	swait.ge [sflag:s29], $0x1400  }
0x7e: {  	[sflag:s29] =	ssyncset.done $0x0  }
0x7f: {  	s23 =	simm.s32 $0x4D80;
	[sflag:s29] =	ssyncadd.s32 $0xFFFFEC00  }
0x80: {  	[spmem:s2] =	stream.indirect.scatter.add.f32 [tilespmem:s25], [sflag:$0x8], $0x40, s23, s16, $0xb8;
	[tilespmem:$0x1D860] =	vst v63  }
0x81: {  	_ =	swait.ge [sflag:s19], $0x1400  }
0x82: {  	[sflag:s19] =	ssyncset.done $0x0  }
0x83: {  	s24 =	simm.s32 $0x4DD0;
	[sflag:s19] =	ssyncadd.s32 $0xFFFFEC00  }
0x84: {  	[spmem:s2] =	stream.indirect.scatter.add.f32 [tilespmem:s17], [sflag:$0x5], $0x40, s24, s16, $0xb8;
	[tilespmem:$0x1D860] =	vst v63  }
0x85: {  	_ =	swait.ge [sflag:s30], $0x1400  }
0x86: {  	[sflag:s30] =	ssyncset.done $0x0  }
0x87: {  	[sflag:s30] =	ssyncadd.s32 $0xFFFFEC00  }
0x88: {  	_ =	swait.ge [sflag:s31], $0x1400  }
0x89: {  	[sflag:s31] =	ssyncset.done $0x0  }
0x8a: {  	[sflag:s31] =	ssyncadd.s32 $0xFFFFEC00  }
0x8b: {  	_ =	swait.ge [sflag:s1], $0x1400  }
0x8c: {  	[sflag:s1] =	ssyncset.done $0x0  }
0x8d: {  	[sflag:s1] =	ssyncadd.s32 $0xFFFFEC00  }
0x8e: {  	_ =	swait.ge [sflag:s28], $0x1400  }
0x8f: {  	s0 =	sadd.s32 $0x1, s0;
	[sflag:s28] =	ssyncset.done $0x0  }
0x90: {  	p0 =	sne.s32 s0, s10;
	[sflag:s28] =	ssyncadd.s32 $0xFFFFEC00  }
.Ltmp1:
0x91: {  	[bflag:$0x0] =	sbarrier.arrive $0xFFFF;
	(pc) =	sbr.rel @p0 .LBB2_1-.Ltmp1, $4  }
0x92: {  	[hbm:s9], [sflag:s13] =	dma.local [spmem:s14], $0x13C0  }
0x93: {  	_ =	swait.ge [sflag:s11], $0x13C0  }
0x94: {  	[sflag:s11] =	ssyncset.done $0x0  }
0x95: {  	[sflag:s11] =	ssyncadd.s32 $0xFFFFEC40  }
0x96: {  	_ =	sfence.sel $0x180000  }
0x97: {  	[bflag:$0x0] =	sbarrier.arrive $0xFFFF  }
0x98: {  	_ =	strace $0x9000004A  }
0x99: {  	s0 =	stileid.u32;
	[bflag:$0x2] =	sbarrier.arrive $0xFFFF  }
0x9a: {  	p0 =	sne.s32 s0, $0x0;
	s0 =	rddreg [dreg:$0x3]  }
0x9b: {  	s0 =	sadd.s32 @!p0 $0x100000, s0  }
0x9c: {  	[sflag:s0] =	ssyncadd.tile.s32 @!p0 $0x1;
	_ =	shalt  }
.Lfunc_end2:
_tile_overlayer_lowered:
.L_overlay_start_2:
0x9d: {  	(tag) =	ssettag $0x2  }
0x9e: {  	s0 =	rddreg [dreg:$0x0];
	s2 =	stileid.u32  }
0x9f: {  	s1 =	rddreg [dreg:$0x1];
	p0 =	sne.s32 s2, $0x0  }
0xa0: {  	s3 =	rddreg [dreg:$0x2];
	[bflag:$0x3] =	sbarrier.arrive $0xFFFF;
	s2 =	simm.s32 @!p0 $0x1C09  }
0xa1: {  	[timem:s3], [sflag:s2] =	dma.local @!p0 [hbm:s0], s1  }
0xa2: {  	s0 =	simm.s32 @!p0 $0x9  }
0xa3: {  	_ =	swait.ge @!p0 [sflag:s0], s1  }
0xa4: {  	s1 =	ssub.s32 @!p0 $0x0, s1;
	[sflag:s0] =	ssyncset.done @!p0 $0x0  }
0xa5: {  	[sflag:s0] =	ssyncadd.s32 @!p0 s1  }
0xa6: {  	[bflag:$0x3] =	sbarrier.arrive $0xFFFF  }
0xa7: {  	_ =	shalt  }

// kernel: kernel.18.cloned.1.call-start
scs
__scs_entry_jumppad:
0x0: {  	(pc) =	sbr.rel $0x88, $3  }
0x1: {  	(tag) =	ssettag $0x0;
	lr =	simm.s32 $0x1  }
0x2: {  	[smem:$0x3F94] =	sst lr;
	_ =	strace $0xD0000000  }
0x3: {  	_ = 	snop  }
0x4: {  	_ = 	snop  }
0x5: {  	_ = 	snop  }
0x6: {  	_ = 	snop  }
0x7: {  	_ = 	snop  }
__scs_overlays_trampoline_lowered:
0x8: {  	[smem:$0x3FA3] =	sst s0  }
0x9: {  	[smem:$0x3FA4] =	sst s1  }
0xa: {  	[smem:$0x3FA5] =	sst s2  }
0xb: {  	[smem:$0x3FA6] =	sst s3  }
0xc: {  	[smem:$0x3FA7] =	sst s4  }
0xd: {  	[smem:$0x3FA8] =	sst s5  }
0xe: {  	[smem:$0x3FA9] =	sst s6  }
0xf: {  	[smem:$0x3FAA] =	sst s7  }
0x10: {  	[smem:$0x3FAB] =	sst s8  }
0x11: {  	[smem:$0x3FAC] =	sst s9;
	s0 =	simm.s32 @!p0 $0x0  }
0x12: {  	s1 =	sld [smem:$0x3F92];
	s0 =	simm.s32 @p0 $0x1  }
0x13: {  	[smem:$0x3FAD] =	sst s0;
	s0 =	simm.s32 @!p1 $0x0  }
0x14: {  	s2 =	sld [smem:$0x3F91];
	s0 =	simm.s32 @p1 $0x1  }
0x15: {  	[smem:$0x3FAE] =	sst s0;
	s0 =	simm.s32 @!p2 $0x0  }
0x16: {  	s3 =	sld [smem:$0x3FDB];
	s0 =	simm.s32 @p2 $0x1  }
0x17: {  	s4 =	simm.s32 $0x1BF5;
	[smem:$0x3FB0] =	sst s0  }
0x18: {  	s0 =	sld [smem:$0x3F93];
	_ =	swait.ge [sflag:s4], $0x0  }
0x19: {  	s7 =	sld [smem:$0x3F94]  }
0x1a: {  	s8 =	sadd.s32 $0xFFFFE003, lr  }
0x1b: {  	s9 =	sadd.s32 $0xFFFFFEF7, lr;
	s5 =	simm.s32 $0xFFFFFFFF;
	p2 =	slt.u32 s8, $0xFFFFF086  }
0x1c: {  	p1 =	slt.u32 s9, $0xF7A;
	s5 =	simm.s32 @!p2 $0x0  }
0x1d: {  	s5 =	simm.s32 @p1 $0x1;
	p0 =	seq.s32 s7, s2  }
0x1e: {  	s7 =	smul.u32 @!p0 $0xF7A, s2;
	p2 =	seq.s32 @!p0 s5, $0x0  }
0x1f: {  	s9 =	smul.u32 $0xF7A, s1;
	s8 =	simm.s32 @!p0 $0x1BF5;
	p2 =	por !p2, p0  }
0x20: {  	[sflag:s8] =	ssyncset.s32 @!p0 $0xFFFFF086;
	s6 =	sadd.s32 @!p0 s3, s7;
	s7 =	simm.s32 @!p0 $0x108  }
0x21: {  	s3 =	sadd.s32 s3, s9;
	s6 =	sadd.s32 @!p0 $0x88, s6;
	s7 =	simm.s32 @p2 $0x1082  }
0x22: {  	[simem:s7], [sflag:s8] =	dma.local @!p0 [hbm:s6], $0xF7A  }
0x23: {  	s9 =	sor.u32 $0xD0000000, s2;
	s6 =	simm.s32 $0x108;
	_ =	swait.ge @!p0 [sflag:s8], $0x0  }
0x24: {  	s3 =	sadd.s32 $0x88, s3;
	s6 =	simm.s32 @!p1 $0x1082;
	[sflag:s4] =	ssyncset.s32 $0xFFFFF086  }
0x25: {  	[simem:s6], [sflag:s4] =	dma.local [hbm:s3], $0xF7A  }
0x26: {  	[smem:$0x3F94] =	sst s1;
	(tag) =	ssettag s2;
	_ =	strace s9  }
0x27: {  	s1 =	sld [smem:$0x3FA4]  }
0x28: {  	s2 =	sld [smem:$0x3FA5]  }
0x29: {  	s4 =	sld [smem:$0x3FA7]  }
0x2a: {  	p0 =	seq.s32 s5, $0x0;
	s5 =	sld [smem:$0x3FA8]  }
0x2b: {  	s6 =	sld [smem:$0x3FA9]  }
0x2c: {  	s7 =	sld [smem:$0x3FAA]  }
0x2d: {  	s3 =	simm.s32 $0x108;
	s8 =	sld [smem:$0x3FAB]  }
0x2e: {  	s3 =	simm.s32 @!p0 $0x1082;
	s9 =	sld [smem:$0x3FAC]  }
0x2f: {  	lr =	sadd.s32 s0, s3;
	s0 =	sld [smem:$0x3FA3]  }
0x30: {  	s3 =	sld [smem:$0x3FA6]  }
0x31: {  	[smem:$0x3FAF] =	sst s10  }
0x32: {  	s10 =	sld [smem:$0x3FAD];
	_ =	sdelay $0x3  }
0x33: {  	p0 =	seq.s32 s10, $0x1;
	s10 =	sld [smem:$0x3FAF];
	_ =	sdelay $0x3  }
0x34: {  	[smem:$0x3FAF] =	sst s10  }
0x35: {  	s10 =	sld [smem:$0x3FAE];
	_ =	sdelay $0x3  }
0x36: {  	p1 =	seq.s32 s10, $0x1;
	s10 =	sld [smem:$0x3FAF];
	_ =	sdelay $0x3  }
0x37: {  	[smem:$0x3FAF] =	sst s10  }
0x38: {  	s10 =	sld [smem:$0x3FB0]  }
0x39: {  	_ = 	snop;
	(pc) =	sbr.ind lr, $3  }
0x3a: {  	_ = 	snop  }
0x3b: {  	_ = 	snop  }
0x3c: {  	p2 =	seq.s32 s10, $0x1;
	s10 =	sld [smem:$0x3FAF]  }
0x3d: {  	_ =	shalt  }
0x3e: {  	_ =	shalt  }
0x3f: {  	_ =	shalt  }
0x40: {  	_ =	shalt  }
0x41: {  	_ =	shalt  }
0x42: {  	_ =	shalt  }
0x43: {  	_ =	shalt  }
0x44: {  	_ =	shalt  }
0x45: {  	_ =	shalt  }
0x46: {  	_ =	shalt  }
0x47: {  	_ =	shalt  }
0x48: {  	_ =	shalt  }
0x49: {  	_ =	shalt  }
0x4a: {  	_ =	shalt  }
0x4b: {  	_ =	shalt  }
0x4c: {  	_ =	shalt  }
0x4d: {  	_ =	shalt  }
0x4e: {  	_ =	shalt  }
0x4f: {  	_ =	shalt  }
0x50: {  	_ =	shalt  }
0x51: {  	_ =	shalt  }
0x52: {  	_ =	shalt  }
0x53: {  	_ =	shalt  }
0x54: {  	_ =	shalt  }
0x55: {  	_ =	shalt  }
0x56: {  	_ =	shalt  }
0x57: {  	_ =	shalt  }
0x58: {  	_ =	shalt  }
0x59: {  	_ =	shalt  }
0x5a: {  	_ =	shalt  }
0x5b: {  	_ =	shalt  }
0x5c: {  	_ =	shalt  }
0x5d: {  	_ =	shalt  }
0x5e: {  	_ =	shalt  }
0x5f: {  	_ =	shalt  }
0x60: {  	_ =	shalt  }
0x61: {  	_ =	shalt  }
0x62: {  	_ =	shalt  }
0x63: {  	_ =	shalt  }
0x64: {  	_ =	shalt  }
0x65: {  	_ =	shalt  }
0x66: {  	_ =	shalt  }
0x67: {  	_ =	shalt  }
0x68: {  	_ =	shalt  }
0x69: {  	_ =	shalt  }
0x6a: {  	_ =	shalt  }
0x6b: {  	_ =	shalt  }
0x6c: {  	_ =	shalt  }
0x6d: {  	_ =	shalt  }
0x6e: {  	_ =	shalt  }
0x6f: {  	_ =	shalt  }
0x70: {  	_ =	shalt  }
0x71: {  	_ =	shalt  }
0x72: {  	_ =	shalt  }
0x73: {  	_ =	shalt  }
0x74: {  	_ =	shalt  }
0x75: {  	_ =	shalt  }
0x76: {  	_ =	shalt  }
0x77: {  	_ =	shalt  }
0x78: {  	_ =	shalt  }
0x79: {  	_ =	shalt  }
0x7a: {  	_ =	shalt  }
0x7b: {  	_ =	shalt  }
0x7c: {  	_ =	shalt  }
0x7d: {  	_ =	shalt  }
0x7e: {  	_ =	shalt  }
0x7f: {  	_ =	shalt  }
0x80: {  	_ =	shalt  }
0x81: {  	_ =	shalt  }
0x82: {  	_ =	shalt  }
0x83: {  	_ =	shalt  }
0x84: {  	_ =	shalt  }
0x85: {  	_ =	shalt  }
0x86: {  	_ =	shalt  }
0x87: {  	_ =	shalt  }
.Lfunc_end0:
.L_simem_size_0:
called_computation.2_lowered:
.L_overlay_start_0:
0x88: {  	s2 =	sld [smem:$0x3FD9]  }
0x89: {  	s3 =	sld [smem:$0x3FFE];
	_ =	sdelay $0x1  }
0x8a: {  	s1 =	srdreg.scid  }
0x8b: {  	s0 =	sand.u32 $0x1, s1  }
0x8c: {  	s16 =	sshll.u32 s0, $0xA;
	s2 =	sadd.s32 s3, s2  }
0x8d: {  	s2 =	sadd.s32 s2, s16  }
0x8e: {  	[smem:$0x3FBB] =	sst s2  }
0x8f: {  	_ = 	snop  }
0x90: {  	(tm) =	ssettm $0x1  }
0x91: {  	s17 =	sld [smem:$0x3FFB];
	_ =	sdelay $0x3  }
0x92: {  	_ =	strace s17  }
0x93: {  	s2 =	sld [smem:$0x3FFC];
	_ =	sdelay $0x3  }
0x94: {  	_ =	strace s2  }
0x95: {  	s2 =	sld [smem:$0x3FFD];
	_ =	sdelay $0x3  }
0x96: {  	_ =	strace s2  }
0x97: {  	_ =	strace $0x8FFFFFFF  }
0x98: {  	s18 =	sld [smem:$0x3FDB];
	_ =	sdelay $0x1  }
0x99: {  	s19 =	simm.s32 $_scs_section_size  }
0x9a: {  	s4 =	simm.s32 $_size__tile_overlayer_lowered;
	s5 =	simm.s32 $_tile_overlayer_lowered  }
0x9b: {  	s22 =	simm.s32 $0x1BFF;
	s21 =	sshll.u32 s5, $0x1;
	s2 =	sadd.s32 s19, s18  }
0x9c: {  	s6 =	simm.s32 $0x0;
	s20 =	sshll.u32 s4, $0x1;
	s4 =	sadd.s32 s21, s2  }
0x9d: {  	[timem:s6], [sflag:s22] =	dma.local [hbm:s4], s20  }
0x9e: {  	_ =	swait.ge [sflag:s22], s20  }
0x9f: {  	s3 =	ssub.s32 $0x0, s20;
	[sflag:s22] =	ssyncset.done $0x0  }
0xa0: {  	[sflag:s22] =	ssyncadd.s32 s3;
	_ =	sdelay $0x1  }
0xa1: {  	s23 =	simm.s32 $0x1B8B  }
0xa2: {  	_ =	swait.ge [sflag:s23], $0x1  }
0xa3: {  	[sflag:s23] =	ssyncset.done $0x0  }
0xa4: {  	s25 =	simm.s32 $0x1B8E;
	s24 =	sld [smem:$0x3FFE];
	[sflag:s23] =	ssyncadd.s32 $0xFFFFFFFF  }
0xa5: {  	s26 =	simm.s32 $execute0_lowered;
	[smem:$0x3FD2] =	sst s25  }
0xa6: {  	s4 =	sshll.u32 s26, $0x1;
	_ =	strace $0x8000004C;
	[dreg:$0x1] =	wrdreg $0xFFFFFFFF  }
0xa7: {  	s28 =	simm.s32 $_size_execute0_lowered;
	s2 =	sadd.s32 s2, s4;
	[dreg:$0x0] =	wrdreg $0x0  }
0xa8: {  	s4 =	sshll.u32 s28, $0x1;
	[dreg:$0x2] =	wrdreg s2  }
0xa9: {  	[dreg:$0x3] =	wrdreg s4  }
0xaa: {  	[dreg:$0x4] =	wrdreg $0xC0  }
0xab: {  	_ =	task [dreg:s6], $0x5FFFF  }
0xac: {  	[dreg:$0x1] =	wrdreg $0xFFFFFFFF  }
0xad: {  	[dreg:$0x0] =	wrdreg $0x60  }
0xae: {  	[dreg:$0x2] =	wrdreg s24  }
0xaf: {  	[dreg:$0x3] =	wrdreg $0x9E200  }
0xb0: {  	[dreg:$0x4] =	wrdreg $0x13C200  }
0xb1: {  	[dreg:$0x5] =	wrdreg $0x9  }
0xb2: {  	_ =	task.clear_ibuf [dreg:s6], $0x6FFFF;
	_ =	strace $0x9000004C  }
0xb3: {  	s29 =	simm.s32 $0x9;
	_ =	strace $0x8000004E  }
0xb4: {  	_ =	swait.ge [sflag:s29], $0x1  }
0xb5: {  	[sflag:s29] =	ssyncadd.s32 $0xFFFFFFFF  }
0xb6: {  	_ =	strace $0x9000004E  }
0xb7: {  	_ =	sfence  }
0xb8: {  	s30 =	sld [smem:$0x0];
	_ =	sdelay $0x2  }
0xb9: {  	s31 =	sshll.u32 s1, $0xD;
	s1 =	sshrl.u32 s1, $0x2  }
0xba: {  	s3 =	sand.u32 $0x4000, s31;
	s1 =	sadd.s32 s1, s30  }
0xbb: {  	s0 =	sor.u32 s3, s0;
	s1 =	sshll.u32 s1, $0x11  }
0xbc: {  	s0 =	sor.u32 s1, s0  }
0xbd: {  	s0 =	sadd.s32 $0x8F2B, s0  }
0xbe: {  	[sflag:s0] =	ssyncadd.remote.s32 $0x1  }
0xbf: {  	_ =	sfence.sel $0xFFFF  }
0xc0: {  	[dreg:$0x0] =	wrdreg $0xFFFFFFFF;
	(pc) =	sbr.abs _section_cstart, $3  }
0xc1: {  	[dreg:$0x1] =	wrdreg $0xFFFFFFFF  }
0xc2: {  	_ =	task.clear_ibuf [dreg:s6], $0x2FFFF;
	_ =	strace $0x9FFFFFFF  }
0xc3: {  	(tm) =	ssettm $0x7FFFFFFF  }
tec
execute0_lowered:
.L_overlay_start_1:
0x0: {  	(tag) =	ssettag $0x1  }
0x1: {  	s0 =	srdreg.scid  }
0x2: {  	s1 =	rddreg [dreg:$0x0];
	s13 =	stileid.u32  }
0x3: {  	s2 =	rddreg [dreg:$0x1];
	s12 =	simm.s32 $0x2710;
	s16 =	simm.s32 $0x50  }
0x4: {  	s17 =	simm.s32 $0x4E20;
	s18 =	simm.s32 $0x6220;
	s19 =	simm.s32 $0x1  }
0x5: {  	s21 =	simm.s32 $0x7620;
	s22 =	simm.s32 $0x2;
	s28 =	simm.s32 $0x5  }
0x6: {  	s29 =	simm.s32 $0x4;
	s30 =	simm.s32 $0x6;
	s8 =	smul.u32 $0x9C40, s13  }
0x7: {  	s31 =	simm.s32 $0x7;
	s0 =	sand.u32 $0x1, s0;
	s7 =	smul.u32 $0x9E00, s13  }
0x8: {  	s26 =	sshll.u32 s13, $0x6;
	s3 =	sshll.u32 s0, $0x4;
	s6 =	smul.u32 $0x9E000, s0  }
0x9: {  	s0 =	ssub.s32 $0x2, s0;
	s4 =	sor.u32 s13, s3;
	s3 =	rddreg [dreg:$0x2]  }
0xa: {  	s9 =	sshrl.u32 s8, $0x3;
	s24 =	sshrl.u32 s7, $0x3;
	s25 =	sshrl.u32 s0, $0x1  }
0xb: {  	s14 =	sadd.s32 s7, s2;
	s13 =	sor.u32 $0x1C09, s26;
	s26 =	simm.s32 $0x3  }
0xc: {  	s5 =	smul.u32 $0x4E2, s4;
	s4 =	simm.s32 $0x0;
	s9 =	sadd.s32 s9, s1  }
0xd: {  	s23 =	sadd.s32 s7, s6;
	s11 =	sadd.s32 s24, s1;
	s0 =	ssub.s32 s0, s25  }
0xe: {  	s15 =	sadd.s32 s8, s3;
	s14 =	sshrl.u32 s14, $0x3;
	s25 =	simm.s32 $0x8A20  }
0xf: {  	[smem:$0x7FF] =	sst s4;
	s7 =	sadd.s32 $0x79E00, s11;
	s8 =	sadd.s32 $0x66400, s9  }
0x10: {  	s11 =	simm.s32 $0x9;
	s10 =	sadd.s32 s5, s1;
	s5 =	sshrl.u32 s23, $0x3  }
0x11: {  	s15 =	sshrl.u32 s15, $0x3;
	_ =	strace $0x8000004D;
	s1 =	sadd.s32 s5, s1  }
0x12: {  	s5 =	sadd.s32 $0x3800, s10;
	s6 =	sadd.s32 $0xD600, s10;
	s10 =	smax.u32 s0, $0x1  }
0x13: {  	s0 =	simm.s32 $0x0;
	s9 =	sadd.s32 $0x8DA00, s1;
	s1 =	simm.s32 $0x8  }
.LBB2_1:
0x14: {  	[tilespmem:s4], [sflag:$0x9] =	stream.linear.gather [hbm4b:s5+s4], $0x2710, $0x38;
	[tilespmem:$0x1D860] =	vst v63  }
0x15: {  	_ =	swait.ge [sflag:s11], $0x2710  }
0x16: {  	[sflag:s11] =	ssyncset.done $0x0  }
0x17: {  	[sflag:s11] =	ssyncadd.s32 $0xFFFFD8F0  }
0x18: {  	[tilespmem:s12], [sflag:$0x9] =	stream.linear.gather [hbm4b:s6+s4], $0x2710, $0x38;
	[tilespmem:$0x1D860] =	vst v63  }
0x19: {  	_ =	swait.ge [sflag:s11], $0x2710  }
0x1a: {  	[sflag:s11] =	ssyncset.done $0x0  }
0x1b: {  	[sflag:s11] =	ssyncadd.s32 $0xFFFFD8F0  }
0x1c: {  	[spmem:s14], [sflag:s13] =	dma.local [hbm:s7], $0x13C0  }
0x1d: {  	_ =	swait.ge [sflag:s11], $0x13C0  }
0x1e: {  	[sflag:s11] =	ssyncset.done $0x0  }
0x1f: {  	[sflag:s11] =	ssyncadd.s32 $0xFFFFEC40  }
0x20: {  	[spmem:s15], [sflag:s13] =	dma.local [hbm:s8], $0x1388  }
0x21: {  	_ =	swait.ge [sflag:s11], $0x1388  }
0x22: {  	[sflag:s11] =	ssyncset.done $0x0  }
0x23: {  	[sflag:s11] =	ssyncadd.s32 $0xFFFFEC78  }
0x24: {  	[bflag:$0x0] =	sbarrier.arrive $0xFFFF  }
0x25: {  	[tilespmem:s17], [sflag:$0x1] =	stream.indirect.gather [spmem:s3], $0x40, s4, s16, $0xb8;
	[tilespmem:$0x1D860] =	vst v63  }
0x26: {  	_ = 	snop  }
0x27: {  	[tilespmem:s18], [sflag:$0x2] =	stream.indirect.gather [spmem:s3], $0x40, s16, s16, $0xb8;
	[tilespmem:$0x1D860] =	vst v63  }
0x28: {  	_ =	swait.ge [sflag:s19], $0x1400  }
0x29: {  	[sflag:s19] =	ssyncset.done $0x0  }
0x2a: {  	[sflag:s19] =	ssyncadd.s32 $0xFFFFEC00  }
0x2b: {  	[spmem:s2] =	stream.indirect.scatter.add.f32 [tilespmem:s17], [sflag:$0x5], $0x40, s12, s16, $0xb8;
	[tilespmem:$0x1D860] =	vst v63  }
0x2c: {  	s20 =	simm.s32 $0xA0  }
0x2d: {  	[tilespmem:s21], [sflag:$0x3] =	stream.indirect.gather [spmem:s3], $0x40, s20, s16, $0xb8;
	[tilespmem:$0x1D860] =	vst v63  }
0x2e: {  	_ =	swait.ge [sflag:s22], $0x1400  }
0x2f: {  	[sflag:s22] =	ssyncset.done $0x0  }
0x30: {  	s24 =	simm.s32 $0x2760;
	[sflag:s22] =	ssyncadd.s32 $0xFFFFEC00  }
0x31: {  	[spmem:s2] =	stream.indirect.scatter.add.f32 [tilespmem:s18], [sflag:$0x6], $0x40, s24, s16, $0xb8;
	[tilespmem:$0x1D860] =	vst v63  }
0x32: {  	s23 =	simm.s32 $0xF0  }
0x33: {  	[tilespmem:s25], [sflag:$0x4] =	stream.indirect.gather [spmem:s3], $0x40, s23, s16, $0xb8;
	[tilespmem:$0x1D860] =	vst v63  }
0x34: {  	_ =	swait.ge [sflag:s26], $0x1400  }
0x35: {  	[sflag:s26] =	ssyncset.done $0x0  }
0x36: {  	s24 =	simm.s32 $0x27B0;
	[sflag:s26] =	ssyncadd.s32 $0xFFFFEC00  }
0x37: {  	[spmem:s2] =	stream.indirect.scatter.add.f32 [tilespmem:s21], [sflag:$0x7], $0x40, s24, s16, $0xb8;
	[tilespmem:$0x1D860] =	vst v63  }
0x38: {  	_ =	swait.ge [sflag:s28], $0x1400  }
0x39: {  	[sflag:s28] =	ssyncset.done $0x0  }
0x3a: {  	s23 =	simm.s32 $0x140;
	[sflag:s28] =	ssyncadd.s32 $0xFFFFEC00  }
0x3b: {  	[tilespmem:s17], [sflag:$0x1] =	stream.indirect.gather [spmem:s3], $0x40, s23, s16, $0xb8;
	[tilespmem:$0x1D860] =	vst v63  }
0x3c: {  	_ =	swait.ge [sflag:s29], $0x1400  }
0x3d: {  	[sflag:s29] =	ssyncset.done $0x0  }
0x3e: {  	s24 =	simm.s32 $0x2800;
	[sflag:s29] =	ssyncadd.s32 $0xFFFFEC00  }
0x3f: {  	[spmem:s2] =	stream.indirect.scatter.add.f32 [tilespmem:s25], [sflag:$0x8], $0x40, s24, s16, $0xb8;
	[tilespmem:$0x1D860] =	vst v63  }
0x40: {  	_ =	swait.ge [sflag:s30], $0x1400  }
0x41: {  	[sflag:s30] =	ssyncset.done $0x0  }
0x42: {  	s23 =	simm.s32 $0x190;
	[sflag:s30] =	ssyncadd.s32 $0xFFFFEC00  }
0x43: {  	[tilespmem:s18], [sflag:$0x2] =	stream.indirect.gather [spmem:s3], $0x40, s23, s16, $0xb8;
	[tilespmem:$0x1D860] =	vst v63  }
0x44: {  	_ =	swait.ge [sflag:s19], $0x1400  }
0x45: {  	[sflag:s19] =	ssyncset.done $0x0  }
0x46: {  	s24 =	simm.s32 $0x2850;
	[sflag:s19] =	ssyncadd.s32 $0xFFFFEC00  }
0x47: {  	[spmem:s2] =	stream.indirect.scatter.add.f32 [tilespmem:s17], [sflag:$0x5], $0x40, s24, s16, $0xb8;
	[tilespmem:$0x1D860] =	vst v63  }
0x48: {  	_ =	swait.ge [sflag:s31], $0x1400  }
0x49: {  	[sflag:s31] =	ssyncset.done $0x0  }
0x4a: {  	s23 =	simm.s32 $0x1E0;
	[sflag:s31] =	ssyncadd.s32 $0xFFFFEC00  }
0x4b: {  	[tilespmem:s21], [sflag:$0x3] =	stream.indirect.gather [spmem:s3], $0x40, s23, s16, $0xb8;
	[tilespmem:$0x1D860] =	vst v63  }
0x4c: {  	_ =	swait.ge [sflag:s22], $0x1400  }
0x4d: {  	[sflag:s22] =	ssyncset.done $0x0  }
0x4e: {  	s24 =	simm.s32 $0x28A0;
	[sflag:s22] =	ssyncadd.s32 $0xFFFFEC00  }
0x4f: {  	[spmem:s2] =	stream.indirect.scatter.add.f32 [tilespmem:s18], [sflag:$0x6], $0x40, s24, s16, $0xb8;
	[tilespmem:$0x1D860] =	vst v63  }
0x50: {  	_ =	swait.ge [sflag:s1], $0x1400  }
0x51: {  	[sflag:s1] =	ssyncset.done $0x0  }
0x52: {  	s20 =	simm.s32 $0x500;
	s23 =	simm.s32 $0x230;
	[sflag:s1] =	ssyncadd.s32 $0xFFFFEC00  }
.LBB2_2:
0x53: {  	[tilespmem:s25], [sflag:$0x4] =	stream.indirect.gather [spmem:s3], $0x40, s23, s16, $0xb8;
	[tilespmem:$0x1D860] =	vst v63  }
0x54: {  	s23 =	smov.u32 s20  }
0x55: {  	p0 =	sne.s32 s20, $0x9100;
	s20 =	sadd.s32 $0x500, s20;
	_ =	swait.ge [sflag:s26], $0x1400  }
0x56: {  	s23 =	sshra.s32 s23, $0x2;
	[sflag:s26] =	ssyncset.done $0x0  }
0x57: {  	s24 =	sadd.s32 $0x27B0, s23;
	[sflag:s26] =	ssyncadd.s32 $0xFFFFEC00  }
0x58: {  	[spmem:s2] =	stream.indirect.scatter.add.f32 [tilespmem:s21], [sflag:$0x7], $0x40, s24, s16, $0xb8;
	[tilespmem:$0x1D860] =	vst v63  }
0x59: {  	_ =	swait.ge [sflag:s28], $0x1400  }
0x5a: {  	[sflag:s28] =	ssyncset.done $0x0  }
0x5b: {  	s24 =	sadd.s32 $0x140, s23;
	[sflag:s28] =	ssyncadd.s32 $0xFFFFEC00  }
0x5c: {  	[tilespmem:s17], [sflag:$0x1] =	stream.indirect.gather [spmem:s3], $0x40, s24, s16, $0xb8;
	[tilespmem:$0x1D860] =	vst v63  }
0x5d: {  	_ =	swait.ge [sflag:s29], $0x1400  }
0x5e: {  	[sflag:s29] =	ssyncset.done $0x0  }
0x5f: {  	s24 =	sadd.s32 $0x2800, s23;
	[sflag:s29] =	ssyncadd.s32 $0xFFFFEC00  }
0x60: {  	[spmem:s2] =	stream.indirect.scatter.add.f32 [tilespmem:s25], [sflag:$0x8], $0x40, s24, s16, $0xb8;
	[tilespmem:$0x1D860] =	vst v63  }
0x61: {  	_ =	swait.ge [sflag:s30], $0x1400  }
0x62: {  	[sflag:s30] =	ssyncset.done $0x0  }
0x63: {  	s24 =	sadd.s32 $0x190, s23;
	[sflag:s30] =	ssyncadd.s32 $0xFFFFEC00  }
0x64: {  	[tilespmem:s18], [sflag:$0x2] =	stream.indirect.gather [spmem:s3], $0x40, s24, s16, $0xb8;
	[tilespmem:$0x1D860] =	vst v63  }
0x65: {  	_ =	swait.ge [sflag:s19], $0x1400  }
0x66: {  	[sflag:s19] =	ssyncset.done $0x0  }
0x67: {  	s24 =	sadd.s32 $0x2850, s23;
	[sflag:s19] =	ssyncadd.s32 $0xFFFFEC00  }
0x68: {  	[spmem:s2] =	stream.indirect.scatter.add.f32 [tilespmem:s17], [sflag:$0x5], $0x40, s24, s16, $0xb8;
	[tilespmem:$0x1D860] =	vst v63  }
0x69: {  	_ =	swait.ge [sflag:s31], $0x1400  }
0x6a: {  	[sflag:s31] =	ssyncset.done $0x0  }
0x6b: {  	s24 =	sadd.s32 $0x1E0, s23;
	[sflag:s31] =	ssyncadd.s32 $0xFFFFEC00  }
0x6c: {  	[tilespmem:s21], [sflag:$0x3] =	stream.indirect.gather [spmem:s3], $0x40, s24, s16, $0xb8;
	[tilespmem:$0x1D860] =	vst v63  }
0x6d: {  	_ =	swait.ge [sflag:s22], $0x1400  }
0x6e: {  	[sflag:s22] =	ssyncset.done $0x0  }
.Ltmp0:
0x6f: {  	s24 =	sadd.s32 $0x28A0, s23;
	[sflag:s22] =	ssyncadd.s32 $0xFFFFEC00;
	(pc) =	sbr.rel @p0 .LBB2_2-.Ltmp0, $4  }
0x70: {  	[spmem:s2] =	stream.indirect.scatter.add.f32 [tilespmem:s18], [sflag:$0x6], $0x40, s24, s16, $0xb8;
	[tilespmem:$0x1D860] =	vst v63  }
0x71: {  	_ =	swait.ge [sflag:s1], $0x1400  }
0x72: {  	[sflag:s1] =	ssyncset.done $0x0  }
0x73: {  	s23 =	sadd.s32 $0x230, s23;
	[sflag:s1] =	ssyncadd.s32 $0xFFFFEC00  }
0x74: {  	[tilespmem:s25], [sflag:$0x4] =	stream.indirect.gather [spmem:s3], $0x40, s23, s16, $0xb8;
	[tilespmem:$0x1D860] =	vst v63  }
0x75: {  	_ =	swait.ge [sflag:s26], $0x1400  }
0x76: {  	[sflag:s26] =	ssyncset.done $0x0  }
0x77: {  	s20 =	simm.s32 $0x4D30;
	[sflag:s26] =	ssyncadd.s32 $0xFFFFEC00  }
0x78: {  	[spmem:s2] =	stream.indirect.scatter.add.f32 [tilespmem:s21], [sflag:$0x7], $0x40, s20, s16, $0xb8;
	[tilespmem:$0x1D860] =	vst v63  }
0x79: {  	_ =	swait.ge [sflag:s28], $0x1400  }
0x7a: {  	[sflag:s28] =	ssyncset.done $0x0  }
0x7b: {  	s24 =	simm.s32 $0x26C0;
	[sflag:s28] =	ssyncadd.s32 $0xFFFFEC00  }
0x7c: {  	[tilespmem:s17], [sflag:$0x1] =	stream.indirect.gather [spmem:s3], $0x40, s24, s16, $0xb8;
	[tilespmem:$0x1D860] =	vst v63  }
0x7d: {  	_ =	swait.ge [sflag:s29], $0x1400  }
0x7e: {  	[sflag:s29] =	ssyncset.done $0x0  }
0x7f: {  	s23 =	simm.s32 $0x4D80;
	[sflag:s29] =	ssyncadd.s32 $0xFFFFEC00  }
0x80: {  	[spmem:s2] =	stream.indirect.scatter.add.f32 [tilespmem:s25], [sflag:$0x8], $0x40, s23, s16, $0xb8;
	[tilespmem:$0x1D860] =	vst v63  }
0x81: {  	_ =	swait.ge [sflag:s19], $0x1400  }
0x82: {  	[sflag:s19] =	ssyncset.done $0x0  }
0x83: {  	s24 =	simm.s32 $0x4DD0;
	[sflag:s19] =	ssyncadd.s32 $0xFFFFEC00  }
0x84: {  	[spmem:s2] =	stream.indirect.scatter.add.f32 [tilespmem:s17], [sflag:$0x5], $0x40, s24, s16, $0xb8;
	[tilespmem:$0x1D860] =	vst v63  }
0x85: {  	_ =	swait.ge [sflag:s30], $0x1400  }
0x86: {  	[sflag:s30] =	ssyncset.done $0x0  }
0x87: {  	[sflag:s30] =	ssyncadd.s32 $0xFFFFEC00  }
0x88: {  	_ =	swait.ge [sflag:s31], $0x1400  }
0x89: {  	[sflag:s31] =	ssyncset.done $0x0  }
0x8a: {  	[sflag:s31] =	ssyncadd.s32 $0xFFFFEC00  }
0x8b: {  	_ =	swait.ge [sflag:s1], $0x1400  }
0x8c: {  	[sflag:s1] =	ssyncset.done $0x0  }
0x8d: {  	[sflag:s1] =	ssyncadd.s32 $0xFFFFEC00  }
0x8e: {  	_ =	swait.ge [sflag:s28], $0x1400  }
0x8f: {  	s0 =	sadd.s32 $0x1, s0;
	[sflag:s28] =	ssyncset.done $0x0  }
0x90: {  	p0 =	sne.s32 s0, s10;
	[sflag:s28] =	ssyncadd.s32 $0xFFFFEC00  }
.Ltmp1:
0x91: {  	[bflag:$0x0] =	sbarrier.arrive $0xFFFF;
	(pc) =	sbr.rel @p0 .LBB2_1-.Ltmp1, $4  }
0x92: {  	[hbm:s9], [sflag:s13] =	dma.local [spmem:s14], $0x13C0  }
0x93: {  	_ =	swait.ge [sflag:s11], $0x13C0  }
0x94: {  	[sflag:s11] =	ssyncset.done $0x0  }
0x95: {  	[sflag:s11] =	ssyncadd.s32 $0xFFFFEC40  }
0x96: {  	_ =	sfence.sel $0x180000  }
0x97: {  	[bflag:$0x0] =	sbarrier.arrive $0xFFFF  }
0x98: {  	_ =	strace $0x9000004D  }
0x99: {  	s0 =	stileid.u32;
	[bflag:$0x2] =	sbarrier.arrive $0xFFFF  }
0x9a: {  	p0 =	sne.s32 s0, $0x0;
	s0 =	rddreg [dreg:$0x3]  }
0x9b: {  	s0 =	sadd.s32 @!p0 $0x100000, s0  }
0x9c: {  	[sflag:s0] =	ssyncadd.tile.s32 @!p0 $0x1;
	_ =	shalt  }
.Lfunc_end2:
_tile_overlayer_lowered:
.L_overlay_start_2:
0x9d: {  	(tag) =	ssettag $0x2  }
0x9e: {  	s0 =	rddreg [dreg:$0x0];
	s2 =	stileid.u32  }
0x9f: {  	s1 =	rddreg [dreg:$0x1];
	p0 =	sne.s32 s2, $0x0  }
0xa0: {  	s3 =	rddreg [dreg:$0x2];
	[bflag:$0x3] =	sbarrier.arrive $0xFFFF;
	s2 =	simm.s32 @!p0 $0x1C09  }
0xa1: {  	[timem:s3], [sflag:s2] =	dma.local @!p0 [hbm:s0], s1  }
0xa2: {  	s0 =	simm.s32 @!p0 $0x9  }
0xa3: {  	_ =	swait.ge @!p0 [sflag:s0], s1  }
0xa4: {  	s1 =	ssub.s32 @!p0 $0x0, s1;
	[sflag:s0] =	ssyncset.done @!p0 $0x0  }
0xa5: {  	[sflag:s0] =	ssyncadd.s32 @!p0 s1  }
0xa6: {  	[bflag:$0x3] =	sbarrier.arrive $0xFFFF  }
0xa7: {  	_ =	shalt  }

// kernel: kernel.21.cloned.1.call-start
scs
__scs_entry_jumppad:
0x0: {  	(pc) =	sbr.rel $0x88, $3  }
0x1: {  	(tag) =	ssettag $0x0;
	lr =	simm.s32 $0x1  }
0x2: {  	[smem:$0x3F94] =	sst lr;
	_ =	strace $0xD0000000  }
0x3: {  	_ = 	snop  }
0x4: {  	_ = 	snop  }
0x5: {  	_ = 	snop  }
0x6: {  	_ = 	snop  }
0x7: {  	_ = 	snop  }
__scs_overlays_trampoline_lowered:
0x8: {  	[smem:$0x3FA3] =	sst s0  }
0x9: {  	[smem:$0x3FA4] =	sst s1  }
0xa: {  	[smem:$0x3FA5] =	sst s2  }
0xb: {  	[smem:$0x3FA6] =	sst s3  }
0xc: {  	[smem:$0x3FA7] =	sst s4  }
0xd: {  	[smem:$0x3FA8] =	sst s5  }
0xe: {  	[smem:$0x3FA9] =	sst s6  }
0xf: {  	[smem:$0x3FAA] =	sst s7  }
0x10: {  	[smem:$0x3FAB] =	sst s8  }
0x11: {  	[smem:$0x3FAC] =	sst s9;
	s0 =	simm.s32 @!p0 $0x0  }
0x12: {  	s1 =	sld [smem:$0x3F92];
	s0 =	simm.s32 @p0 $0x1  }
0x13: {  	[smem:$0x3FAD] =	sst s0;
	s0 =	simm.s32 @!p1 $0x0  }
0x14: {  	s2 =	sld [smem:$0x3F91];
	s0 =	simm.s32 @p1 $0x1  }
0x15: {  	[smem:$0x3FAE] =	sst s0;
	s0 =	simm.s32 @!p2 $0x0  }
0x16: {  	s3 =	sld [smem:$0x3FDB];
	s0 =	simm.s32 @p2 $0x1  }
0x17: {  	s4 =	simm.s32 $0x1BF5;
	[smem:$0x3FB0] =	sst s0  }
0x18: {  	s0 =	sld [smem:$0x3F93];
	_ =	swait.ge [sflag:s4], $0x0  }
0x19: {  	s7 =	sld [smem:$0x3F94]  }
0x1a: {  	s8 =	sadd.s32 $0xFFFFE003, lr  }
0x1b: {  	s9 =	sadd.s32 $0xFFFFFEF7, lr;
	s5 =	simm.s32 $0xFFFFFFFF;
	p2 =	slt.u32 s8, $0xFFFFF086  }
0x1c: {  	p1 =	slt.u32 s9, $0xF7A;
	s5 =	simm.s32 @!p2 $0x0  }
0x1d: {  	s5 =	simm.s32 @p1 $0x1;
	p0 =	seq.s32 s7, s2  }
0x1e: {  	s7 =	smul.u32 @!p0 $0xF7A, s2;
	p2 =	seq.s32 @!p0 s5, $0x0  }
0x1f: {  	s9 =	smul.u32 $0xF7A, s1;
	s8 =	simm.s32 @!p0 $0x1BF5;
	p2 =	por !p2, p0  }
0x20: {  	[sflag:s8] =	ssyncset.s32 @!p0 $0xFFFFF086;
	s6 =	sadd.s32 @!p0 s3, s7;
	s7 =	simm.s32 @!p0 $0x108  }
0x21: {  	s3 =	sadd.s32 s3, s9;
	s6 =	sadd.s32 @!p0 $0x88, s6;
	s7 =	simm.s32 @p2 $0x1082  }
0x22: {  	[simem:s7], [sflag:s8] =	dma.local @!p0 [hbm:s6], $0xF7A  }
0x23: {  	s9 =	sor.u32 $0xD0000000, s2;
	s6 =	simm.s32 $0x108;
	_ =	swait.ge @!p0 [sflag:s8], $0x0  }
0x24: {  	s3 =	sadd.s32 $0x88, s3;
	s6 =	simm.s32 @!p1 $0x1082;
	[sflag:s4] =	ssyncset.s32 $0xFFFFF086  }
0x25: {  	[simem:s6], [sflag:s4] =	dma.local [hbm:s3], $0xF7A  }
0x26: {  	[smem:$0x3F94] =	sst s1;
	(tag) =	ssettag s2;
	_ =	strace s9  }
0x27: {  	s1 =	sld [smem:$0x3FA4]  }
0x28: {  	s2 =	sld [smem:$0x3FA5]  }
0x29: {  	s4 =	sld [smem:$0x3FA7]  }
0x2a: {  	p0 =	seq.s32 s5, $0x0;
	s5 =	sld [smem:$0x3FA8]  }
0x2b: {  	s6 =	sld [smem:$0x3FA9]  }
0x2c: {  	s7 =	sld [smem:$0x3FAA]  }
0x2d: {  	s3 =	simm.s32 $0x108;
	s8 =	sld [smem:$0x3FAB]  }
0x2e: {  	s3 =	simm.s32 @!p0 $0x1082;
	s9 =	sld [smem:$0x3FAC]  }
0x2f: {  	lr =	sadd.s32 s0, s3;
	s0 =	sld [smem:$0x3FA3]  }
0x30: {  	s3 =	sld [smem:$0x3FA6]  }
0x31: {  	[smem:$0x3FAF] =	sst s10  }
0x32: {  	s10 =	sld [smem:$0x3FAD];
	_ =	sdelay $0x3  }
0x33: {  	p0 =	seq.s32 s10, $0x1;
	s10 =	sld [smem:$0x3FAF];
	_ =	sdelay $0x3  }
0x34: {  	[smem:$0x3FAF] =	sst s10  }
0x35: {  	s10 =	sld [smem:$0x3FAE];
	_ =	sdelay $0x3  }
0x36: {  	p1 =	seq.s32 s10, $0x1;
	s10 =	sld [smem:$0x3FAF];
	_ =	sdelay $0x3  }
0x37: {  	[smem:$0x3FAF] =	sst s10  }
0x38: {  	s10 =	sld [smem:$0x3FB0]  }
0x39: {  	_ = 	snop;
	(pc) =	sbr.ind lr, $3  }
0x3a: {  	_ = 	snop  }
0x3b: {  	_ = 	snop  }
0x3c: {  	p2 =	seq.s32 s10, $0x1;
	s10 =	sld [smem:$0x3FAF]  }
0x3d: {  	_ =	shalt  }
0x3e: {  	_ =	shalt  }
0x3f: {  	_ =	shalt  }
0x40: {  	_ =	shalt  }
0x41: {  	_ =	shalt  }
0x42: {  	_ =	shalt  }
0x43: {  	_ =	shalt  }
0x44: {  	_ =	shalt  }
0x45: {  	_ =	shalt  }
0x46: {  	_ =	shalt  }
0x47: {  	_ =	shalt  }
0x48: {  	_ =	shalt  }
0x49: {  	_ =	shalt  }
0x4a: {  	_ =	shalt  }
0x4b: {  	_ =	shalt  }
0x4c: {  	_ =	shalt  }
0x4d: {  	_ =	shalt  }
0x4e: {  	_ =	shalt  }
0x4f: {  	_ =	shalt  }
0x50: {  	_ =	shalt  }
0x51: {  	_ =	shalt  }
0x52: {  	_ =	shalt  }
0x53: {  	_ =	shalt  }
0x54: {  	_ =	shalt  }
0x55: {  	_ =	shalt  }
0x56: {  	_ =	shalt  }
0x57: {  	_ =	shalt  }
0x58: {  	_ =	shalt  }
0x59: {  	_ =	shalt  }
0x5a: {  	_ =	shalt  }
0x5b: {  	_ =	shalt  }
0x5c: {  	_ =	shalt  }
0x5d: {  	_ =	shalt  }
0x5e: {  	_ =	shalt  }
0x5f: {  	_ =	shalt  }
0x60: {  	_ =	shalt  }
0x61: {  	_ =	shalt  }
0x62: {  	_ =	shalt  }
0x63: {  	_ =	shalt  }
0x64: {  	_ =	shalt  }
0x65: {  	_ =	shalt  }
0x66: {  	_ =	shalt  }
0x67: {  	_ =	shalt  }
0x68: {  	_ =	shalt  }
0x69: {  	_ =	shalt  }
0x6a: {  	_ =	shalt  }
0x6b: {  	_ =	shalt  }
0x6c: {  	_ =	shalt  }
0x6d: {  	_ =	shalt  }
0x6e: {  	_ =	shalt  }
0x6f: {  	_ =	shalt  }
0x70: {  	_ =	shalt  }
0x71: {  	_ =	shalt  }
0x72: {  	_ =	shalt  }
0x73: {  	_ =	shalt  }
0x74: {  	_ =	shalt  }
0x75: {  	_ =	shalt  }
0x76: {  	_ =	shalt  }
0x77: {  	_ =	shalt  }
0x78: {  	_ =	shalt  }
0x79: {  	_ =	shalt  }
0x7a: {  	_ =	shalt  }
0x7b: {  	_ =	shalt  }
0x7c: {  	_ =	shalt  }
0x7d: {  	_ =	shalt  }
0x7e: {  	_ =	shalt  }
0x7f: {  	_ =	shalt  }
0x80: {  	_ =	shalt  }
0x81: {  	_ =	shalt  }
0x82: {  	_ =	shalt  }
0x83: {  	_ =	shalt  }
0x84: {  	_ =	shalt  }
0x85: {  	_ =	shalt  }
0x86: {  	_ =	shalt  }
0x87: {  	_ =	shalt  }
.Lfunc_end0:
.L_simem_size_0:
called_computation.3_lowered:
.L_overlay_start_0:
0x88: {  	s2 =	sld [smem:$0x3FD9]  }
0x89: {  	s3 =	sld [smem:$0x3FFE];
	_ =	sdelay $0x1  }
0x8a: {  	s1 =	srdreg.scid  }
0x8b: {  	s0 =	sand.u32 $0x1, s1  }
0x8c: {  	s16 =	sshll.u32 s0, $0xA;
	s2 =	sadd.s32 s3, s2  }
0x8d: {  	s2 =	sadd.s32 s2, s16  }
0x8e: {  	[smem:$0x3FBB] =	sst s2  }
0x8f: {  	_ = 	snop  }
0x90: {  	(tm) =	ssettm $0x1  }
0x91: {  	s17 =	sld [smem:$0x3FFB];
	_ =	sdelay $0x3  }
0x92: {  	_ =	strace s17  }
0x93: {  	s2 =	sld [smem:$0x3FFC];
	_ =	sdelay $0x3  }
0x94: {  	_ =	strace s2  }
0x95: {  	s2 =	sld [smem:$0x3FFD];
	_ =	sdelay $0x3  }
0x96: {  	_ =	strace s2  }
0x97: {  	_ =	strace $0x8FFFFFFF  }
0x98: {  	s18 =	sld [smem:$0x3FDB];
	_ =	sdelay $0x1  }
0x99: {  	s19 =	simm.s32 $_scs_section_size  }
0x9a: {  	s4 =	simm.s32 $_size__tile_overlayer_lowered;
	s5 =	simm.s32 $_tile_overlayer_lowered  }
0x9b: {  	s22 =	simm.s32 $0x1BFF;
	s21 =	sshll.u32 s5, $0x1;
	s2 =	sadd.s32 s19, s18  }
0x9c: {  	s6 =	simm.s32 $0x0;
	s20 =	sshll.u32 s4, $0x1;
	s4 =	sadd.s32 s21, s2  }
0x9d: {  	[timem:s6], [sflag:s22] =	dma.local [hbm:s4], s20  }
0x9e: {  	_ =	swait.ge [sflag:s22], s20  }
0x9f: {  	s3 =	ssub.s32 $0x0, s20;
	[sflag:s22] =	ssyncset.done $0x0  }
0xa0: {  	[sflag:s22] =	ssyncadd.s32 s3;
	_ =	sdelay $0x1  }
0xa1: {  	s23 =	simm.s32 $0x1B8B  }
0xa2: {  	_ =	swait.ge [sflag:s23], $0x1  }
0xa3: {  	[sflag:s23] =	ssyncset.done $0x0  }
0xa4: {  	s25 =	simm.s32 $0x1B8E;
	s24 =	sld [smem:$0x3FFE];
	[sflag:s23] =	ssyncadd.s32 $0xFFFFFFFF  }
0xa5: {  	s26 =	simm.s32 $execute0_lowered;
	[smem:$0x3FD2] =	sst s25  }
0xa6: {  	s4 =	sshll.u32 s26, $0x1;
	_ =	strace $0x8000004F;
	[dreg:$0x1] =	wrdreg $0xFFFFFFFF  }
0xa7: {  	s28 =	simm.s32 $_size_execute0_lowered;
	s2 =	sadd.s32 s2, s4;
	[dreg:$0x0] =	wrdreg $0x0  }
0xa8: {  	s4 =	sshll.u32 s28, $0x1;
	[dreg:$0x2] =	wrdreg s2  }
0xa9: {  	[dreg:$0x3] =	wrdreg s4  }
0xaa: {  	[dreg:$0x4] =	wrdreg $0xC0  }
0xab: {  	_ =	task [dreg:s6], $0x5FFFF  }
0xac: {  	[dreg:$0x1] =	wrdreg $0xFFFFFFFF  }
0xad: {  	[dreg:$0x0] =	wrdreg $0x60  }
0xae: {  	[dreg:$0x2] =	wrdreg s24  }
0xaf: {  	[dreg:$0x3] =	wrdreg $0x9E200  }
0xb0: {  	[dreg:$0x4] =	wrdreg $0x13C200  }
0xb1: {  	[dreg:$0x5] =	wrdreg $0x9  }
0xb2: {  	_ =	task.clear_ibuf [dreg:s6], $0x6FFFF;
	_ =	strace $0x9000004F  }
0xb3: {  	s29 =	simm.s32 $0x9;
	_ =	strace $0x80000051  }
0xb4: {  	_ =	swait.ge [sflag:s29], $0x1  }
0xb5: {  	[sflag:s29] =	ssyncadd.s32 $0xFFFFFFFF  }
0xb6: {  	_ =	strace $0x90000051  }
0xb7: {  	_ =	sfence  }
0xb8: {  	s30 =	sld [smem:$0x0];
	_ =	sdelay $0x2  }
0xb9: {  	s31 =	sshll.u32 s1, $0xD;
	s1 =	sshrl.u32 s1, $0x2  }
0xba: {  	s3 =	sand.u32 $0x4000, s31;
	s1 =	sadd.s32 s1, s30  }
0xbb: {  	s0 =	sor.u32 s3, s0;
	s1 =	sshll.u32 s1, $0x11  }
0xbc: {  	s0 =	sor.u32 s1, s0  }
0xbd: {  	s0 =	sadd.s32 $0x8F2B, s0  }
0xbe: {  	[sflag:s0] =	ssyncadd.remote.s32 $0x1  }
0xbf: {  	_ =	sfence.sel $0xFFFF  }
0xc0: {  	[dreg:$0x0] =	wrdreg $0xFFFFFFFF;
	(pc) =	sbr.abs _section_cstart, $3  }
0xc1: {  	[dreg:$0x1] =	wrdreg $0xFFFFFFFF  }
0xc2: {  	_ =	task.clear_ibuf [dreg:s6], $0x2FFFF;
	_ =	strace $0x9FFFFFFF  }
0xc3: {  	(tm) =	ssettm $0x7FFFFFFF  }
tec
execute0_lowered:
.L_overlay_start_1:
0x0: {  	(tag) =	ssettag $0x1  }
0x1: {  	s0 =	srdreg.scid  }
0x2: {  	s1 =	rddreg [dreg:$0x0];
	s13 =	stileid.u32  }
0x3: {  	s2 =	rddreg [dreg:$0x1];
	s12 =	simm.s32 $0x2710;
	s16 =	simm.s32 $0x50  }
0x4: {  	s17 =	simm.s32 $0x4E20;
	s18 =	simm.s32 $0x6220;
	s19 =	simm.s32 $0x1  }
0x5: {  	s21 =	simm.s32 $0x7620;
	s22 =	simm.s32 $0x2;
	s28 =	simm.s32 $0x5  }
0x6: {  	s29 =	simm.s32 $0x4;
	s30 =	simm.s32 $0x6;
	s8 =	smul.u32 $0x9C40, s13  }
0x7: {  	s31 =	simm.s32 $0x7;
	s0 =	sand.u32 $0x1, s0;
	s7 =	smul.u32 $0x9E00, s13  }
0x8: {  	s26 =	sshll.u32 s13, $0x6;
	s3 =	sshll.u32 s0, $0x4;
	s6 =	smul.u32 $0x9E000, s0  }
0x9: {  	s0 =	ssub.s32 $0x2, s0;
	s4 =	sor.u32 s13, s3;
	s3 =	rddreg [dreg:$0x2]  }
0xa: {  	s9 =	sshrl.u32 s8, $0x3;
	s24 =	sshrl.u32 s7, $0x3;
	s25 =	sshrl.u32 s0, $0x1  }
0xb: {  	s14 =	sadd.s32 s7, s2;
	s13 =	sor.u32 $0x1C09, s26;
	s26 =	simm.s32 $0x3  }
0xc: {  	s5 =	smul.u32 $0x4E2, s4;
	s4 =	simm.s32 $0x0;
	s9 =	sadd.s32 s9, s1  }
0xd: {  	s23 =	sadd.s32 s7, s6;
	s11 =	sadd.s32 s24, s1;
	s0 =	ssub.s32 s0, s25  }
0xe: {  	s15 =	sadd.s32 s8, s3;
	s14 =	sshrl.u32 s14, $0x3;
	s25 =	simm.s32 $0x8A20  }
0xf: {  	[smem:$0x7FF] =	sst s4;
	s7 =	sadd.s32 $0x79E00, s11;
	s8 =	sadd.s32 $0x66400, s9  }
0x10: {  	s11 =	simm.s32 $0x9;
	s10 =	sadd.s32 s5, s1;
	s5 =	sshrl.u32 s23, $0x3  }
0x11: {  	s15 =	sshrl.u32 s15, $0x3;
	_ =	strace $0x80000050;
	s1 =	sadd.s32 s5, s1  }
0x12: {  	s5 =	sadd.s32 $0x3800, s10;
	s6 =	sadd.s32 $0xD600, s10;
	s10 =	smax.u32 s0, $0x1  }
0x13: {  	s0 =	simm.s32 $0x0;
	s9 =	sadd.s32 $0x8DA00, s1;
	s1 =	simm.s32 $0x8  }
.LBB2_1:
0x14: {  	[tilespmem:s4], [sflag:$0x9] =	stream.linear.gather [hbm4b:s5+s4], $0x2710, $0x38;
	[tilespmem:$0x1D860] =	vst v63  }
0x15: {  	_ =	swait.ge [sflag:s11], $0x2710  }
0x16: {  	[sflag:s11] =	ssyncset.done $0x0  }
0x17: {  	[sflag:s11] =	ssyncadd.s32 $0xFFFFD8F0  }
0x18: {  	[tilespmem:s12], [sflag:$0x9] =	stream.linear.gather [hbm4b:s6+s4], $0x2710, $0x38;
	[tilespmem:$0x1D860] =	vst v63  }
0x19: {  	_ =	swait.ge [sflag:s11], $0x2710  }
0x1a: {  	[sflag:s11] =	ssyncset.done $0x0  }
0x1b: {  	[sflag:s11] =	ssyncadd.s32 $0xFFFFD8F0  }
0x1c: {  	[spmem:s14], [sflag:s13] =	dma.local [hbm:s7], $0x13C0  }
0x1d: {  	_ =	swait.ge [sflag:s11], $0x13C0  }
0x1e: {  	[sflag:s11] =	ssyncset.done $0x0  }
0x1f: {  	[sflag:s11] =	ssyncadd.s32 $0xFFFFEC40  }
0x20: {  	[spmem:s15], [sflag:s13] =	dma.local [hbm:s8], $0x1388  }
0x21: {  	_ =	swait.ge [sflag:s11], $0x1388  }
0x22: {  	[sflag:s11] =	ssyncset.done $0x0  }
0x23: {  	[sflag:s11] =	ssyncadd.s32 $0xFFFFEC78  }
0x24: {  	[bflag:$0x0] =	sbarrier.arrive $0xFFFF  }
0x25: {  	[tilespmem:s17], [sflag:$0x1] =	stream.indirect.gather [spmem:s3], $0x40, s4, s16, $0xb8;
	[tilespmem:$0x1D860] =	vst v63  }
0x26: {  	_ = 	snop  }
0x27: {  	[tilespmem:s18], [sflag:$0x2] =	stream.indirect.gather [spmem:s3], $0x40, s16, s16, $0xb8;
	[tilespmem:$0x1D860] =	vst v63  }
0x28: {  	_ =	swait.ge [sflag:s19], $0x1400  }
0x29: {  	[sflag:s19] =	ssyncset.done $0x0  }
0x2a: {  	[sflag:s19] =	ssyncadd.s32 $0xFFFFEC00  }
0x2b: {  	[spmem:s2] =	stream.indirect.scatter.add.f32 [tilespmem:s17], [sflag:$0x5], $0x40, s12, s16, $0xb8;
	[tilespmem:$0x1D860] =	vst v63  }
0x2c: {  	s20 =	simm.s32 $0xA0  }
0x2d: {  	[tilespmem:s21], [sflag:$0x3] =	stream.indirect.gather [spmem:s3], $0x40, s20, s16, $0xb8;
	[tilespmem:$0x1D860] =	vst v63  }
0x2e: {  	_ =	swait.ge [sflag:s22], $0x1400  }
0x2f: {  	[sflag:s22] =	ssyncset.done $0x0  }
0x30: {  	s24 =	simm.s32 $0x2760;
	[sflag:s22] =	ssyncadd.s32 $0xFFFFEC00  }
0x31: {  	[spmem:s2] =	stream.indirect.scatter.add.f32 [tilespmem:s18], [sflag:$0x6], $0x40, s24, s16, $0xb8;
	[tilespmem:$0x1D860] =	vst v63  }
0x32: {  	s23 =	simm.s32 $0xF0  }
0x33: {  	[tilespmem:s25], [sflag:$0x4] =	stream.indirect.gather [spmem:s3], $0x40, s23, s16, $0xb8;
	[tilespmem:$0x1D860] =	vst v63  }
0x34: {  	_ =	swait.ge [sflag:s26], $0x1400  }
0x35: {  	[sflag:s26] =	ssyncset.done $0x0  }
0x36: {  	s24 =	simm.s32 $0x27B0;
	[sflag:s26] =	ssyncadd.s32 $0xFFFFEC00  }
0x37: {  	[spmem:s2] =	stream.indirect.scatter.add.f32 [tilespmem:s21], [sflag:$0x7], $0x40, s24, s16, $0xb8;
	[tilespmem:$0x1D860] =	vst v63  }
0x38: {  	_ =	swait.ge [sflag:s28], $0x1400  }
0x39: {  	[sflag:s28] =	ssyncset.done $0x0  }
0x3a: {  	s23 =	simm.s32 $0x140;
	[sflag:s28] =	ssyncadd.s32 $0xFFFFEC00  }
0x3b: {  	[tilespmem:s17], [sflag:$0x1] =	stream.indirect.gather [spmem:s3], $0x40, s23, s16, $0xb8;
	[tilespmem:$0x1D860] =	vst v63  }
0x3c: {  	_ =	swait.ge [sflag:s29], $0x1400  }
0x3d: {  	[sflag:s29] =	ssyncset.done $0x0  }
0x3e: {  	s24 =	simm.s32 $0x2800;
	[sflag:s29] =	ssyncadd.s32 $0xFFFFEC00  }
0x3f: {  	[spmem:s2] =	stream.indirect.scatter.add.f32 [tilespmem:s25], [sflag:$0x8], $0x40, s24, s16, $0xb8;
	[tilespmem:$0x1D860] =	vst v63  }
0x40: {  	_ =	swait.ge [sflag:s30], $0x1400  }
0x41: {  	[sflag:s30] =	ssyncset.done $0x0  }
0x42: {  	s23 =	simm.s32 $0x190;
	[sflag:s30] =	ssyncadd.s32 $0xFFFFEC00  }
0x43: {  	[tilespmem:s18], [sflag:$0x2] =	stream.indirect.gather [spmem:s3], $0x40, s23, s16, $0xb8;
	[tilespmem:$0x1D860] =	vst v63  }
0x44: {  	_ =	swait.ge [sflag:s19], $0x1400  }
0x45: {  	[sflag:s19] =	ssyncset.done $0x0  }
0x46: {  	s24 =	simm.s32 $0x2850;
	[sflag:s19] =	ssyncadd.s32 $0xFFFFEC00  }
0x47: {  	[spmem:s2] =	stream.indirect.scatter.add.f32 [tilespmem:s17], [sflag:$0x5], $0x40, s24, s16, $0xb8;
	[tilespmem:$0x1D860] =	vst v63  }
0x48: {  	_ =	swait.ge [sflag:s31], $0x1400  }
0x49: {  	[sflag:s31] =	ssyncset.done $0x0  }
0x4a: {  	s23 =	simm.s32 $0x1E0;
	[sflag:s31] =	ssyncadd.s32 $0xFFFFEC00  }
0x4b: {  	[tilespmem:s21], [sflag:$0x3] =	stream.indirect.gather [spmem:s3], $0x40, s23, s16, $0xb8;
	[tilespmem:$0x1D860] =	vst v63  }
0x4c: {  	_ =	swait.ge [sflag:s22], $0x1400  }
0x4d: {  	[sflag:s22] =	ssyncset.done $0x0  }
0x4e: {  	s24 =	simm.s32 $0x28A0;
	[sflag:s22] =	ssyncadd.s32 $0xFFFFEC00  }
0x4f: {  	[spmem:s2] =	stream.indirect.scatter.add.f32 [tilespmem:s18], [sflag:$0x6], $0x40, s24, s16, $0xb8;
	[tilespmem:$0x1D860] =	vst v63  }
0x50: {  	_ =	swait.ge [sflag:s1], $0x1400  }
0x51: {  	[sflag:s1] =	ssyncset.done $0x0  }
0x52: {  	s20 =	simm.s32 $0x500;
	s23 =	simm.s32 $0x230;
	[sflag:s1] =	ssyncadd.s32 $0xFFFFEC00  }
.LBB2_2:
0x53: {  	[tilespmem:s25], [sflag:$0x4] =	stream.indirect.gather [spmem:s3], $0x40, s23, s16, $0xb8;
	[tilespmem:$0x1D860] =	vst v63  }
0x54: {  	s23 =	smov.u32 s20  }
0x55: {  	p0 =	sne.s32 s20, $0x9100;
	s20 =	sadd.s32 $0x500, s20;
	_ =	swait.ge [sflag:s26], $0x1400  }
0x56: {  	s23 =	sshra.s32 s23, $0x2;
	[sflag:s26] =	ssyncset.done $0x0  }
0x57: {  	s24 =	sadd.s32 $0x27B0, s23;
	[sflag:s26] =	ssyncadd.s32 $0xFFFFEC00  }
0x58: {  	[spmem:s2] =	stream.indirect.scatter.add.f32 [tilespmem:s21], [sflag:$0x7], $0x40, s24, s16, $0xb8;
	[tilespmem:$0x1D860] =	vst v63  }
0x59: {  	_ =	swait.ge [sflag:s28], $0x1400  }
0x5a: {  	[sflag:s28] =	ssyncset.done $0x0  }
0x5b: {  	s24 =	sadd.s32 $0x140, s23;
	[sflag:s28] =	ssyncadd.s32 $0xFFFFEC00  }
0x5c: {  	[tilespmem:s17], [sflag:$0x1] =	stream.indirect.gather [spmem:s3], $0x40, s24, s16, $0xb8;
	[tilespmem:$0x1D860] =	vst v63  }
0x5d: {  	_ =	swait.ge [sflag:s29], $0x1400  }
0x5e: {  	[sflag:s29] =	ssyncset.done $0x0  }
0x5f: {  	s24 =	sadd.s32 $0x2800, s23;
	[sflag:s29] =	ssyncadd.s32 $0xFFFFEC00  }
0x60: {  	[spmem:s2] =	stream.indirect.scatter.add.f32 [tilespmem:s25], [sflag:$0x8], $0x40, s24, s16, $0xb8;
	[tilespmem:$0x1D860] =	vst v63  }
0x61: {  	_ =	swait.ge [sflag:s30], $0x1400  }
0x62: {  	[sflag:s30] =	ssyncset.done $0x0  }
0x63: {  	s24 =	sadd.s32 $0x190, s23;
	[sflag:s30] =	ssyncadd.s32 $0xFFFFEC00  }
0x64: {  	[tilespmem:s18], [sflag:$0x2] =	stream.indirect.gather [spmem:s3], $0x40, s24, s16, $0xb8;
	[tilespmem:$0x1D860] =	vst v63  }
0x65: {  	_ =	swait.ge [sflag:s19], $0x1400  }
0x66: {  	[sflag:s19] =	ssyncset.done $0x0  }
0x67: {  	s24 =	sadd.s32 $0x2850, s23;
	[sflag:s19] =	ssyncadd.s32 $0xFFFFEC00  }
0x68: {  	[spmem:s2] =	stream.indirect.scatter.add.f32 [tilespmem:s17], [sflag:$0x5], $0x40, s24, s16, $0xb8;
	[tilespmem:$0x1D860] =	vst v63  }
0x69: {  	_ =	swait.ge [sflag:s31], $0x1400  }
0x6a: {  	[sflag:s31] =	ssyncset.done $0x0  }
0x6b: {  	s24 =	sadd.s32 $0x1E0, s23;
	[sflag:s31] =	ssyncadd.s32 $0xFFFFEC00  }
0x6c: {  	[tilespmem:s21], [sflag:$0x3] =	stream.indirect.gather [spmem:s3], $0x40, s24, s16, $0xb8;
	[tilespmem:$0x1D860] =	vst v63  }
0x6d: {  	_ =	swait.ge [sflag:s22], $0x1400  }
0x6e: {  	[sflag:s22] =	ssyncset.done $0x0  }
.Ltmp0:
0x6f: {  	s24 =	sadd.s32 $0x28A0, s23;
	[sflag:s22] =	ssyncadd.s32 $0xFFFFEC00;
	(pc) =	sbr.rel @p0 .LBB2_2-.Ltmp0, $4  }
0x70: {  	[spmem:s2] =	stream.indirect.scatter.add.f32 [tilespmem:s18], [sflag:$0x6], $0x40, s24, s16, $0xb8;
	[tilespmem:$0x1D860] =	vst v63  }
0x71: {  	_ =	swait.ge [sflag:s1], $0x1400  }
0x72: {  	[sflag:s1] =	ssyncset.done $0x0  }
0x73: {  	s23 =	sadd.s32 $0x230, s23;
	[sflag:s1] =	ssyncadd.s32 $0xFFFFEC00  }
0x74: {  	[tilespmem:s25], [sflag:$0x4] =	stream.indirect.gather [spmem:s3], $0x40, s23, s16, $0xb8;
	[tilespmem:$0x1D860] =	vst v63  }
0x75: {  	_ =	swait.ge [sflag:s26], $0x1400  }
0x76: {  	[sflag:s26] =	ssyncset.done $0x0  }
0x77: {  	s20 =	simm.s32 $0x4D30;
	[sflag:s26] =	ssyncadd.s32 $0xFFFFEC00  }
0x78: {  	[spmem:s2] =	stream.indirect.scatter.add.f32 [tilespmem:s21], [sflag:$0x7], $0x40, s20, s16, $0xb8;
	[tilespmem:$0x1D860] =	vst v63  }
0x79: {  	_ =	swait.ge [sflag:s28], $0x1400  }
0x7a: {  	[sflag:s28] =	ssyncset.done $0x0  }
0x7b: {  	s24 =	simm.s32 $0x26C0;
	[sflag:s28] =	ssyncadd.s32 $0xFFFFEC00  }
0x7c: {  	[tilespmem:s17], [sflag:$0x1] =	stream.indirect.gather [spmem:s3], $0x40, s24, s16, $0xb8;
	[tilespmem:$0x1D860] =	vst v63  }
0x7d: {  	_ =	swait.ge [sflag:s29], $0x1400  }
0x7e: {  	[sflag:s29] =	ssyncset.done $0x0  }
0x7f: {  	s23 =	simm.s32 $0x4D80;
	[sflag:s29] =	ssyncadd.s32 $0xFFFFEC00  }
0x80: {  	[spmem:s2] =	stream.indirect.scatter.add.f32 [tilespmem:s25], [sflag:$0x8], $0x40, s23, s16, $0xb8;
	[tilespmem:$0x1D860] =	vst v63  }
0x81: {  	_ =	swait.ge [sflag:s19], $0x1400  }
0x82: {  	[sflag:s19] =	ssyncset.done $0x0  }
0x83: {  	s24 =	simm.s32 $0x4DD0;
	[sflag:s19] =	ssyncadd.s32 $0xFFFFEC00  }
0x84: {  	[spmem:s2] =	stream.indirect.scatter.add.f32 [tilespmem:s17], [sflag:$0x5], $0x40, s24, s16, $0xb8;
	[tilespmem:$0x1D860] =	vst v63  }
0x85: {  	_ =	swait.ge [sflag:s30], $0x1400  }
0x86: {  	[sflag:s30] =	ssyncset.done $0x0  }
0x87: {  	[sflag:s30] =	ssyncadd.s32 $0xFFFFEC00  }
0x88: {  	_ =	swait.ge [sflag:s31], $0x1400  }
0x89: {  	[sflag:s31] =	ssyncset.done $0x0  }
0x8a: {  	[sflag:s31] =	ssyncadd.s32 $0xFFFFEC00  }
0x8b: {  	_ =	swait.ge [sflag:s1], $0x1400  }
0x8c: {  	[sflag:s1] =	ssyncset.done $0x0  }
0x8d: {  	[sflag:s1] =	ssyncadd.s32 $0xFFFFEC00  }
0x8e: {  	_ =	swait.ge [sflag:s28], $0x1400  }
0x8f: {  	s0 =	sadd.s32 $0x1, s0;
	[sflag:s28] =	ssyncset.done $0x0  }
0x90: {  	p0 =	sne.s32 s0, s10;
	[sflag:s28] =	ssyncadd.s32 $0xFFFFEC00  }
.Ltmp1:
0x91: {  	[bflag:$0x0] =	sbarrier.arrive $0xFFFF;
	(pc) =	sbr.rel @p0 .LBB2_1-.Ltmp1, $4  }
0x92: {  	[hbm:s9], [sflag:s13] =	dma.local [spmem:s14], $0x13C0  }
0x93: {  	_ =	swait.ge [sflag:s11], $0x13C0  }
0x94: {  	[sflag:s11] =	ssyncset.done $0x0  }
0x95: {  	[sflag:s11] =	ssyncadd.s32 $0xFFFFEC40  }
0x96: {  	_ =	sfence.sel $0x180000  }
0x97: {  	[bflag:$0x0] =	sbarrier.arrive $0xFFFF  }
0x98: {  	_ =	strace $0x90000050  }
0x99: {  	s0 =	stileid.u32;
	[bflag:$0x2] =	sbarrier.arrive $0xFFFF  }
0x9a: {  	p0 =	sne.s32 s0, $0x0;
	s0 =	rddreg [dreg:$0x3]  }
0x9b: {  	s0 =	sadd.s32 @!p0 $0x100000, s0  }
0x9c: {  	[sflag:s0] =	ssyncadd.tile.s32 @!p0 $0x1;
	_ =	shalt  }
.Lfunc_end2:
_tile_overlayer_lowered:
.L_overlay_start_2:
0x9d: {  	(tag) =	ssettag $0x2  }
0x9e: {  	s0 =	rddreg [dreg:$0x0];
	s2 =	stileid.u32  }
0x9f: {  	s1 =	rddreg [dreg:$0x1];
	p0 =	sne.s32 s2, $0x0  }
0xa0: {  	s3 =	rddreg [dreg:$0x2];
	[bflag:$0x3] =	sbarrier.arrive $0xFFFF;
	s2 =	simm.s32 @!p0 $0x1C09  }
0xa1: {  	[timem:s3], [sflag:s2] =	dma.local @!p0 [hbm:s0], s1  }
0xa2: {  	s0 =	simm.s32 @!p0 $0x9  }
0xa3: {  	_ =	swait.ge @!p0 [sflag:s0], s1  }
0xa4: {  	s1 =	ssub.s32 @!p0 $0x0, s1;
	[sflag:s0] =	ssyncset.done @!p0 $0x0  }
0xa5: {  	[sflag:s0] =	ssyncadd.s32 @!p0 s1  }
0xa6: {  	[bflag:$0x3] =	sbarrier.arrive $0xFFFF  }
0xa7: {  	_ =	shalt  }

// kernel: kernel.24.cloned.1.call-start
scs
__scs_entry_jumppad:
0x0: {  	(pc) =	sbr.rel $0x88, $3  }
0x1: {  	(tag) =	ssettag $0x0;
	lr =	simm.s32 $0x1  }
0x2: {  	[smem:$0x3F94] =	sst lr;
	_ =	strace $0xD0000000  }
0x3: {  	_ = 	snop  }
0x4: {  	_ = 	snop  }
0x5: {  	_ = 	snop  }
0x6: {  	_ = 	snop  }
0x7: {  	_ = 	snop  }
__scs_overlays_trampoline_lowered:
0x8: {  	[smem:$0x3FA3] =	sst s0  }
0x9: {  	[smem:$0x3FA4] =	sst s1  }
0xa: {  	[smem:$0x3FA5] =	sst s2  }
0xb: {  	[smem:$0x3FA6] =	sst s3  }
0xc: {  	[smem:$0x3FA7] =	sst s4  }
0xd: {  	[smem:$0x3FA8] =	sst s5  }
0xe: {  	[smem:$0x3FA9] =	sst s6  }
0xf: {  	[smem:$0x3FAA] =	sst s7  }
0x10: {  	[smem:$0x3FAB] =	sst s8  }
0x11: {  	[smem:$0x3FAC] =	sst s9;
	s0 =	simm.s32 @!p0 $0x0  }
0x12: {  	s1 =	sld [smem:$0x3F92];
	s0 =	simm.s32 @p0 $0x1  }
0x13: {  	[smem:$0x3FAD] =	sst s0;
	s0 =	simm.s32 @!p1 $0x0  }
0x14: {  	s2 =	sld [smem:$0x3F91];
	s0 =	simm.s32 @p1 $0x1  }
0x15: {  	[smem:$0x3FAE] =	sst s0;
	s0 =	simm.s32 @!p2 $0x0  }
0x16: {  	s3 =	sld [smem:$0x3FDB];
	s0 =	simm.s32 @p2 $0x1  }
0x17: {  	s4 =	simm.s32 $0x1BF5;
	[smem:$0x3FB0] =	sst s0  }
0x18: {  	s0 =	sld [smem:$0x3F93];
	_ =	swait.ge [sflag:s4], $0x0  }
0x19: {  	s7 =	sld [smem:$0x3F94]  }
0x1a: {  	s8 =	sadd.s32 $0xFFFFE003, lr  }
0x1b: {  	s9 =	sadd.s32 $0xFFFFFEF7, lr;
	s5 =	simm.s32 $0xFFFFFFFF;
	p2 =	slt.u32 s8, $0xFFFFF086  }
0x1c: {  	p1 =	slt.u32 s9, $0xF7A;
	s5 =	simm.s32 @!p2 $0x0  }
0x1d: {  	s5 =	simm.s32 @p1 $0x1;
	p0 =	seq.s32 s7, s2  }
0x1e: {  	s7 =	smul.u32 @!p0 $0xF7A, s2;
	p2 =	seq.s32 @!p0 s5, $0x0  }
0x1f: {  	s9 =	smul.u32 $0xF7A, s1;
	s8 =	simm.s32 @!p0 $0x1BF5;
	p2 =	por !p2, p0  }
0x20: {  	[sflag:s8] =	ssyncset.s32 @!p0 $0xFFFFF086;
	s6 =	sadd.s32 @!p0 s3, s7;
	s7 =	simm.s32 @!p0 $0x108  }
0x21: {  	s3 =	sadd.s32 s3, s9;
	s6 =	sadd.s32 @!p0 $0x88, s6;
	s7 =	simm.s32 @p2 $0x1082  }
0x22: {  	[simem:s7], [sflag:s8] =	dma.local @!p0 [hbm:s6], $0xF7A  }
0x23: {  	s9 =	sor.u32 $0xD0000000, s2;
	s6 =	simm.s32 $0x108;
	_ =	swait.ge @!p0 [sflag:s8], $0x0  }
0x24: {  	s3 =	sadd.s32 $0x88, s3;
	s6 =	simm.s32 @!p1 $0x1082;
	[sflag:s4] =	ssyncset.s32 $0xFFFFF086  }
0x25: {  	[simem:s6], [sflag:s4] =	dma.local [hbm:s3], $0xF7A  }
0x26: {  	[smem:$0x3F94] =	sst s1;
	(tag) =	ssettag s2;
	_ =	strace s9  }
0x27: {  	s1 =	sld [smem:$0x3FA4]  }
0x28: {  	s2 =	sld [smem:$0x3FA5]  }
0x29: {  	s4 =	sld [smem:$0x3FA7]  }
0x2a: {  	p0 =	seq.s32 s5, $0x0;
	s5 =	sld [smem:$0x3FA8]  }
0x2b: {  	s6 =	sld [smem:$0x3FA9]  }
0x2c: {  	s7 =	sld [smem:$0x3FAA]  }
0x2d: {  	s3 =	simm.s32 $0x108;
	s8 =	sld [smem:$0x3FAB]  }
0x2e: {  	s3 =	simm.s32 @!p0 $0x1082;
	s9 =	sld [smem:$0x3FAC]  }
0x2f: {  	lr =	sadd.s32 s0, s3;
	s0 =	sld [smem:$0x3FA3]  }
0x30: {  	s3 =	sld [smem:$0x3FA6]  }
0x31: {  	[smem:$0x3FAF] =	sst s10  }
0x32: {  	s10 =	sld [smem:$0x3FAD];
	_ =	sdelay $0x3  }
0x33: {  	p0 =	seq.s32 s10, $0x1;
	s10 =	sld [smem:$0x3FAF];
	_ =	sdelay $0x3  }
0x34: {  	[smem:$0x3FAF] =	sst s10  }
0x35: {  	s10 =	sld [smem:$0x3FAE];
	_ =	sdelay $0x3  }
0x36: {  	p1 =	seq.s32 s10, $0x1;
	s10 =	sld [smem:$0x3FAF];
	_ =	sdelay $0x3  }
0x37: {  	[smem:$0x3FAF] =	sst s10  }
0x38: {  	s10 =	sld [smem:$0x3FB0]  }
0x39: {  	_ = 	snop;
	(pc) =	sbr.ind lr, $3  }
0x3a: {  	_ = 	snop  }
0x3b: {  	_ = 	snop  }
0x3c: {  	p2 =	seq.s32 s10, $0x1;
	s10 =	sld [smem:$0x3FAF]  }
0x3d: {  	_ =	shalt  }
0x3e: {  	_ =	shalt  }
0x3f: {  	_ =	shalt  }
0x40: {  	_ =	shalt  }
0x41: {  	_ =	shalt  }
0x42: {  	_ =	shalt  }
0x43: {  	_ =	shalt  }
0x44: {  	_ =	shalt  }
0x45: {  	_ =	shalt  }
0x46: {  	_ =	shalt  }
0x47: {  	_ =	shalt  }
0x48: {  	_ =	shalt  }
0x49: {  	_ =	shalt  }
0x4a: {  	_ =	shalt  }
0x4b: {  	_ =	shalt  }
0x4c: {  	_ =	shalt  }
0x4d: {  	_ =	shalt  }
0x4e: {  	_ =	shalt  }
0x4f: {  	_ =	shalt  }
0x50: {  	_ =	shalt  }
0x51: {  	_ =	shalt  }
0x52: {  	_ =	shalt  }
0x53: {  	_ =	shalt  }
0x54: {  	_ =	shalt  }
0x55: {  	_ =	shalt  }
0x56: {  	_ =	shalt  }
0x57: {  	_ =	shalt  }
0x58: {  	_ =	shalt  }
0x59: {  	_ =	shalt  }
0x5a: {  	_ =	shalt  }
0x5b: {  	_ =	shalt  }
0x5c: {  	_ =	shalt  }
0x5d: {  	_ =	shalt  }
0x5e: {  	_ =	shalt  }
0x5f: {  	_ =	shalt  }
0x60: {  	_ =	shalt  }
0x61: {  	_ =	shalt  }
0x62: {  	_ =	shalt  }
0x63: {  	_ =	shalt  }
0x64: {  	_ =	shalt  }
0x65: {  	_ =	shalt  }
0x66: {  	_ =	shalt  }
0x67: {  	_ =	shalt  }
0x68: {  	_ =	shalt  }
0x69: {  	_ =	shalt  }
0x6a: {  	_ =	shalt  }
0x6b: {  	_ =	shalt  }
0x6c: {  	_ =	shalt  }
0x6d: {  	_ =	shalt  }
0x6e: {  	_ =	shalt  }
0x6f: {  	_ =	shalt  }
0x70: {  	_ =	shalt  }
0x71: {  	_ =	shalt  }
0x72: {  	_ =	shalt  }
0x73: {  	_ =	shalt  }
0x74: {  	_ =	shalt  }
0x75: {  	_ =	shalt  }
0x76: {  	_ =	shalt  }
0x77: {  	_ =	shalt  }
0x78: {  	_ =	shalt  }
0x79: {  	_ =	shalt  }
0x7a: {  	_ =	shalt  }
0x7b: {  	_ =	shalt  }
0x7c: {  	_ =	shalt  }
0x7d: {  	_ =	shalt  }
0x7e: {  	_ =	shalt  }
0x7f: {  	_ =	shalt  }
0x80: {  	_ =	shalt  }
0x81: {  	_ =	shalt  }
0x82: {  	_ =	shalt  }
0x83: {  	_ =	shalt  }
0x84: {  	_ =	shalt  }
0x85: {  	_ =	shalt  }
0x86: {  	_ =	shalt  }
0x87: {  	_ =	shalt  }
.Lfunc_end0:
.L_simem_size_0:
called_computation.4_lowered:
.L_overlay_start_0:
0x88: {  	s2 =	sld [smem:$0x3FD9]  }
0x89: {  	s3 =	sld [smem:$0x3FFE];
	_ =	sdelay $0x1  }
0x8a: {  	s1 =	srdreg.scid  }
0x8b: {  	s0 =	sand.u32 $0x1, s1  }
0x8c: {  	s16 =	sshll.u32 s0, $0xA;
	s2 =	sadd.s32 s3, s2  }
0x8d: {  	s2 =	sadd.s32 s2, s16  }
0x8e: {  	[smem:$0x3FBB] =	sst s2  }
0x8f: {  	_ = 	snop  }
0x90: {  	(tm) =	ssettm $0x1  }
0x91: {  	s17 =	sld [smem:$0x3FFB];
	_ =	sdelay $0x3  }
0x92: {  	_ =	strace s17  }
0x93: {  	s2 =	sld [smem:$0x3FFC];
	_ =	sdelay $0x3  }
0x94: {  	_ =	strace s2  }
0x95: {  	s2 =	sld [smem:$0x3FFD];
	_ =	sdelay $0x3  }
0x96: {  	_ =	strace s2  }
0x97: {  	_ =	strace $0x8FFFFFFF  }
0x98: {  	s18 =	sld [smem:$0x3FDB];
	_ =	sdelay $0x1  }
0x99: {  	s19 =	simm.s32 $_scs_section_size  }
0x9a: {  	s4 =	simm.s32 $_size__tile_overlayer_lowered;
	s5 =	simm.s32 $_tile_overlayer_lowered  }
0x9b: {  	s22 =	simm.s32 $0x1BFF;
	s21 =	sshll.u32 s5, $0x1;
	s2 =	sadd.s32 s19, s18  }
0x9c: {  	s6 =	simm.s32 $0x0;
	s20 =	sshll.u32 s4, $0x1;
	s4 =	sadd.s32 s21, s2  }
0x9d: {  	[timem:s6], [sflag:s22] =	dma.local [hbm:s4], s20  }
0x9e: {  	_ =	swait.ge [sflag:s22], s20  }
0x9f: {  	s3 =	ssub.s32 $0x0, s20;
	[sflag:s22] =	ssyncset.done $0x0  }
0xa0: {  	[sflag:s22] =	ssyncadd.s32 s3;
	_ =	sdelay $0x1  }
0xa1: {  	s23 =	simm.s32 $0x1B8B  }
0xa2: {  	_ =	swait.ge [sflag:s23], $0x1  }
0xa3: {  	[sflag:s23] =	ssyncset.done $0x0  }
0xa4: {  	s25 =	simm.s32 $0x1B8E;
	s24 =	sld [smem:$0x3FFE];
	[sflag:s23] =	ssyncadd.s32 $0xFFFFFFFF  }
0xa5: {  	s26 =	simm.s32 $execute0_lowered;
	[smem:$0x3FD2] =	sst s25  }
0xa6: {  	s4 =	sshll.u32 s26, $0x1;
	_ =	strace $0x80000052;
	[dreg:$0x1] =	wrdreg $0xFFFFFFFF  }
0xa7: {  	s28 =	simm.s32 $_size_execute0_lowered;
	s2 =	sadd.s32 s2, s4;
	[dreg:$0x0] =	wrdreg $0x0  }
0xa8: {  	s4 =	sshll.u32 s28, $0x1;
	[dreg:$0x2] =	wrdreg s2  }
0xa9: {  	[dreg:$0x3] =	wrdreg s4  }
0xaa: {  	[dreg:$0x4] =	wrdreg $0xC0  }
0xab: {  	_ =	task [dreg:s6], $0x5FFFF  }
0xac: {  	[dreg:$0x1] =	wrdreg $0xFFFFFFFF  }
0xad: {  	[dreg:$0x0] =	wrdreg $0x60  }
0xae: {  	[dreg:$0x2] =	wrdreg s24  }
0xaf: {  	[dreg:$0x3] =	wrdreg $0x9E200  }
0xb0: {  	[dreg:$0x4] =	wrdreg $0x13C200  }
0xb1: {  	[dreg:$0x5] =	wrdreg $0x9  }
0xb2: {  	_ =	task.clear_ibuf [dreg:s6], $0x6FFFF;
	_ =	strace $0x90000052  }
0xb3: {  	s29 =	simm.s32 $0x9;
	_ =	strace $0x80000054  }
0xb4: {  	_ =	swait.ge [sflag:s29], $0x1  }
0xb5: {  	[sflag:s29] =	ssyncadd.s32 $0xFFFFFFFF  }
0xb6: {  	_ =	strace $0x90000054  }
0xb7: {  	_ =	sfence  }
0xb8: {  	s30 =	sld [smem:$0x0];
	_ =	sdelay $0x2  }
0xb9: {  	s31 =	sshll.u32 s1, $0xD;
	s1 =	sshrl.u32 s1, $0x2  }
0xba: {  	s3 =	sand.u32 $0x4000, s31;
	s1 =	sadd.s32 s1, s30  }
0xbb: {  	s0 =	sor.u32 s3, s0;
	s1 =	sshll.u32 s1, $0x11  }
0xbc: {  	s0 =	sor.u32 s1, s0  }
0xbd: {  	s0 =	sadd.s32 $0x8F2B, s0  }
0xbe: {  	[sflag:s0] =	ssyncadd.remote.s32 $0x1  }
0xbf: {  	_ =	sfence.sel $0xFFFF  }
0xc0: {  	[dreg:$0x0] =	wrdreg $0xFFFFFFFF;
	(pc) =	sbr.abs _section_cstart, $3  }
0xc1: {  	[dreg:$0x1] =	wrdreg $0xFFFFFFFF  }
0xc2: {  	_ =	task.clear_ibuf [dreg:s6], $0x2FFFF;
	_ =	strace $0x9FFFFFFF  }
0xc3: {  	(tm) =	ssettm $0x7FFFFFFF  }
tec
execute0_lowered:
.L_overlay_start_1:
0x0: {  	(tag) =	ssettag $0x1  }
0x1: {  	s0 =	srdreg.scid  }
0x2: {  	s1 =	rddreg [dreg:$0x0];
	s13 =	stileid.u32  }
0x3: {  	s2 =	rddreg [dreg:$0x1];
	s12 =	simm.s32 $0x2710;
	s16 =	simm.s32 $0x50  }
0x4: {  	s17 =	simm.s32 $0x4E20;
	s18 =	simm.s32 $0x6220;
	s19 =	simm.s32 $0x1  }
0x5: {  	s21 =	simm.s32 $0x7620;
	s22 =	simm.s32 $0x2;
	s28 =	simm.s32 $0x5  }
0x6: {  	s29 =	simm.s32 $0x4;
	s30 =	simm.s32 $0x6;
	s8 =	smul.u32 $0x9C40, s13  }
0x7: {  	s31 =	simm.s32 $0x7;
	s0 =	sand.u32 $0x1, s0;
	s7 =	smul.u32 $0x9E00, s13  }
0x8: {  	s26 =	sshll.u32 s13, $0x6;
	s3 =	sshll.u32 s0, $0x4;
	s6 =	smul.u32 $0x9E000, s0  }
0x9: {  	s0 =	ssub.s32 $0x2, s0;
	s4 =	sor.u32 s13, s3;
	s3 =	rddreg [dreg:$0x2]  }
0xa: {  	s9 =	sshrl.u32 s8, $0x3;
	s24 =	sshrl.u32 s7, $0x3;
	s25 =	sshrl.u32 s0, $0x1  }
0xb: {  	s14 =	sadd.s32 s7, s2;
	s13 =	sor.u32 $0x1C09, s26;
	s26 =	simm.s32 $0x3  }
0xc: {  	s5 =	smul.u32 $0x4E2, s4;
	s4 =	simm.s32 $0x0;
	s9 =	sadd.s32 s9, s1  }
0xd: {  	s23 =	sadd.s32 s7, s6;
	s11 =	sadd.s32 s24, s1;
	s0 =	ssub.s32 s0, s25  }
0xe: {  	s15 =	sadd.s32 s8, s3;
	s14 =	sshrl.u32 s14, $0x3;
	s25 =	simm.s32 $0x8A20  }
0xf: {  	[smem:$0x7FF] =	sst s4;
	s7 =	sadd.s32 $0x79E00, s11;
	s8 =	sadd.s32 $0x66400, s9  }
0x10: {  	s11 =	simm.s32 $0x9;
	s10 =	sadd.s32 s5, s1;
	s5 =	sshrl.u32 s23, $0x3  }
0x11: {  	s15 =	sshrl.u32 s15, $0x3;
	_ =	strace $0x80000053;
	s1 =	sadd.s32 s5, s1  }
0x12: {  	s5 =	sadd.s32 $0x3800, s10;
	s6 =	sadd.s32 $0xD600, s10;
	s10 =	smax.u32 s0, $0x1  }
0x13: {  	s0 =	simm.s32 $0x0;
	s9 =	sadd.s32 $0xB4C00, s1;
	s1 =	simm.s32 $0x8  }
.LBB2_1:
0x14: {  	[tilespmem:s4], [sflag:$0x9] =	stream.linear.gather [hbm4b:s5+s4], $0x2710, $0x38;
	[tilespmem:$0x1D860] =	vst v63  }
0x15: {  	_ =	swait.ge [sflag:s11], $0x2710  }
0x16: {  	[sflag:s11] =	ssyncset.done $0x0  }
0x17: {  	[sflag:s11] =	ssyncadd.s32 $0xFFFFD8F0  }
0x18: {  	[tilespmem:s12], [sflag:$0x9] =	stream.linear.gather [hbm4b:s6+s4], $0x2710, $0x38;
	[tilespmem:$0x1D860] =	vst v63  }
0x19: {  	_ =	swait.ge [sflag:s11], $0x2710  }
0x1a: {  	[sflag:s11] =	ssyncset.done $0x0  }
0x1b: {  	[sflag:s11] =	ssyncadd.s32 $0xFFFFD8F0  }
0x1c: {  	[spmem:s14], [sflag:s13] =	dma.local [hbm:s7], $0x13C0  }
0x1d: {  	_ =	swait.ge [sflag:s11], $0x13C0  }
0x1e: {  	[sflag:s11] =	ssyncset.done $0x0  }
0x1f: {  	[sflag:s11] =	ssyncadd.s32 $0xFFFFEC40  }
0x20: {  	[spmem:s15], [sflag:s13] =	dma.local [hbm:s8], $0x1388  }
0x21: {  	_ =	swait.ge [sflag:s11], $0x1388  }
0x22: {  	[sflag:s11] =	ssyncset.done $0x0  }
0x23: {  	[sflag:s11] =	ssyncadd.s32 $0xFFFFEC78  }
0x24: {  	[bflag:$0x0] =	sbarrier.arrive $0xFFFF  }
0x25: {  	[tilespmem:s17], [sflag:$0x1] =	stream.indirect.gather [spmem:s3], $0x40, s4, s16, $0xb8;
	[tilespmem:$0x1D860] =	vst v63  }
0x26: {  	_ = 	snop  }
0x27: {  	[tilespmem:s18], [sflag:$0x2] =	stream.indirect.gather [spmem:s3], $0x40, s16, s16, $0xb8;
	[tilespmem:$0x1D860] =	vst v63  }
0x28: {  	_ =	swait.ge [sflag:s19], $0x1400  }
0x29: {  	[sflag:s19] =	ssyncset.done $0x0  }
0x2a: {  	[sflag:s19] =	ssyncadd.s32 $0xFFFFEC00  }
0x2b: {  	[spmem:s2] =	stream.indirect.scatter.add.f32 [tilespmem:s17], [sflag:$0x5], $0x40, s12, s16, $0xb8;
	[tilespmem:$0x1D860] =	vst v63  }
0x2c: {  	s20 =	simm.s32 $0xA0  }
0x2d: {  	[tilespmem:s21], [sflag:$0x3] =	stream.indirect.gather [spmem:s3], $0x40, s20, s16, $0xb8;
	[tilespmem:$0x1D860] =	vst v63  }
0x2e: {  	_ =	swait.ge [sflag:s22], $0x1400  }
0x2f: {  	[sflag:s22] =	ssyncset.done $0x0  }
0x30: {  	s24 =	simm.s32 $0x2760;
	[sflag:s22] =	ssyncadd.s32 $0xFFFFEC00  }
0x31: {  	[spmem:s2] =	stream.indirect.scatter.add.f32 [tilespmem:s18], [sflag:$0x6], $0x40, s24, s16, $0xb8;
	[tilespmem:$0x1D860] =	vst v63  }
0x32: {  	s23 =	simm.s32 $0xF0  }
0x33: {  	[tilespmem:s25], [sflag:$0x4] =	stream.indirect.gather [spmem:s3], $0x40, s23, s16, $0xb8;
	[tilespmem:$0x1D860] =	vst v63  }
0x34: {  	_ =	swait.ge [sflag:s26], $0x1400  }
0x35: {  	[sflag:s26] =	ssyncset.done $0x0  }
0x36: {  	s24 =	simm.s32 $0x27B0;
	[sflag:s26] =	ssyncadd.s32 $0xFFFFEC00  }
0x37: {  	[spmem:s2] =	stream.indirect.scatter.add.f32 [tilespmem:s21], [sflag:$0x7], $0x40, s24, s16, $0xb8;
	[tilespmem:$0x1D860] =	vst v63  }
0x38: {  	_ =	swait.ge [sflag:s28], $0x1400  }
0x39: {  	[sflag:s28] =	ssyncset.done $0x0  }
0x3a: {  	s23 =	simm.s32 $0x140;
	[sflag:s28] =	ssyncadd.s32 $0xFFFFEC00  }
0x3b: {  	[tilespmem:s17], [sflag:$0x1] =	stream.indirect.gather [spmem:s3], $0x40, s23, s16, $0xb8;
	[tilespmem:$0x1D860] =	vst v63  }
0x3c: {  	_ =	swait.ge [sflag:s29], $0x1400  }
0x3d: {  	[sflag:s29] =	ssyncset.done $0x0  }
0x3e: {  	s24 =	simm.s32 $0x2800;
	[sflag:s29] =	ssyncadd.s32 $0xFFFFEC00  }
0x3f: {  	[spmem:s2] =	stream.indirect.scatter.add.f32 [tilespmem:s25], [sflag:$0x8], $0x40, s24, s16, $0xb8;
	[tilespmem:$0x1D860] =	vst v63  }
0x40: {  	_ =	swait.ge [sflag:s30], $0x1400  }
0x41: {  	[sflag:s30] =	ssyncset.done $0x0  }
0x42: {  	s23 =	simm.s32 $0x190;
	[sflag:s30] =	ssyncadd.s32 $0xFFFFEC00  }
0x43: {  	[tilespmem:s18], [sflag:$0x2] =	stream.indirect.gather [spmem:s3], $0x40, s23, s16, $0xb8;
	[tilespmem:$0x1D860] =	vst v63  }
0x44: {  	_ =	swait.ge [sflag:s19], $0x1400  }
0x45: {  	[sflag:s19] =	ssyncset.done $0x0  }
0x46: {  	s24 =	simm.s32 $0x2850;
	[sflag:s19] =	ssyncadd.s32 $0xFFFFEC00  }
0x47: {  	[spmem:s2] =	stream.indirect.scatter.add.f32 [tilespmem:s17], [sflag:$0x5], $0x40, s24, s16, $0xb8;
	[tilespmem:$0x1D860] =	vst v63  }
0x48: {  	_ =	swait.ge [sflag:s31], $0x1400  }
0x49: {  	[sflag:s31] =	ssyncset.done $0x0  }
0x4a: {  	s23 =	simm.s32 $0x1E0;
	[sflag:s31] =	ssyncadd.s32 $0xFFFFEC00  }
0x4b: {  	[tilespmem:s21], [sflag:$0x3] =	stream.indirect.gather [spmem:s3], $0x40, s23, s16, $0xb8;
	[tilespmem:$0x1D860] =	vst v63  }
0x4c: {  	_ =	swait.ge [sflag:s22], $0x1400  }
0x4d: {  	[sflag:s22] =	ssyncset.done $0x0  }
0x4e: {  	s24 =	simm.s32 $0x28A0;
	[sflag:s22] =	ssyncadd.s32 $0xFFFFEC00  }
0x4f: {  	[spmem:s2] =	stream.indirect.scatter.add.f32 [tilespmem:s18], [sflag:$0x6], $0x40, s24, s16, $0xb8;
	[tilespmem:$0x1D860] =	vst v63  }
0x50: {  	_ =	swait.ge [sflag:s1], $0x1400  }
0x51: {  	[sflag:s1] =	ssyncset.done $0x0  }
0x52: {  	s20 =	simm.s32 $0x500;
	s23 =	simm.s32 $0x230;
	[sflag:s1] =	ssyncadd.s32 $0xFFFFEC00  }
.LBB2_2:
0x53: {  	[tilespmem:s25], [sflag:$0x4] =	stream.indirect.gather [spmem:s3], $0x40, s23, s16, $0xb8;
	[tilespmem:$0x1D860] =	vst v63  }
0x54: {  	s23 =	smov.u32 s20  }
0x55: {  	p0 =	sne.s32 s20, $0x9100;
	s20 =	sadd.s32 $0x500, s20;
	_ =	swait.ge [sflag:s26], $0x1400  }
0x56: {  	s23 =	sshra.s32 s23, $0x2;
	[sflag:s26] =	ssyncset.done $0x0  }
0x57: {  	s24 =	sadd.s32 $0x27B0, s23;
	[sflag:s26] =	ssyncadd.s32 $0xFFFFEC00  }
0x58: {  	[spmem:s2] =	stream.indirect.scatter.add.f32 [tilespmem:s21], [sflag:$0x7], $0x40, s24, s16, $0xb8;
	[tilespmem:$0x1D860] =	vst v63  }
0x59: {  	_ =	swait.ge [sflag:s28], $0x1400  }
0x5a: {  	[sflag:s28] =	ssyncset.done $0x0  }
0x5b: {  	s24 =	sadd.s32 $0x140, s23;
	[sflag:s28] =	ssyncadd.s32 $0xFFFFEC00  }
0x5c: {  	[tilespmem:s17], [sflag:$0x1] =	stream.indirect.gather [spmem:s3], $0x40, s24, s16, $0xb8;
	[tilespmem:$0x1D860] =	vst v63  }
0x5d: {  	_ =	swait.ge [sflag:s29], $0x1400  }
0x5e: {  	[sflag:s29] =	ssyncset.done $0x0  }
0x5f: {  	s24 =	sadd.s32 $0x2800, s23;
	[sflag:s29] =	ssyncadd.s32 $0xFFFFEC00  }
0x60: {  	[spmem:s2] =	stream.indirect.scatter.add.f32 [tilespmem:s25], [sflag:$0x8], $0x40, s24, s16, $0xb8;
	[tilespmem:$0x1D860] =	vst v63  }
0x61: {  	_ =	swait.ge [sflag:s30], $0x1400  }
0x62: {  	[sflag:s30] =	ssyncset.done $0x0  }
0x63: {  	s24 =	sadd.s32 $0x190, s23;
	[sflag:s30] =	ssyncadd.s32 $0xFFFFEC00  }
0x64: {  	[tilespmem:s18], [sflag:$0x2] =	stream.indirect.gather [spmem:s3], $0x40, s24, s16, $0xb8;
	[tilespmem:$0x1D860] =	vst v63  }
0x65: {  	_ =	swait.ge [sflag:s19], $0x1400  }
0x66: {  	[sflag:s19] =	ssyncset.done $0x0  }
0x67: {  	s24 =	sadd.s32 $0x2850, s23;
	[sflag:s19] =	ssyncadd.s32 $0xFFFFEC00  }
0x68: {  	[spmem:s2] =	stream.indirect.scatter.add.f32 [tilespmem:s17], [sflag:$0x5], $0x40, s24, s16, $0xb8;
	[tilespmem:$0x1D860] =	vst v63  }
0x69: {  	_ =	swait.ge [sflag:s31], $0x1400  }
0x6a: {  	[sflag:s31] =	ssyncset.done $0x0  }
0x6b: {  	s24 =	sadd.s32 $0x1E0, s23;
	[sflag:s31] =	ssyncadd.s32 $0xFFFFEC00  }
0x6c: {  	[tilespmem:s21], [sflag:$0x3] =	stream.indirect.gather [spmem:s3], $0x40, s24, s16, $0xb8;
	[tilespmem:$0x1D860] =	vst v63  }
0x6d: {  	_ =	swait.ge [sflag:s22], $0x1400  }
0x6e: {  	[sflag:s22] =	ssyncset.done $0x0  }
.Ltmp0:
0x6f: {  	s24 =	sadd.s32 $0x28A0, s23;
	[sflag:s22] =	ssyncadd.s32 $0xFFFFEC00;
	(pc) =	sbr.rel @p0 .LBB2_2-.Ltmp0, $4  }
0x70: {  	[spmem:s2] =	stream.indirect.scatter.add.f32 [tilespmem:s18], [sflag:$0x6], $0x40, s24, s16, $0xb8;
	[tilespmem:$0x1D860] =	vst v63  }
0x71: {  	_ =	swait.ge [sflag:s1], $0x1400  }
0x72: {  	[sflag:s1] =	ssyncset.done $0x0  }
0x73: {  	s23 =	sadd.s32 $0x230, s23;
	[sflag:s1] =	ssyncadd.s32 $0xFFFFEC00  }
0x74: {  	[tilespmem:s25], [sflag:$0x4] =	stream.indirect.gather [spmem:s3], $0x40, s23, s16, $0xb8;
	[tilespmem:$0x1D860] =	vst v63  }
0x75: {  	_ =	swait.ge [sflag:s26], $0x1400  }
0x76: {  	[sflag:s26] =	ssyncset.done $0x0  }
0x77: {  	s20 =	simm.s32 $0x4D30;
	[sflag:s26] =	ssyncadd.s32 $0xFFFFEC00  }
0x78: {  	[spmem:s2] =	stream.indirect.scatter.add.f32 [tilespmem:s21], [sflag:$0x7], $0x40, s20, s16, $0xb8;
	[tilespmem:$0x1D860] =	vst v63  }
0x79: {  	_ =	swait.ge [sflag:s28], $0x1400  }
0x7a: {  	[sflag:s28] =	ssyncset.done $0x0  }
0x7b: {  	s24 =	simm.s32 $0x26C0;
	[sflag:s28] =	ssyncadd.s32 $0xFFFFEC00  }
0x7c: {  	[tilespmem:s17], [sflag:$0x1] =	stream.indirect.gather [spmem:s3], $0x40, s24, s16, $0xb8;
	[tilespmem:$0x1D860] =	vst v63  }
0x7d: {  	_ =	swait.ge [sflag:s29], $0x1400  }
0x7e: {  	[sflag:s29] =	ssyncset.done $0x0  }
0x7f: {  	s23 =	simm.s32 $0x4D80;
	[sflag:s29] =	ssyncadd.s32 $0xFFFFEC00  }
0x80: {  	[spmem:s2] =	stream.indirect.scatter.add.f32 [tilespmem:s25], [sflag:$0x8], $0x40, s23, s16, $0xb8;
	[tilespmem:$0x1D860] =	vst v63  }
0x81: {  	_ =	swait.ge [sflag:s19], $0x1400  }
0x82: {  	[sflag:s19] =	ssyncset.done $0x0  }
0x83: {  	s24 =	simm.s32 $0x4DD0;
	[sflag:s19] =	ssyncadd.s32 $0xFFFFEC00  }
0x84: {  	[spmem:s2] =	stream.indirect.scatter.add.f32 [tilespmem:s17], [sflag:$0x5], $0x40, s24, s16, $0xb8;
	[tilespmem:$0x1D860] =	vst v63  }
0x85: {  	_ =	swait.ge [sflag:s30], $0x1400  }
0x86: {  	[sflag:s30] =	ssyncset.done $0x0  }
0x87: {  	[sflag:s30] =	ssyncadd.s32 $0xFFFFEC00  }
0x88: {  	_ =	swait.ge [sflag:s31], $0x1400  }
0x89: {  	[sflag:s31] =	ssyncset.done $0x0  }
0x8a: {  	[sflag:s31] =	ssyncadd.s32 $0xFFFFEC00  }
0x8b: {  	_ =	swait.ge [sflag:s1], $0x1400  }
0x8c: {  	[sflag:s1] =	ssyncset.done $0x0  }
0x8d: {  	[sflag:s1] =	ssyncadd.s32 $0xFFFFEC00  }
0x8e: {  	_ =	swait.ge [sflag:s28], $0x1400  }
0x8f: {  	s0 =	sadd.s32 $0x1, s0;
	[sflag:s28] =	ssyncset.done $0x0  }
0x90: {  	p0 =	sne.s32 s0, s10;
	[sflag:s28] =	ssyncadd.s32 $0xFFFFEC00  }
.Ltmp1:
0x91: {  	[bflag:$0x0] =	sbarrier.arrive $0xFFFF;
	(pc) =	sbr.rel @p0 .LBB2_1-.Ltmp1, $4  }
0x92: {  	[hbm:s9], [sflag:s13] =	dma.local [spmem:s14], $0x13C0  }
0x93: {  	_ =	swait.ge [sflag:s11], $0x13C0  }
0x94: {  	[sflag:s11] =	ssyncset.done $0x0  }
0x95: {  	[sflag:s11] =	ssyncadd.s32 $0xFFFFEC40  }
0x96: {  	_ =	sfence.sel $0x180000  }
0x97: {  	[bflag:$0x0] =	sbarrier.arrive $0xFFFF  }
0x98: {  	_ =	strace $0x90000053  }
0x99: {  	s0 =	stileid.u32;
	[bflag:$0x2] =	sbarrier.arrive $0xFFFF  }
0x9a: {  	p0 =	sne.s32 s0, $0x0;
	s0 =	rddreg [dreg:$0x3]  }
0x9b: {  	s0 =	sadd.s32 @!p0 $0x100000, s0  }
0x9c: {  	[sflag:s0] =	ssyncadd.tile.s32 @!p0 $0x1;
	_ =	shalt  }
.Lfunc_end2:
_tile_overlayer_lowered:
.L_overlay_start_2:
0x9d: {  	(tag) =	ssettag $0x2  }
0x9e: {  	s0 =	rddreg [dreg:$0x0];
	s2 =	stileid.u32  }
0x9f: {  	s1 =	rddreg [dreg:$0x1];
	p0 =	sne.s32 s2, $0x0  }
0xa0: {  	s3 =	rddreg [dreg:$0x2];
	[bflag:$0x3] =	sbarrier.arrive $0xFFFF;
	s2 =	simm.s32 @!p0 $0x1C09  }
0xa1: {  	[timem:s3], [sflag:s2] =	dma.local @!p0 [hbm:s0], s1  }
0xa2: {  	s0 =	simm.s32 @!p0 $0x9  }
0xa3: {  	_ =	swait.ge @!p0 [sflag:s0], s1  }
0xa4: {  	s1 =	ssub.s32 @!p0 $0x0, s1;
	[sflag:s0] =	ssyncset.done @!p0 $0x0  }
0xa5: {  	[sflag:s0] =	ssyncadd.s32 @!p0 s1  }
0xa6: {  	[bflag:$0x3] =	sbarrier.arrive $0xFFFF  }
0xa7: {  	_ =	shalt  }

</sc_bundles>
